<compile_context>
chip_gen: v7x
topology: tpu7x:2x2x1
jax: 0.10.2.dev20260603
libtpu: 0.0.44.dev20260713+nightly
codegen_flags: <defaults>
</compile_context>

<pallas_src>
import functools

import jax
import jax.numpy as jnp
from jax import lax
from jax.experimental import pallas as pl
from jax.experimental.pallas import tpu as pltpu
from jax.experimental.pallas import tpu_sc as plsc

N = 10001
E = 160000
NP = 10240
NBLK = NP // 256
KGE = 128
BERT = 128
HID = 256
OUT = 128
B = 4096

NC = 2
NS = 16
NW = NC * NS
ROWS_PER_TILE = NP // NS
ER = 1280
CW = 128
F32 = jnp.float32
I32 = jnp.int32

_MESH = plsc.VectorSubcoreMesh(core_axis_name="c", subcore_axis_name="s")


def _zero_fill(ref, nrows):
    def zrow(r, carry):
        for k in range(8):
            ref[r, pl.ds(k * 16, 16)] = jnp.zeros((16,), F32)
        return carry
    lax.fori_loop(0, nrows, zrow, 0)


def _fill_identity_idx(idxbuf, base):
    iota = lax.iota(I32, 16)
    for j in range(ROWS_PER_TILE // CW):
        for k in range(CW // 16):
            idxbuf[j, pl.ds(k * 16, 16)] = iota + (base + j * CW + k * 16)


def _zero_accum_streamed(zrows, idxbuf, accum):
    for j in range(ROWS_PER_TILE // CW):
        pltpu.sync_copy(zrows, accum.at[idxbuf.at[j]])


def _copyout_streamed(accum, idxbuf, rows, out_view, sem, s):
    for j in range(ROWS_PER_TILE // CW):
        pltpu.async_copy(accum.at[idxbuf.at[j]], rows, sem).wait()
        pltpu.sync_copy(rows,
                        out_view.at[pl.ds(s * ROWS_PER_TILE + j * CW, CW)])


def _edge_loop(p_hbm, srcbuf, dstbuf, rows, accum, sem, nrows):
    def chunk(j, carry):
        pltpu.async_copy(p_hbm.at[srcbuf.at[j]], rows, sem).wait()
        pltpu.sync_copy(rows, accum.at[dstbuf.at[j]], add=True)
        return carry

    lax.fori_loop(0, nrows, chunk, 0)


@functools.partial(
    pl.kernel,
    out_type=jax.ShapeDtypeStruct((NC, NP, 16), F32),
    mesh=_MESH,
    scratch_types=[
        pltpu.VMEM((ER // NW, CW), I32),
        pltpu.VMEM((CW, 16), F32),
        pltpu.VMEM((CW, 16), F32),
        pltpu.VMEM((ROWS_PER_TILE // CW, CW), I32),
        pltpu.VMEM_SHARED((NP, 16), F32),
        pltpu.SemaphoreType.DMA,
    ],
)
def _deg_kernel(dst_hbm, out_hbm, dstbuf, ones_v, zer_v, idxbuf, accum, ssem):
    c = lax.axis_index("c")
    s = lax.axis_index("s")
    w = s * NC + c

    def orow(r, carry):
        ones_v[r, :] = jnp.full((16,), 1.0, F32)
        zer_v[r, :] = jnp.zeros((16,), F32)
        return carry

    lax.fori_loop(0, CW, orow, 0)
    _fill_identity_idx(idxbuf, s * ROWS_PER_TILE)
    _zero_accum_streamed(zer_v, idxbuf, accum)
    pltpu.sync_copy(dst_hbm.at[pl.ds(w * (ER // NW), ER // NW)], dstbuf)
    plsc.subcore_barrier()

    def chunk(j, carry):
        pltpu.async_copy(ones_v, accum.at[dstbuf.at[j]], ssem, add=True)
        return carry

    lax.fori_loop(0, ER // NW, chunk, 0)

    def drain(j, carry):
        pltpu.make_async_copy(ones_v, accum.at[dstbuf.at[0]], ssem).wait()
        return carry

    lax.fori_loop(0, ER // NW, drain, 0)
    plsc.subcore_barrier()
    _copyout_streamed(accum, idxbuf, zer_v, out_hbm.at[c], ssem, s)


def _mm1_body(kge_ref, bert_ref, w1_ref, deg_ref, p1_ref, s1_ref):
    d = deg_ref[0, :, 0:1] + deg_ref[1, :, 0:1] + 1.0
    rs = lax.rsqrt(d)
    sn = 1.0 / d
    sup = jnp.dot(kge_ref[...], w1_ref[0:KGE, :],
                  preferred_element_type=F32)
    sup = sup + jnp.dot(bert_ref[...], w1_ref[KGE:KGE + BERT, :],
                        preferred_element_type=F32)
    p = sup * rs
    p1_ref[0] = p[:, 0:128]
    p1_ref[1] = p[:, 128:256]
    s1_ref[...] = sup * sn


def _mm1(kge_p, bert_p, W1, deg2):
    return pl.pallas_call(
        _mm1_body,
        grid=(NBLK,),
        in_specs=[
            pl.BlockSpec((256, KGE), lambda i: (i, 0)),
            pl.BlockSpec((256, BERT), lambda i: (i, 0)),
            pl.BlockSpec((HID, HID), lambda i: (0, 0)),
            pl.BlockSpec((NC, 256, 16), lambda i: (0, i, 0)),
        ],
        out_specs=[
            pl.BlockSpec((2, 256, 128), lambda i: (0, i, 0)),
            pl.BlockSpec((256, HID), lambda i: (i, 0)),
        ],
        out_shape=[
            jax.ShapeDtypeStruct((2, NP, 128), F32),
            jax.ShapeDtypeStruct((NP, HID), F32),
        ],
    )(kge_p, bert_p, W1, deg2)


@functools.partial(
    pl.kernel,
    out_type=jax.ShapeDtypeStruct((NC, NP, 128), F32),
    mesh=_MESH,
    scratch_types=[
        pltpu.VMEM((ER // NS, CW), I32),
        pltpu.VMEM((ER // NS, CW), I32),
        pltpu.VMEM((CW, 128), F32),
        pltpu.VMEM((ROWS_PER_TILE // CW, CW), I32),
        pltpu.VMEM_SHARED((NP, 128), F32),
        pltpu.SemaphoreType.DMA,
    ],
)
def _spmm1_kernel(p_hbm, src_hbm, dst_hbm, out_hbm,
                  srcbuf, dstbuf, rows, idxbuf, accum, sem):
    c = lax.axis_index("c")
    s = lax.axis_index("s")
    nrows = ER // NS

    _fill_identity_idx(idxbuf, s * ROWS_PER_TILE)
    _zero_fill(rows, CW)
    _zero_accum_streamed(rows, idxbuf, accum)
    pltpu.sync_copy(src_hbm.at[pl.ds(s * nrows, nrows)], srcbuf)
    pltpu.sync_copy(dst_hbm.at[pl.ds(s * nrows, nrows)], dstbuf)

    offv = jnp.broadcast_to(c * NP, (16,)).astype(I32)

    def arow(r, carry):
        for k in range(8):
            srcbuf[r, pl.ds(k * 16, 16)] = srcbuf[r, pl.ds(k * 16, 16)] + offv
        return carry

    lax.fori_loop(0, nrows, arow, 0)
    plsc.subcore_barrier()
    _edge_loop(p_hbm, srcbuf, dstbuf, rows, accum, sem, nrows)
    plsc.subcore_barrier()
    _copyout_streamed(accum, idxbuf, rows, out_hbm.at[c], sem, s)


def _mm2_body(t1_ref, s1_ref, deg_ref, b1_ref, w2_ref, p2_ref, s2_ref,
              rs_ref):
    d = deg_ref[0, :, 0:1] + deg_ref[1, :, 0:1] + 1.0
    rs = lax.rsqrt(d)
    sn = 1.0 / d
    x1a = jax.nn.relu(rs * t1_ref[0] + s1_ref[:, 0:128] + b1_ref[:, 0:128])
    x1b = jax.nn.relu(rs * t1_ref[1] + s1_ref[:, 128:256] + b1_ref[:, 128:256])
    sup = jnp.dot(x1a, w2_ref[0:128, :], preferred_element_type=F32)
    sup = sup + jnp.dot(x1b, w2_ref[128:256, :], preferred_element_type=F32)
    p2_ref[...] = sup * rs
    s2_ref[...] = sup * sn
    rs_ref[...] = jnp.broadcast_to(rs, (256, 128))


def _mm2(tmp1, S1, deg2, b1r, W2):
    return pl.pallas_call(
        _mm2_body,
        grid=(NBLK,),
        in_specs=[
            pl.BlockSpec((NC, 256, 128), lambda i: (0, i, 0)),
            pl.BlockSpec((256, HID), lambda i: (i, 0)),
            pl.BlockSpec((NC, 256, 16), lambda i: (0, i, 0)),
            pl.BlockSpec((1, HID), lambda i: (0, 0)),
            pl.BlockSpec((HID, OUT), lambda i: (0, 0)),
        ],
        out_specs=[
            pl.BlockSpec((256, OUT), lambda i: (i, 0)),
            pl.BlockSpec((256, OUT), lambda i: (i, 0)),
            pl.BlockSpec((256, 128), lambda i: (i, 0)),
        ],
        out_shape=[
            jax.ShapeDtypeStruct((NP, OUT), F32),
            jax.ShapeDtypeStruct((NP, OUT), F32),
            jax.ShapeDtypeStruct((NP, 128), F32),
        ],
    )(tmp1, S1, deg2, b1r, W2)


@functools.partial(
    pl.kernel,
    out_type=jax.ShapeDtypeStruct((NC, NP, OUT), F32),
    mesh=_MESH,
    scratch_types=[
        pltpu.VMEM((ER // NW, CW), I32),
        pltpu.VMEM((ER // NW, CW), I32),
        pltpu.VMEM((CW, OUT), F32),
        pltpu.VMEM((80, OUT), F32),
        pltpu.VMEM_SHARED((NP, OUT), F32),
        pltpu.SemaphoreType.DMA,
    ],
)
def _spmm2_kernel(p_hbm, src_hbm, dst_hbm, out_hbm,
                  srcbuf, dstbuf, rows, zer, accum, sem):
    c = lax.axis_index("c")
    s = lax.axis_index("s")
    w = s * NC + c
    nrows = ER // NW

    _zero_fill(zer, 80)
    for b in range(ROWS_PER_TILE // 80):
        pltpu.sync_copy(zer, accum.at[pl.ds(s * ROWS_PER_TILE + b * 80, 80)])
    pltpu.sync_copy(src_hbm.at[pl.ds(w * nrows, nrows)], srcbuf)
    pltpu.sync_copy(dst_hbm.at[pl.ds(w * nrows, nrows)], dstbuf)

    plsc.subcore_barrier()
    _edge_loop(p_hbm, srcbuf, dstbuf, rows, accum, sem, nrows)
    plsc.subcore_barrier()
    pltpu.sync_copy(
        accum.at[pl.ds(s * ROWS_PER_TILE, ROWS_PER_TILE)],
        out_hbm.at[c].at[pl.ds(s * ROWS_PER_TILE, ROWS_PER_TILE)],
    )


def _fin_body(t2_ref, s2_ref, deg_ref, b2_ref, x2_ref):
    d = deg_ref[0, :, 0:1] + deg_ref[1, :, 0:1] + 1.0
    rs = lax.rsqrt(d)
    x2_ref[...] = jax.nn.relu(rs * (t2_ref[0] + t2_ref[1]) + s2_ref[...]
                              + b2_ref[...])


def _fin(tmp2, S2, deg2, b2r):
    return pl.pallas_call(
        _fin_body,
        grid=(NBLK,),
        in_specs=[
            pl.BlockSpec((NC, 256, OUT), lambda i: (0, i, 0)),
            pl.BlockSpec((256, OUT), lambda i: (i, 0)),
            pl.BlockSpec((NC, 256, 16), lambda i: (0, i, 0)),
            pl.BlockSpec((1, OUT), lambda i: (0, 0)),
        ],
        out_specs=pl.BlockSpec((256, OUT), lambda i: (i, 0)),
        out_shape=jax.ShapeDtypeStruct((NP, OUT), F32),
    )(tmp2, S2, deg2, b2r)


@functools.partial(
    pl.kernel,
    out_type=jax.ShapeDtypeStruct((B, OUT), F32),
    mesh=_MESH,
    scratch_types=[
        pltpu.VMEM((B // NW,), I32),
        pltpu.VMEM((B // NW,), I32),
        pltpu.VMEM((B // NW, OUT), F32),
        pltpu.VMEM((B // NW, OUT), F32),
        pltpu.VMEM((B // NW, OUT), F32),
        pltpu.VMEM((B // NW, 128), F32),
        pltpu.VMEM((OUT,), F32),
        pltpu.SemaphoreType.DMA,
    ],
)
def _take_kernel(t2_hbm, s2_hbm, rs_hbm, b2_hbm, idx_hbm, out_hbm,
                 idxb, idxb2, t0, t1, s2b, rsb, b2b, sem):
    c = lax.axis_index("c")
    s = lax.axis_index("s")
    w = s * NC + c
    nr = B // NW
    pltpu.sync_copy(idx_hbm.at[w], idxb)
    pltpu.sync_copy(b2_hbm, b2b)
    for k in range(nr // 16):
        idxb2[pl.ds(k * 16, 16)] = idxb[pl.ds(k * 16, 16)] + NP
    pltpu.async_copy(t2_hbm.at[idxb], t0, sem).wait()
    pltpu.async_copy(t2_hbm.at[idxb2], t1, sem).wait()
    pltpu.async_copy(s2_hbm.at[idxb], s2b, sem).wait()
    pltpu.async_copy(rs_hbm.at[idxb], rsb, sem).wait()

    def row(i, carry):
        rsv = rsb[i, pl.ds(0, 16)]
        for k in range(OUT // 16):
            sl = pl.ds(k * 16, 16)
            v = rsv * (t0[i, sl] + t1[i, sl]) + s2b[i, sl] + b2b[sl]
            t0[i, sl] = jnp.maximum(v, 0.0)
        return carry

    lax.fori_loop(0, nr, row, 0)
    pltpu.sync_copy(t0, out_hbm.at[pl.ds(w * nr, nr)])


def kernel(entities_idx, edge_index, ent_kge, ent_abs_bert, W1, b1, W2, b2):
    src = edge_index[0].reshape(ER, 125)
    dst = edge_index[1].reshape(ER, 125)
    srcr = jnp.pad(src, ((0, 0), (0, CW - 125)))
    dstr = jnp.pad(dst, ((0, 0), (0, CW - 125)), constant_values=N)
    idx2d = entities_idx.reshape(NW, B // NW)

    deg2 = _deg_kernel(dstr)
    P1, S1 = _mm1(ent_kge, ent_abs_bert, W1, deg2)
    tmp1 = _spmm1_kernel(P1.reshape(2 * NP, 128), srcr, dstr)
    P2, S2, rs2 = _mm2(tmp1, S1, deg2, b1.reshape(1, HID), W2)
    tmp2 = _spmm2_kernel(P2, srcr, dstr)
    return _take_kernel(tmp2.reshape(2 * NP, OUT), S2, rs2, b2, idx2d)

# --- scband reference (transcript-rebuilt; emitter-appended) ---
"""Pipeline reference for scband-adapter-4750233829667 (READ-ONLY COPY).

The authoritative reference and input builder live on the scoring server;
editing this copy changes nothing except your own understanding.
"""

import jax, jax.numpy as jnp
import numpy as np
import math

N = 10001  # n_entities + 1 (<unk> row)
E = 160000
KGE_DIM = 128
BERT_DIM = 128
NFEAT = KGE_DIM + BERT_DIM
HID = 256
OUT = 128
B = 4096


def setup_inputs(seed: int = 0) -> dict:
    key = jax.random.key(seed)
    ks = jax.random.split(key, 10)
    entities_idx = jax.random.randint(ks[0], (B,), 0, N, dtype=jnp.int64 if jax.config.jax_enable_x64 else jnp.int32).astype(jnp.int32)
    edge_index = jax.random.randint(ks[1], (2, E), 0, N).astype(jnp.int32)
    # pretrained embedding tables; last row is zero <unk> vector (as in ADAPTER __init__)
    ent_kge = jax.random.normal(ks[2], (N, KGE_DIM), jnp.float32) * 0.02
    ent_kge = ent_kge.at[-1].set(0.0)
    ent_abs_bert = jax.random.normal(ks[3], (N, BERT_DIM), jnp.float32) * 0.02
    ent_abs_bert = ent_abs_bert.at[-1].set(0.0)
    # GraphConvolution reset_parameters: uniform(-stdv, stdv), stdv = 1/sqrt(out_features)
    stdv1 = 1.0 / math.sqrt(HID)
    W1 = jax.random.uniform(ks[4], (NFEAT, HID), jnp.float32, -stdv1, stdv1)
    b1 = jax.random.uniform(ks[5], (HID,), jnp.float32, -stdv1, stdv1)
    stdv2 = 1.0 / math.sqrt(OUT)
    W2 = jax.random.uniform(ks[6], (HID, OUT), jnp.float32, -stdv2, stdv2)
    b2 = jax.random.uniform(ks[7], (OUT,), jnp.float32, -stdv2, stdv2)
    return {
        'entities_idx': entities_idx,
        'edge_index': edge_index,
        'ent_kge': ent_kge,
        'ent_abs_bert': ent_abs_bert,
        'W1': W1,
        'b1': b1,
        'W2': W2,
        'b2': b2,
    }


def _spmm_norm_adj(support, src, dst, edge_norm, self_norm):
    # output = A_hat @ support, A_hat = D^-1/2 (A + I) D^-1/2 (GCN-normalized adjacency)
    msg = jnp.take(support, src, axis=0) * edge_norm[:, None]
    agg = jnp.zeros_like(support).at[dst].add(msg)
    agg = agg + support * self_norm[:, None]
    return agg


def reference(entities_idx, edge_index, ent_kge, ent_abs_bert, W1, b1, W2, b2):
    # ADAPTER.forward(ent_idx, gcn=True) followed by forward(entities_idx, gcn=False)
    src = edge_index[0]
    dst = edge_index[1]
    # adjacency normalization (obtain_adj_from_rdf builds a normalized sparse adj)
    deg = jnp.bincount(dst, length=N).astype(jnp.float32) + jnp.bincount(src, length=N).astype(jnp.float32) * 0.0 + 1.0
    edge_norm = jax.lax.rsqrt(jnp.take(deg, src) * jnp.take(deg, dst))
    self_norm = 1.0 / deg
    # ent_emb_input = cat(ent_kge(ent_idx), ent_abs_bert(ent_idx)); adapter_norm=False
    x = jnp.concatenate([ent_kge, ent_abs_bert], axis=-1)
    # GCN layer 1: relu(spmm(adj, x @ W1) + b1); dropout is identity in eval mode
    support = x @ W1
    x = jax.nn.relu(_spmm_norm_adj(support, src, dst, edge_norm, self_norm) + b1)
    # GCN layer 2
    support = x @ W2
    x = jax.nn.relu(_spmm_norm_adj(support, src, dst, edge_norm, self_norm) + b2)
    # ent_emb_output[entities_idx]
    return jnp.take(x, entities_idx, axis=0)

if __name__ == "__main__":
    import jax
    _d = setup_inputs()
    print(jax.jit(kernel)(*tuple(_d.values())))

</pallas_src>

<mosaic_0001>
#map = affine_map<(d0, d1) -> (0, 0)>
#map1 = affine_map<(d0, d1) -> (0, 0, 0)>
module attributes {stable_mosaic.version = 14 : i64} {
  func.func @_spmm1_kernel(%arg0: i32, %arg1: i32, %arg2: memref<20480x128xf32, #tpu.memory_space<hbm>>, %arg3: memref<1280x128xi32, #tpu.memory_space<hbm>>, %arg4: memref<1280x128xi32, #tpu.memory_space<hbm>>, %arg5: memref<2x10240x128xf32, #tpu.memory_space<hbm>>, %arg6: memref<80x128xi32, #tpu.memory_space<vmem>>, %arg7: memref<80x128xi32, #tpu.memory_space<vmem>>, %arg8: memref<128x128xf32, #tpu.memory_space<vmem>>, %arg9: memref<5x128xi32, #tpu.memory_space<vmem>>, %arg10: memref<10240x128xf32, #tpu.memory_space<vmem_shared>>, %arg11: memref<!tpu.dma_semaphore, #tpu.memory_space<semaphore_mem>>) attributes {dimension_semantics = [#tpu.dimension_semantics<core_parallel>, #tpu.dimension_semantics<subcore_parallel>], iteration_bounds = array<i64: 2, 16>, scalar_prefetch = 0 : i64, scratch_operands = 6 : i64, tpu.core_type = #tpu.core_type<sc_vector_subcore>, window_params = [{transform_indices = #map}, {transform_indices = #map}, {transform_indices = #map}, {transform_indices = #map1}]} {
    %mul3A = arith.constant 640 : i32
    %mul3A_0 = arith.muli %arg1, %mul3A : i32
    %iota3A = tpu.iota {dimensions = array<i32: 0>} : vector<16xi32>
    %add3A = arith.constant 0 : i32
    %add3A_1 = arith.addi %mul3A_0, %add3A : i32
    %add3A_2 = arith.constant 0 : i32
    %add3A_3 = arith.addi %add3A_1, %add3A_2 : i32
    %add3A_4 = vector.broadcast %add3A_3 : i32 to vector<16xi32>
    %add3A_5 = arith.addi %iota3A, %add3A_4 : vector<16xi32>
    %swap3A = arith.constant 0 : i32
    %swap3A_6 = arith.index_cast %swap3A : i32 to index
    %swap3A_7 = arith.constant 0 : index
    %swap3A_8 = tpu.vector_load %arg9[%swap3A_6, %swap3A_7] {strides = array<i32>} : memref<5x128xi32, #tpu.memory_space<vmem>>, vector<1x16xi32>,
    %swap3A_9 = vector.shape_cast %swap3A_8 : vector<1x16xi32> to vector<16xi32>
    %swap3A_10 = vector.shape_cast %add3A_5 : vector<16xi32> to vector<1x16xi32>
    tpu.vector_store %arg9[%swap3A_6, %swap3A_7], %swap3A_10 {strides = array<i32>} : memref<5x128xi32, #tpu.memory_space<vmem>>, vector<1x16xi32>,
    %add3A_11 = arith.constant 0 : i32
    %add3A_12 = arith.addi %mul3A_0, %add3A_11 : i32
    %add3A_13 = arith.constant 16 : i32
    %add3A_14 = arith.addi %add3A_12, %add3A_13 : i32
    %add3A_15 = vector.broadcast %add3A_14 : i32 to vector<16xi32>
    %add3A_16 = arith.addi %iota3A, %add3A_15 : vector<16xi32>
    %swap3A_17 = arith.constant 0 : i32
    %swap3A_18 = arith.index_cast %swap3A_17 : i32 to index
    %swap3A_19 = arith.constant 16 : index
    %swap3A_20 = tpu.vector_load %arg9[%swap3A_18, %swap3A_19] {strides = array<i32>} : memref<5x128xi32, #tpu.memory_space<vmem>>, vector<1x16xi32>,
    %swap3A_21 = vector.shape_cast %swap3A_20 : vector<1x16xi32> to vector<16xi32>
    %swap3A_22 = vector.shape_cast %add3A_16 : vector<16xi32> to vector<1x16xi32>
    tpu.vector_store %arg9[%swap3A_18, %swap3A_19], %swap3A_22 {strides = array<i32>} : memref<5x128xi32, #tpu.memory_space<vmem>>, vector<1x16xi32>,
    %add3A_23 = arith.constant 0 : i32
    %add3A_24 = arith.addi %mul3A_0, %add3A_23 : i32
    %add3A_25 = arith.constant 32 : i32
    %add3A_26 = arith.addi %add3A_24, %add3A_25 : i32
    %add3A_27 = vector.broadcast %add3A_26 : i32 to vector<16xi32>
    %add3A_28 = arith.addi %iota3A, %add3A_27 : vector<16xi32>
    %swap3A_29 = arith.constant 0 : i32
    %swap3A_30 = arith.index_cast %swap3A_29 : i32 to index
    %swap3A_31 = arith.constant 32 : index
    %swap3A_32 = tpu.vector_load %arg9[%swap3A_30, %swap3A_31] {strides = array<i32>} : memref<5x128xi32, #tpu.memory_space<vmem>>, vector<1x16xi32>,
    %swap3A_33 = vector.shape_cast %swap3A_32 : vector<1x16xi32> to vector<16xi32>
    %swap3A_34 = vector.shape_cast %add3A_28 : vector<16xi32> to vector<1x16xi32>
    tpu.vector_store %arg9[%swap3A_30, %swap3A_31], %swap3A_34 {strides = array<i32>} : memref<5x128xi32, #tpu.memory_space<vmem>>, vector<1x16xi32>,
    %add3A_35 = arith.constant 0 : i32
    %add3A_36 = arith.addi %mul3A_0, %add3A_35 : i32
    %add3A_37 = arith.constant 48 : i32
    %add3A_38 = arith.addi %add3A_36, %add3A_37 : i32
    %add3A_39 = vector.broadcast %add3A_38 : i32 to vector<16xi32>
    %add3A_40 = arith.addi %iota3A, %add3A_39 : vector<16xi32>
    %swap3A_41 = arith.constant 0 : i32
    %swap3A_42 = arith.index_cast %swap3A_41 : i32 to index
    %swap3A_43 = arith.constant 48 : index
    %swap3A_44 = tpu.vector_load %arg9[%swap3A_42, %swap3A_43] {strides = array<i32>} : memref<5x128xi32, #tpu.memory_space<vmem>>, vector<1x16xi32>,
    %swap3A_45 = vector.shape_cast %swap3A_44 : vector<1x16xi32> to vector<16xi32>
    %swap3A_46 = vector.shape_cast %add3A_40 : vector<16xi32> to vector<1x16xi32>
    tpu.vector_store %arg9[%swap3A_42, %swap3A_43], %swap3A_46 {strides = array<i32>} : memref<5x128xi32, #tpu.memory_space<vmem>>, vector<1x16xi32>,
    %add3A_47 = arith.constant 0 : i32
    %add3A_48 = arith.addi %mul3A_0, %add3A_47 : i32
    %add3A_49 = arith.constant 64 : i32
    %add3A_50 = arith.addi %add3A_48, %add3A_49 : i32
    %add3A_51 = vector.broadcast %add3A_50 : i32 to vector<16xi32>
    %add3A_52 = arith.addi %iota3A, %add3A_51 : vector<16xi32>
    %swap3A_53 = arith.constant 0 : i32
    %swap3A_54 = arith.index_cast %swap3A_53 : i32 to index
    %swap3A_55 = arith.constant 64 : index
    %swap3A_56 = tpu.vector_load %arg9[%swap3A_54, %swap3A_55] {strides = array<i32>} : memref<5x128xi32, #tpu.memory_space<vmem>>, vector<1x16xi32>,
    %swap3A_57 = vector.shape_cast %swap3A_56 : vector<1x16xi32> to vector<16xi32>
    %swap3A_58 = vector.shape_cast %add3A_52 : vector<16xi32> to vector<1x16xi32>
    tpu.vector_store %arg9[%swap3A_54, %swap3A_55], %swap3A_58 {strides = array<i32>} : memref<5x128xi32, #tpu.memory_space<vmem>>, vector<1x16xi32>,
    %add3A_59 = arith.constant 0 : i32
    %add3A_60 = arith.addi %mul3A_0, %add3A_59 : i32
    %add3A_61 = arith.constant 80 : i32
    %add3A_62 = arith.addi %add3A_60, %add3A_61 : i32
    %add3A_63 = vector.broadcast %add3A_62 : i32 to vector<16xi32>
    %add3A_64 = arith.addi %iota3A, %add3A_63 : vector<16xi32>
    %swap3A_65 = arith.constant 0 : i32
    %swap3A_66 = arith.index_cast %swap3A_65 : i32 to index
    %swap3A_67 = arith.constant 80 : index
    %swap3A_68 = tpu.vector_load %arg9[%swap3A_66, %swap3A_67] {strides = array<i32>} : memref<5x128xi32, #tpu.memory_space<vmem>>, vector<1x16xi32>,
    %swap3A_69 = vector.shape_cast %swap3A_68 : vector<1x16xi32> to vector<16xi32>
    %swap3A_70 = vector.shape_cast %add3A_64 : vector<16xi32> to vector<1x16xi32>
    tpu.vector_store %arg9[%swap3A_66, %swap3A_67], %swap3A_70 {strides = array<i32>} : memref<5x128xi32, #tpu.memory_space<vmem>>, vector<1x16xi32>,
    %add3A_71 = arith.constant 0 : i32
    %add3A_72 = arith.addi %mul3A_0, %add3A_71 : i32
    %add3A_73 = arith.constant 96 : i32
    %add3A_74 = arith.addi %add3A_72, %add3A_73 : i32
    %add3A_75 = vector.broadcast %add3A_74 : i32 to vector<16xi32>
    %add3A_76 = arith.addi %iota3A, %add3A_75 : vector<16xi32>
    %swap3A_77 = arith.constant 0 : i32
    %swap3A_78 = arith.index_cast %swap3A_77 : i32 to index
    %swap3A_79 = arith.constant 96 : index
    %swap3A_80 = tpu.vector_load %arg9[%swap3A_78, %swap3A_79] {strides = array<i32>} : memref<5x128xi32, #tpu.memory_space<vmem>>, vector<1x16xi32>,
    %swap3A_81 = vector.shape_cast %swap3A_80 : vector<1x16xi32> to vector<16xi32>
    %swap3A_82 = vector.shape_cast %add3A_76 : vector<16xi32> to vector<1x16xi32>
    tpu.vector_store %arg9[%swap3A_78, %swap3A_79], %swap3A_82 {strides = array<i32>} : memref<5x128xi32, #tpu.memory_space<vmem>>, vector<1x16xi32>,
    %add3A_83 = arith.constant 0 : i32
    %add3A_84 = arith.addi %mul3A_0, %add3A_83 : i32
    %add3A_85 = arith.constant 112 : i32
    %add3A_86 = arith.addi %add3A_84, %add3A_85 : i32
    %add3A_87 = vector.broadcast %add3A_86 : i32 to vector<16xi32>
    %add3A_88 = arith.addi %iota3A, %add3A_87 : vector<16xi32>
    %swap3A_89 = arith.constant 0 : i32
    %swap3A_90 = arith.index_cast %swap3A_89 : i32 to index
    %swap3A_91 = arith.constant 112 : index
    %swap3A_92 = tpu.vector_load %arg9[%swap3A_90, %swap3A_91] {strides = array<i32>} : memref<5x128xi32, #tpu.memory_space<vmem>>, vector<1x16xi32>,
    %swap3A_93 = vector.shape_cast %swap3A_92 : vector<1x16xi32> to vector<16xi32>
    %swap3A_94 = vector.shape_cast %add3A_88 : vector<16xi32> to vector<1x16xi32>
    tpu.vector_store %arg9[%swap3A_90, %swap3A_91], %swap3A_94 {strides = array<i32>} : memref<5x128xi32, #tpu.memory_space<vmem>>, vector<1x16xi32>,
    %add3A_95 = arith.constant 128 : i32
    %add3A_96 = arith.addi %mul3A_0, %add3A_95 : i32
    %add3A_97 = arith.constant 0 : i32
    %add3A_98 = arith.addi %add3A_96, %add3A_97 : i32
    %add3A_99 = vector.broadcast %add3A_98 : i32 to vector<16xi32>
    %add3A_100 = arith.addi %iota3A, %add3A_99 : vector<16xi32>
    %swap3A_101 = arith.constant 1 : i32
    %swap3A_102 = arith.index_cast %swap3A_101 : i32 to index
    %swap3A_103 = arith.constant 0 : index
    %swap3A_104 = tpu.vector_load %arg9[%swap3A_102, %swap3A_103] {strides = array<i32>} : memref<5x128xi32, #tpu.memory_space<vmem>>, vector<1x16xi32>,
    %swap3A_105 = vector.shape_cast %swap3A_104 : vector<1x16xi32> to vector<16xi32>
    %swap3A_106 = vector.shape_cast %add3A_100 : vector<16xi32> to vector<1x16xi32>
    tpu.vector_store %arg9[%swap3A_102, %swap3A_103], %swap3A_106 {strides = array<i32>} : memref<5x128xi32, #tpu.memory_space<vmem>>, vector<1x16xi32>,
    %add3A_107 = arith.constant 128 : i32
    %add3A_108 = arith.addi %mul3A_0, %add3A_107 : i32
    %add3A_109 = arith.constant 16 : i32
    %add3A_110 = arith.addi %add3A_108, %add3A_109 : i32
    %add3A_111 = vector.broadcast %add3A_110 : i32 to vector<16xi32>
    %add3A_112 = arith.addi %iota3A, %add3A_111 : vector<16xi32>
    %swap3A_113 = arith.constant 1 : i32
    %swap3A_114 = arith.index_cast %swap3A_113 : i32 to index
    %swap3A_115 = arith.constant 16 : index
    %swap3A_116 = tpu.vector_load %arg9[%swap3A_114, %swap3A_115] {strides = array<i32>} : memref<5x128xi32, #tpu.memory_space<vmem>>, vector<1x16xi32>,
    %swap3A_117 = vector.shape_cast %swap3A_116 : vector<1x16xi32> to vector<16xi32>
    %swap3A_118 = vector.shape_cast %add3A_112 : vector<16xi32> to vector<1x16xi32>
    tpu.vector_store %arg9[%swap3A_114, %swap3A_115], %swap3A_118 {strides = array<i32>} : memref<5x128xi32, #tpu.memory_space<vmem>>, vector<1x16xi32>,
    %add3A_119 = arith.constant 128 : i32
    %add3A_120 = arith.addi %mul3A_0, %add3A_119 : i32
    %add3A_121 = arith.constant 32 : i32
    %add3A_122 = arith.addi %add3A_120, %add3A_121 : i32
    %add3A_123 = vector.broadcast %add3A_122 : i32 to vector<16xi32>
    %add3A_124 = arith.addi %iota3A, %add3A_123 : vector<16xi32>
    %swap3A_125 = arith.constant 1 : i32
    %swap3A_126 = arith.index_cast %swap3A_125 : i32 to index
    %swap3A_127 = arith.constant 32 : index
    %swap3A_128 = tpu.vector_load %arg9[%swap3A_126, %swap3A_127] {strides = array<i32>} : memref<5x128xi32, #tpu.memory_space<vmem>>, vector<1x16xi32>,
    %swap3A_129 = vector.shape_cast %swap3A_128 : vector<1x16xi32> to vector<16xi32>
    %swap3A_130 = vector.shape_cast %add3A_124 : vector<16xi32> to vector<1x16xi32>
    tpu.vector_store %arg9[%swap3A_126, %swap3A_127], %swap3A_130 {strides = array<i32>} : memref<5x128xi32, #tpu.memory_space<vmem>>, vector<1x16xi32>,
    %add3A_131 = arith.constant 128 : i32
    %add3A_132 = arith.addi %mul3A_0, %add3A_131 : i32
    %add3A_133 = arith.constant 48 : i32
    %add3A_134 = arith.addi %add3A_132, %add3A_133 : i32
    %add3A_135 = vector.broadcast %add3A_134 : i32 to vector<16xi32>
    %add3A_136 = arith.addi %iota3A, %add3A_135 : vector<16xi32>
    %swap3A_137 = arith.constant 1 : i32
    %swap3A_138 = arith.index_cast %swap3A_137 : i32 to index
    %swap3A_139 = arith.constant 48 : index
    %swap3A_140 = tpu.vector_load %arg9[%swap3A_138, %swap3A_139] {strides = array<i32>} : memref<5x128xi32, #tpu.memory_space<vmem>>, vector<1x16xi32>,
    %swap3A_141 = vector.shape_cast %swap3A_140 : vector<1x16xi32> to vector<16xi32>
    %swap3A_142 = vector.shape_cast %add3A_136 : vector<16xi32> to vector<1x16xi32>
    tpu.vector_store %arg9[%swap3A_138, %swap3A_139], %swap3A_142 {strides = array<i32>} : memref<5x128xi32, #tpu.memory_space<vmem>>, vector<1x16xi32>,
    %add3A_143 = arith.constant 128 : i32
    %add3A_144 = arith.addi %mul3A_0, %add3A_143 : i32
    %add3A_145 = arith.constant 64 : i32
    %add3A_146 = arith.addi %add3A_144, %add3A_145 : i32
    %add3A_147 = vector.broadcast %add3A_146 : i32 to vector<16xi32>
    %add3A_148 = arith.addi %iota3A, %add3A_147 : vector<16xi32>
    %swap3A_149 = arith.constant 1 : i32
    %swap3A_150 = arith.index_cast %swap3A_149 : i32 to index
    %swap3A_151 = arith.constant 64 : index
    %swap3A_152 = tpu.vector_load %arg9[%swap3A_150, %swap3A_151] {strides = array<i32>} : memref<5x128xi32, #tpu.memory_space<vmem>>, vector<1x16xi32>,
    %swap3A_153 = vector.shape_cast %swap3A_152 : vector<1x16xi32> to vector<16xi32>
    %swap3A_154 = vector.shape_cast %add3A_148 : vector<16xi32> to vector<1x16xi32>
    tpu.vector_store %arg9[%swap3A_150, %swap3A_151], %swap3A_154 {strides = array<i32>} : memref<5x128xi32, #tpu.memory_space<vmem>>, vector<1x16xi32>,
    %add3A_155 = arith.constant 128 : i32
    %add3A_156 = arith.addi %mul3A_0, %add3A_155 : i32
    %add3A_157 = arith.constant 80 : i32
    %add3A_158 = arith.addi %add3A_156, %add3A_157 : i32
    %add3A_159 = vector.broadcast %add3A_158 : i32 to vector<16xi32>
    %add3A_160 = arith.addi %iota3A, %add3A_159 : vector<16xi32>
    %swap3A_161 = arith.constant 1 : i32
    %swap3A_162 = arith.index_cast %swap3A_161 : i32 to index
    %swap3A_163 = arith.constant 80 : index
    %swap3A_164 = tpu.vector_load %arg9[%swap3A_162, %swap3A_163] {strides = array<i32>} : memref<5x128xi32, #tpu.memory_space<vmem>>, vector<1x16xi32>,
    %swap3A_165 = vector.shape_cast %swap3A_164 : vector<1x16xi32> to vector<16xi32>
    %swap3A_166 = vector.shape_cast %add3A_160 : vector<16xi32> to vector<1x16xi32>
    tpu.vector_store %arg9[%swap3A_162, %swap3A_163], %swap3A_166 {strides = array<i32>} : memref<5x128xi32, #tpu.memory_space<vmem>>, vector<1x16xi32>,
    %add3A_167 = arith.constant 128 : i32
    %add3A_168 = arith.addi %mul3A_0, %add3A_167 : i32
    %add3A_169 = arith.constant 96 : i32
    %add3A_170 = arith.addi %add3A_168, %add3A_169 : i32
    %add3A_171 = vector.broadcast %add3A_170 : i32 to vector<16xi32>
    %add3A_172 = arith.addi %iota3A, %add3A_171 : vector<16xi32>
    %swap3A_173 = arith.constant 1 : i32
    %swap3A_174 = arith.index_cast %swap3A_173 : i32 to index
    %swap3A_175 = arith.constant 96 : index
    %swap3A_176 = tpu.vector_load %arg9[%swap3A_174, %swap3A_175] {strides = array<i32>} : memref<5x128xi32, #tpu.memory_space<vmem>>, vector<1x16xi32>,
    %swap3A_177 = vector.shape_cast %swap3A_176 : vector<1x16xi32> to vector<16xi32>
    %swap3A_178 = vector.shape_cast %add3A_172 : vector<16xi32> to vector<1x16xi32>
    tpu.vector_store %arg9[%swap3A_174, %swap3A_175], %swap3A_178 {strides = array<i32>} : memref<5x128xi32, #tpu.memory_space<vmem>>, vector<1x16xi32>,
    %add3A_179 = arith.constant 128 : i32
    %add3A_180 = arith.addi %mul3A_0, %add3A_179 : i32
    %add3A_181 = arith.constant 112 : i32
    %add3A_182 = arith.addi %add3A_180, %add3A_181 : i32
    %add3A_183 = vector.broadcast %add3A_182 : i32 to vector<16xi32>
    %add3A_184 = arith.addi %iota3A, %add3A_183 : vector<16xi32>
    %swap3A_185 = arith.constant 1 : i32
    %swap3A_186 = arith.index_cast %swap3A_185 : i32 to index
    %swap3A_187 = arith.constant 112 : index
    %swap3A_188 = tpu.vector_load %arg9[%swap3A_186, %swap3A_187] {strides = array<i32>} : memref<5x128xi32, #tpu.memory_space<vmem>>, vector<1x16xi32>,
    %swap3A_189 = vector.shape_cast %swap3A_188 : vector<1x16xi32> to vector<16xi32>
    %swap3A_190 = vector.shape_cast %add3A_184 : vector<16xi32> to vector<1x16xi32>
    tpu.vector_store %arg9[%swap3A_186, %swap3A_187], %swap3A_190 {strides = array<i32>} : memref<5x128xi32, #tpu.memory_space<vmem>>, vector<1x16xi32>,
    %add3A_191 = arith.constant 256 : i32
    %add3A_192 = arith.addi %mul3A_0, %add3A_191 : i32
    %add3A_193 = arith.constant 0 : i32
    %add3A_194 = arith.addi %add3A_192, %add3A_193 : i32
    %add3A_195 = vector.broadcast %add3A_194 : i32 to vector<16xi32>
    %add3A_196 = arith.addi %iota3A, %add3A_195 : vector<16xi32>
    %swap3A_197 = arith.constant 2 : i32
    %swap3A_198 = arith.index_cast %swap3A_197 : i32 to index
    %swap3A_199 = arith.constant 0 : index
    %swap3A_200 = tpu.vector_load %arg9[%swap3A_198, %swap3A_199] {strides = array<i32>} : memref<5x128xi32, #tpu.memory_space<vmem>>, vector<1x16xi32>,
    %swap3A_201 = vector.shape_cast %swap3A_200 : vector<1x16xi32> to vector<16xi32>
    %swap3A_202 = vector.shape_cast %add3A_196 : vector<16xi32> to vector<1x16xi32>
    tpu.vector_store %arg9[%swap3A_198, %swap3A_199], %swap3A_202 {strides = array<i32>} : memref<5x128xi32, #tpu.memory_space<vmem>>, vector<1x16xi32>,
    %add3A_203 = arith.constant 256 : i32
    %add3A_204 = arith.addi %mul3A_0, %add3A_203 : i32
    %add3A_205 = arith.constant 16 : i32
    %add3A_206 = arith.addi %add3A_204, %add3A_205 : i32
    %add3A_207 = vector.broadcast %add3A_206 : i32 to vector<16xi32>
    %add3A_208 = arith.addi %iota3A, %add3A_207 : vector<16xi32>
    %swap3A_209 = arith.constant 2 : i32
    %swap3A_210 = arith.index_cast %swap3A_209 : i32 to index
    %swap3A_211 = arith.constant 16 : index
    %swap3A_212 = tpu.vector_load %arg9[%swap3A_210, %swap3A_211] {strides = array<i32>} : memref<5x128xi32, #tpu.memory_space<vmem>>, vector<1x16xi32>,
    %swap3A_213 = vector.shape_cast %swap3A_212 : vector<1x16xi32> to vector<16xi32>
    %swap3A_214 = vector.shape_cast %add3A_208 : vector<16xi32> to vector<1x16xi32>
    tpu.vector_store %arg9[%swap3A_210, %swap3A_211], %swap3A_214 {strides = array<i32>} : memref<5x128xi32, #tpu.memory_space<vmem>>, vector<1x16xi32>,
    %add3A_215 = arith.constant 256 : i32
    %add3A_216 = arith.addi %mul3A_0, %add3A_215 : i32
    %add3A_217 = arith.constant 32 : i32
    %add3A_218 = arith.addi %add3A_216, %add3A_217 : i32
    %add3A_219 = vector.broadcast %add3A_218 : i32 to vector<16xi32>
    %add3A_220 = arith.addi %iota3A, %add3A_219 : vector<16xi32>
    %swap3A_221 = arith.constant 2 : i32
    %swap3A_222 = arith.index_cast %swap3A_221 : i32 to index
    %swap3A_223 = arith.constant 32 : index
    %swap3A_224 = tpu.vector_load %arg9[%swap3A_222, %swap3A_223] {strides = array<i32>} : memref<5x128xi32, #tpu.memory_space<vmem>>, vector<1x16xi32>,
    %swap3A_225 = vector.shape_cast %swap3A_224 : vector<1x16xi32> to vector<16xi32>
    %swap3A_226 = vector.shape_cast %add3A_220 : vector<16xi32> to vector<1x16xi32>
    tpu.vector_store %arg9[%swap3A_222, %swap3A_223], %swap3A_226 {strides = array<i32>} : memref<5x128xi32, #tpu.memory_space<vmem>>, vector<1x16xi32>,
    %add3A_227 = arith.constant 256 : i32
    %add3A_228 = arith.addi %mul3A_0, %add3A_227 : i32
    %add3A_229 = arith.constant 48 : i32
    %add3A_230 = arith.addi %add3A_228, %add3A_229 : i32
    %add3A_231 = vector.broadcast %add3A_230 : i32 to vector<16xi32>
    %add3A_232 = arith.addi %iota3A, %add3A_231 : vector<16xi32>
    %swap3A_233 = arith.constant 2 : i32
    %swap3A_234 = arith.index_cast %swap3A_233 : i32 to index
    %swap3A_235 = arith.constant 48 : index
    %swap3A_236 = tpu.vector_load %arg9[%swap3A_234, %swap3A_235] {strides = array<i32>} : memref<5x128xi32, #tpu.memory_space<vmem>>, vector<1x16xi32>,
    %swap3A_237 = vector.shape_cast %swap3A_236 : vector<1x16xi32> to vector<16xi32>
    %swap3A_238 = vector.shape_cast %add3A_232 : vector<16xi32> to vector<1x16xi32>
    tpu.vector_store %arg9[%swap3A_234, %swap3A_235], %swap3A_238 {strides = array<i32>} : memref<5x128xi32, #tpu.memory_space<vmem>>, vector<1x16xi32>,
    %add3A_239 = arith.constant 256 : i32
    %add3A_240 = arith.addi %mul3A_0, %add3A_239 : i32
    %add3A_241 = arith.constant 64 : i32
    %add3A_242 = arith.addi %add3A_240, %add3A_241 : i32
    %add3A_243 = vector.broadcast %add3A_242 : i32 to vector<16xi32>
    %add3A_244 = arith.addi %iota3A, %add3A_243 : vector<16xi32>
    %swap3A_245 = arith.constant 2 : i32
    %swap3A_246 = arith.index_cast %swap3A_245 : i32 to index
    %swap3A_247 = arith.constant 64 : index
    %swap3A_248 = tpu.vector_load %arg9[%swap3A_246, %swap3A_247] {strides = array<i32>} : memref<5x128xi32, #tpu.memory_space<vmem>>, vector<1x16xi32>,
    %swap3A_249 = vector.shape_cast %swap3A_248 : vector<1x16xi32> to vector<16xi32>
    %swap3A_250 = vector.shape_cast %add3A_244 : vector<16xi32> to vector<1x16xi32>
    tpu.vector_store %arg9[%swap3A_246, %swap3A_247], %swap3A_250 {strides = array<i32>} : memref<5x128xi32, #tpu.memory_space<vmem>>, vector<1x16xi32>,
    %add3A_251 = arith.constant 256 : i32
    %add3A_252 = arith.addi %mul3A_0, %add3A_251 : i32
    %add3A_253 = arith.constant 80 : i32
    %add3A_254 = arith.addi %add3A_252, %add3A_253 : i32
    %add3A_255 = vector.broadcast %add3A_254 : i32 to vector<16xi32>
    %add3A_256 = arith.addi %iota3A, %add3A_255 : vector<16xi32>
    %swap3A_257 = arith.constant 2 : i32
    %swap3A_258 = arith.index_cast %swap3A_257 : i32 to index
    %swap3A_259 = arith.constant 80 : index
    %swap3A_260 = tpu.vector_load %arg9[%swap3A_258, %swap3A_259] {strides = array<i32>} : memref<5x128xi32, #tpu.memory_space<vmem>>, vector<1x16xi32>,
    %swap3A_261 = vector.shape_cast %swap3A_260 : vector<1x16xi32> to vector<16xi32>
    %swap3A_262 = vector.shape_cast %add3A_256 : vector<16xi32> to vector<1x16xi32>
    tpu.vector_store %arg9[%swap3A_258, %swap3A_259], %swap3A_262 {strides = array<i32>} : memref<5x128xi32, #tpu.memory_space<vmem>>, vector<1x16xi32>,
    %add3A_263 = arith.constant 256 : i32
    %add3A_264 = arith.addi %mul3A_0, %add3A_263 : i32
    %add3A_265 = arith.constant 96 : i32
    %add3A_266 = arith.addi %add3A_264, %add3A_265 : i32
    %add3A_267 = vector.broadcast %add3A_266 : i32 to vector<16xi32>
    %add3A_268 = arith.addi %iota3A, %add3A_267 : vector<16xi32>
    %swap3A_269 = arith.constant 2 : i32
    %swap3A_270 = arith.index_cast %swap3A_269 : i32 to index
    %swap3A_271 = arith.constant 96 : index
    %swap3A_272 = tpu.vector_load %arg9[%swap3A_270, %swap3A_271] {strides = array<i32>} : memref<5x128xi32, #tpu.memory_space<vmem>>, vector<1x16xi32>,
    %swap3A_273 = vector.shape_cast %swap3A_272 : vector<1x16xi32> to vector<16xi32>
    %swap3A_274 = vector.shape_cast %add3A_268 : vector<16xi32> to vector<1x16xi32>
    tpu.vector_store %arg9[%swap3A_270, %swap3A_271], %swap3A_274 {strides = array<i32>} : memref<5x128xi32, #tpu.memory_space<vmem>>, vector<1x16xi32>,
    %add3A_275 = arith.constant 256 : i32
    %add3A_276 = arith.addi %mul3A_0, %add3A_275 : i32
    %add3A_277 = arith.constant 112 : i32
    %add3A_278 = arith.addi %add3A_276, %add3A_277 : i32
    %add3A_279 = vector.broadcast %add3A_278 : i32 to vector<16xi32>
    %add3A_280 = arith.addi %iota3A, %add3A_279 : vector<16xi32>
    %swap3A_281 = arith.constant 2 : i32
    %swap3A_282 = arith.index_cast %swap3A_281 : i32 to index
    %swap3A_283 = arith.constant 112 : index
    %swap3A_284 = tpu.vector_load %arg9[%swap3A_282, %swap3A_283] {strides = array<i32>} : memref<5x128xi32, #tpu.memory_space<vmem>>, vector<1x16xi32>,
    %swap3A_285 = vector.shape_cast %swap3A_284 : vector<1x16xi32> to vector<16xi32>
    %swap3A_286 = vector.shape_cast %add3A_280 : vector<16xi32> to vector<1x16xi32>
    tpu.vector_store %arg9[%swap3A_282, %swap3A_283], %swap3A_286 {strides = array<i32>} : memref<5x128xi32, #tpu.memory_space<vmem>>, vector<1x16xi32>,
    %add3A_287 = arith.constant 384 : i32
    %add3A_288 = arith.addi %mul3A_0, %add3A_287 : i32
    %add3A_289 = arith.constant 0 : i32
    %add3A_290 = arith.addi %add3A_288, %add3A_289 : i32
    %add3A_291 = vector.broadcast %add3A_290 : i32 to vector<16xi32>
    %add3A_292 = arith.addi %iota3A, %add3A_291 : vector<16xi32>
    %swap3A_293 = arith.constant 3 : i32
    %swap3A_294 = arith.index_cast %swap3A_293 : i32 to index
    %swap3A_295 = arith.constant 0 : index
    %swap3A_296 = tpu.vector_load %arg9[%swap3A_294, %swap3A_295] {strides = array<i32>} : memref<5x128xi32, #tpu.memory_space<vmem>>, vector<1x16xi32>,
    %swap3A_297 = vector.shape_cast %swap3A_296 : vector<1x16xi32> to vector<16xi32>
    %swap3A_298 = vector.shape_cast %add3A_292 : vector<16xi32> to vector<1x16xi32>
    tpu.vector_store %arg9[%swap3A_294, %swap3A_295], %swap3A_298 {strides = array<i32>} : memref<5x128xi32, #tpu.memory_space<vmem>>, vector<1x16xi32>,
    %add3A_299 = arith.constant 384 : i32
    %add3A_300 = arith.addi %mul3A_0, %add3A_299 : i32
    %add3A_301 = arith.constant 16 : i32
    %add3A_302 = arith.addi %add3A_300, %add3A_301 : i32
    %add3A_303 = vector.broadcast %add3A_302 : i32 to vector<16xi32>
    %add3A_304 = arith.addi %iota3A, %add3A_303 : vector<16xi32>
    %swap3A_305 = arith.constant 3 : i32
    %swap3A_306 = arith.index_cast %swap3A_305 : i32 to index
    %swap3A_307 = arith.constant 16 : index
    %swap3A_308 = tpu.vector_load %arg9[%swap3A_306, %swap3A_307] {strides = array<i32>} : memref<5x128xi32, #tpu.memory_space<vmem>>, vector<1x16xi32>,
    %swap3A_309 = vector.shape_cast %swap3A_308 : vector<1x16xi32> to vector<16xi32>
    %swap3A_310 = vector.shape_cast %add3A_304 : vector<16xi32> to vector<1x16xi32>
    tpu.vector_store %arg9[%swap3A_306, %swap3A_307], %swap3A_310 {strides = array<i32>} : memref<5x128xi32, #tpu.memory_space<vmem>>, vector<1x16xi32>,
    %add3A_311 = arith.constant 384 : i32
    %add3A_312 = arith.addi %mul3A_0, %add3A_311 : i32
    %add3A_313 = arith.constant 32 : i32
    %add3A_314 = arith.addi %add3A_312, %add3A_313 : i32
    %add3A_315 = vector.broadcast %add3A_314 : i32 to vector<16xi32>
    %add3A_316 = arith.addi %iota3A, %add3A_315 : vector<16xi32>
    %swap3A_317 = arith.constant 3 : i32
    %swap3A_318 = arith.index_cast %swap3A_317 : i32 to index
    %swap3A_319 = arith.constant 32 : index
    %swap3A_320 = tpu.vector_load %arg9[%swap3A_318, %swap3A_319] {strides = array<i32>} : memref<5x128xi32, #tpu.memory_space<vmem>>, vector<1x16xi32>,
    %swap3A_321 = vector.shape_cast %swap3A_320 : vector<1x16xi32> to vector<16xi32>
    %swap3A_322 = vector.shape_cast %add3A_316 : vector<16xi32> to vector<1x16xi32>
    tpu.vector_store %arg9[%swap3A_318, %swap3A_319], %swap3A_322 {strides = array<i32>} : memref<5x128xi32, #tpu.memory_space<vmem>>, vector<1x16xi32>,
    %add3A_323 = arith.constant 384 : i32
    %add3A_324 = arith.addi %mul3A_0, %add3A_323 : i32
    %add3A_325 = arith.constant 48 : i32
    %add3A_326 = arith.addi %add3A_324, %add3A_325 : i32
    %add3A_327 = vector.broadcast %add3A_326 : i32 to vector<16xi32>
    %add3A_328 = arith.addi %iota3A, %add3A_327 : vector<16xi32>
    %swap3A_329 = arith.constant 3 : i32
    %swap3A_330 = arith.index_cast %swap3A_329 : i32 to index
    %swap3A_331 = arith.constant 48 : index
    %swap3A_332 = tpu.vector_load %arg9[%swap3A_330, %swap3A_331] {strides = array<i32>} : memref<5x128xi32, #tpu.memory_space<vmem>>, vector<1x16xi32>,
    %swap3A_333 = vector.shape_cast %swap3A_332 : vector<1x16xi32> to vector<16xi32>
    %swap3A_334 = vector.shape_cast %add3A_328 : vector<16xi32> to vector<1x16xi32>
    tpu.vector_store %arg9[%swap3A_330, %swap3A_331], %swap3A_334 {strides = array<i32>} : memref<5x128xi32, #tpu.memory_space<vmem>>, vector<1x16xi32>,
    %add3A_335 = arith.constant 384 : i32
    %add3A_336 = arith.addi %mul3A_0, %add3A_335 : i32
    %add3A_337 = arith.constant 64 : i32
    %add3A_338 = arith.addi %add3A_336, %add3A_337 : i32
    %add3A_339 = vector.broadcast %add3A_338 : i32 to vector<16xi32>
    %add3A_340 = arith.addi %iota3A, %add3A_339 : vector<16xi32>
    %swap3A_341 = arith.constant 3 : i32
    %swap3A_342 = arith.index_cast %swap3A_341 : i32 to index
    %swap3A_343 = arith.constant 64 : index
    %swap3A_344 = tpu.vector_load %arg9[%swap3A_342, %swap3A_343] {strides = array<i32>} : memref<5x128xi32, #tpu.memory_space<vmem>>, vector<1x16xi32>,
    %swap3A_345 = vector.shape_cast %swap3A_344 : vector<1x16xi32> to vector<16xi32>
    %swap3A_346 = vector.shape_cast %add3A_340 : vector<16xi32> to vector<1x16xi32>
    tpu.vector_store %arg9[%swap3A_342, %swap3A_343], %swap3A_346 {strides = array<i32>} : memref<5x128xi32, #tpu.memory_space<vmem>>, vector<1x16xi32>,
    %add3A_347 = arith.constant 384 : i32
    %add3A_348 = arith.addi %mul3A_0, %add3A_347 : i32
    %add3A_349 = arith.constant 80 : i32
    %add3A_350 = arith.addi %add3A_348, %add3A_349 : i32
    %add3A_351 = vector.broadcast %add3A_350 : i32 to vector<16xi32>
    %add3A_352 = arith.addi %iota3A, %add3A_351 : vector<16xi32>
    %swap3A_353 = arith.constant 3 : i32
    %swap3A_354 = arith.index_cast %swap3A_353 : i32 to index
    %swap3A_355 = arith.constant 80 : index
    %swap3A_356 = tpu.vector_load %arg9[%swap3A_354, %swap3A_355] {strides = array<i32>} : memref<5x128xi32, #tpu.memory_space<vmem>>, vector<1x16xi32>,
    %swap3A_357 = vector.shape_cast %swap3A_356 : vector<1x16xi32> to vector<16xi32>
    %swap3A_358 = vector.shape_cast %add3A_352 : vector<16xi32> to vector<1x16xi32>
    tpu.vector_store %arg9[%swap3A_354, %swap3A_355], %swap3A_358 {strides = array<i32>} : memref<5x128xi32, #tpu.memory_space<vmem>>, vector<1x16xi32>,
    %add3A_359 = arith.constant 384 : i32
    %add3A_360 = arith.addi %mul3A_0, %add3A_359 : i32
    %add3A_361 = arith.constant 96 : i32
    %add3A_362 = arith.addi %add3A_360, %add3A_361 : i32
    %add3A_363 = vector.broadcast %add3A_362 : i32 to vector<16xi32>
    %add3A_364 = arith.addi %iota3A, %add3A_363 : vector<16xi32>
    %swap3A_365 = arith.constant 3 : i32
    %swap3A_366 = arith.index_cast %swap3A_365 : i32 to index
    %swap3A_367 = arith.constant 96 : index
    %swap3A_368 = tpu.vector_load %arg9[%swap3A_366, %swap3A_367] {strides = array<i32>} : memref<5x128xi32, #tpu.memory_space<vmem>>, vector<1x16xi32>,
    %swap3A_369 = vector.shape_cast %swap3A_368 : vector<1x16xi32> to vector<16xi32>
    %swap3A_370 = vector.shape_cast %add3A_364 : vector<16xi32> to vector<1x16xi32>
    tpu.vector_store %arg9[%swap3A_366, %swap3A_367], %swap3A_370 {strides = array<i32>} : memref<5x128xi32, #tpu.memory_space<vmem>>, vector<1x16xi32>,
    %add3A_371 = arith.constant 384 : i32
    %add3A_372 = arith.addi %mul3A_0, %add3A_371 : i32
    %add3A_373 = arith.constant 112 : i32
    %add3A_374 = arith.addi %add3A_372, %add3A_373 : i32
    %add3A_375 = vector.broadcast %add3A_374 : i32 to vector<16xi32>
    %add3A_376 = arith.addi %iota3A, %add3A_375 : vector<16xi32>
    %swap3A_377 = arith.constant 3 : i32
    %swap3A_378 = arith.index_cast %swap3A_377 : i32 to index
    %swap3A_379 = arith.constant 112 : index
    %swap3A_380 = tpu.vector_load %arg9[%swap3A_378, %swap3A_379] {strides = array<i32>} : memref<5x128xi32, #tpu.memory_space<vmem>>, vector<1x16xi32>,
    %swap3A_381 = vector.shape_cast %swap3A_380 : vector<1x16xi32> to vector<16xi32>
    %swap3A_382 = vector.shape_cast %add3A_376 : vector<16xi32> to vector<1x16xi32>
    tpu.vector_store %arg9[%swap3A_378, %swap3A_379], %swap3A_382 {strides = array<i32>} : memref<5x128xi32, #tpu.memory_space<vmem>>, vector<1x16xi32>,
    %add3A_383 = arith.constant 512 : i32
    %add3A_384 = arith.addi %mul3A_0, %add3A_383 : i32
    %add3A_385 = arith.constant 0 : i32
    %add3A_386 = arith.addi %add3A_384, %add3A_385 : i32
    %add3A_387 = vector.broadcast %add3A_386 : i32 to vector<16xi32>
    %add3A_388 = arith.addi %iota3A, %add3A_387 : vector<16xi32>
    %swap3A_389 = arith.constant 4 : i32
    %swap3A_390 = arith.index_cast %swap3A_389 : i32 to index
    %swap3A_391 = arith.constant 0 : index
    %swap3A_392 = tpu.vector_load %arg9[%swap3A_390, %swap3A_391] {strides = array<i32>} : memref<5x128xi32, #tpu.memory_space<vmem>>, vector<1x16xi32>,
    %swap3A_393 = vector.shape_cast %swap3A_392 : vector<1x16xi32> to vector<16xi32>
    %swap3A_394 = vector.shape_cast %add3A_388 : vector<16xi32> to vector<1x16xi32>
    tpu.vector_store %arg9[%swap3A_390, %swap3A_391], %swap3A_394 {strides = array<i32>} : memref<5x128xi32, #tpu.memory_space<vmem>>, vector<1x16xi32>,
    %add3A_395 = arith.constant 512 : i32
    %add3A_396 = arith.addi %mul3A_0, %add3A_395 : i32
    %add3A_397 = arith.constant 16 : i32
    %add3A_398 = arith.addi %add3A_396, %add3A_397 : i32
    %add3A_399 = vector.broadcast %add3A_398 : i32 to vector<16xi32>
    %add3A_400 = arith.addi %iota3A, %add3A_399 : vector<16xi32>
    %swap3A_401 = arith.constant 4 : i32
    %swap3A_402 = arith.index_cast %swap3A_401 : i32 to index
    %swap3A_403 = arith.constant 16 : index
    %swap3A_404 = tpu.vector_load %arg9[%swap3A_402, %swap3A_403] {strides = array<i32>} : memref<5x128xi32, #tpu.memory_space<vmem>>, vector<1x16xi32>,
    %swap3A_405 = vector.shape_cast %swap3A_404 : vector<1x16xi32> to vector<16xi32>
    %swap3A_406 = vector.shape_cast %add3A_400 : vector<16xi32> to vector<1x16xi32>
    tpu.vector_store %arg9[%swap3A_402, %swap3A_403], %swap3A_406 {strides = array<i32>} : memref<5x128xi32, #tpu.memory_space<vmem>>, vector<1x16xi32>,
    %add3A_407 = arith.constant 512 : i32
    %add3A_408 = arith.addi %mul3A_0, %add3A_407 : i32
    %add3A_409 = arith.constant 32 : i32
    %add3A_410 = arith.addi %add3A_408, %add3A_409 : i32
    %add3A_411 = vector.broadcast %add3A_410 : i32 to vector<16xi32>
    %add3A_412 = arith.addi %iota3A, %add3A_411 : vector<16xi32>
    %swap3A_413 = arith.constant 4 : i32
    %swap3A_414 = arith.index_cast %swap3A_413 : i32 to index
    %swap3A_415 = arith.constant 32 : index
    %swap3A_416 = tpu.vector_load %arg9[%swap3A_414, %swap3A_415] {strides = array<i32>} : memref<5x128xi32, #tpu.memory_space<vmem>>, vector<1x16xi32>,
    %swap3A_417 = vector.shape_cast %swap3A_416 : vector<1x16xi32> to vector<16xi32>
    %swap3A_418 = vector.shape_cast %add3A_412 : vector<16xi32> to vector<1x16xi32>
    tpu.vector_store %arg9[%swap3A_414, %swap3A_415], %swap3A_418 {strides = array<i32>} : memref<5x128xi32, #tpu.memory_space<vmem>>, vector<1x16xi32>,
    %add3A_419 = arith.constant 512 : i32
    %add3A_420 = arith.addi %mul3A_0, %add3A_419 : i32
    %add3A_421 = arith.constant 48 : i32
    %add3A_422 = arith.addi %add3A_420, %add3A_421 : i32
    %add3A_423 = vector.broadcast %add3A_422 : i32 to vector<16xi32>
    %add3A_424 = arith.addi %iota3A, %add3A_423 : vector<16xi32>
    %swap3A_425 = arith.constant 4 : i32
    %swap3A_426 = arith.index_cast %swap3A_425 : i32 to index
    %swap3A_427 = arith.constant 48 : index
    %swap3A_428 = tpu.vector_load %arg9[%swap3A_426, %swap3A_427] {strides = array<i32>} : memref<5x128xi32, #tpu.memory_space<vmem>>, vector<1x16xi32>,
    %swap3A_429 = vector.shape_cast %swap3A_428 : vector<1x16xi32> to vector<16xi32>
    %swap3A_430 = vector.shape_cast %add3A_424 : vector<16xi32> to vector<1x16xi32>
    tpu.vector_store %arg9[%swap3A_426, %swap3A_427], %swap3A_430 {strides = array<i32>} : memref<5x128xi32, #tpu.memory_space<vmem>>, vector<1x16xi32>,
    %add3A_431 = arith.constant 512 : i32
    %add3A_432 = arith.addi %mul3A_0, %add3A_431 : i32
    %add3A_433 = arith.constant 64 : i32
    %add3A_434 = arith.addi %add3A_432, %add3A_433 : i32
    %add3A_435 = vector.broadcast %add3A_434 : i32 to vector<16xi32>
    %add3A_436 = arith.addi %iota3A, %add3A_435 : vector<16xi32>
    %swap3A_437 = arith.constant 4 : i32
    %swap3A_438 = arith.index_cast %swap3A_437 : i32 to index
    %swap3A_439 = arith.constant 64 : index
    %swap3A_440 = tpu.vector_load %arg9[%swap3A_438, %swap3A_439] {strides = array<i32>} : memref<5x128xi32, #tpu.memory_space<vmem>>, vector<1x16xi32>,
    %swap3A_441 = vector.shape_cast %swap3A_440 : vector<1x16xi32> to vector<16xi32>
    %swap3A_442 = vector.shape_cast %add3A_436 : vector<16xi32> to vector<1x16xi32>
    tpu.vector_store %arg9[%swap3A_438, %swap3A_439], %swap3A_442 {strides = array<i32>} : memref<5x128xi32, #tpu.memory_space<vmem>>, vector<1x16xi32>,
    %add3A_443 = arith.constant 512 : i32
    %add3A_444 = arith.addi %mul3A_0, %add3A_443 : i32
    %add3A_445 = arith.constant 80 : i32
    %add3A_446 = arith.addi %add3A_444, %add3A_445 : i32
    %add3A_447 = vector.broadcast %add3A_446 : i32 to vector<16xi32>
    %add3A_448 = arith.addi %iota3A, %add3A_447 : vector<16xi32>
    %swap3A_449 = arith.constant 4 : i32
    %swap3A_450 = arith.index_cast %swap3A_449 : i32 to index
    %swap3A_451 = arith.constant 80 : index
    %swap3A_452 = tpu.vector_load %arg9[%swap3A_450, %swap3A_451] {strides = array<i32>} : memref<5x128xi32, #tpu.memory_space<vmem>>, vector<1x16xi32>,
    %swap3A_453 = vector.shape_cast %swap3A_452 : vector<1x16xi32> to vector<16xi32>
    %swap3A_454 = vector.shape_cast %add3A_448 : vector<16xi32> to vector<1x16xi32>
    tpu.vector_store %arg9[%swap3A_450, %swap3A_451], %swap3A_454 {strides = array<i32>} : memref<5x128xi32, #tpu.memory_space<vmem>>, vector<1x16xi32>,
    %add3A_455 = arith.constant 512 : i32
    %add3A_456 = arith.addi %mul3A_0, %add3A_455 : i32
    %add3A_457 = arith.constant 96 : i32
    %add3A_458 = arith.addi %add3A_456, %add3A_457 : i32
    %add3A_459 = vector.broadcast %add3A_458 : i32 to vector<16xi32>
    %add3A_460 = arith.addi %iota3A, %add3A_459 : vector<16xi32>
    %swap3A_461 = arith.constant 4 : i32
    %swap3A_462 = arith.index_cast %swap3A_461 : i32 to index
    %swap3A_463 = arith.constant 96 : index
    %swap3A_464 = tpu.vector_load %arg9[%swap3A_462, %swap3A_463] {strides = array<i32>} : memref<5x128xi32, #tpu.memory_space<vmem>>, vector<1x16xi32>,
    %swap3A_465 = vector.shape_cast %swap3A_464 : vector<1x16xi32> to vector<16xi32>
    %swap3A_466 = vector.shape_cast %add3A_460 : vector<16xi32> to vector<1x16xi32>
    tpu.vector_store %arg9[%swap3A_462, %swap3A_463], %swap3A_466 {strides = array<i32>} : memref<5x128xi32, #tpu.memory_space<vmem>>, vector<1x16xi32>,
    %add3A_467 = arith.constant 512 : i32
    %add3A_468 = arith.addi %mul3A_0, %add3A_467 : i32
    %add3A_469 = arith.constant 112 : i32
    %add3A_470 = arith.addi %add3A_468, %add3A_469 : i32
    %add3A_471 = vector.broadcast %add3A_470 : i32 to vector<16xi32>
    %add3A_472 = arith.addi %iota3A, %add3A_471 : vector<16xi32>
    %swap3A_473 = arith.constant 4 : i32
    %swap3A_474 = arith.index_cast %swap3A_473 : i32 to index
    %swap3A_475 = arith.constant 112 : index
    %swap3A_476 = tpu.vector_load %arg9[%swap3A_474, %swap3A_475] {strides = array<i32>} : memref<5x128xi32, #tpu.memory_space<vmem>>, vector<1x16xi32>,
    %swap3A_477 = vector.shape_cast %swap3A_476 : vector<1x16xi32> to vector<16xi32>
    %swap3A_478 = vector.shape_cast %add3A_472 : vector<16xi32> to vector<1x16xi32>
    tpu.vector_store %arg9[%swap3A_474, %swap3A_475], %swap3A_478 {strides = array<i32>} : memref<5x128xi32, #tpu.memory_space<vmem>>, vector<1x16xi32>,
    %scan3A = arith.constant 0 : i32
    %scan3A_479 = arith.constant 0 : i32
    %scan3A_480 = arith.constant 128 : i32
    %scan3A_481 = arith.addi %scan3A_479, %scan3A_480 : i32
    %scan3A_482 = arith.constant 1 : i32
    scf.for %scan3A_595 = %scan3A_479 to %scan3A_481 step %scan3A_482  : i32 {
      %broadcast_in_dim3A_596 = arith.constant 0.000000e+00 : f32
      %broadcast_in_dim3A_597 = vector.broadcast %broadcast_in_dim3A_596 : f32 to vector<16xf32>
      %swap3A_598 = arith.index_cast %scan3A_595 : i32 to index
      %swap3A_599 = arith.constant 0 : index
      %swap3A_600 = tpu.vector_load %arg8[%swap3A_598, %swap3A_599] {strides = array<i32>} : memref<128x128xf32, #tpu.memory_space<vmem>>, vector<1x16xf32>,
      %swap3A_601 = vector.shape_cast %swap3A_600 : vector<1x16xf32> to vector<16xf32>
      %swap3A_602 = vector.shape_cast %broadcast_in_dim3A_597 : vector<16xf32> to vector<1x16xf32>
      tpu.vector_store %arg8[%swap3A_598, %swap3A_599], %swap3A_602 {strides = array<i32>} : memref<128x128xf32, #tpu.memory_space<vmem>>, vector<1x16xf32>,
      %broadcast_in_dim3A_603 = arith.constant 0.000000e+00 : f32
      %broadcast_in_dim3A_604 = vector.broadcast %broadcast_in_dim3A_603 : f32 to vector<16xf32>
      %swap3A_605 = arith.index_cast %scan3A_595 : i32 to index
      %swap3A_606 = arith.constant 16 : index
      %swap3A_607 = tpu.vector_load %arg8[%swap3A_605, %swap3A_606] {strides = array<i32>} : memref<128x128xf32, #tpu.memory_space<vmem>>, vector<1x16xf32>,
      %swap3A_608 = vector.shape_cast %swap3A_607 : vector<1x16xf32> to vector<16xf32>
      %swap3A_609 = vector.shape_cast %broadcast_in_dim3A_604 : vector<16xf32> to vector<1x16xf32>
      tpu.vector_store %arg8[%swap3A_605, %swap3A_606], %swap3A_609 {strides = array<i32>} : memref<128x128xf32, #tpu.memory_space<vmem>>, vector<1x16xf32>,
      %broadcast_in_dim3A_610 = arith.constant 0.000000e+00 : f32
      %broadcast_in_dim3A_611 = vector.broadcast %broadcast_in_dim3A_610 : f32 to vector<16xf32>
      %swap3A_612 = arith.index_cast %scan3A_595 : i32 to index
      %swap3A_613 = arith.constant 32 : index
      %swap3A_614 = tpu.vector_load %arg8[%swap3A_612, %swap3A_613] {strides = array<i32>} : memref<128x128xf32, #tpu.memory_space<vmem>>, vector<1x16xf32>,
      %swap3A_615 = vector.shape_cast %swap3A_614 : vector<1x16xf32> to vector<16xf32>
      %swap3A_616 = vector.shape_cast %broadcast_in_dim3A_611 : vector<16xf32> to vector<1x16xf32>
      tpu.vector_store %arg8[%swap3A_612, %swap3A_613], %swap3A_616 {strides = array<i32>} : memref<128x128xf32, #tpu.memory_space<vmem>>, vector<1x16xf32>,
      %broadcast_in_dim3A_617 = arith.constant 0.000000e+00 : f32
      %broadcast_in_dim3A_618 = vector.broadcast %broadcast_in_dim3A_617 : f32 to vector<16xf32>
      %swap3A_619 = arith.index_cast %scan3A_595 : i32 to index
      %swap3A_620 = arith.constant 48 : index
      %swap3A_621 = tpu.vector_load %arg8[%swap3A_619, %swap3A_620] {strides = array<i32>} : memref<128x128xf32, #tpu.memory_space<vmem>>, vector<1x16xf32>,
      %swap3A_622 = vector.shape_cast %swap3A_621 : vector<1x16xf32> to vector<16xf32>
      %swap3A_623 = vector.shape_cast %broadcast_in_dim3A_618 : vector<16xf32> to vector<1x16xf32>
      tpu.vector_store %arg8[%swap3A_619, %swap3A_620], %swap3A_623 {strides = array<i32>} : memref<128x128xf32, #tpu.memory_space<vmem>>, vector<1x16xf32>,
      %broadcast_in_dim3A_624 = arith.constant 0.000000e+00 : f32
      %broadcast_in_dim3A_625 = vector.broadcast %broadcast_in_dim3A_624 : f32 to vector<16xf32>
      %swap3A_626 = arith.index_cast %scan3A_595 : i32 to index
      %swap3A_627 = arith.constant 64 : index
      %swap3A_628 = tpu.vector_load %arg8[%swap3A_626, %swap3A_627] {strides = array<i32>} : memref<128x128xf32, #tpu.memory_space<vmem>>, vector<1x16xf32>,
      %swap3A_629 = vector.shape_cast %swap3A_628 : vector<1x16xf32> to vector<16xf32>
      %swap3A_630 = vector.shape_cast %broadcast_in_dim3A_625 : vector<16xf32> to vector<1x16xf32>
      tpu.vector_store %arg8[%swap3A_626, %swap3A_627], %swap3A_630 {strides = array<i32>} : memref<128x128xf32, #tpu.memory_space<vmem>>, vector<1x16xf32>,
      %broadcast_in_dim3A_631 = arith.constant 0.000000e+00 : f32
      %broadcast_in_dim3A_632 = vector.broadcast %broadcast_in_dim3A_631 : f32 to vector<16xf32>
      %swap3A_633 = arith.index_cast %scan3A_595 : i32 to index
      %swap3A_634 = arith.constant 80 : index
      %swap3A_635 = tpu.vector_load %arg8[%swap3A_633, %swap3A_634] {strides = array<i32>} : memref<128x128xf32, #tpu.memory_space<vmem>>, vector<1x16xf32>,
      %swap3A_636 = vector.shape_cast %swap3A_635 : vector<1x16xf32> to vector<16xf32>
      %swap3A_637 = vector.shape_cast %broadcast_in_dim3A_632 : vector<16xf32> to vector<1x16xf32>
      tpu.vector_store %arg8[%swap3A_633, %swap3A_634], %swap3A_637 {strides = array<i32>} : memref<128x128xf32, #tpu.memory_space<vmem>>, vector<1x16xf32>,
      %broadcast_in_dim3A_638 = arith.constant 0.000000e+00 : f32
      %broadcast_in_dim3A_639 = vector.broadcast %broadcast_in_dim3A_638 : f32 to vector<16xf32>
      %swap3A_640 = arith.index_cast %scan3A_595 : i32 to index
      %swap3A_641 = arith.constant 96 : index
      %swap3A_642 = tpu.vector_load %arg8[%swap3A_640, %swap3A_641] {strides = array<i32>} : memref<128x128xf32, #tpu.memory_space<vmem>>, vector<1x16xf32>,
      %swap3A_643 = vector.shape_cast %swap3A_642 : vector<1x16xf32> to vector<16xf32>
      %swap3A_644 = vector.shape_cast %broadcast_in_dim3A_639 : vector<16xf32> to vector<1x16xf32>
      tpu.vector_store %arg8[%swap3A_640, %swap3A_641], %swap3A_644 {strides = array<i32>} : memref<128x128xf32, #tpu.memory_space<vmem>>, vector<1x16xf32>,
      %broadcast_in_dim3A_645 = arith.constant 0.000000e+00 : f32
      %broadcast_in_dim3A_646 = vector.broadcast %broadcast_in_dim3A_645 : f32 to vector<16xf32>
      %swap3A_647 = arith.index_cast %scan3A_595 : i32 to index
      %swap3A_648 = arith.constant 112 : index
      %swap3A_649 = tpu.vector_load %arg8[%swap3A_647, %swap3A_648] {strides = array<i32>} : memref<128x128xf32, #tpu.memory_space<vmem>>, vector<1x16xf32>,
      %swap3A_650 = vector.shape_cast %swap3A_649 : vector<1x16xf32> to vector<16xf32>
      %swap3A_651 = vector.shape_cast %broadcast_in_dim3A_646 : vector<16xf32> to vector<1x16xf32>
      tpu.vector_store %arg8[%swap3A_647, %swap3A_648], %swap3A_651 {strides = array<i32>} : memref<128x128xf32, #tpu.memory_space<vmem>>, vector<1x16xf32>,
    }
    %scan3A_483 = arith.constant 128 : i32
    %run_scoped3A = arith.constant 0 : i32
    "tpu.region"() ({
      %run_scoped3A_595 = tpu.sem_alloc : memref<!tpu.dma_semaphore, #tpu.memory_space<semaphore_mem>>
      %dma_start3A_596 = arith.constant 0 : i32
      %dma_start3A_597 = tpu.memref_slice %arg9[%run_scoped3A, %dma_start3A_596] : memref<5x128xi32, #tpu.memory_space<vmem>> -> memref<1x128xi32, #tpu.memory_space<vmem>>
      %dma_start3A_598 = tpu.memref_squeeze %dma_start3A_597 : memref<1x128xi32, #tpu.memory_space<vmem>> -> memref<128xi32, #tpu.memory_space<vmem>>
      %dma_start3A_599 = arith.constant 0 : i32
      %dma_start3A_600 = arith.constant 0 : i32
      %dma_start3A_601 = tpu.memref_slice %arg10[%dma_start3A_599, %dma_start3A_600] : memref<10240x128xf32, #tpu.memory_space<vmem_shared>> -> memref<10240x128xf32, #tpu.memory_space<vmem_shared>>
      tpu.enqueue_indirect_dma source(%arg8 : memref<128x128xf32, #tpu.memory_space<vmem>>) target(%dma_start3A_601 : memref<10240x128xf32, #tpu.memory_space<vmem_shared>>) offsets(%dma_start3A_598 : memref<128xi32, #tpu.memory_space<vmem>>) semaphore(%run_scoped3A_595 : memref<!tpu.dma_semaphore, #tpu.memory_space<semaphore_mem>>)
      %dma_wait3A_602 = arith.constant 0 : i32
      %dma_wait3A_603 = tpu.memref_slice %arg9[%run_scoped3A, %dma_wait3A_602] : memref<5x128xi32, #tpu.memory_space<vmem>> -> memref<1x128xi32, #tpu.memory_space<vmem>>
      %dma_wait3A_604 = tpu.memref_squeeze %dma_wait3A_603 : memref<1x128xi32, #tpu.memory_space<vmem>> -> memref<128xi32, #tpu.memory_space<vmem>>
      %dma_wait3A_605 = arith.constant 0 : i32
      %dma_wait3A_606 = arith.constant 0 : i32
      %dma_wait3A_607 = tpu.memref_slice %arg10[%dma_wait3A_605, %dma_wait3A_606] : memref<10240x128xf32, #tpu.memory_space<vmem_shared>> -> memref<10240x128xf32, #tpu.memory_space<vmem_shared>>
      tpu.wait_indirect_dma semaphore(%run_scoped3A_595 : memref<!tpu.dma_semaphore, #tpu.memory_space<semaphore_mem>>) src(%arg8 : memref<128x128xf32, #tpu.memory_space<vmem>>) dst(%dma_wait3A_607 : memref<10240x128xf32, #tpu.memory_space<vmem_shared>>)
      tpu.yield
    }) : () -> ()
    %run_scoped3A_484 = arith.constant 1 : i32
    "tpu.region"() ({
      %run_scoped3A_595 = tpu.sem_alloc : memref<!tpu.dma_semaphore, #tpu.memory_space<semaphore_mem>>
      %dma_start3A_596 = arith.constant 0 : i32
      %dma_start3A_597 = tpu.memref_slice %arg9[%run_scoped3A_484, %dma_start3A_596] : memref<5x128xi32, #tpu.memory_space<vmem>> -> memref<1x128xi32, #tpu.memory_space<vmem>>
      %dma_start3A_598 = tpu.memref_squeeze %dma_start3A_597 : memref<1x128xi32, #tpu.memory_space<vmem>> -> memref<128xi32, #tpu.memory_space<vmem>>
      %dma_start3A_599 = arith.constant 0 : i32
      %dma_start3A_600 = arith.constant 0 : i32
      %dma_start3A_601 = tpu.memref_slice %arg10[%dma_start3A_599, %dma_start3A_600] : memref<10240x128xf32, #tpu.memory_space<vmem_shared>> -> memref<10240x128xf32, #tpu.memory_space<vmem_shared>>
      tpu.enqueue_indirect_dma source(%arg8 : memref<128x128xf32, #tpu.memory_space<vmem>>) target(%dma_start3A_601 : memref<10240x128xf32, #tpu.memory_space<vmem_shared>>) offsets(%dma_start3A_598 : memref<128xi32, #tpu.memory_space<vmem>>) semaphore(%run_scoped3A_595 : memref<!tpu.dma_semaphore, #tpu.memory_space<semaphore_mem>>)
      %dma_wait3A_602 = arith.constant 0 : i32
      %dma_wait3A_603 = tpu.memref_slice %arg9[%run_scoped3A_484, %dma_wait3A_602] : memref<5x128xi32, #tpu.memory_space<vmem>> -> memref<1x128xi32, #tpu.memory_space<vmem>>
      %dma_wait3A_604 = tpu.memref_squeeze %dma_wait3A_603 : memref<1x128xi32, #tpu.memory_space<vmem>> -> memref<128xi32, #tpu.memory_space<vmem>>
      %dma_wait3A_605 = arith.constant 0 : i32
      %dma_wait3A_606 = arith.constant 0 : i32
      %dma_wait3A_607 = tpu.memref_slice %arg10[%dma_wait3A_605, %dma_wait3A_606] : memref<10240x128xf32, #tpu.memory_space<vmem_shared>> -> memref<10240x128xf32, #tpu.memory_space<vmem_shared>>
      tpu.wait_indirect_dma semaphore(%run_scoped3A_595 : memref<!tpu.dma_semaphore, #tpu.memory_space<semaphore_mem>>) src(%arg8 : memref<128x128xf32, #tpu.memory_space<vmem>>) dst(%dma_wait3A_607 : memref<10240x128xf32, #tpu.memory_space<vmem_shared>>)
      tpu.yield
    }) : () -> ()
    %run_scoped3A_485 = arith.constant 2 : i32
    "tpu.region"() ({
      %run_scoped3A_595 = tpu.sem_alloc : memref<!tpu.dma_semaphore, #tpu.memory_space<semaphore_mem>>
      %dma_start3A_596 = arith.constant 0 : i32
      %dma_start3A_597 = tpu.memref_slice %arg9[%run_scoped3A_485, %dma_start3A_596] : memref<5x128xi32, #tpu.memory_space<vmem>> -> memref<1x128xi32, #tpu.memory_space<vmem>>
      %dma_start3A_598 = tpu.memref_squeeze %dma_start3A_597 : memref<1x128xi32, #tpu.memory_space<vmem>> -> memref<128xi32, #tpu.memory_space<vmem>>
      %dma_start3A_599 = arith.constant 0 : i32
      %dma_start3A_600 = arith.constant 0 : i32
      %dma_start3A_601 = tpu.memref_slice %arg10[%dma_start3A_599, %dma_start3A_600] : memref<10240x128xf32, #tpu.memory_space<vmem_shared>> -> memref<10240x128xf32, #tpu.memory_space<vmem_shared>>
      tpu.enqueue_indirect_dma source(%arg8 : memref<128x128xf32, #tpu.memory_space<vmem>>) target(%dma_start3A_601 : memref<10240x128xf32, #tpu.memory_space<vmem_shared>>) offsets(%dma_start3A_598 : memref<128xi32, #tpu.memory_space<vmem>>) semaphore(%run_scoped3A_595 : memref<!tpu.dma_semaphore, #tpu.memory_space<semaphore_mem>>)
      %dma_wait3A_602 = arith.constant 0 : i32
      %dma_wait3A_603 = tpu.memref_slice %arg9[%run_scoped3A_485, %dma_wait3A_602] : memref<5x128xi32, #tpu.memory_space<vmem>> -> memref<1x128xi32, #tpu.memory_space<vmem>>
      %dma_wait3A_604 = tpu.memref_squeeze %dma_wait3A_603 : memref<1x128xi32, #tpu.memory_space<vmem>> -> memref<128xi32, #tpu.memory_space<vmem>>
      %dma_wait3A_605 = arith.constant 0 : i32
      %dma_wait3A_606 = arith.constant 0 : i32
      %dma_wait3A_607 = tpu.memref_slice %arg10[%dma_wait3A_605, %dma_wait3A_606] : memref<10240x128xf32, #tpu.memory_space<vmem_shared>> -> memref<10240x128xf32, #tpu.memory_space<vmem_shared>>
      tpu.wait_indirect_dma semaphore(%run_scoped3A_595 : memref<!tpu.dma_semaphore, #tpu.memory_space<semaphore_mem>>) src(%arg8 : memref<128x128xf32, #tpu.memory_space<vmem>>) dst(%dma_wait3A_607 : memref<10240x128xf32, #tpu.memory_space<vmem_shared>>)
      tpu.yield
    }) : () -> ()
    %run_scoped3A_486 = arith.constant 3 : i32
    "tpu.region"() ({
      %run_scoped3A_595 = tpu.sem_alloc : memref<!tpu.dma_semaphore, #tpu.memory_space<semaphore_mem>>
      %dma_start3A_596 = arith.constant 0 : i32
      %dma_start3A_597 = tpu.memref_slice %arg9[%run_scoped3A_486, %dma_start3A_596] : memref<5x128xi32, #tpu.memory_space<vmem>> -> memref<1x128xi32, #tpu.memory_space<vmem>>
      %dma_start3A_598 = tpu.memref_squeeze %dma_start3A_597 : memref<1x128xi32, #tpu.memory_space<vmem>> -> memref<128xi32, #tpu.memory_space<vmem>>
      %dma_start3A_599 = arith.constant 0 : i32
      %dma_start3A_600 = arith.constant 0 : i32
      %dma_start3A_601 = tpu.memref_slice %arg10[%dma_start3A_599, %dma_start3A_600] : memref<10240x128xf32, #tpu.memory_space<vmem_shared>> -> memref<10240x128xf32, #tpu.memory_space<vmem_shared>>
      tpu.enqueue_indirect_dma source(%arg8 : memref<128x128xf32, #tpu.memory_space<vmem>>) target(%dma_start3A_601 : memref<10240x128xf32, #tpu.memory_space<vmem_shared>>) offsets(%dma_start3A_598 : memref<128xi32, #tpu.memory_space<vmem>>) semaphore(%run_scoped3A_595 : memref<!tpu.dma_semaphore, #tpu.memory_space<semaphore_mem>>)
      %dma_wait3A_602 = arith.constant 0 : i32
      %dma_wait3A_603 = tpu.memref_slice %arg9[%run_scoped3A_486, %dma_wait3A_602] : memref<5x128xi32, #tpu.memory_space<vmem>> -> memref<1x128xi32, #tpu.memory_space<vmem>>
      %dma_wait3A_604 = tpu.memref_squeeze %dma_wait3A_603 : memref<1x128xi32, #tpu.memory_space<vmem>> -> memref<128xi32, #tpu.memory_space<vmem>>
      %dma_wait3A_605 = arith.constant 0 : i32
      %dma_wait3A_606 = arith.constant 0 : i32
      %dma_wait3A_607 = tpu.memref_slice %arg10[%dma_wait3A_605, %dma_wait3A_606] : memref<10240x128xf32, #tpu.memory_space<vmem_shared>> -> memref<10240x128xf32, #tpu.memory_space<vmem_shared>>
      tpu.wait_indirect_dma semaphore(%run_scoped3A_595 : memref<!tpu.dma_semaphore, #tpu.memory_space<semaphore_mem>>) src(%arg8 : memref<128x128xf32, #tpu.memory_space<vmem>>) dst(%dma_wait3A_607 : memref<10240x128xf32, #tpu.memory_space<vmem_shared>>)
      tpu.yield
    }) : () -> ()
    %run_scoped3A_487 = arith.constant 4 : i32
    "tpu.region"() ({
      %run_scoped3A_595 = tpu.sem_alloc : memref<!tpu.dma_semaphore, #tpu.memory_space<semaphore_mem>>
      %dma_start3A_596 = arith.constant 0 : i32
      %dma_start3A_597 = tpu.memref_slice %arg9[%run_scoped3A_487, %dma_start3A_596] : memref<5x128xi32, #tpu.memory_space<vmem>> -> memref<1x128xi32, #tpu.memory_space<vmem>>
      %dma_start3A_598 = tpu.memref_squeeze %dma_start3A_597 : memref<1x128xi32, #tpu.memory_space<vmem>> -> memref<128xi32, #tpu.memory_space<vmem>>
      %dma_start3A_599 = arith.constant 0 : i32
      %dma_start3A_600 = arith.constant 0 : i32
      %dma_start3A_601 = tpu.memref_slice %arg10[%dma_start3A_599, %dma_start3A_600] : memref<10240x128xf32, #tpu.memory_space<vmem_shared>> -> memref<10240x128xf32, #tpu.memory_space<vmem_shared>>
      tpu.enqueue_indirect_dma source(%arg8 : memref<128x128xf32, #tpu.memory_space<vmem>>) target(%dma_start3A_601 : memref<10240x128xf32, #tpu.memory_space<vmem_shared>>) offsets(%dma_start3A_598 : memref<128xi32, #tpu.memory_space<vmem>>) semaphore(%run_scoped3A_595 : memref<!tpu.dma_semaphore, #tpu.memory_space<semaphore_mem>>)
      %dma_wait3A_602 = arith.constant 0 : i32
      %dma_wait3A_603 = tpu.memref_slice %arg9[%run_scoped3A_487, %dma_wait3A_602] : memref<5x128xi32, #tpu.memory_space<vmem>> -> memref<1x128xi32, #tpu.memory_space<vmem>>
      %dma_wait3A_604 = tpu.memref_squeeze %dma_wait3A_603 : memref<1x128xi32, #tpu.memory_space<vmem>> -> memref<128xi32, #tpu.memory_space<vmem>>
      %dma_wait3A_605 = arith.constant 0 : i32
      %dma_wait3A_606 = arith.constant 0 : i32
      %dma_wait3A_607 = tpu.memref_slice %arg10[%dma_wait3A_605, %dma_wait3A_606] : memref<10240x128xf32, #tpu.memory_space<vmem_shared>> -> memref<10240x128xf32, #tpu.memory_space<vmem_shared>>
      tpu.wait_indirect_dma semaphore(%run_scoped3A_595 : memref<!tpu.dma_semaphore, #tpu.memory_space<semaphore_mem>>) src(%arg8 : memref<128x128xf32, #tpu.memory_space<vmem>>) dst(%dma_wait3A_607 : memref<10240x128xf32, #tpu.memory_space<vmem_shared>>)
      tpu.yield
    }) : () -> ()
    %mul3A_488 = arith.constant 80 : i32
    %mul3A_489 = arith.muli %arg1, %mul3A_488 : i32
    "tpu.region"() ({
      %run_scoped3A_595 = tpu.sem_alloc : memref<!tpu.dma_semaphore, #tpu.memory_space<semaphore_mem>>
      %dma_start3A_596 = arith.constant 0 : i32
      %dma_start3A_597 = tpu.memref_slice %arg3[%mul3A_489, %dma_start3A_596] : memref<1280x128xi32, #tpu.memory_space<hbm>> -> memref<80x128xi32, #tpu.memory_space<hbm>>
      %dma_start3A_598 = arith.constant 0 : i32
      %dma_start3A_599 = tpu.memref_slice %arg3[%mul3A_489, %dma_start3A_598] : memref<1280x128xi32, #tpu.memory_space<hbm>> -> memref<80x128xi32, #tpu.memory_space<hbm>>
      tpu.enqueue_dma source(%dma_start3A_599 : memref<80x128xi32, #tpu.memory_space<hbm>>) target(%arg6 : memref<80x128xi32, #tpu.memory_space<vmem>>) target_semaphore(%run_scoped3A_595 : memref<!tpu.dma_semaphore, #tpu.memory_space<semaphore_mem>>)
      %dma_wait3A_600 = arith.constant 0 : i32
      %dma_wait3A_601 = tpu.memref_slice %arg3[%mul3A_489, %dma_wait3A_600] : memref<1280x128xi32, #tpu.memory_space<hbm>> -> memref<80x128xi32, #tpu.memory_space<hbm>>
      %dma_wait3A_602 = arith.constant 0 : i32
      %dma_wait3A_603 = tpu.memref_slice %arg3[%mul3A_489, %dma_wait3A_602] : memref<1280x128xi32, #tpu.memory_space<hbm>> -> memref<80x128xi32, #tpu.memory_space<hbm>>
      tpu.wait_dma2 semaphore(%run_scoped3A_595 : memref<!tpu.dma_semaphore, #tpu.memory_space<semaphore_mem>>) src(%dma_wait3A_603 : memref<80x128xi32, #tpu.memory_space<hbm>>) dst(%arg6 : memref<80x128xi32, #tpu.memory_space<vmem>>)
      tpu.yield
    }) : () -> ()
    %mul3A_490 = arith.constant 80 : i32
    %mul3A_491 = arith.muli %arg1, %mul3A_490 : i32
    "tpu.region"() ({
      %run_scoped3A_595 = tpu.sem_alloc : memref<!tpu.dma_semaphore, #tpu.memory_space<semaphore_mem>>
      %dma_start3A_596 = arith.constant 0 : i32
      %dma_start3A_597 = tpu.memref_slice %arg4[%mul3A_491, %dma_start3A_596] : memref<1280x128xi32, #tpu.memory_space<hbm>> -> memref<80x128xi32, #tpu.memory_space<hbm>>
      %dma_start3A_598 = arith.constant 0 : i32
      %dma_start3A_599 = tpu.memref_slice %arg4[%mul3A_491, %dma_start3A_598] : memref<1280x128xi32, #tpu.memory_space<hbm>> -> memref<80x128xi32, #tpu.memory_space<hbm>>
      tpu.enqueue_dma source(%dma_start3A_599 : memref<80x128xi32, #tpu.memory_space<hbm>>) target(%arg7 : memref<80x128xi32, #tpu.memory_space<vmem>>) target_semaphore(%run_scoped3A_595 : memref<!tpu.dma_semaphore, #tpu.memory_space<semaphore_mem>>)
      %dma_wait3A_600 = arith.constant 0 : i32
      %dma_wait3A_601 = tpu.memref_slice %arg4[%mul3A_491, %dma_wait3A_600] : memref<1280x128xi32, #tpu.memory_space<hbm>> -> memref<80x128xi32, #tpu.memory_space<hbm>>
      %dma_wait3A_602 = arith.constant 0 : i32
      %dma_wait3A_603 = tpu.memref_slice %arg4[%mul3A_491, %dma_wait3A_602] : memref<1280x128xi32, #tpu.memory_space<hbm>> -> memref<80x128xi32, #tpu.memory_space<hbm>>
      tpu.wait_dma2 semaphore(%run_scoped3A_595 : memref<!tpu.dma_semaphore, #tpu.memory_space<semaphore_mem>>) src(%dma_wait3A_603 : memref<80x128xi32, #tpu.memory_space<hbm>>) dst(%arg7 : memref<80x128xi32, #tpu.memory_space<vmem>>)
      tpu.yield
    }) : () -> ()
    %mul3A_492 = arith.constant 10240 : i32
    %mul3A_493 = arith.muli %arg0, %mul3A_492 : i32
    %broadcast_in_dim3A = vector.broadcast %mul3A_493 : i32 to vector<16xi32>
    %scan3A_494 = arith.constant 0 : i32
    %scan3A_495 = arith.constant 0 : i32
    %scan3A_496 = arith.constant 80 : i32
    %scan3A_497 = arith.addi %scan3A_495, %scan3A_496 : i32
    %scan3A_498 = arith.constant 1 : i32
    scf.for %scan3A_595 = %scan3A_495 to %scan3A_497 step %scan3A_498  : i32 {
      %get3A = arith.index_cast %scan3A_595 : i32 to index
      %get3A_596 = arith.constant 0 : index
      %get3A_597 = tpu.vector_load %arg6[%get3A, %get3A_596] {strides = array<i32>} : memref<80x128xi32, #tpu.memory_space<vmem>>, vector<1x16xi32>,
      %get3A_598 = vector.shape_cast %get3A_597 : vector<1x16xi32> to vector<16xi32>
      %add3A_599 = arith.addi %get3A_598, %broadcast_in_dim3A : vector<16xi32>
      %swap3A_600 = arith.index_cast %scan3A_595 : i32 to index
      %swap3A_601 = arith.constant 0 : index
      %swap3A_602 = tpu.vector_load %arg6[%swap3A_600, %swap3A_601] {strides = array<i32>} : memref<80x128xi32, #tpu.memory_space<vmem>>, vector<1x16xi32>,
      %swap3A_603 = vector.shape_cast %swap3A_602 : vector<1x16xi32> to vector<16xi32>
      %swap3A_604 = vector.shape_cast %add3A_599 : vector<16xi32> to vector<1x16xi32>
      tpu.vector_store %arg6[%swap3A_600, %swap3A_601], %swap3A_604 {strides = array<i32>} : memref<80x128xi32, #tpu.memory_space<vmem>>, vector<1x16xi32>,
      %get3A_605 = arith.index_cast %scan3A_595 : i32 to index
      %get3A_606 = arith.constant 16 : index
      %get3A_607 = tpu.vector_load %arg6[%get3A_605, %get3A_606] {strides = array<i32>} : memref<80x128xi32, #tpu.memory_space<vmem>>, vector<1x16xi32>,
      %get3A_608 = vector.shape_cast %get3A_607 : vector<1x16xi32> to vector<16xi32>
      %add3A_609 = arith.addi %get3A_608, %broadcast_in_dim3A : vector<16xi32>
      %swap3A_610 = arith.index_cast %scan3A_595 : i32 to index
      %swap3A_611 = arith.constant 16 : index
      %swap3A_612 = tpu.vector_load %arg6[%swap3A_610, %swap3A_611] {strides = array<i32>} : memref<80x128xi32, #tpu.memory_space<vmem>>, vector<1x16xi32>,
      %swap3A_613 = vector.shape_cast %swap3A_612 : vector<1x16xi32> to vector<16xi32>
      %swap3A_614 = vector.shape_cast %add3A_609 : vector<16xi32> to vector<1x16xi32>
      tpu.vector_store %arg6[%swap3A_610, %swap3A_611], %swap3A_614 {strides = array<i32>} : memref<80x128xi32, #tpu.memory_space<vmem>>, vector<1x16xi32>,
      %get3A_615 = arith.index_cast %scan3A_595 : i32 to index
      %get3A_616 = arith.constant 32 : index
      %get3A_617 = tpu.vector_load %arg6[%get3A_615, %get3A_616] {strides = array<i32>} : memref<80x128xi32, #tpu.memory_space<vmem>>, vector<1x16xi32>,
      %get3A_618 = vector.shape_cast %get3A_617 : vector<1x16xi32> to vector<16xi32>
      %add3A_619 = arith.addi %get3A_618, %broadcast_in_dim3A : vector<16xi32>
      %swap3A_620 = arith.index_cast %scan3A_595 : i32 to index
      %swap3A_621 = arith.constant 32 : index
      %swap3A_622 = tpu.vector_load %arg6[%swap3A_620, %swap3A_621] {strides = array<i32>} : memref<80x128xi32, #tpu.memory_space<vmem>>, vector<1x16xi32>,
      %swap3A_623 = vector.shape_cast %swap3A_622 : vector<1x16xi32> to vector<16xi32>
      %swap3A_624 = vector.shape_cast %add3A_619 : vector<16xi32> to vector<1x16xi32>
      tpu.vector_store %arg6[%swap3A_620, %swap3A_621], %swap3A_624 {strides = array<i32>} : memref<80x128xi32, #tpu.memory_space<vmem>>, vector<1x16xi32>,
      %get3A_625 = arith.index_cast %scan3A_595 : i32 to index
      %get3A_626 = arith.constant 48 : index
      %get3A_627 = tpu.vector_load %arg6[%get3A_625, %get3A_626] {strides = array<i32>} : memref<80x128xi32, #tpu.memory_space<vmem>>, vector<1x16xi32>,
      %get3A_628 = vector.shape_cast %get3A_627 : vector<1x16xi32> to vector<16xi32>
      %add3A_629 = arith.addi %get3A_628, %broadcast_in_dim3A : vector<16xi32>
      %swap3A_630 = arith.index_cast %scan3A_595 : i32 to index
      %swap3A_631 = arith.constant 48 : index
      %swap3A_632 = tpu.vector_load %arg6[%swap3A_630, %swap3A_631] {strides = array<i32>} : memref<80x128xi32, #tpu.memory_space<vmem>>, vector<1x16xi32>,
      %swap3A_633 = vector.shape_cast %swap3A_632 : vector<1x16xi32> to vector<16xi32>
      %swap3A_634 = vector.shape_cast %add3A_629 : vector<16xi32> to vector<1x16xi32>
      tpu.vector_store %arg6[%swap3A_630, %swap3A_631], %swap3A_634 {strides = array<i32>} : memref<80x128xi32, #tpu.memory_space<vmem>>, vector<1x16xi32>,
      %get3A_635 = arith.index_cast %scan3A_595 : i32 to index
      %get3A_636 = arith.constant 64 : index
      %get3A_637 = tpu.vector_load %arg6[%get3A_635, %get3A_636] {strides = array<i32>} : memref<80x128xi32, #tpu.memory_space<vmem>>, vector<1x16xi32>,
      %get3A_638 = vector.shape_cast %get3A_637 : vector<1x16xi32> to vector<16xi32>
      %add3A_639 = arith.addi %get3A_638, %broadcast_in_dim3A : vector<16xi32>
      %swap3A_640 = arith.index_cast %scan3A_595 : i32 to index
      %swap3A_641 = arith.constant 64 : index
      %swap3A_642 = tpu.vector_load %arg6[%swap3A_640, %swap3A_641] {strides = array<i32>} : memref<80x128xi32, #tpu.memory_space<vmem>>, vector<1x16xi32>,
      %swap3A_643 = vector.shape_cast %swap3A_642 : vector<1x16xi32> to vector<16xi32>
      %swap3A_644 = vector.shape_cast %add3A_639 : vector<16xi32> to vector<1x16xi32>
      tpu.vector_store %arg6[%swap3A_640, %swap3A_641], %swap3A_644 {strides = array<i32>} : memref<80x128xi32, #tpu.memory_space<vmem>>, vector<1x16xi32>,
      %get3A_645 = arith.index_cast %scan3A_595 : i32 to index
      %get3A_646 = arith.constant 80 : index
      %get3A_647 = tpu.vector_load %arg6[%get3A_645, %get3A_646] {strides = array<i32>} : memref<80x128xi32, #tpu.memory_space<vmem>>, vector<1x16xi32>,
      %get3A_648 = vector.shape_cast %get3A_647 : vector<1x16xi32> to vector<16xi32>
      %add3A_649 = arith.addi %get3A_648, %broadcast_in_dim3A : vector<16xi32>
      %swap3A_650 = arith.index_cast %scan3A_595 : i32 to index
      %swap3A_651 = arith.constant 80 : index
      %swap3A_652 = tpu.vector_load %arg6[%swap3A_650, %swap3A_651] {strides = array<i32>} : memref<80x128xi32, #tpu.memory_space<vmem>>, vector<1x16xi32>,
      %swap3A_653 = vector.shape_cast %swap3A_652 : vector<1x16xi32> to vector<16xi32>
      %swap3A_654 = vector.shape_cast %add3A_649 : vector<16xi32> to vector<1x16xi32>
      tpu.vector_store %arg6[%swap3A_650, %swap3A_651], %swap3A_654 {strides = array<i32>} : memref<80x128xi32, #tpu.memory_space<vmem>>, vector<1x16xi32>,
      %get3A_655 = arith.index_cast %scan3A_595 : i32 to index
      %get3A_656 = arith.constant 96 : index
      %get3A_657 = tpu.vector_load %arg6[%get3A_655, %get3A_656] {strides = array<i32>} : memref<80x128xi32, #tpu.memory_space<vmem>>, vector<1x16xi32>,
      %get3A_658 = vector.shape_cast %get3A_657 : vector<1x16xi32> to vector<16xi32>
      %add3A_659 = arith.addi %get3A_658, %broadcast_in_dim3A : vector<16xi32>
      %swap3A_660 = arith.index_cast %scan3A_595 : i32 to index
      %swap3A_661 = arith.constant 96 : index
      %swap3A_662 = tpu.vector_load %arg6[%swap3A_660, %swap3A_661] {strides = array<i32>} : memref<80x128xi32, #tpu.memory_space<vmem>>, vector<1x16xi32>,
      %swap3A_663 = vector.shape_cast %swap3A_662 : vector<1x16xi32> to vector<16xi32>
      %swap3A_664 = vector.shape_cast %add3A_659 : vector<16xi32> to vector<1x16xi32>
      tpu.vector_store %arg6[%swap3A_660, %swap3A_661], %swap3A_664 {strides = array<i32>} : memref<80x128xi32, #tpu.memory_space<vmem>>, vector<1x16xi32>,
      %get3A_665 = arith.index_cast %scan3A_595 : i32 to index
      %get3A_666 = arith.constant 112 : index
      %get3A_667 = tpu.vector_load %arg6[%get3A_665, %get3A_666] {strides = array<i32>} : memref<80x128xi32, #tpu.memory_space<vmem>>, vector<1x16xi32>,
      %get3A_668 = vector.shape_cast %get3A_667 : vector<1x16xi32> to vector<16xi32>
      %add3A_669 = arith.addi %get3A_668, %broadcast_in_dim3A : vector<16xi32>
      %swap3A_670 = arith.index_cast %scan3A_595 : i32 to index
      %swap3A_671 = arith.constant 112 : index
      %swap3A_672 = tpu.vector_load %arg6[%swap3A_670, %swap3A_671] {strides = array<i32>} : memref<80x128xi32, #tpu.memory_space<vmem>>, vector<1x16xi32>,
      %swap3A_673 = vector.shape_cast %swap3A_672 : vector<1x16xi32> to vector<16xi32>
      %swap3A_674 = vector.shape_cast %add3A_669 : vector<16xi32> to vector<1x16xi32>
      tpu.vector_store %arg6[%swap3A_670, %swap3A_671], %swap3A_674 {strides = array<i32>} : memref<80x128xi32, #tpu.memory_space<vmem>>, vector<1x16xi32>,
    }
    %scan3A_499 = arith.constant 80 : i32
    %barrier3A = arith.constant 0 : index
    tpu.barrier barrier_id(%barrier3A)
    %scan3A_500 = arith.constant 0 : i32
    %scan3A_501 = arith.constant 0 : i32
    %scan3A_502 = arith.constant 80 : i32
    %scan3A_503 = arith.addi %scan3A_501, %scan3A_502 : i32
    %scan3A_504 = arith.constant 1 : i32
    scf.for %scan3A_595 = %scan3A_501 to %scan3A_503 step %scan3A_504  : i32 {
      %dma_start3A_596 = arith.constant 0 : i32
      %dma_start3A_597 = tpu.memref_slice %arg6[%scan3A_595, %dma_start3A_596] : memref<80x128xi32, #tpu.memory_space<vmem>> -> memref<1x128xi32, #tpu.memory_space<vmem>>
      %dma_start3A_598 = tpu.memref_squeeze %dma_start3A_597 : memref<1x128xi32, #tpu.memory_space<vmem>> -> memref<128xi32, #tpu.memory_space<vmem>>
      %dma_start3A_599 = arith.constant 0 : i32
      %dma_start3A_600 = arith.constant 0 : i32
      %dma_start3A_601 = tpu.memref_slice %arg2[%dma_start3A_599, %dma_start3A_600] : memref<20480x128xf32, #tpu.memory_space<hbm>> -> memref<20480x128xf32, #tpu.memory_space<hbm>>
      tpu.enqueue_indirect_dma source(%dma_start3A_601 : memref<20480x128xf32, #tpu.memory_space<hbm>>) target(%arg8 : memref<128x128xf32, #tpu.memory_space<vmem>>) offsets(%dma_start3A_598 : memref<128xi32, #tpu.memory_space<vmem>>) semaphore(%arg11 : memref<!tpu.dma_semaphore, #tpu.memory_space<semaphore_mem>>)
      %dma_wait3A_602 = arith.constant 0 : i32
      %dma_wait3A_603 = tpu.memref_slice %arg6[%scan3A_595, %dma_wait3A_602] : memref<80x128xi32, #tpu.memory_space<vmem>> -> memref<1x128xi32, #tpu.memory_space<vmem>>
      %dma_wait3A_604 = tpu.memref_squeeze %dma_wait3A_603 : memref<1x128xi32, #tpu.memory_space<vmem>> -> memref<128xi32, #tpu.memory_space<vmem>>
      %dma_wait3A_605 = arith.constant 0 : i32
      %dma_wait3A_606 = arith.constant 0 : i32
      %dma_wait3A_607 = tpu.memref_slice %arg2[%dma_wait3A_605, %dma_wait3A_606] : memref<20480x128xf32, #tpu.memory_space<hbm>> -> memref<20480x128xf32, #tpu.memory_space<hbm>>
      tpu.wait_indirect_dma semaphore(%arg11 : memref<!tpu.dma_semaphore, #tpu.memory_space<semaphore_mem>>) src(%dma_wait3A_607 : memref<20480x128xf32, #tpu.memory_space<hbm>>) dst(%arg8 : memref<128x128xf32, #tpu.memory_space<vmem>>)
      "tpu.region"() ({
        %run_scoped3A_608 = tpu.sem_alloc : memref<!tpu.dma_semaphore, #tpu.memory_space<semaphore_mem>>
        %dma_start3A_609 = arith.constant 0 : i32
        %dma_start3A_610 = tpu.memref_slice %arg7[%scan3A_595, %dma_start3A_609] : memref<80x128xi32, #tpu.memory_space<vmem>> -> memref<1x128xi32, #tpu.memory_space<vmem>>
        %dma_start3A_611 = tpu.memref_squeeze %dma_start3A_610 : memref<1x128xi32, #tpu.memory_space<vmem>> -> memref<128xi32, #tpu.memory_space<vmem>>
        %dma_start3A_612 = arith.constant 0 : i32
        %dma_start3A_613 = arith.constant 0 : i32
        %dma_start3A_614 = tpu.memref_slice %arg10[%dma_start3A_612, %dma_start3A_613] : memref<10240x128xf32, #tpu.memory_space<vmem_shared>> -> memref<10240x128xf32, #tpu.memory_space<vmem_shared>>
        tpu.enqueue_indirect_dma source(%arg8 : memref<128x128xf32, #tpu.memory_space<vmem>>) target(%dma_start3A_614 : memref<10240x128xf32, #tpu.memory_space<vmem_shared>>) offsets(%dma_start3A_611 : memref<128xi32, #tpu.memory_space<vmem>>) semaphore(%run_scoped3A_608 : memref<!tpu.dma_semaphore, #tpu.memory_space<semaphore_mem>>) {add = true}
        %dma_wait3A_615 = arith.constant 0 : i32
        %dma_wait3A_616 = tpu.memref_slice %arg7[%scan3A_595, %dma_wait3A_615] : memref<80x128xi32, #tpu.memory_space<vmem>> -> memref<1x128xi32, #tpu.memory_space<vmem>>
        %dma_wait3A_617 = tpu.memref_squeeze %dma_wait3A_616 : memref<1x128xi32, #tpu.memory_space<vmem>> -> memref<128xi32, #tpu.memory_space<vmem>>
        %dma_wait3A_618 = arith.constant 0 : i32
        %dma_wait3A_619 = arith.constant 0 : i32
        %dma_wait3A_620 = tpu.memref_slice %arg10[%dma_wait3A_618, %dma_wait3A_619] : memref<10240x128xf32, #tpu.memory_space<vmem_shared>> -> memref<10240x128xf32, #tpu.memory_space<vmem_shared>>
        tpu.wait_indirect_dma semaphore(%run_scoped3A_608 : memref<!tpu.dma_semaphore, #tpu.memory_space<semaphore_mem>>) src(%arg8 : memref<128x128xf32, #tpu.memory_space<vmem>>) dst(%dma_wait3A_620 : memref<10240x128xf32, #tpu.memory_space<vmem_shared>>)
        tpu.yield
      }) : () -> ()
    }
    %scan3A_505 = arith.constant 80 : i32
    %barrier3A_506 = arith.constant 0 : index
    tpu.barrier barrier_id(%barrier3A_506)
    %dma_start3A = arith.constant 0 : i32
    %dma_start3A_507 = arith.constant 0 : i32
    %dma_start3A_508 = tpu.memref_slice %arg9[%dma_start3A, %dma_start3A_507] : memref<5x128xi32, #tpu.memory_space<vmem>> -> memref<1x128xi32, #tpu.memory_space<vmem>>
    %dma_start3A_509 = tpu.memref_squeeze %dma_start3A_508 : memref<1x128xi32, #tpu.memory_space<vmem>> -> memref<128xi32, #tpu.memory_space<vmem>>
    %dma_start3A_510 = arith.constant 0 : i32
    %dma_start3A_511 = arith.constant 0 : i32
    %dma_start3A_512 = tpu.memref_slice %arg10[%dma_start3A_510, %dma_start3A_511] : memref<10240x128xf32, #tpu.memory_space<vmem_shared>> -> memref<10240x128xf32, #tpu.memory_space<vmem_shared>>
    tpu.enqueue_indirect_dma source(%dma_start3A_512 : memref<10240x128xf32, #tpu.memory_space<vmem_shared>>) target(%arg8 : memref<128x128xf32, #tpu.memory_space<vmem>>) offsets(%dma_start3A_509 : memref<128xi32, #tpu.memory_space<vmem>>) semaphore(%arg11 : memref<!tpu.dma_semaphore, #tpu.memory_space<semaphore_mem>>)
    %dma_wait3A = arith.constant 0 : i32
    %dma_wait3A_513 = arith.constant 0 : i32
    %dma_wait3A_514 = tpu.memref_slice %arg9[%dma_wait3A, %dma_wait3A_513] : memref<5x128xi32, #tpu.memory_space<vmem>> -> memref<1x128xi32, #tpu.memory_space<vmem>>
    %dma_wait3A_515 = tpu.memref_squeeze %dma_wait3A_514 : memref<1x128xi32, #tpu.memory_space<vmem>> -> memref<128xi32, #tpu.memory_space<vmem>>
    %dma_wait3A_516 = arith.constant 0 : i32
    %dma_wait3A_517 = arith.constant 0 : i32
    %dma_wait3A_518 = tpu.memref_slice %arg10[%dma_wait3A_516, %dma_wait3A_517] : memref<10240x128xf32, #tpu.memory_space<vmem_shared>> -> memref<10240x128xf32, #tpu.memory_space<vmem_shared>>
    tpu.wait_indirect_dma semaphore(%arg11 : memref<!tpu.dma_semaphore, #tpu.memory_space<semaphore_mem>>) src(%dma_wait3A_518 : memref<10240x128xf32, #tpu.memory_space<vmem_shared>>) dst(%arg8 : memref<128x128xf32, #tpu.memory_space<vmem>>)
    %mul3A_519 = arith.constant 640 : i32
    %mul3A_520 = arith.muli %arg1, %mul3A_519 : i32
    %add3A_521 = arith.constant 0 : i32
    %add3A_522 = arith.addi %mul3A_520, %add3A_521 : i32
    "tpu.region"() ({
      %run_scoped3A_595 = tpu.sem_alloc : memref<!tpu.dma_semaphore, #tpu.memory_space<semaphore_mem>>
      %dma_start3A_596 = arith.constant 0 : i32
      %dma_start3A_597 = arith.constant 0 : i32
      %dma_start3A_598 = tpu.memref_slice %arg5[%arg0, %dma_start3A_596, %dma_start3A_597] : memref<2x10240x128xf32, #tpu.memory_space<hbm>> -> memref<1x10240x128xf32, #tpu.memory_space<hbm>>
      %dma_start3A_599 = tpu.memref_squeeze %dma_start3A_598 : memref<1x10240x128xf32, #tpu.memory_space<hbm>> -> memref<10240x128xf32, #tpu.memory_space<hbm>>
      %dma_start3A_600 = arith.constant 0 : i32
      %dma_start3A_601 = tpu.memref_slice %dma_start3A_599[%add3A_522, %dma_start3A_600] : memref<10240x128xf32, #tpu.memory_space<hbm>> -> memref<128x128xf32, #tpu.memory_space<hbm>>
      %dma_start3A_602 = arith.constant 0 : i32
      %dma_start3A_603 = arith.constant 0 : i32
      %dma_start3A_604 = tpu.memref_slice %arg5[%arg0, %dma_start3A_602, %dma_start3A_603] : memref<2x10240x128xf32, #tpu.memory_space<hbm>> -> memref<1x10240x128xf32, #tpu.memory_space<hbm>>
      %dma_start3A_605 = tpu.memref_squeeze %dma_start3A_604 : memref<1x10240x128xf32, #tpu.memory_space<hbm>> -> memref<10240x128xf32, #tpu.memory_space<hbm>>
      %dma_start3A_606 = arith.constant 0 : i32
      %dma_start3A_607 = tpu.memref_slice %dma_start3A_605[%add3A_522, %dma_start3A_606] : memref<10240x128xf32, #tpu.memory_space<hbm>> -> memref<128x128xf32, #tpu.memory_space<hbm>>
      tpu.enqueue_dma source(%arg8 : memref<128x128xf32, #tpu.memory_space<vmem>>) target(%dma_start3A_607 : memref<128x128xf32, #tpu.memory_space<hbm>>) target_semaphore(%run_scoped3A_595 : memref<!tpu.dma_semaphore, #tpu.memory_space<semaphore_mem>>)
      %dma_wait3A_608 = arith.constant 0 : i32
      %dma_wait3A_609 = arith.constant 0 : i32
      %dma_wait3A_610 = tpu.memref_slice %arg5[%arg0, %dma_wait3A_608, %dma_wait3A_609] : memref<2x10240x128xf32, #tpu.memory_space<hbm>> -> memref<1x10240x128xf32, #tpu.memory_space<hbm>>
      %dma_wait3A_611 = tpu.memref_squeeze %dma_wait3A_610 : memref<1x10240x128xf32, #tpu.memory_space<hbm>> -> memref<10240x128xf32, #tpu.memory_space<hbm>>
      %dma_wait3A_612 = arith.constant 0 : i32
      %dma_wait3A_613 = tpu.memref_slice %dma_wait3A_611[%add3A_522, %dma_wait3A_612] : memref<10240x128xf32, #tpu.memory_space<hbm>> -> memref<128x128xf32, #tpu.memory_space<hbm>>
      %dma_wait3A_614 = arith.constant 0 : i32
      %dma_wait3A_615 = arith.constant 0 : i32
      %dma_wait3A_616 = tpu.memref_slice %arg5[%arg0, %dma_wait3A_614, %dma_wait3A_615] : memref<2x10240x128xf32, #tpu.memory_space<hbm>> -> memref<1x10240x128xf32, #tpu.memory_space<hbm>>
      %dma_wait3A_617 = tpu.memref_squeeze %dma_wait3A_616 : memref<1x10240x128xf32, #tpu.memory_space<hbm>> -> memref<10240x128xf32, #tpu.memory_space<hbm>>
      %dma_wait3A_618 = arith.constant 0 : i32
      %dma_wait3A_619 = tpu.memref_slice %dma_wait3A_617[%add3A_522, %dma_wait3A_618] : memref<10240x128xf32, #tpu.memory_space<hbm>> -> memref<128x128xf32, #tpu.memory_space<hbm>>
      tpu.wait_dma2 semaphore(%run_scoped3A_595 : memref<!tpu.dma_semaphore, #tpu.memory_space<semaphore_mem>>) src(%arg8 : memref<128x128xf32, #tpu.memory_space<vmem>>) dst(%dma_wait3A_619 : memref<128x128xf32, #tpu.memory_space<hbm>>)
      tpu.yield
    }) : () -> ()
    %dma_start3A_523 = arith.constant 1 : i32
    %dma_start3A_524 = arith.constant 0 : i32
    %dma_start3A_525 = tpu.memref_slice %arg9[%dma_start3A_523, %dma_start3A_524] : memref<5x128xi32, #tpu.memory_space<vmem>> -> memref<1x128xi32, #tpu.memory_space<vmem>>
    %dma_start3A_526 = tpu.memref_squeeze %dma_start3A_525 : memref<1x128xi32, #tpu.memory_space<vmem>> -> memref<128xi32, #tpu.memory_space<vmem>>
    %dma_start3A_527 = arith.constant 0 : i32
    %dma_start3A_528 = arith.constant 0 : i32
    %dma_start3A_529 = tpu.memref_slice %arg10[%dma_start3A_527, %dma_start3A_528] : memref<10240x128xf32, #tpu.memory_space<vmem_shared>> -> memref<10240x128xf32, #tpu.memory_space<vmem_shared>>
    tpu.enqueue_indirect_dma source(%dma_start3A_529 : memref<10240x128xf32, #tpu.memory_space<vmem_shared>>) target(%arg8 : memref<128x128xf32, #tpu.memory_space<vmem>>) offsets(%dma_start3A_526 : memref<128xi32, #tpu.memory_space<vmem>>) semaphore(%arg11 : memref<!tpu.dma_semaphore, #tpu.memory_space<semaphore_mem>>)
    %dma_wait3A_530 = arith.constant 1 : i32
    %dma_wait3A_531 = arith.constant 0 : i32
    %dma_wait3A_532 = tpu.memref_slice %arg9[%dma_wait3A_530, %dma_wait3A_531] : memref<5x128xi32, #tpu.memory_space<vmem>> -> memref<1x128xi32, #tpu.memory_space<vmem>>
    %dma_wait3A_533 = tpu.memref_squeeze %dma_wait3A_532 : memref<1x128xi32, #tpu.memory_space<vmem>> -> memref<128xi32, #tpu.memory_space<vmem>>
    %dma_wait3A_534 = arith.constant 0 : i32
    %dma_wait3A_535 = arith.constant 0 : i32
    %dma_wait3A_536 = tpu.memref_slice %arg10[%dma_wait3A_534, %dma_wait3A_535] : memref<10240x128xf32, #tpu.memory_space<vmem_shared>> -> memref<10240x128xf32, #tpu.memory_space<vmem_shared>>
    tpu.wait_indirect_dma semaphore(%arg11 : memref<!tpu.dma_semaphore, #tpu.memory_space<semaphore_mem>>) src(%dma_wait3A_536 : memref<10240x128xf32, #tpu.memory_space<vmem_shared>>) dst(%arg8 : memref<128x128xf32, #tpu.memory_space<vmem>>)
    %mul3A_537 = arith.constant 640 : i32
    %mul3A_538 = arith.muli %arg1, %mul3A_537 : i32
    %add3A_539 = arith.constant 128 : i32
    %add3A_540 = arith.addi %mul3A_538, %add3A_539 : i32
    "tpu.region"() ({
      %run_scoped3A_595 = tpu.sem_alloc : memref<!tpu.dma_semaphore, #tpu.memory_space<semaphore_mem>>
      %dma_start3A_596 = arith.constant 0 : i32
      %dma_start3A_597 = arith.constant 0 : i32
      %dma_start3A_598 = tpu.memref_slice %arg5[%arg0, %dma_start3A_596, %dma_start3A_597] : memref<2x10240x128xf32, #tpu.memory_space<hbm>> -> memref<1x10240x128xf32, #tpu.memory_space<hbm>>
      %dma_start3A_599 = tpu.memref_squeeze %dma_start3A_598 : memref<1x10240x128xf32, #tpu.memory_space<hbm>> -> memref<10240x128xf32, #tpu.memory_space<hbm>>
      %dma_start3A_600 = arith.constant 0 : i32
      %dma_start3A_601 = tpu.memref_slice %dma_start3A_599[%add3A_540, %dma_start3A_600] : memref<10240x128xf32, #tpu.memory_space<hbm>> -> memref<128x128xf32, #tpu.memory_space<hbm>>
      %dma_start3A_602 = arith.constant 0 : i32
      %dma_start3A_603 = arith.constant 0 : i32
      %dma_start3A_604 = tpu.memref_slice %arg5[%arg0, %dma_start3A_602, %dma_start3A_603] : memref<2x10240x128xf32, #tpu.memory_space<hbm>> -> memref<1x10240x128xf32, #tpu.memory_space<hbm>>
      %dma_start3A_605 = tpu.memref_squeeze %dma_start3A_604 : memref<1x10240x128xf32, #tpu.memory_space<hbm>> -> memref<10240x128xf32, #tpu.memory_space<hbm>>
      %dma_start3A_606 = arith.constant 0 : i32
      %dma_start3A_607 = tpu.memref_slice %dma_start3A_605[%add3A_540, %dma_start3A_606] : memref<10240x128xf32, #tpu.memory_space<hbm>> -> memref<128x128xf32, #tpu.memory_space<hbm>>
      tpu.enqueue_dma source(%arg8 : memref<128x128xf32, #tpu.memory_space<vmem>>) target(%dma_start3A_607 : memref<128x128xf32, #tpu.memory_space<hbm>>) target_semaphore(%run_scoped3A_595 : memref<!tpu.dma_semaphore, #tpu.memory_space<semaphore_mem>>)
      %dma_wait3A_608 = arith.constant 0 : i32
      %dma_wait3A_609 = arith.constant 0 : i32
      %dma_wait3A_610 = tpu.memref_slice %arg5[%arg0, %dma_wait3A_608, %dma_wait3A_609] : memref<2x10240x128xf32, #tpu.memory_space<hbm>> -> memref<1x10240x128xf32, #tpu.memory_space<hbm>>
      %dma_wait3A_611 = tpu.memref_squeeze %dma_wait3A_610 : memref<1x10240x128xf32, #tpu.memory_space<hbm>> -> memref<10240x128xf32, #tpu.memory_space<hbm>>
      %dma_wait3A_612 = arith.constant 0 : i32
      %dma_wait3A_613 = tpu.memref_slice %dma_wait3A_611[%add3A_540, %dma_wait3A_612] : memref<10240x128xf32, #tpu.memory_space<hbm>> -> memref<128x128xf32, #tpu.memory_space<hbm>>
      %dma_wait3A_614 = arith.constant 0 : i32
      %dma_wait3A_615 = arith.constant 0 : i32
      %dma_wait3A_616 = tpu.memref_slice %arg5[%arg0, %dma_wait3A_614, %dma_wait3A_615] : memref<2x10240x128xf32, #tpu.memory_space<hbm>> -> memref<1x10240x128xf32, #tpu.memory_space<hbm>>
      %dma_wait3A_617 = tpu.memref_squeeze %dma_wait3A_616 : memref<1x10240x128xf32, #tpu.memory_space<hbm>> -> memref<10240x128xf32, #tpu.memory_space<hbm>>
      %dma_wait3A_618 = arith.constant 0 : i32
      %dma_wait3A_619 = tpu.memref_slice %dma_wait3A_617[%add3A_540, %dma_wait3A_618] : memref<10240x128xf32, #tpu.memory_space<hbm>> -> memref<128x128xf32, #tpu.memory_space<hbm>>
      tpu.wait_dma2 semaphore(%run_scoped3A_595 : memref<!tpu.dma_semaphore, #tpu.memory_space<semaphore_mem>>) src(%arg8 : memref<128x128xf32, #tpu.memory_space<vmem>>) dst(%dma_wait3A_619 : memref<128x128xf32, #tpu.memory_space<hbm>>)
      tpu.yield
    }) : () -> ()
    %dma_start3A_541 = arith.constant 2 : i32
    %dma_start3A_542 = arith.constant 0 : i32
    %dma_start3A_543 = tpu.memref_slice %arg9[%dma_start3A_541, %dma_start3A_542] : memref<5x128xi32, #tpu.memory_space<vmem>> -> memref<1x128xi32, #tpu.memory_space<vmem>>
    %dma_start3A_544 = tpu.memref_squeeze %dma_start3A_543 : memref<1x128xi32, #tpu.memory_space<vmem>> -> memref<128xi32, #tpu.memory_space<vmem>>
    %dma_start3A_545 = arith.constant 0 : i32
    %dma_start3A_546 = arith.constant 0 : i32
    %dma_start3A_547 = tpu.memref_slice %arg10[%dma_start3A_545, %dma_start3A_546] : memref<10240x128xf32, #tpu.memory_space<vmem_shared>> -> memref<10240x128xf32, #tpu.memory_space<vmem_shared>>
    tpu.enqueue_indirect_dma source(%dma_start3A_547 : memref<10240x128xf32, #tpu.memory_space<vmem_shared>>) target(%arg8 : memref<128x128xf32, #tpu.memory_space<vmem>>) offsets(%dma_start3A_544 : memref<128xi32, #tpu.memory_space<vmem>>) semaphore(%arg11 : memref<!tpu.dma_semaphore, #tpu.memory_space<semaphore_mem>>)
    %dma_wait3A_548 = arith.constant 2 : i32
    %dma_wait3A_549 = arith.constant 0 : i32
    %dma_wait3A_550 = tpu.memref_slice %arg9[%dma_wait3A_548, %dma_wait3A_549] : memref<5x128xi32, #tpu.memory_space<vmem>> -> memref<1x128xi32, #tpu.memory_space<vmem>>
    %dma_wait3A_551 = tpu.memref_squeeze %dma_wait3A_550 : memref<1x128xi32, #tpu.memory_space<vmem>> -> memref<128xi32, #tpu.memory_space<vmem>>
    %dma_wait3A_552 = arith.constant 0 : i32
    %dma_wait3A_553 = arith.constant 0 : i32
    %dma_wait3A_554 = tpu.memref_slice %arg10[%dma_wait3A_552, %dma_wait3A_553] : memref<10240x128xf32, #tpu.memory_space<vmem_shared>> -> memref<10240x128xf32, #tpu.memory_space<vmem_shared>>
    tpu.wait_indirect_dma semaphore(%arg11 : memref<!tpu.dma_semaphore, #tpu.memory_space<semaphore_mem>>) src(%dma_wait3A_554 : memref<10240x128xf32, #tpu.memory_space<vmem_shared>>) dst(%arg8 : memref<128x128xf32, #tpu.memory_space<vmem>>)
    %mul3A_555 = arith.constant 640 : i32
    %mul3A_556 = arith.muli %arg1, %mul3A_555 : i32
    %add3A_557 = arith.constant 256 : i32
    %add3A_558 = arith.addi %mul3A_556, %add3A_557 : i32
    "tpu.region"() ({
      %run_scoped3A_595 = tpu.sem_alloc : memref<!tpu.dma_semaphore, #tpu.memory_space<semaphore_mem>>
      %dma_start3A_596 = arith.constant 0 : i32
      %dma_start3A_597 = arith.constant 0 : i32
      %dma_start3A_598 = tpu.memref_slice %arg5[%arg0, %dma_start3A_596, %dma_start3A_597] : memref<2x10240x128xf32, #tpu.memory_space<hbm>> -> memref<1x10240x128xf32, #tpu.memory_space<hbm>>
      %dma_start3A_599 = tpu.memref_squeeze %dma_start3A_598 : memref<1x10240x128xf32, #tpu.memory_space<hbm>> -> memref<10240x128xf32, #tpu.memory_space<hbm>>
      %dma_start3A_600 = arith.constant 0 : i32
      %dma_start3A_601 = tpu.memref_slice %dma_start3A_599[%add3A_558, %dma_start3A_600] : memref<10240x128xf32, #tpu.memory_space<hbm>> -> memref<128x128xf32, #tpu.memory_space<hbm>>
      %dma_start3A_602 = arith.constant 0 : i32
      %dma_start3A_603 = arith.constant 0 : i32
      %dma_start3A_604 = tpu.memref_slice %arg5[%arg0, %dma_start3A_602, %dma_start3A_603] : memref<2x10240x128xf32, #tpu.memory_space<hbm>> -> memref<1x10240x128xf32, #tpu.memory_space<hbm>>
      %dma_start3A_605 = tpu.memref_squeeze %dma_start3A_604 : memref<1x10240x128xf32, #tpu.memory_space<hbm>> -> memref<10240x128xf32, #tpu.memory_space<hbm>>
      %dma_start3A_606 = arith.constant 0 : i32
      %dma_start3A_607 = tpu.memref_slice %dma_start3A_605[%add3A_558, %dma_start3A_606] : memref<10240x128xf32, #tpu.memory_space<hbm>> -> memref<128x128xf32, #tpu.memory_space<hbm>>
      tpu.enqueue_dma source(%arg8 : memref<128x128xf32, #tpu.memory_space<vmem>>) target(%dma_start3A_607 : memref<128x128xf32, #tpu.memory_space<hbm>>) target_semaphore(%run_scoped3A_595 : memref<!tpu.dma_semaphore, #tpu.memory_space<semaphore_mem>>)
      %dma_wait3A_608 = arith.constant 0 : i32
      %dma_wait3A_609 = arith.constant 0 : i32
      %dma_wait3A_610 = tpu.memref_slice %arg5[%arg0, %dma_wait3A_608, %dma_wait3A_609] : memref<2x10240x128xf32, #tpu.memory_space<hbm>> -> memref<1x10240x128xf32, #tpu.memory_space<hbm>>
      %dma_wait3A_611 = tpu.memref_squeeze %dma_wait3A_610 : memref<1x10240x128xf32, #tpu.memory_space<hbm>> -> memref<10240x128xf32, #tpu.memory_space<hbm>>
      %dma_wait3A_612 = arith.constant 0 : i32
      %dma_wait3A_613 = tpu.memref_slice %dma_wait3A_611[%add3A_558, %dma_wait3A_612] : memref<10240x128xf32, #tpu.memory_space<hbm>> -> memref<128x128xf32, #tpu.memory_space<hbm>>
      %dma_wait3A_614 = arith.constant 0 : i32
      %dma_wait3A_615 = arith.constant 0 : i32
      %dma_wait3A_616 = tpu.memref_slice %arg5[%arg0, %dma_wait3A_614, %dma_wait3A_615] : memref<2x10240x128xf32, #tpu.memory_space<hbm>> -> memref<1x10240x128xf32, #tpu.memory_space<hbm>>
      %dma_wait3A_617 = tpu.memref_squeeze %dma_wait3A_616 : memref<1x10240x128xf32, #tpu.memory_space<hbm>> -> memref<10240x128xf32, #tpu.memory_space<hbm>>
      %dma_wait3A_618 = arith.constant 0 : i32
      %dma_wait3A_619 = tpu.memref_slice %dma_wait3A_617[%add3A_558, %dma_wait3A_618] : memref<10240x128xf32, #tpu.memory_space<hbm>> -> memref<128x128xf32, #tpu.memory_space<hbm>>
      tpu.wait_dma2 semaphore(%run_scoped3A_595 : memref<!tpu.dma_semaphore, #tpu.memory_space<semaphore_mem>>) src(%arg8 : memref<128x128xf32, #tpu.memory_space<vmem>>) dst(%dma_wait3A_619 : memref<128x128xf32, #tpu.memory_space<hbm>>)
      tpu.yield
    }) : () -> ()
    %dma_start3A_559 = arith.constant 3 : i32
    %dma_start3A_560 = arith.constant 0 : i32
    %dma_start3A_561 = tpu.memref_slice %arg9[%dma_start3A_559, %dma_start3A_560] : memref<5x128xi32, #tpu.memory_space<vmem>> -> memref<1x128xi32, #tpu.memory_space<vmem>>
    %dma_start3A_562 = tpu.memref_squeeze %dma_start3A_561 : memref<1x128xi32, #tpu.memory_space<vmem>> -> memref<128xi32, #tpu.memory_space<vmem>>
    %dma_start3A_563 = arith.constant 0 : i32
    %dma_start3A_564 = arith.constant 0 : i32
    %dma_start3A_565 = tpu.memref_slice %arg10[%dma_start3A_563, %dma_start3A_564] : memref<10240x128xf32, #tpu.memory_space<vmem_shared>> -> memref<10240x128xf32, #tpu.memory_space<vmem_shared>>
    tpu.enqueue_indirect_dma source(%dma_start3A_565 : memref<10240x128xf32, #tpu.memory_space<vmem_shared>>) target(%arg8 : memref<128x128xf32, #tpu.memory_space<vmem>>) offsets(%dma_start3A_562 : memref<128xi32, #tpu.memory_space<vmem>>) semaphore(%arg11 : memref<!tpu.dma_semaphore, #tpu.memory_space<semaphore_mem>>)
    %dma_wait3A_566 = arith.constant 3 : i32
    %dma_wait3A_567 = arith.constant 0 : i32
    %dma_wait3A_568 = tpu.memref_slice %arg9[%dma_wait3A_566, %dma_wait3A_567] : memref<5x128xi32, #tpu.memory_space<vmem>> -> memref<1x128xi32, #tpu.memory_space<vmem>>
    %dma_wait3A_569 = tpu.memref_squeeze %dma_wait3A_568 : memref<1x128xi32, #tpu.memory_space<vmem>> -> memref<128xi32, #tpu.memory_space<vmem>>
    %dma_wait3A_570 = arith.constant 0 : i32
    %dma_wait3A_571 = arith.constant 0 : i32
    %dma_wait3A_572 = tpu.memref_slice %arg10[%dma_wait3A_570, %dma_wait3A_571] : memref<10240x128xf32, #tpu.memory_space<vmem_shared>> -> memref<10240x128xf32, #tpu.memory_space<vmem_shared>>
    tpu.wait_indirect_dma semaphore(%arg11 : memref<!tpu.dma_semaphore, #tpu.memory_space<semaphore_mem>>) src(%dma_wait3A_572 : memref<10240x128xf32, #tpu.memory_space<vmem_shared>>) dst(%arg8 : memref<128x128xf32, #tpu.memory_space<vmem>>)
    %mul3A_573 = arith.constant 640 : i32
    %mul3A_574 = arith.muli %arg1, %mul3A_573 : i32
    %add3A_575 = arith.constant 384 : i32
    %add3A_576 = arith.addi %mul3A_574, %add3A_575 : i32
    "tpu.region"() ({
      %run_scoped3A_595 = tpu.sem_alloc : memref<!tpu.dma_semaphore, #tpu.memory_space<semaphore_mem>>
      %dma_start3A_596 = arith.constant 0 : i32
      %dma_start3A_597 = arith.constant 0 : i32
      %dma_start3A_598 = tpu.memref_slice %arg5[%arg0, %dma_start3A_596, %dma_start3A_597] : memref<2x10240x128xf32, #tpu.memory_space<hbm>> -> memref<1x10240x128xf32, #tpu.memory_space<hbm>>
      %dma_start3A_599 = tpu.memref_squeeze %dma_start3A_598 : memref<1x10240x128xf32, #tpu.memory_space<hbm>> -> memref<10240x128xf32, #tpu.memory_space<hbm>>
      %dma_start3A_600 = arith.constant 0 : i32
      %dma_start3A_601 = tpu.memref_slice %dma_start3A_599[%add3A_576, %dma_start3A_600] : memref<10240x128xf32, #tpu.memory_space<hbm>> -> memref<128x128xf32, #tpu.memory_space<hbm>>
      %dma_start3A_602 = arith.constant 0 : i32
      %dma_start3A_603 = arith.constant 0 : i32
      %dma_start3A_604 = tpu.memref_slice %arg5[%arg0, %dma_start3A_602, %dma_start3A_603] : memref<2x10240x128xf32, #tpu.memory_space<hbm>> -> memref<1x10240x128xf32, #tpu.memory_space<hbm>>
      %dma_start3A_605 = tpu.memref_squeeze %dma_start3A_604 : memref<1x10240x128xf32, #tpu.memory_space<hbm>> -> memref<10240x128xf32, #tpu.memory_space<hbm>>
      %dma_start3A_606 = arith.constant 0 : i32
      %dma_start3A_607 = tpu.memref_slice %dma_start3A_605[%add3A_576, %dma_start3A_606] : memref<10240x128xf32, #tpu.memory_space<hbm>> -> memref<128x128xf32, #tpu.memory_space<hbm>>
      tpu.enqueue_dma source(%arg8 : memref<128x128xf32, #tpu.memory_space<vmem>>) target(%dma_start3A_607 : memref<128x128xf32, #tpu.memory_space<hbm>>) target_semaphore(%run_scoped3A_595 : memref<!tpu.dma_semaphore, #tpu.memory_space<semaphore_mem>>)
      %dma_wait3A_608 = arith.constant 0 : i32
      %dma_wait3A_609 = arith.constant 0 : i32
      %dma_wait3A_610 = tpu.memref_slice %arg5[%arg0, %dma_wait3A_608, %dma_wait3A_609] : memref<2x10240x128xf32, #tpu.memory_space<hbm>> -> memref<1x10240x128xf32, #tpu.memory_space<hbm>>
      %dma_wait3A_611 = tpu.memref_squeeze %dma_wait3A_610 : memref<1x10240x128xf32, #tpu.memory_space<hbm>> -> memref<10240x128xf32, #tpu.memory_space<hbm>>
      %dma_wait3A_612 = arith.constant 0 : i32
      %dma_wait3A_613 = tpu.memref_slice %dma_wait3A_611[%add3A_576, %dma_wait3A_612] : memref<10240x128xf32, #tpu.memory_space<hbm>> -> memref<128x128xf32, #tpu.memory_space<hbm>>
      %dma_wait3A_614 = arith.constant 0 : i32
      %dma_wait3A_615 = arith.constant 0 : i32
      %dma_wait3A_616 = tpu.memref_slice %arg5[%arg0, %dma_wait3A_614, %dma_wait3A_615] : memref<2x10240x128xf32, #tpu.memory_space<hbm>> -> memref<1x10240x128xf32, #tpu.memory_space<hbm>>
      %dma_wait3A_617 = tpu.memref_squeeze %dma_wait3A_616 : memref<1x10240x128xf32, #tpu.memory_space<hbm>> -> memref<10240x128xf32, #tpu.memory_space<hbm>>
      %dma_wait3A_618 = arith.constant 0 : i32
      %dma_wait3A_619 = tpu.memref_slice %dma_wait3A_617[%add3A_576, %dma_wait3A_618] : memref<10240x128xf32, #tpu.memory_space<hbm>> -> memref<128x128xf32, #tpu.memory_space<hbm>>
      tpu.wait_dma2 semaphore(%run_scoped3A_595 : memref<!tpu.dma_semaphore, #tpu.memory_space<semaphore_mem>>) src(%arg8 : memref<128x128xf32, #tpu.memory_space<vmem>>) dst(%dma_wait3A_619 : memref<128x128xf32, #tpu.memory_space<hbm>>)
      tpu.yield
    }) : () -> ()
    %dma_start3A_577 = arith.constant 4 : i32
    %dma_start3A_578 = arith.constant 0 : i32
    %dma_start3A_579 = tpu.memref_slice %arg9[%dma_start3A_577, %dma_start3A_578] : memref<5x128xi32, #tpu.memory_space<vmem>> -> memref<1x128xi32, #tpu.memory_space<vmem>>
    %dma_start3A_580 = tpu.memref_squeeze %dma_start3A_579 : memref<1x128xi32, #tpu.memory_space<vmem>> -> memref<128xi32, #tpu.memory_space<vmem>>
    %dma_start3A_581 = arith.constant 0 : i32
    %dma_start3A_582 = arith.constant 0 : i32
    %dma_start3A_583 = tpu.memref_slice %arg10[%dma_start3A_581, %dma_start3A_582] : memref<10240x128xf32, #tpu.memory_space<vmem_shared>> -> memref<10240x128xf32, #tpu.memory_space<vmem_shared>>
    tpu.enqueue_indirect_dma source(%dma_start3A_583 : memref<10240x128xf32, #tpu.memory_space<vmem_shared>>) target(%arg8 : memref<128x128xf32, #tpu.memory_space<vmem>>) offsets(%dma_start3A_580 : memref<128xi32, #tpu.memory_space<vmem>>) semaphore(%arg11 : memref<!tpu.dma_semaphore, #tpu.memory_space<semaphore_mem>>)
    %dma_wait3A_584 = arith.constant 4 : i32
    %dma_wait3A_585 = arith.constant 0 : i32
    %dma_wait3A_586 = tpu.memref_slice %arg9[%dma_wait3A_584, %dma_wait3A_585] : memref<5x128xi32, #tpu.memory_space<vmem>> -> memref<1x128xi32, #tpu.memory_space<vmem>>
    %dma_wait3A_587 = tpu.memref_squeeze %dma_wait3A_586 : memref<1x128xi32, #tpu.memory_space<vmem>> -> memref<128xi32, #tpu.memory_space<vmem>>
    %dma_wait3A_588 = arith.constant 0 : i32
    %dma_wait3A_589 = arith.constant 0 : i32
    %dma_wait3A_590 = tpu.memref_slice %arg10[%dma_wait3A_588, %dma_wait3A_589] : memref<10240x128xf32, #tpu.memory_space<vmem_shared>> -> memref<10240x128xf32, #tpu.memory_space<vmem_shared>>
    tpu.wait_indirect_dma semaphore(%arg11 : memref<!tpu.dma_semaphore, #tpu.memory_space<semaphore_mem>>) src(%dma_wait3A_590 : memref<10240x128xf32, #tpu.memory_space<vmem_shared>>) dst(%arg8 : memref<128x128xf32, #tpu.memory_space<vmem>>)
    %mul3A_591 = arith.constant 640 : i32
    %mul3A_592 = arith.muli %arg1, %mul3A_591 : i32
    %add3A_593 = arith.constant 512 : i32
    %add3A_594 = arith.addi %mul3A_592, %add3A_593 : i32
    "tpu.region"() ({
      %run_scoped3A_595 = tpu.sem_alloc : memref<!tpu.dma_semaphore, #tpu.memory_space<semaphore_mem>>
      %dma_start3A_596 = arith.constant 0 : i32
      %dma_start3A_597 = arith.constant 0 : i32
      %dma_start3A_598 = tpu.memref_slice %arg5[%arg0, %dma_start3A_596, %dma_start3A_597] : memref<2x10240x128xf32, #tpu.memory_space<hbm>> -> memref<1x10240x128xf32, #tpu.memory_space<hbm>>
      %dma_start3A_599 = tpu.memref_squeeze %dma_start3A_598 : memref<1x10240x128xf32, #tpu.memory_space<hbm>> -> memref<10240x128xf32, #tpu.memory_space<hbm>>
      %dma_start3A_600 = arith.constant 0 : i32
      %dma_start3A_601 = tpu.memref_slice %dma_start3A_599[%add3A_594, %dma_start3A_600] : memref<10240x128xf32, #tpu.memory_space<hbm>> -> memref<128x128xf32, #tpu.memory_space<hbm>>
      %dma_start3A_602 = arith.constant 0 : i32
      %dma_start3A_603 = arith.constant 0 : i32
      %dma_start3A_604 = tpu.memref_slice %arg5[%arg0, %dma_start3A_602, %dma_start3A_603] : memref<2x10240x128xf32, #tpu.memory_space<hbm>> -> memref<1x10240x128xf32, #tpu.memory_space<hbm>>
      %dma_start3A_605 = tpu.memref_squeeze %dma_start3A_604 : memref<1x10240x128xf32, #tpu.memory_space<hbm>> -> memref<10240x128xf32, #tpu.memory_space<hbm>>
      %dma_start3A_606 = arith.constant 0 : i32
      %dma_start3A_607 = tpu.memref_slice %dma_start3A_605[%add3A_594, %dma_start3A_606] : memref<10240x128xf32, #tpu.memory_space<hbm>> -> memref<128x128xf32, #tpu.memory_space<hbm>>
      tpu.enqueue_dma source(%arg8 : memref<128x128xf32, #tpu.memory_space<vmem>>) target(%dma_start3A_607 : memref<128x128xf32, #tpu.memory_space<hbm>>) target_semaphore(%run_scoped3A_595 : memref<!tpu.dma_semaphore, #tpu.memory_space<semaphore_mem>>)
      %dma_wait3A_608 = arith.constant 0 : i32
      %dma_wait3A_609 = arith.constant 0 : i32
      %dma_wait3A_610 = tpu.memref_slice %arg5[%arg0, %dma_wait3A_608, %dma_wait3A_609] : memref<2x10240x128xf32, #tpu.memory_space<hbm>> -> memref<1x10240x128xf32, #tpu.memory_space<hbm>>
      %dma_wait3A_611 = tpu.memref_squeeze %dma_wait3A_610 : memref<1x10240x128xf32, #tpu.memory_space<hbm>> -> memref<10240x128xf32, #tpu.memory_space<hbm>>
      %dma_wait3A_612 = arith.constant 0 : i32
      %dma_wait3A_613 = tpu.memref_slice %dma_wait3A_611[%add3A_594, %dma_wait3A_612] : memref<10240x128xf32, #tpu.memory_space<hbm>> -> memref<128x128xf32, #tpu.memory_space<hbm>>
      %dma_wait3A_614 = arith.constant 0 : i32
      %dma_wait3A_615 = arith.constant 0 : i32
      %dma_wait3A_616 = tpu.memref_slice %arg5[%arg0, %dma_wait3A_614, %dma_wait3A_615] : memref<2x10240x128xf32, #tpu.memory_space<hbm>> -> memref<1x10240x128xf32, #tpu.memory_space<hbm>>
      %dma_wait3A_617 = tpu.memref_squeeze %dma_wait3A_616 : memref<1x10240x128xf32, #tpu.memory_space<hbm>> -> memref<10240x128xf32, #tpu.memory_space<hbm>>
      %dma_wait3A_618 = arith.constant 0 : i32
      %dma_wait3A_619 = tpu.memref_slice %dma_wait3A_617[%add3A_594, %dma_wait3A_618] : memref<10240x128xf32, #tpu.memory_space<hbm>> -> memref<128x128xf32, #tpu.memory_space<hbm>>
      tpu.wait_dma2 semaphore(%run_scoped3A_595 : memref<!tpu.dma_semaphore, #tpu.memory_space<semaphore_mem>>) src(%arg8 : memref<128x128xf32, #tpu.memory_space<vmem>>) dst(%dma_wait3A_619 : memref<128x128xf32, #tpu.memory_space<hbm>>)
      tpu.yield
    }) : () -> ()
    return
  }
}

#map = affine_map<(d0, d1) -> (0, 0)>
#map1 = affine_map<(d0, d1) -> (0, 0, 0)>
module attributes {stable_mosaic.version = 14 : i64} {
  func.func @_deg_kernel(%arg0: i32, %arg1: i32, %arg2: memref<1280x128xi32, #tpu.memory_space<hbm>>, %arg3: memref<2x10240x16xf32, #tpu.memory_space<hbm>>, %arg4: memref<40x128xi32, #tpu.memory_space<vmem>>, %arg5: memref<128x16xf32, #tpu.memory_space<vmem>>, %arg6: memref<128x16xf32, #tpu.memory_space<vmem>>, %arg7: memref<5x128xi32, #tpu.memory_space<vmem>>, %arg8: memref<10240x16xf32, #tpu.memory_space<vmem_shared>>, %arg9: memref<!tpu.dma_semaphore, #tpu.memory_space<semaphore_mem>>) attributes {dimension_semantics = [#tpu.dimension_semantics<core_parallel>, #tpu.dimension_semantics<subcore_parallel>], iteration_bounds = array<i64: 2, 16>, scalar_prefetch = 0 : i64, scratch_operands = 6 : i64, tpu.core_type = #tpu.core_type<sc_vector_subcore>, window_params = [{transform_indices = #map}, {transform_indices = #map1}]} {
    %mul3A = arith.constant 2 : i32
    %mul3A_0 = arith.muli %arg1, %mul3A : i32
    %add3A = arith.addi %mul3A_0, %arg0 : i32
    %scan3A = arith.constant 0 : i32
    %scan3A_1 = arith.constant 0 : i32
    %scan3A_2 = arith.constant 128 : i32
    %scan3A_3 = arith.addi %scan3A_1, %scan3A_2 : i32
    %scan3A_4 = arith.constant 1 : i32
    scf.for %scan3A_594 = %scan3A_1 to %scan3A_3 step %scan3A_4  : i32 {
      %broadcast_in_dim3A = arith.constant 1.000000e+00 : f32
      %broadcast_in_dim3A_595 = vector.broadcast %broadcast_in_dim3A : f32 to vector<16xf32>
      %swap3A_596 = arith.index_cast %scan3A_594 : i32 to index
      %swap3A_597 = arith.constant 0 : index
      %swap3A_598 = tpu.vector_load %arg5[%swap3A_596, %swap3A_597] {strides = array<i32>} : memref<128x16xf32, #tpu.memory_space<vmem>>, vector<1x16xf32>,
      %swap3A_599 = vector.shape_cast %swap3A_598 : vector<1x16xf32> to vector<16xf32>
      %swap3A_600 = vector.shape_cast %broadcast_in_dim3A_595 : vector<16xf32> to vector<1x16xf32>
      tpu.vector_store %arg5[%swap3A_596, %swap3A_597], %swap3A_600 {strides = array<i32>} : memref<128x16xf32, #tpu.memory_space<vmem>>, vector<1x16xf32>,
      %broadcast_in_dim3A_601 = arith.constant 0.000000e+00 : f32
      %broadcast_in_dim3A_602 = vector.broadcast %broadcast_in_dim3A_601 : f32 to vector<16xf32>
      %swap3A_603 = arith.index_cast %scan3A_594 : i32 to index
      %swap3A_604 = arith.constant 0 : index
      %swap3A_605 = tpu.vector_load %arg6[%swap3A_603, %swap3A_604] {strides = array<i32>} : memref<128x16xf32, #tpu.memory_space<vmem>>, vector<1x16xf32>,
      %swap3A_606 = vector.shape_cast %swap3A_605 : vector<1x16xf32> to vector<16xf32>
      %swap3A_607 = vector.shape_cast %broadcast_in_dim3A_602 : vector<16xf32> to vector<1x16xf32>
      tpu.vector_store %arg6[%swap3A_603, %swap3A_604], %swap3A_607 {strides = array<i32>} : memref<128x16xf32, #tpu.memory_space<vmem>>, vector<1x16xf32>,
    }
    %scan3A_5 = arith.constant 128 : i32
    %mul3A_6 = arith.constant 640 : i32
    %mul3A_7 = arith.muli %arg1, %mul3A_6 : i32
    %iota3A = tpu.iota {dimensions = array<i32: 0>} : vector<16xi32>
    %add3A_8 = arith.constant 0 : i32
    %add3A_9 = arith.addi %mul3A_7, %add3A_8 : i32
    %add3A_10 = arith.constant 0 : i32
    %add3A_11 = arith.addi %add3A_9, %add3A_10 : i32
    %add3A_12 = vector.broadcast %add3A_11 : i32 to vector<16xi32>
    %add3A_13 = arith.addi %iota3A, %add3A_12 : vector<16xi32>
    %swap3A = arith.constant 0 : i32
    %swap3A_14 = arith.index_cast %swap3A : i32 to index
    %swap3A_15 = arith.constant 0 : index
    %swap3A_16 = tpu.vector_load %arg7[%swap3A_14, %swap3A_15] {strides = array<i32>} : memref<5x128xi32, #tpu.memory_space<vmem>>, vector<1x16xi32>,
    %swap3A_17 = vector.shape_cast %swap3A_16 : vector<1x16xi32> to vector<16xi32>
    %swap3A_18 = vector.shape_cast %add3A_13 : vector<16xi32> to vector<1x16xi32>
    tpu.vector_store %arg7[%swap3A_14, %swap3A_15], %swap3A_18 {strides = array<i32>} : memref<5x128xi32, #tpu.memory_space<vmem>>, vector<1x16xi32>,
    %add3A_19 = arith.constant 0 : i32
    %add3A_20 = arith.addi %mul3A_7, %add3A_19 : i32
    %add3A_21 = arith.constant 16 : i32
    %add3A_22 = arith.addi %add3A_20, %add3A_21 : i32
    %add3A_23 = vector.broadcast %add3A_22 : i32 to vector<16xi32>
    %add3A_24 = arith.addi %iota3A, %add3A_23 : vector<16xi32>
    %swap3A_25 = arith.constant 0 : i32
    %swap3A_26 = arith.index_cast %swap3A_25 : i32 to index
    %swap3A_27 = arith.constant 16 : index
    %swap3A_28 = tpu.vector_load %arg7[%swap3A_26, %swap3A_27] {strides = array<i32>} : memref<5x128xi32, #tpu.memory_space<vmem>>, vector<1x16xi32>,
    %swap3A_29 = vector.shape_cast %swap3A_28 : vector<1x16xi32> to vector<16xi32>
    %swap3A_30 = vector.shape_cast %add3A_24 : vector<16xi32> to vector<1x16xi32>
    tpu.vector_store %arg7[%swap3A_26, %swap3A_27], %swap3A_30 {strides = array<i32>} : memref<5x128xi32, #tpu.memory_space<vmem>>, vector<1x16xi32>,
    %add3A_31 = arith.constant 0 : i32
    %add3A_32 = arith.addi %mul3A_7, %add3A_31 : i32
    %add3A_33 = arith.constant 32 : i32
    %add3A_34 = arith.addi %add3A_32, %add3A_33 : i32
    %add3A_35 = vector.broadcast %add3A_34 : i32 to vector<16xi32>
    %add3A_36 = arith.addi %iota3A, %add3A_35 : vector<16xi32>
    %swap3A_37 = arith.constant 0 : i32
    %swap3A_38 = arith.index_cast %swap3A_37 : i32 to index
    %swap3A_39 = arith.constant 32 : index
    %swap3A_40 = tpu.vector_load %arg7[%swap3A_38, %swap3A_39] {strides = array<i32>} : memref<5x128xi32, #tpu.memory_space<vmem>>, vector<1x16xi32>,
    %swap3A_41 = vector.shape_cast %swap3A_40 : vector<1x16xi32> to vector<16xi32>
    %swap3A_42 = vector.shape_cast %add3A_36 : vector<16xi32> to vector<1x16xi32>
    tpu.vector_store %arg7[%swap3A_38, %swap3A_39], %swap3A_42 {strides = array<i32>} : memref<5x128xi32, #tpu.memory_space<vmem>>, vector<1x16xi32>,
    %add3A_43 = arith.constant 0 : i32
    %add3A_44 = arith.addi %mul3A_7, %add3A_43 : i32
    %add3A_45 = arith.constant 48 : i32
    %add3A_46 = arith.addi %add3A_44, %add3A_45 : i32
    %add3A_47 = vector.broadcast %add3A_46 : i32 to vector<16xi32>
    %add3A_48 = arith.addi %iota3A, %add3A_47 : vector<16xi32>
    %swap3A_49 = arith.constant 0 : i32
    %swap3A_50 = arith.index_cast %swap3A_49 : i32 to index
    %swap3A_51 = arith.constant 48 : index
    %swap3A_52 = tpu.vector_load %arg7[%swap3A_50, %swap3A_51] {strides = array<i32>} : memref<5x128xi32, #tpu.memory_space<vmem>>, vector<1x16xi32>,
    %swap3A_53 = vector.shape_cast %swap3A_52 : vector<1x16xi32> to vector<16xi32>
    %swap3A_54 = vector.shape_cast %add3A_48 : vector<16xi32> to vector<1x16xi32>
    tpu.vector_store %arg7[%swap3A_50, %swap3A_51], %swap3A_54 {strides = array<i32>} : memref<5x128xi32, #tpu.memory_space<vmem>>, vector<1x16xi32>,
    %add3A_55 = arith.constant 0 : i32
    %add3A_56 = arith.addi %mul3A_7, %add3A_55 : i32
    %add3A_57 = arith.constant 64 : i32
    %add3A_58 = arith.addi %add3A_56, %add3A_57 : i32
    %add3A_59 = vector.broadcast %add3A_58 : i32 to vector<16xi32>
    %add3A_60 = arith.addi %iota3A, %add3A_59 : vector<16xi32>
    %swap3A_61 = arith.constant 0 : i32
    %swap3A_62 = arith.index_cast %swap3A_61 : i32 to index
    %swap3A_63 = arith.constant 64 : index
    %swap3A_64 = tpu.vector_load %arg7[%swap3A_62, %swap3A_63] {strides = array<i32>} : memref<5x128xi32, #tpu.memory_space<vmem>>, vector<1x16xi32>,
    %swap3A_65 = vector.shape_cast %swap3A_64 : vector<1x16xi32> to vector<16xi32>
    %swap3A_66 = vector.shape_cast %add3A_60 : vector<16xi32> to vector<1x16xi32>
    tpu.vector_store %arg7[%swap3A_62, %swap3A_63], %swap3A_66 {strides = array<i32>} : memref<5x128xi32, #tpu.memory_space<vmem>>, vector<1x16xi32>,
    %add3A_67 = arith.constant 0 : i32
    %add3A_68 = arith.addi %mul3A_7, %add3A_67 : i32
    %add3A_69 = arith.constant 80 : i32
    %add3A_70 = arith.addi %add3A_68, %add3A_69 : i32
    %add3A_71 = vector.broadcast %add3A_70 : i32 to vector<16xi32>
    %add3A_72 = arith.addi %iota3A, %add3A_71 : vector<16xi32>
    %swap3A_73 = arith.constant 0 : i32
    %swap3A_74 = arith.index_cast %swap3A_73 : i32 to index
    %swap3A_75 = arith.constant 80 : index
    %swap3A_76 = tpu.vector_load %arg7[%swap3A_74, %swap3A_75] {strides = array<i32>} : memref<5x128xi32, #tpu.memory_space<vmem>>, vector<1x16xi32>,
    %swap3A_77 = vector.shape_cast %swap3A_76 : vector<1x16xi32> to vector<16xi32>
    %swap3A_78 = vector.shape_cast %add3A_72 : vector<16xi32> to vector<1x16xi32>
    tpu.vector_store %arg7[%swap3A_74, %swap3A_75], %swap3A_78 {strides = array<i32>} : memref<5x128xi32, #tpu.memory_space<vmem>>, vector<1x16xi32>,
    %add3A_79 = arith.constant 0 : i32
    %add3A_80 = arith.addi %mul3A_7, %add3A_79 : i32
    %add3A_81 = arith.constant 96 : i32
    %add3A_82 = arith.addi %add3A_80, %add3A_81 : i32
    %add3A_83 = vector.broadcast %add3A_82 : i32 to vector<16xi32>
    %add3A_84 = arith.addi %iota3A, %add3A_83 : vector<16xi32>
    %swap3A_85 = arith.constant 0 : i32
    %swap3A_86 = arith.index_cast %swap3A_85 : i32 to index
    %swap3A_87 = arith.constant 96 : index
    %swap3A_88 = tpu.vector_load %arg7[%swap3A_86, %swap3A_87] {strides = array<i32>} : memref<5x128xi32, #tpu.memory_space<vmem>>, vector<1x16xi32>,
    %swap3A_89 = vector.shape_cast %swap3A_88 : vector<1x16xi32> to vector<16xi32>
    %swap3A_90 = vector.shape_cast %add3A_84 : vector<16xi32> to vector<1x16xi32>
    tpu.vector_store %arg7[%swap3A_86, %swap3A_87], %swap3A_90 {strides = array<i32>} : memref<5x128xi32, #tpu.memory_space<vmem>>, vector<1x16xi32>,
    %add3A_91 = arith.constant 0 : i32
    %add3A_92 = arith.addi %mul3A_7, %add3A_91 : i32
    %add3A_93 = arith.constant 112 : i32
    %add3A_94 = arith.addi %add3A_92, %add3A_93 : i32
    %add3A_95 = vector.broadcast %add3A_94 : i32 to vector<16xi32>
    %add3A_96 = arith.addi %iota3A, %add3A_95 : vector<16xi32>
    %swap3A_97 = arith.constant 0 : i32
    %swap3A_98 = arith.index_cast %swap3A_97 : i32 to index
    %swap3A_99 = arith.constant 112 : index
    %swap3A_100 = tpu.vector_load %arg7[%swap3A_98, %swap3A_99] {strides = array<i32>} : memref<5x128xi32, #tpu.memory_space<vmem>>, vector<1x16xi32>,
    %swap3A_101 = vector.shape_cast %swap3A_100 : vector<1x16xi32> to vector<16xi32>
    %swap3A_102 = vector.shape_cast %add3A_96 : vector<16xi32> to vector<1x16xi32>
    tpu.vector_store %arg7[%swap3A_98, %swap3A_99], %swap3A_102 {strides = array<i32>} : memref<5x128xi32, #tpu.memory_space<vmem>>, vector<1x16xi32>,
    %add3A_103 = arith.constant 128 : i32
    %add3A_104 = arith.addi %mul3A_7, %add3A_103 : i32
    %add3A_105 = arith.constant 0 : i32
    %add3A_106 = arith.addi %add3A_104, %add3A_105 : i32
    %add3A_107 = vector.broadcast %add3A_106 : i32 to vector<16xi32>
    %add3A_108 = arith.addi %iota3A, %add3A_107 : vector<16xi32>
    %swap3A_109 = arith.constant 1 : i32
    %swap3A_110 = arith.index_cast %swap3A_109 : i32 to index
    %swap3A_111 = arith.constant 0 : index
    %swap3A_112 = tpu.vector_load %arg7[%swap3A_110, %swap3A_111] {strides = array<i32>} : memref<5x128xi32, #tpu.memory_space<vmem>>, vector<1x16xi32>,
    %swap3A_113 = vector.shape_cast %swap3A_112 : vector<1x16xi32> to vector<16xi32>
    %swap3A_114 = vector.shape_cast %add3A_108 : vector<16xi32> to vector<1x16xi32>
    tpu.vector_store %arg7[%swap3A_110, %swap3A_111], %swap3A_114 {strides = array<i32>} : memref<5x128xi32, #tpu.memory_space<vmem>>, vector<1x16xi32>,
    %add3A_115 = arith.constant 128 : i32
    %add3A_116 = arith.addi %mul3A_7, %add3A_115 : i32
    %add3A_117 = arith.constant 16 : i32
    %add3A_118 = arith.addi %add3A_116, %add3A_117 : i32
    %add3A_119 = vector.broadcast %add3A_118 : i32 to vector<16xi32>
    %add3A_120 = arith.addi %iota3A, %add3A_119 : vector<16xi32>
    %swap3A_121 = arith.constant 1 : i32
    %swap3A_122 = arith.index_cast %swap3A_121 : i32 to index
    %swap3A_123 = arith.constant 16 : index
    %swap3A_124 = tpu.vector_load %arg7[%swap3A_122, %swap3A_123] {strides = array<i32>} : memref<5x128xi32, #tpu.memory_space<vmem>>, vector<1x16xi32>,
    %swap3A_125 = vector.shape_cast %swap3A_124 : vector<1x16xi32> to vector<16xi32>
    %swap3A_126 = vector.shape_cast %add3A_120 : vector<16xi32> to vector<1x16xi32>
    tpu.vector_store %arg7[%swap3A_122, %swap3A_123], %swap3A_126 {strides = array<i32>} : memref<5x128xi32, #tpu.memory_space<vmem>>, vector<1x16xi32>,
    %add3A_127 = arith.constant 128 : i32
    %add3A_128 = arith.addi %mul3A_7, %add3A_127 : i32
    %add3A_129 = arith.constant 32 : i32
    %add3A_130 = arith.addi %add3A_128, %add3A_129 : i32
    %add3A_131 = vector.broadcast %add3A_130 : i32 to vector<16xi32>
    %add3A_132 = arith.addi %iota3A, %add3A_131 : vector<16xi32>
    %swap3A_133 = arith.constant 1 : i32
    %swap3A_134 = arith.index_cast %swap3A_133 : i32 to index
    %swap3A_135 = arith.constant 32 : index
    %swap3A_136 = tpu.vector_load %arg7[%swap3A_134, %swap3A_135] {strides = array<i32>} : memref<5x128xi32, #tpu.memory_space<vmem>>, vector<1x16xi32>,
    %swap3A_137 = vector.shape_cast %swap3A_136 : vector<1x16xi32> to vector<16xi32>
    %swap3A_138 = vector.shape_cast %add3A_132 : vector<16xi32> to vector<1x16xi32>
    tpu.vector_store %arg7[%swap3A_134, %swap3A_135], %swap3A_138 {strides = array<i32>} : memref<5x128xi32, #tpu.memory_space<vmem>>, vector<1x16xi32>,
    %add3A_139 = arith.constant 128 : i32
    %add3A_140 = arith.addi %mul3A_7, %add3A_139 : i32
    %add3A_141 = arith.constant 48 : i32
    %add3A_142 = arith.addi %add3A_140, %add3A_141 : i32
    %add3A_143 = vector.broadcast %add3A_142 : i32 to vector<16xi32>
    %add3A_144 = arith.addi %iota3A, %add3A_143 : vector<16xi32>
    %swap3A_145 = arith.constant 1 : i32
    %swap3A_146 = arith.index_cast %swap3A_145 : i32 to index
    %swap3A_147 = arith.constant 48 : index
    %swap3A_148 = tpu.vector_load %arg7[%swap3A_146, %swap3A_147] {strides = array<i32>} : memref<5x128xi32, #tpu.memory_space<vmem>>, vector<1x16xi32>,
    %swap3A_149 = vector.shape_cast %swap3A_148 : vector<1x16xi32> to vector<16xi32>
    %swap3A_150 = vector.shape_cast %add3A_144 : vector<16xi32> to vector<1x16xi32>
    tpu.vector_store %arg7[%swap3A_146, %swap3A_147], %swap3A_150 {strides = array<i32>} : memref<5x128xi32, #tpu.memory_space<vmem>>, vector<1x16xi32>,
    %add3A_151 = arith.constant 128 : i32
    %add3A_152 = arith.addi %mul3A_7, %add3A_151 : i32
    %add3A_153 = arith.constant 64 : i32
    %add3A_154 = arith.addi %add3A_152, %add3A_153 : i32
    %add3A_155 = vector.broadcast %add3A_154 : i32 to vector<16xi32>
    %add3A_156 = arith.addi %iota3A, %add3A_155 : vector<16xi32>
    %swap3A_157 = arith.constant 1 : i32
    %swap3A_158 = arith.index_cast %swap3A_157 : i32 to index
    %swap3A_159 = arith.constant 64 : index
    %swap3A_160 = tpu.vector_load %arg7[%swap3A_158, %swap3A_159] {strides = array<i32>} : memref<5x128xi32, #tpu.memory_space<vmem>>, vector<1x16xi32>,
    %swap3A_161 = vector.shape_cast %swap3A_160 : vector<1x16xi32> to vector<16xi32>
    %swap3A_162 = vector.shape_cast %add3A_156 : vector<16xi32> to vector<1x16xi32>
    tpu.vector_store %arg7[%swap3A_158, %swap3A_159], %swap3A_162 {strides = array<i32>} : memref<5x128xi32, #tpu.memory_space<vmem>>, vector<1x16xi32>,
    %add3A_163 = arith.constant 128 : i32
    %add3A_164 = arith.addi %mul3A_7, %add3A_163 : i32
    %add3A_165 = arith.constant 80 : i32
    %add3A_166 = arith.addi %add3A_164, %add3A_165 : i32
    %add3A_167 = vector.broadcast %add3A_166 : i32 to vector<16xi32>
    %add3A_168 = arith.addi %iota3A, %add3A_167 : vector<16xi32>
    %swap3A_169 = arith.constant 1 : i32
    %swap3A_170 = arith.index_cast %swap3A_169 : i32 to index
    %swap3A_171 = arith.constant 80 : index
    %swap3A_172 = tpu.vector_load %arg7[%swap3A_170, %swap3A_171] {strides = array<i32>} : memref<5x128xi32, #tpu.memory_space<vmem>>, vector<1x16xi32>,
    %swap3A_173 = vector.shape_cast %swap3A_172 : vector<1x16xi32> to vector<16xi32>
    %swap3A_174 = vector.shape_cast %add3A_168 : vector<16xi32> to vector<1x16xi32>
    tpu.vector_store %arg7[%swap3A_170, %swap3A_171], %swap3A_174 {strides = array<i32>} : memref<5x128xi32, #tpu.memory_space<vmem>>, vector<1x16xi32>,
    %add3A_175 = arith.constant 128 : i32
    %add3A_176 = arith.addi %mul3A_7, %add3A_175 : i32
    %add3A_177 = arith.constant 96 : i32
    %add3A_178 = arith.addi %add3A_176, %add3A_177 : i32
    %add3A_179 = vector.broadcast %add3A_178 : i32 to vector<16xi32>
    %add3A_180 = arith.addi %iota3A, %add3A_179 : vector<16xi32>
    %swap3A_181 = arith.constant 1 : i32
    %swap3A_182 = arith.index_cast %swap3A_181 : i32 to index
    %swap3A_183 = arith.constant 96 : index
    %swap3A_184 = tpu.vector_load %arg7[%swap3A_182, %swap3A_183] {strides = array<i32>} : memref<5x128xi32, #tpu.memory_space<vmem>>, vector<1x16xi32>,
    %swap3A_185 = vector.shape_cast %swap3A_184 : vector<1x16xi32> to vector<16xi32>
    %swap3A_186 = vector.shape_cast %add3A_180 : vector<16xi32> to vector<1x16xi32>
    tpu.vector_store %arg7[%swap3A_182, %swap3A_183], %swap3A_186 {strides = array<i32>} : memref<5x128xi32, #tpu.memory_space<vmem>>, vector<1x16xi32>,
    %add3A_187 = arith.constant 128 : i32
    %add3A_188 = arith.addi %mul3A_7, %add3A_187 : i32
    %add3A_189 = arith.constant 112 : i32
    %add3A_190 = arith.addi %add3A_188, %add3A_189 : i32
    %add3A_191 = vector.broadcast %add3A_190 : i32 to vector<16xi32>
    %add3A_192 = arith.addi %iota3A, %add3A_191 : vector<16xi32>
    %swap3A_193 = arith.constant 1 : i32
    %swap3A_194 = arith.index_cast %swap3A_193 : i32 to index
    %swap3A_195 = arith.constant 112 : index
    %swap3A_196 = tpu.vector_load %arg7[%swap3A_194, %swap3A_195] {strides = array<i32>} : memref<5x128xi32, #tpu.memory_space<vmem>>, vector<1x16xi32>,
    %swap3A_197 = vector.shape_cast %swap3A_196 : vector<1x16xi32> to vector<16xi32>
    %swap3A_198 = vector.shape_cast %add3A_192 : vector<16xi32> to vector<1x16xi32>
    tpu.vector_store %arg7[%swap3A_194, %swap3A_195], %swap3A_198 {strides = array<i32>} : memref<5x128xi32, #tpu.memory_space<vmem>>, vector<1x16xi32>,
    %add3A_199 = arith.constant 256 : i32
    %add3A_200 = arith.addi %mul3A_7, %add3A_199 : i32
    %add3A_201 = arith.constant 0 : i32
    %add3A_202 = arith.addi %add3A_200, %add3A_201 : i32
    %add3A_203 = vector.broadcast %add3A_202 : i32 to vector<16xi32>
    %add3A_204 = arith.addi %iota3A, %add3A_203 : vector<16xi32>
    %swap3A_205 = arith.constant 2 : i32
    %swap3A_206 = arith.index_cast %swap3A_205 : i32 to index
    %swap3A_207 = arith.constant 0 : index
    %swap3A_208 = tpu.vector_load %arg7[%swap3A_206, %swap3A_207] {strides = array<i32>} : memref<5x128xi32, #tpu.memory_space<vmem>>, vector<1x16xi32>,
    %swap3A_209 = vector.shape_cast %swap3A_208 : vector<1x16xi32> to vector<16xi32>
    %swap3A_210 = vector.shape_cast %add3A_204 : vector<16xi32> to vector<1x16xi32>
    tpu.vector_store %arg7[%swap3A_206, %swap3A_207], %swap3A_210 {strides = array<i32>} : memref<5x128xi32, #tpu.memory_space<vmem>>, vector<1x16xi32>,
    %add3A_211 = arith.constant 256 : i32
    %add3A_212 = arith.addi %mul3A_7, %add3A_211 : i32
    %add3A_213 = arith.constant 16 : i32
    %add3A_214 = arith.addi %add3A_212, %add3A_213 : i32
    %add3A_215 = vector.broadcast %add3A_214 : i32 to vector<16xi32>
    %add3A_216 = arith.addi %iota3A, %add3A_215 : vector<16xi32>
    %swap3A_217 = arith.constant 2 : i32
    %swap3A_218 = arith.index_cast %swap3A_217 : i32 to index
    %swap3A_219 = arith.constant 16 : index
    %swap3A_220 = tpu.vector_load %arg7[%swap3A_218, %swap3A_219] {strides = array<i32>} : memref<5x128xi32, #tpu.memory_space<vmem>>, vector<1x16xi32>,
    %swap3A_221 = vector.shape_cast %swap3A_220 : vector<1x16xi32> to vector<16xi32>
    %swap3A_222 = vector.shape_cast %add3A_216 : vector<16xi32> to vector<1x16xi32>
    tpu.vector_store %arg7[%swap3A_218, %swap3A_219], %swap3A_222 {strides = array<i32>} : memref<5x128xi32, #tpu.memory_space<vmem>>, vector<1x16xi32>,
    %add3A_223 = arith.constant 256 : i32
    %add3A_224 = arith.addi %mul3A_7, %add3A_223 : i32
    %add3A_225 = arith.constant 32 : i32
    %add3A_226 = arith.addi %add3A_224, %add3A_225 : i32
    %add3A_227 = vector.broadcast %add3A_226 : i32 to vector<16xi32>
    %add3A_228 = arith.addi %iota3A, %add3A_227 : vector<16xi32>
    %swap3A_229 = arith.constant 2 : i32
    %swap3A_230 = arith.index_cast %swap3A_229 : i32 to index
    %swap3A_231 = arith.constant 32 : index
    %swap3A_232 = tpu.vector_load %arg7[%swap3A_230, %swap3A_231] {strides = array<i32>} : memref<5x128xi32, #tpu.memory_space<vmem>>, vector<1x16xi32>,
    %swap3A_233 = vector.shape_cast %swap3A_232 : vector<1x16xi32> to vector<16xi32>
    %swap3A_234 = vector.shape_cast %add3A_228 : vector<16xi32> to vector<1x16xi32>
    tpu.vector_store %arg7[%swap3A_230, %swap3A_231], %swap3A_234 {strides = array<i32>} : memref<5x128xi32, #tpu.memory_space<vmem>>, vector<1x16xi32>,
    %add3A_235 = arith.constant 256 : i32
    %add3A_236 = arith.addi %mul3A_7, %add3A_235 : i32
    %add3A_237 = arith.constant 48 : i32
    %add3A_238 = arith.addi %add3A_236, %add3A_237 : i32
    %add3A_239 = vector.broadcast %add3A_238 : i32 to vector<16xi32>
    %add3A_240 = arith.addi %iota3A, %add3A_239 : vector<16xi32>
    %swap3A_241 = arith.constant 2 : i32
    %swap3A_242 = arith.index_cast %swap3A_241 : i32 to index
    %swap3A_243 = arith.constant 48 : index
    %swap3A_244 = tpu.vector_load %arg7[%swap3A_242, %swap3A_243] {strides = array<i32>} : memref<5x128xi32, #tpu.memory_space<vmem>>, vector<1x16xi32>,
    %swap3A_245 = vector.shape_cast %swap3A_244 : vector<1x16xi32> to vector<16xi32>
    %swap3A_246 = vector.shape_cast %add3A_240 : vector<16xi32> to vector<1x16xi32>
    tpu.vector_store %arg7[%swap3A_242, %swap3A_243], %swap3A_246 {strides = array<i32>} : memref<5x128xi32, #tpu.memory_space<vmem>>, vector<1x16xi32>,
    %add3A_247 = arith.constant 256 : i32
    %add3A_248 = arith.addi %mul3A_7, %add3A_247 : i32
    %add3A_249 = arith.constant 64 : i32
    %add3A_250 = arith.addi %add3A_248, %add3A_249 : i32
    %add3A_251 = vector.broadcast %add3A_250 : i32 to vector<16xi32>
    %add3A_252 = arith.addi %iota3A, %add3A_251 : vector<16xi32>
    %swap3A_253 = arith.constant 2 : i32
    %swap3A_254 = arith.index_cast %swap3A_253 : i32 to index
    %swap3A_255 = arith.constant 64 : index
    %swap3A_256 = tpu.vector_load %arg7[%swap3A_254, %swap3A_255] {strides = array<i32>} : memref<5x128xi32, #tpu.memory_space<vmem>>, vector<1x16xi32>,
    %swap3A_257 = vector.shape_cast %swap3A_256 : vector<1x16xi32> to vector<16xi32>
    %swap3A_258 = vector.shape_cast %add3A_252 : vector<16xi32> to vector<1x16xi32>
    tpu.vector_store %arg7[%swap3A_254, %swap3A_255], %swap3A_258 {strides = array<i32>} : memref<5x128xi32, #tpu.memory_space<vmem>>, vector<1x16xi32>,
    %add3A_259 = arith.constant 256 : i32
    %add3A_260 = arith.addi %mul3A_7, %add3A_259 : i32
    %add3A_261 = arith.constant 80 : i32
    %add3A_262 = arith.addi %add3A_260, %add3A_261 : i32
    %add3A_263 = vector.broadcast %add3A_262 : i32 to vector<16xi32>
    %add3A_264 = arith.addi %iota3A, %add3A_263 : vector<16xi32>
    %swap3A_265 = arith.constant 2 : i32
    %swap3A_266 = arith.index_cast %swap3A_265 : i32 to index
    %swap3A_267 = arith.constant 80 : index
    %swap3A_268 = tpu.vector_load %arg7[%swap3A_266, %swap3A_267] {strides = array<i32>} : memref<5x128xi32, #tpu.memory_space<vmem>>, vector<1x16xi32>,
    %swap3A_269 = vector.shape_cast %swap3A_268 : vector<1x16xi32> to vector<16xi32>
    %swap3A_270 = vector.shape_cast %add3A_264 : vector<16xi32> to vector<1x16xi32>
    tpu.vector_store %arg7[%swap3A_266, %swap3A_267], %swap3A_270 {strides = array<i32>} : memref<5x128xi32, #tpu.memory_space<vmem>>, vector<1x16xi32>,
    %add3A_271 = arith.constant 256 : i32
    %add3A_272 = arith.addi %mul3A_7, %add3A_271 : i32
    %add3A_273 = arith.constant 96 : i32
    %add3A_274 = arith.addi %add3A_272, %add3A_273 : i32
    %add3A_275 = vector.broadcast %add3A_274 : i32 to vector<16xi32>
    %add3A_276 = arith.addi %iota3A, %add3A_275 : vector<16xi32>
    %swap3A_277 = arith.constant 2 : i32
    %swap3A_278 = arith.index_cast %swap3A_277 : i32 to index
    %swap3A_279 = arith.constant 96 : index
    %swap3A_280 = tpu.vector_load %arg7[%swap3A_278, %swap3A_279] {strides = array<i32>} : memref<5x128xi32, #tpu.memory_space<vmem>>, vector<1x16xi32>,
    %swap3A_281 = vector.shape_cast %swap3A_280 : vector<1x16xi32> to vector<16xi32>
    %swap3A_282 = vector.shape_cast %add3A_276 : vector<16xi32> to vector<1x16xi32>
    tpu.vector_store %arg7[%swap3A_278, %swap3A_279], %swap3A_282 {strides = array<i32>} : memref<5x128xi32, #tpu.memory_space<vmem>>, vector<1x16xi32>,
    %add3A_283 = arith.constant 256 : i32
    %add3A_284 = arith.addi %mul3A_7, %add3A_283 : i32
    %add3A_285 = arith.constant 112 : i32
    %add3A_286 = arith.addi %add3A_284, %add3A_285 : i32
    %add3A_287 = vector.broadcast %add3A_286 : i32 to vector<16xi32>
    %add3A_288 = arith.addi %iota3A, %add3A_287 : vector<16xi32>
    %swap3A_289 = arith.constant 2 : i32
    %swap3A_290 = arith.index_cast %swap3A_289 : i32 to index
    %swap3A_291 = arith.constant 112 : index
    %swap3A_292 = tpu.vector_load %arg7[%swap3A_290, %swap3A_291] {strides = array<i32>} : memref<5x128xi32, #tpu.memory_space<vmem>>, vector<1x16xi32>,
    %swap3A_293 = vector.shape_cast %swap3A_292 : vector<1x16xi32> to vector<16xi32>
    %swap3A_294 = vector.shape_cast %add3A_288 : vector<16xi32> to vector<1x16xi32>
    tpu.vector_store %arg7[%swap3A_290, %swap3A_291], %swap3A_294 {strides = array<i32>} : memref<5x128xi32, #tpu.memory_space<vmem>>, vector<1x16xi32>,
    %add3A_295 = arith.constant 384 : i32
    %add3A_296 = arith.addi %mul3A_7, %add3A_295 : i32
    %add3A_297 = arith.constant 0 : i32
    %add3A_298 = arith.addi %add3A_296, %add3A_297 : i32
    %add3A_299 = vector.broadcast %add3A_298 : i32 to vector<16xi32>
    %add3A_300 = arith.addi %iota3A, %add3A_299 : vector<16xi32>
    %swap3A_301 = arith.constant 3 : i32
    %swap3A_302 = arith.index_cast %swap3A_301 : i32 to index
    %swap3A_303 = arith.constant 0 : index
    %swap3A_304 = tpu.vector_load %arg7[%swap3A_302, %swap3A_303] {strides = array<i32>} : memref<5x128xi32, #tpu.memory_space<vmem>>, vector<1x16xi32>,
    %swap3A_305 = vector.shape_cast %swap3A_304 : vector<1x16xi32> to vector<16xi32>
    %swap3A_306 = vector.shape_cast %add3A_300 : vector<16xi32> to vector<1x16xi32>
    tpu.vector_store %arg7[%swap3A_302, %swap3A_303], %swap3A_306 {strides = array<i32>} : memref<5x128xi32, #tpu.memory_space<vmem>>, vector<1x16xi32>,
    %add3A_307 = arith.constant 384 : i32
    %add3A_308 = arith.addi %mul3A_7, %add3A_307 : i32
    %add3A_309 = arith.constant 16 : i32
    %add3A_310 = arith.addi %add3A_308, %add3A_309 : i32
    %add3A_311 = vector.broadcast %add3A_310 : i32 to vector<16xi32>
    %add3A_312 = arith.addi %iota3A, %add3A_311 : vector<16xi32>
    %swap3A_313 = arith.constant 3 : i32
    %swap3A_314 = arith.index_cast %swap3A_313 : i32 to index
    %swap3A_315 = arith.constant 16 : index
    %swap3A_316 = tpu.vector_load %arg7[%swap3A_314, %swap3A_315] {strides = array<i32>} : memref<5x128xi32, #tpu.memory_space<vmem>>, vector<1x16xi32>,
    %swap3A_317 = vector.shape_cast %swap3A_316 : vector<1x16xi32> to vector<16xi32>
    %swap3A_318 = vector.shape_cast %add3A_312 : vector<16xi32> to vector<1x16xi32>
    tpu.vector_store %arg7[%swap3A_314, %swap3A_315], %swap3A_318 {strides = array<i32>} : memref<5x128xi32, #tpu.memory_space<vmem>>, vector<1x16xi32>,
    %add3A_319 = arith.constant 384 : i32
    %add3A_320 = arith.addi %mul3A_7, %add3A_319 : i32
    %add3A_321 = arith.constant 32 : i32
    %add3A_322 = arith.addi %add3A_320, %add3A_321 : i32
    %add3A_323 = vector.broadcast %add3A_322 : i32 to vector<16xi32>
    %add3A_324 = arith.addi %iota3A, %add3A_323 : vector<16xi32>
    %swap3A_325 = arith.constant 3 : i32
    %swap3A_326 = arith.index_cast %swap3A_325 : i32 to index
    %swap3A_327 = arith.constant 32 : index
    %swap3A_328 = tpu.vector_load %arg7[%swap3A_326, %swap3A_327] {strides = array<i32>} : memref<5x128xi32, #tpu.memory_space<vmem>>, vector<1x16xi32>,
    %swap3A_329 = vector.shape_cast %swap3A_328 : vector<1x16xi32> to vector<16xi32>
    %swap3A_330 = vector.shape_cast %add3A_324 : vector<16xi32> to vector<1x16xi32>
    tpu.vector_store %arg7[%swap3A_326, %swap3A_327], %swap3A_330 {strides = array<i32>} : memref<5x128xi32, #tpu.memory_space<vmem>>, vector<1x16xi32>,
    %add3A_331 = arith.constant 384 : i32
    %add3A_332 = arith.addi %mul3A_7, %add3A_331 : i32
    %add3A_333 = arith.constant 48 : i32
    %add3A_334 = arith.addi %add3A_332, %add3A_333 : i32
    %add3A_335 = vector.broadcast %add3A_334 : i32 to vector<16xi32>
    %add3A_336 = arith.addi %iota3A, %add3A_335 : vector<16xi32>
    %swap3A_337 = arith.constant 3 : i32
    %swap3A_338 = arith.index_cast %swap3A_337 : i32 to index
    %swap3A_339 = arith.constant 48 : index
    %swap3A_340 = tpu.vector_load %arg7[%swap3A_338, %swap3A_339] {strides = array<i32>} : memref<5x128xi32, #tpu.memory_space<vmem>>, vector<1x16xi32>,
    %swap3A_341 = vector.shape_cast %swap3A_340 : vector<1x16xi32> to vector<16xi32>
    %swap3A_342 = vector.shape_cast %add3A_336 : vector<16xi32> to vector<1x16xi32>
    tpu.vector_store %arg7[%swap3A_338, %swap3A_339], %swap3A_342 {strides = array<i32>} : memref<5x128xi32, #tpu.memory_space<vmem>>, vector<1x16xi32>,
    %add3A_343 = arith.constant 384 : i32
    %add3A_344 = arith.addi %mul3A_7, %add3A_343 : i32
    %add3A_345 = arith.constant 64 : i32
    %add3A_346 = arith.addi %add3A_344, %add3A_345 : i32
    %add3A_347 = vector.broadcast %add3A_346 : i32 to vector<16xi32>
    %add3A_348 = arith.addi %iota3A, %add3A_347 : vector<16xi32>
    %swap3A_349 = arith.constant 3 : i32
    %swap3A_350 = arith.index_cast %swap3A_349 : i32 to index
    %swap3A_351 = arith.constant 64 : index
    %swap3A_352 = tpu.vector_load %arg7[%swap3A_350, %swap3A_351] {strides = array<i32>} : memref<5x128xi32, #tpu.memory_space<vmem>>, vector<1x16xi32>,
    %swap3A_353 = vector.shape_cast %swap3A_352 : vector<1x16xi32> to vector<16xi32>
    %swap3A_354 = vector.shape_cast %add3A_348 : vector<16xi32> to vector<1x16xi32>
    tpu.vector_store %arg7[%swap3A_350, %swap3A_351], %swap3A_354 {strides = array<i32>} : memref<5x128xi32, #tpu.memory_space<vmem>>, vector<1x16xi32>,
    %add3A_355 = arith.constant 384 : i32
    %add3A_356 = arith.addi %mul3A_7, %add3A_355 : i32
    %add3A_357 = arith.constant 80 : i32
    %add3A_358 = arith.addi %add3A_356, %add3A_357 : i32
    %add3A_359 = vector.broadcast %add3A_358 : i32 to vector<16xi32>
    %add3A_360 = arith.addi %iota3A, %add3A_359 : vector<16xi32>
    %swap3A_361 = arith.constant 3 : i32
    %swap3A_362 = arith.index_cast %swap3A_361 : i32 to index
    %swap3A_363 = arith.constant 80 : index
    %swap3A_364 = tpu.vector_load %arg7[%swap3A_362, %swap3A_363] {strides = array<i32>} : memref<5x128xi32, #tpu.memory_space<vmem>>, vector<1x16xi32>,
    %swap3A_365 = vector.shape_cast %swap3A_364 : vector<1x16xi32> to vector<16xi32>
    %swap3A_366 = vector.shape_cast %add3A_360 : vector<16xi32> to vector<1x16xi32>
    tpu.vector_store %arg7[%swap3A_362, %swap3A_363], %swap3A_366 {strides = array<i32>} : memref<5x128xi32, #tpu.memory_space<vmem>>, vector<1x16xi32>,
    %add3A_367 = arith.constant 384 : i32
    %add3A_368 = arith.addi %mul3A_7, %add3A_367 : i32
    %add3A_369 = arith.constant 96 : i32
    %add3A_370 = arith.addi %add3A_368, %add3A_369 : i32
    %add3A_371 = vector.broadcast %add3A_370 : i32 to vector<16xi32>
    %add3A_372 = arith.addi %iota3A, %add3A_371 : vector<16xi32>
    %swap3A_373 = arith.constant 3 : i32
    %swap3A_374 = arith.index_cast %swap3A_373 : i32 to index
    %swap3A_375 = arith.constant 96 : index
    %swap3A_376 = tpu.vector_load %arg7[%swap3A_374, %swap3A_375] {strides = array<i32>} : memref<5x128xi32, #tpu.memory_space<vmem>>, vector<1x16xi32>,
    %swap3A_377 = vector.shape_cast %swap3A_376 : vector<1x16xi32> to vector<16xi32>
    %swap3A_378 = vector.shape_cast %add3A_372 : vector<16xi32> to vector<1x16xi32>
    tpu.vector_store %arg7[%swap3A_374, %swap3A_375], %swap3A_378 {strides = array<i32>} : memref<5x128xi32, #tpu.memory_space<vmem>>, vector<1x16xi32>,
    %add3A_379 = arith.constant 384 : i32
    %add3A_380 = arith.addi %mul3A_7, %add3A_379 : i32
    %add3A_381 = arith.constant 112 : i32
    %add3A_382 = arith.addi %add3A_380, %add3A_381 : i32
    %add3A_383 = vector.broadcast %add3A_382 : i32 to vector<16xi32>
    %add3A_384 = arith.addi %iota3A, %add3A_383 : vector<16xi32>
    %swap3A_385 = arith.constant 3 : i32
    %swap3A_386 = arith.index_cast %swap3A_385 : i32 to index
    %swap3A_387 = arith.constant 112 : index
    %swap3A_388 = tpu.vector_load %arg7[%swap3A_386, %swap3A_387] {strides = array<i32>} : memref<5x128xi32, #tpu.memory_space<vmem>>, vector<1x16xi32>,
    %swap3A_389 = vector.shape_cast %swap3A_388 : vector<1x16xi32> to vector<16xi32>
    %swap3A_390 = vector.shape_cast %add3A_384 : vector<16xi32> to vector<1x16xi32>
    tpu.vector_store %arg7[%swap3A_386, %swap3A_387], %swap3A_390 {strides = array<i32>} : memref<5x128xi32, #tpu.memory_space<vmem>>, vector<1x16xi32>,
    %add3A_391 = arith.constant 512 : i32
    %add3A_392 = arith.addi %mul3A_7, %add3A_391 : i32
    %add3A_393 = arith.constant 0 : i32
    %add3A_394 = arith.addi %add3A_392, %add3A_393 : i32
    %add3A_395 = vector.broadcast %add3A_394 : i32 to vector<16xi32>
    %add3A_396 = arith.addi %iota3A, %add3A_395 : vector<16xi32>
    %swap3A_397 = arith.constant 4 : i32
    %swap3A_398 = arith.index_cast %swap3A_397 : i32 to index
    %swap3A_399 = arith.constant 0 : index
    %swap3A_400 = tpu.vector_load %arg7[%swap3A_398, %swap3A_399] {strides = array<i32>} : memref<5x128xi32, #tpu.memory_space<vmem>>, vector<1x16xi32>,
    %swap3A_401 = vector.shape_cast %swap3A_400 : vector<1x16xi32> to vector<16xi32>
    %swap3A_402 = vector.shape_cast %add3A_396 : vector<16xi32> to vector<1x16xi32>
    tpu.vector_store %arg7[%swap3A_398, %swap3A_399], %swap3A_402 {strides = array<i32>} : memref<5x128xi32, #tpu.memory_space<vmem>>, vector<1x16xi32>,
    %add3A_403 = arith.constant 512 : i32
    %add3A_404 = arith.addi %mul3A_7, %add3A_403 : i32
    %add3A_405 = arith.constant 16 : i32
    %add3A_406 = arith.addi %add3A_404, %add3A_405 : i32
    %add3A_407 = vector.broadcast %add3A_406 : i32 to vector<16xi32>
    %add3A_408 = arith.addi %iota3A, %add3A_407 : vector<16xi32>
    %swap3A_409 = arith.constant 4 : i32
    %swap3A_410 = arith.index_cast %swap3A_409 : i32 to index
    %swap3A_411 = arith.constant 16 : index
    %swap3A_412 = tpu.vector_load %arg7[%swap3A_410, %swap3A_411] {strides = array<i32>} : memref<5x128xi32, #tpu.memory_space<vmem>>, vector<1x16xi32>,
    %swap3A_413 = vector.shape_cast %swap3A_412 : vector<1x16xi32> to vector<16xi32>
    %swap3A_414 = vector.shape_cast %add3A_408 : vector<16xi32> to vector<1x16xi32>
    tpu.vector_store %arg7[%swap3A_410, %swap3A_411], %swap3A_414 {strides = array<i32>} : memref<5x128xi32, #tpu.memory_space<vmem>>, vector<1x16xi32>,
    %add3A_415 = arith.constant 512 : i32
    %add3A_416 = arith.addi %mul3A_7, %add3A_415 : i32
    %add3A_417 = arith.constant 32 : i32
    %add3A_418 = arith.addi %add3A_416, %add3A_417 : i32
    %add3A_419 = vector.broadcast %add3A_418 : i32 to vector<16xi32>
    %add3A_420 = arith.addi %iota3A, %add3A_419 : vector<16xi32>
    %swap3A_421 = arith.constant 4 : i32
    %swap3A_422 = arith.index_cast %swap3A_421 : i32 to index
    %swap3A_423 = arith.constant 32 : index
    %swap3A_424 = tpu.vector_load %arg7[%swap3A_422, %swap3A_423] {strides = array<i32>} : memref<5x128xi32, #tpu.memory_space<vmem>>, vector<1x16xi32>,
    %swap3A_425 = vector.shape_cast %swap3A_424 : vector<1x16xi32> to vector<16xi32>
    %swap3A_426 = vector.shape_cast %add3A_420 : vector<16xi32> to vector<1x16xi32>
    tpu.vector_store %arg7[%swap3A_422, %swap3A_423], %swap3A_426 {strides = array<i32>} : memref<5x128xi32, #tpu.memory_space<vmem>>, vector<1x16xi32>,
    %add3A_427 = arith.constant 512 : i32
    %add3A_428 = arith.addi %mul3A_7, %add3A_427 : i32
    %add3A_429 = arith.constant 48 : i32
    %add3A_430 = arith.addi %add3A_428, %add3A_429 : i32
    %add3A_431 = vector.broadcast %add3A_430 : i32 to vector<16xi32>
    %add3A_432 = arith.addi %iota3A, %add3A_431 : vector<16xi32>
    %swap3A_433 = arith.constant 4 : i32
    %swap3A_434 = arith.index_cast %swap3A_433 : i32 to index
    %swap3A_435 = arith.constant 48 : index
    %swap3A_436 = tpu.vector_load %arg7[%swap3A_434, %swap3A_435] {strides = array<i32>} : memref<5x128xi32, #tpu.memory_space<vmem>>, vector<1x16xi32>,
    %swap3A_437 = vector.shape_cast %swap3A_436 : vector<1x16xi32> to vector<16xi32>
    %swap3A_438 = vector.shape_cast %add3A_432 : vector<16xi32> to vector<1x16xi32>
    tpu.vector_store %arg7[%swap3A_434, %swap3A_435], %swap3A_438 {strides = array<i32>} : memref<5x128xi32, #tpu.memory_space<vmem>>, vector<1x16xi32>,
    %add3A_439 = arith.constant 512 : i32
    %add3A_440 = arith.addi %mul3A_7, %add3A_439 : i32
    %add3A_441 = arith.constant 64 : i32
    %add3A_442 = arith.addi %add3A_440, %add3A_441 : i32
    %add3A_443 = vector.broadcast %add3A_442 : i32 to vector<16xi32>
    %add3A_444 = arith.addi %iota3A, %add3A_443 : vector<16xi32>
    %swap3A_445 = arith.constant 4 : i32
    %swap3A_446 = arith.index_cast %swap3A_445 : i32 to index
    %swap3A_447 = arith.constant 64 : index
    %swap3A_448 = tpu.vector_load %arg7[%swap3A_446, %swap3A_447] {strides = array<i32>} : memref<5x128xi32, #tpu.memory_space<vmem>>, vector<1x16xi32>,
    %swap3A_449 = vector.shape_cast %swap3A_448 : vector<1x16xi32> to vector<16xi32>
    %swap3A_450 = vector.shape_cast %add3A_444 : vector<16xi32> to vector<1x16xi32>
    tpu.vector_store %arg7[%swap3A_446, %swap3A_447], %swap3A_450 {strides = array<i32>} : memref<5x128xi32, #tpu.memory_space<vmem>>, vector<1x16xi32>,
    %add3A_451 = arith.constant 512 : i32
    %add3A_452 = arith.addi %mul3A_7, %add3A_451 : i32
    %add3A_453 = arith.constant 80 : i32
    %add3A_454 = arith.addi %add3A_452, %add3A_453 : i32
    %add3A_455 = vector.broadcast %add3A_454 : i32 to vector<16xi32>
    %add3A_456 = arith.addi %iota3A, %add3A_455 : vector<16xi32>
    %swap3A_457 = arith.constant 4 : i32
    %swap3A_458 = arith.index_cast %swap3A_457 : i32 to index
    %swap3A_459 = arith.constant 80 : index
    %swap3A_460 = tpu.vector_load %arg7[%swap3A_458, %swap3A_459] {strides = array<i32>} : memref<5x128xi32, #tpu.memory_space<vmem>>, vector<1x16xi32>,
    %swap3A_461 = vector.shape_cast %swap3A_460 : vector<1x16xi32> to vector<16xi32>
    %swap3A_462 = vector.shape_cast %add3A_456 : vector<16xi32> to vector<1x16xi32>
    tpu.vector_store %arg7[%swap3A_458, %swap3A_459], %swap3A_462 {strides = array<i32>} : memref<5x128xi32, #tpu.memory_space<vmem>>, vector<1x16xi32>,
    %add3A_463 = arith.constant 512 : i32
    %add3A_464 = arith.addi %mul3A_7, %add3A_463 : i32
    %add3A_465 = arith.constant 96 : i32
    %add3A_466 = arith.addi %add3A_464, %add3A_465 : i32
    %add3A_467 = vector.broadcast %add3A_466 : i32 to vector<16xi32>
    %add3A_468 = arith.addi %iota3A, %add3A_467 : vector<16xi32>
    %swap3A_469 = arith.constant 4 : i32
    %swap3A_470 = arith.index_cast %swap3A_469 : i32 to index
    %swap3A_471 = arith.constant 96 : index
    %swap3A_472 = tpu.vector_load %arg7[%swap3A_470, %swap3A_471] {strides = array<i32>} : memref<5x128xi32, #tpu.memory_space<vmem>>, vector<1x16xi32>,
    %swap3A_473 = vector.shape_cast %swap3A_472 : vector<1x16xi32> to vector<16xi32>
    %swap3A_474 = vector.shape_cast %add3A_468 : vector<16xi32> to vector<1x16xi32>
    tpu.vector_store %arg7[%swap3A_470, %swap3A_471], %swap3A_474 {strides = array<i32>} : memref<5x128xi32, #tpu.memory_space<vmem>>, vector<1x16xi32>,
    %add3A_475 = arith.constant 512 : i32
    %add3A_476 = arith.addi %mul3A_7, %add3A_475 : i32
    %add3A_477 = arith.constant 112 : i32
    %add3A_478 = arith.addi %add3A_476, %add3A_477 : i32
    %add3A_479 = vector.broadcast %add3A_478 : i32 to vector<16xi32>
    %add3A_480 = arith.addi %iota3A, %add3A_479 : vector<16xi32>
    %swap3A_481 = arith.constant 4 : i32
    %swap3A_482 = arith.index_cast %swap3A_481 : i32 to index
    %swap3A_483 = arith.constant 112 : index
    %swap3A_484 = tpu.vector_load %arg7[%swap3A_482, %swap3A_483] {strides = array<i32>} : memref<5x128xi32, #tpu.memory_space<vmem>>, vector<1x16xi32>,
    %swap3A_485 = vector.shape_cast %swap3A_484 : vector<1x16xi32> to vector<16xi32>
    %swap3A_486 = vector.shape_cast %add3A_480 : vector<16xi32> to vector<1x16xi32>
    tpu.vector_store %arg7[%swap3A_482, %swap3A_483], %swap3A_486 {strides = array<i32>} : memref<5x128xi32, #tpu.memory_space<vmem>>, vector<1x16xi32>,
    %run_scoped3A = arith.constant 0 : i32
    "tpu.region"() ({
      %run_scoped3A_594 = tpu.sem_alloc : memref<!tpu.dma_semaphore, #tpu.memory_space<semaphore_mem>>
      %dma_start3A_595 = arith.constant 0 : i32
      %dma_start3A_596 = tpu.memref_slice %arg7[%run_scoped3A, %dma_start3A_595] : memref<5x128xi32, #tpu.memory_space<vmem>> -> memref<1x128xi32, #tpu.memory_space<vmem>>
      %dma_start3A_597 = tpu.memref_squeeze %dma_start3A_596 : memref<1x128xi32, #tpu.memory_space<vmem>> -> memref<128xi32, #tpu.memory_space<vmem>>
      %dma_start3A_598 = arith.constant 0 : i32
      %dma_start3A_599 = arith.constant 0 : i32
      %dma_start3A_600 = tpu.memref_slice %arg8[%dma_start3A_598, %dma_start3A_599] : memref<10240x16xf32, #tpu.memory_space<vmem_shared>> -> memref<10240x16xf32, #tpu.memory_space<vmem_shared>>
      tpu.enqueue_indirect_dma source(%arg6 : memref<128x16xf32, #tpu.memory_space<vmem>>) target(%dma_start3A_600 : memref<10240x16xf32, #tpu.memory_space<vmem_shared>>) offsets(%dma_start3A_597 : memref<128xi32, #tpu.memory_space<vmem>>) semaphore(%run_scoped3A_594 : memref<!tpu.dma_semaphore, #tpu.memory_space<semaphore_mem>>)
      %dma_wait3A_601 = arith.constant 0 : i32
      %dma_wait3A_602 = tpu.memref_slice %arg7[%run_scoped3A, %dma_wait3A_601] : memref<5x128xi32, #tpu.memory_space<vmem>> -> memref<1x128xi32, #tpu.memory_space<vmem>>
      %dma_wait3A_603 = tpu.memref_squeeze %dma_wait3A_602 : memref<1x128xi32, #tpu.memory_space<vmem>> -> memref<128xi32, #tpu.memory_space<vmem>>
      %dma_wait3A_604 = arith.constant 0 : i32
      %dma_wait3A_605 = arith.constant 0 : i32
      %dma_wait3A_606 = tpu.memref_slice %arg8[%dma_wait3A_604, %dma_wait3A_605] : memref<10240x16xf32, #tpu.memory_space<vmem_shared>> -> memref<10240x16xf32, #tpu.memory_space<vmem_shared>>
      tpu.wait_indirect_dma semaphore(%run_scoped3A_594 : memref<!tpu.dma_semaphore, #tpu.memory_space<semaphore_mem>>) src(%arg6 : memref<128x16xf32, #tpu.memory_space<vmem>>) dst(%dma_wait3A_606 : memref<10240x16xf32, #tpu.memory_space<vmem_shared>>)
      tpu.yield
    }) : () -> ()
    %run_scoped3A_487 = arith.constant 1 : i32
    "tpu.region"() ({
      %run_scoped3A_594 = tpu.sem_alloc : memref<!tpu.dma_semaphore, #tpu.memory_space<semaphore_mem>>
      %dma_start3A_595 = arith.constant 0 : i32
      %dma_start3A_596 = tpu.memref_slice %arg7[%run_scoped3A_487, %dma_start3A_595] : memref<5x128xi32, #tpu.memory_space<vmem>> -> memref<1x128xi32, #tpu.memory_space<vmem>>
      %dma_start3A_597 = tpu.memref_squeeze %dma_start3A_596 : memref<1x128xi32, #tpu.memory_space<vmem>> -> memref<128xi32, #tpu.memory_space<vmem>>
      %dma_start3A_598 = arith.constant 0 : i32
      %dma_start3A_599 = arith.constant 0 : i32
      %dma_start3A_600 = tpu.memref_slice %arg8[%dma_start3A_598, %dma_start3A_599] : memref<10240x16xf32, #tpu.memory_space<vmem_shared>> -> memref<10240x16xf32, #tpu.memory_space<vmem_shared>>
      tpu.enqueue_indirect_dma source(%arg6 : memref<128x16xf32, #tpu.memory_space<vmem>>) target(%dma_start3A_600 : memref<10240x16xf32, #tpu.memory_space<vmem_shared>>) offsets(%dma_start3A_597 : memref<128xi32, #tpu.memory_space<vmem>>) semaphore(%run_scoped3A_594 : memref<!tpu.dma_semaphore, #tpu.memory_space<semaphore_mem>>)
      %dma_wait3A_601 = arith.constant 0 : i32
      %dma_wait3A_602 = tpu.memref_slice %arg7[%run_scoped3A_487, %dma_wait3A_601] : memref<5x128xi32, #tpu.memory_space<vmem>> -> memref<1x128xi32, #tpu.memory_space<vmem>>
      %dma_wait3A_603 = tpu.memref_squeeze %dma_wait3A_602 : memref<1x128xi32, #tpu.memory_space<vmem>> -> memref<128xi32, #tpu.memory_space<vmem>>
      %dma_wait3A_604 = arith.constant 0 : i32
      %dma_wait3A_605 = arith.constant 0 : i32
      %dma_wait3A_606 = tpu.memref_slice %arg8[%dma_wait3A_604, %dma_wait3A_605] : memref<10240x16xf32, #tpu.memory_space<vmem_shared>> -> memref<10240x16xf32, #tpu.memory_space<vmem_shared>>
      tpu.wait_indirect_dma semaphore(%run_scoped3A_594 : memref<!tpu.dma_semaphore, #tpu.memory_space<semaphore_mem>>) src(%arg6 : memref<128x16xf32, #tpu.memory_space<vmem>>) dst(%dma_wait3A_606 : memref<10240x16xf32, #tpu.memory_space<vmem_shared>>)
      tpu.yield
    }) : () -> ()
    %run_scoped3A_488 = arith.constant 2 : i32
    "tpu.region"() ({
      %run_scoped3A_594 = tpu.sem_alloc : memref<!tpu.dma_semaphore, #tpu.memory_space<semaphore_mem>>
      %dma_start3A_595 = arith.constant 0 : i32
      %dma_start3A_596 = tpu.memref_slice %arg7[%run_scoped3A_488, %dma_start3A_595] : memref<5x128xi32, #tpu.memory_space<vmem>> -> memref<1x128xi32, #tpu.memory_space<vmem>>
      %dma_start3A_597 = tpu.memref_squeeze %dma_start3A_596 : memref<1x128xi32, #tpu.memory_space<vmem>> -> memref<128xi32, #tpu.memory_space<vmem>>
      %dma_start3A_598 = arith.constant 0 : i32
      %dma_start3A_599 = arith.constant 0 : i32
      %dma_start3A_600 = tpu.memref_slice %arg8[%dma_start3A_598, %dma_start3A_599] : memref<10240x16xf32, #tpu.memory_space<vmem_shared>> -> memref<10240x16xf32, #tpu.memory_space<vmem_shared>>
      tpu.enqueue_indirect_dma source(%arg6 : memref<128x16xf32, #tpu.memory_space<vmem>>) target(%dma_start3A_600 : memref<10240x16xf32, #tpu.memory_space<vmem_shared>>) offsets(%dma_start3A_597 : memref<128xi32, #tpu.memory_space<vmem>>) semaphore(%run_scoped3A_594 : memref<!tpu.dma_semaphore, #tpu.memory_space<semaphore_mem>>)
      %dma_wait3A_601 = arith.constant 0 : i32
      %dma_wait3A_602 = tpu.memref_slice %arg7[%run_scoped3A_488, %dma_wait3A_601] : memref<5x128xi32, #tpu.memory_space<vmem>> -> memref<1x128xi32, #tpu.memory_space<vmem>>
      %dma_wait3A_603 = tpu.memref_squeeze %dma_wait3A_602 : memref<1x128xi32, #tpu.memory_space<vmem>> -> memref<128xi32, #tpu.memory_space<vmem>>
      %dma_wait3A_604 = arith.constant 0 : i32
      %dma_wait3A_605 = arith.constant 0 : i32
      %dma_wait3A_606 = tpu.memref_slice %arg8[%dma_wait3A_604, %dma_wait3A_605] : memref<10240x16xf32, #tpu.memory_space<vmem_shared>> -> memref<10240x16xf32, #tpu.memory_space<vmem_shared>>
      tpu.wait_indirect_dma semaphore(%run_scoped3A_594 : memref<!tpu.dma_semaphore, #tpu.memory_space<semaphore_mem>>) src(%arg6 : memref<128x16xf32, #tpu.memory_space<vmem>>) dst(%dma_wait3A_606 : memref<10240x16xf32, #tpu.memory_space<vmem_shared>>)
      tpu.yield
    }) : () -> ()
    %run_scoped3A_489 = arith.constant 3 : i32
    "tpu.region"() ({
      %run_scoped3A_594 = tpu.sem_alloc : memref<!tpu.dma_semaphore, #tpu.memory_space<semaphore_mem>>
      %dma_start3A_595 = arith.constant 0 : i32
      %dma_start3A_596 = tpu.memref_slice %arg7[%run_scoped3A_489, %dma_start3A_595] : memref<5x128xi32, #tpu.memory_space<vmem>> -> memref<1x128xi32, #tpu.memory_space<vmem>>
      %dma_start3A_597 = tpu.memref_squeeze %dma_start3A_596 : memref<1x128xi32, #tpu.memory_space<vmem>> -> memref<128xi32, #tpu.memory_space<vmem>>
      %dma_start3A_598 = arith.constant 0 : i32
      %dma_start3A_599 = arith.constant 0 : i32
      %dma_start3A_600 = tpu.memref_slice %arg8[%dma_start3A_598, %dma_start3A_599] : memref<10240x16xf32, #tpu.memory_space<vmem_shared>> -> memref<10240x16xf32, #tpu.memory_space<vmem_shared>>
      tpu.enqueue_indirect_dma source(%arg6 : memref<128x16xf32, #tpu.memory_space<vmem>>) target(%dma_start3A_600 : memref<10240x16xf32, #tpu.memory_space<vmem_shared>>) offsets(%dma_start3A_597 : memref<128xi32, #tpu.memory_space<vmem>>) semaphore(%run_scoped3A_594 : memref<!tpu.dma_semaphore, #tpu.memory_space<semaphore_mem>>)
      %dma_wait3A_601 = arith.constant 0 : i32
      %dma_wait3A_602 = tpu.memref_slice %arg7[%run_scoped3A_489, %dma_wait3A_601] : memref<5x128xi32, #tpu.memory_space<vmem>> -> memref<1x128xi32, #tpu.memory_space<vmem>>
      %dma_wait3A_603 = tpu.memref_squeeze %dma_wait3A_602 : memref<1x128xi32, #tpu.memory_space<vmem>> -> memref<128xi32, #tpu.memory_space<vmem>>
      %dma_wait3A_604 = arith.constant 0 : i32
      %dma_wait3A_605 = arith.constant 0 : i32
      %dma_wait3A_606 = tpu.memref_slice %arg8[%dma_wait3A_604, %dma_wait3A_605] : memref<10240x16xf32, #tpu.memory_space<vmem_shared>> -> memref<10240x16xf32, #tpu.memory_space<vmem_shared>>
      tpu.wait_indirect_dma semaphore(%run_scoped3A_594 : memref<!tpu.dma_semaphore, #tpu.memory_space<semaphore_mem>>) src(%arg6 : memref<128x16xf32, #tpu.memory_space<vmem>>) dst(%dma_wait3A_606 : memref<10240x16xf32, #tpu.memory_space<vmem_shared>>)
      tpu.yield
    }) : () -> ()
    %run_scoped3A_490 = arith.constant 4 : i32
    "tpu.region"() ({
      %run_scoped3A_594 = tpu.sem_alloc : memref<!tpu.dma_semaphore, #tpu.memory_space<semaphore_mem>>
      %dma_start3A_595 = arith.constant 0 : i32
      %dma_start3A_596 = tpu.memref_slice %arg7[%run_scoped3A_490, %dma_start3A_595] : memref<5x128xi32, #tpu.memory_space<vmem>> -> memref<1x128xi32, #tpu.memory_space<vmem>>
      %dma_start3A_597 = tpu.memref_squeeze %dma_start3A_596 : memref<1x128xi32, #tpu.memory_space<vmem>> -> memref<128xi32, #tpu.memory_space<vmem>>
      %dma_start3A_598 = arith.constant 0 : i32
      %dma_start3A_599 = arith.constant 0 : i32
      %dma_start3A_600 = tpu.memref_slice %arg8[%dma_start3A_598, %dma_start3A_599] : memref<10240x16xf32, #tpu.memory_space<vmem_shared>> -> memref<10240x16xf32, #tpu.memory_space<vmem_shared>>
      tpu.enqueue_indirect_dma source(%arg6 : memref<128x16xf32, #tpu.memory_space<vmem>>) target(%dma_start3A_600 : memref<10240x16xf32, #tpu.memory_space<vmem_shared>>) offsets(%dma_start3A_597 : memref<128xi32, #tpu.memory_space<vmem>>) semaphore(%run_scoped3A_594 : memref<!tpu.dma_semaphore, #tpu.memory_space<semaphore_mem>>)
      %dma_wait3A_601 = arith.constant 0 : i32
      %dma_wait3A_602 = tpu.memref_slice %arg7[%run_scoped3A_490, %dma_wait3A_601] : memref<5x128xi32, #tpu.memory_space<vmem>> -> memref<1x128xi32, #tpu.memory_space<vmem>>
      %dma_wait3A_603 = tpu.memref_squeeze %dma_wait3A_602 : memref<1x128xi32, #tpu.memory_space<vmem>> -> memref<128xi32, #tpu.memory_space<vmem>>
      %dma_wait3A_604 = arith.constant 0 : i32
      %dma_wait3A_605 = arith.constant 0 : i32
      %dma_wait3A_606 = tpu.memref_slice %arg8[%dma_wait3A_604, %dma_wait3A_605] : memref<10240x16xf32, #tpu.memory_space<vmem_shared>> -> memref<10240x16xf32, #tpu.memory_space<vmem_shared>>
      tpu.wait_indirect_dma semaphore(%run_scoped3A_594 : memref<!tpu.dma_semaphore, #tpu.memory_space<semaphore_mem>>) src(%arg6 : memref<128x16xf32, #tpu.memory_space<vmem>>) dst(%dma_wait3A_606 : memref<10240x16xf32, #tpu.memory_space<vmem_shared>>)
      tpu.yield
    }) : () -> ()
    %mul3A_491 = arith.constant 40 : i32
    %mul3A_492 = arith.muli %add3A, %mul3A_491 : i32
    "tpu.region"() ({
      %run_scoped3A_594 = tpu.sem_alloc : memref<!tpu.dma_semaphore, #tpu.memory_space<semaphore_mem>>
      %dma_start3A_595 = arith.constant 0 : i32
      %dma_start3A_596 = tpu.memref_slice %arg2[%mul3A_492, %dma_start3A_595] : memref<1280x128xi32, #tpu.memory_space<hbm>> -> memref<40x128xi32, #tpu.memory_space<hbm>>
      %dma_start3A_597 = arith.constant 0 : i32
      %dma_start3A_598 = tpu.memref_slice %arg2[%mul3A_492, %dma_start3A_597] : memref<1280x128xi32, #tpu.memory_space<hbm>> -> memref<40x128xi32, #tpu.memory_space<hbm>>
      tpu.enqueue_dma source(%dma_start3A_598 : memref<40x128xi32, #tpu.memory_space<hbm>>) target(%arg4 : memref<40x128xi32, #tpu.memory_space<vmem>>) target_semaphore(%run_scoped3A_594 : memref<!tpu.dma_semaphore, #tpu.memory_space<semaphore_mem>>)
      %dma_wait3A_599 = arith.constant 0 : i32
      %dma_wait3A_600 = tpu.memref_slice %arg2[%mul3A_492, %dma_wait3A_599] : memref<1280x128xi32, #tpu.memory_space<hbm>> -> memref<40x128xi32, #tpu.memory_space<hbm>>
      %dma_wait3A_601 = arith.constant 0 : i32
      %dma_wait3A_602 = tpu.memref_slice %arg2[%mul3A_492, %dma_wait3A_601] : memref<1280x128xi32, #tpu.memory_space<hbm>> -> memref<40x128xi32, #tpu.memory_space<hbm>>
      tpu.wait_dma2 semaphore(%run_scoped3A_594 : memref<!tpu.dma_semaphore, #tpu.memory_space<semaphore_mem>>) src(%dma_wait3A_602 : memref<40x128xi32, #tpu.memory_space<hbm>>) dst(%arg4 : memref<40x128xi32, #tpu.memory_space<vmem>>)
      tpu.yield
    }) : () -> ()
    %barrier3A = arith.constant 0 : index
    tpu.barrier barrier_id(%barrier3A)
    %scan3A_493 = arith.constant 0 : i32
    %scan3A_494 = arith.constant 0 : i32
    %scan3A_495 = arith.constant 40 : i32
    %scan3A_496 = arith.addi %scan3A_494, %scan3A_495 : i32
    %scan3A_497 = arith.constant 1 : i32
    scf.for %scan3A_594 = %scan3A_494 to %scan3A_496 step %scan3A_497  : i32 {
      %dma_start3A_595 = arith.constant 0 : i32
      %dma_start3A_596 = tpu.memref_slice %arg4[%scan3A_594, %dma_start3A_595] : memref<40x128xi32, #tpu.memory_space<vmem>> -> memref<1x128xi32, #tpu.memory_space<vmem>>
      %dma_start3A_597 = tpu.memref_squeeze %dma_start3A_596 : memref<1x128xi32, #tpu.memory_space<vmem>> -> memref<128xi32, #tpu.memory_space<vmem>>
      %dma_start3A_598 = arith.constant 0 : i32
      %dma_start3A_599 = arith.constant 0 : i32
      %dma_start3A_600 = tpu.memref_slice %arg8[%dma_start3A_598, %dma_start3A_599] : memref<10240x16xf32, #tpu.memory_space<vmem_shared>> -> memref<10240x16xf32, #tpu.memory_space<vmem_shared>>
      tpu.enqueue_indirect_dma source(%arg5 : memref<128x16xf32, #tpu.memory_space<vmem>>) target(%dma_start3A_600 : memref<10240x16xf32, #tpu.memory_space<vmem_shared>>) offsets(%dma_start3A_597 : memref<128xi32, #tpu.memory_space<vmem>>) semaphore(%arg9 : memref<!tpu.dma_semaphore, #tpu.memory_space<semaphore_mem>>) {add = true}
    }
    %scan3A_498 = arith.constant 40 : i32
    %scan3A_499 = arith.constant 0 : i32
    %scan3A_500 = arith.constant 0 : i32
    %scan3A_501 = arith.constant 40 : i32
    %scan3A_502 = arith.addi %scan3A_500, %scan3A_501 : i32
    %scan3A_503 = arith.constant 1 : i32
    scf.for %scan3A_594 = %scan3A_500 to %scan3A_502 step %scan3A_503  : i32 {
      %dma_wait3A_595 = arith.constant 0 : i32
      %dma_wait3A_596 = arith.constant 0 : i32
      %dma_wait3A_597 = tpu.memref_slice %arg4[%dma_wait3A_595, %dma_wait3A_596] : memref<40x128xi32, #tpu.memory_space<vmem>> -> memref<1x128xi32, #tpu.memory_space<vmem>>
      %dma_wait3A_598 = tpu.memref_squeeze %dma_wait3A_597 : memref<1x128xi32, #tpu.memory_space<vmem>> -> memref<128xi32, #tpu.memory_space<vmem>>
      %dma_wait3A_599 = arith.constant 0 : i32
      %dma_wait3A_600 = arith.constant 0 : i32
      %dma_wait3A_601 = tpu.memref_slice %arg8[%dma_wait3A_599, %dma_wait3A_600] : memref<10240x16xf32, #tpu.memory_space<vmem_shared>> -> memref<10240x16xf32, #tpu.memory_space<vmem_shared>>
      tpu.wait_indirect_dma semaphore(%arg9 : memref<!tpu.dma_semaphore, #tpu.memory_space<semaphore_mem>>) src(%arg5 : memref<128x16xf32, #tpu.memory_space<vmem>>) dst(%dma_wait3A_601 : memref<10240x16xf32, #tpu.memory_space<vmem_shared>>)
    }
    %scan3A_504 = arith.constant 40 : i32
    %barrier3A_505 = arith.constant 0 : index
    tpu.barrier barrier_id(%barrier3A_505)
    %dma_start3A = arith.constant 0 : i32
    %dma_start3A_506 = arith.constant 0 : i32
    %dma_start3A_507 = tpu.memref_slice %arg7[%dma_start3A, %dma_start3A_506] : memref<5x128xi32, #tpu.memory_space<vmem>> -> memref<1x128xi32, #tpu.memory_space<vmem>>
    %dma_start3A_508 = tpu.memref_squeeze %dma_start3A_507 : memref<1x128xi32, #tpu.memory_space<vmem>> -> memref<128xi32, #tpu.memory_space<vmem>>
    %dma_start3A_509 = arith.constant 0 : i32
    %dma_start3A_510 = arith.constant 0 : i32
    %dma_start3A_511 = tpu.memref_slice %arg8[%dma_start3A_509, %dma_start3A_510] : memref<10240x16xf32, #tpu.memory_space<vmem_shared>> -> memref<10240x16xf32, #tpu.memory_space<vmem_shared>>
    tpu.enqueue_indirect_dma source(%dma_start3A_511 : memref<10240x16xf32, #tpu.memory_space<vmem_shared>>) target(%arg6 : memref<128x16xf32, #tpu.memory_space<vmem>>) offsets(%dma_start3A_508 : memref<128xi32, #tpu.memory_space<vmem>>) semaphore(%arg9 : memref<!tpu.dma_semaphore, #tpu.memory_space<semaphore_mem>>)
    %dma_wait3A = arith.constant 0 : i32
    %dma_wait3A_512 = arith.constant 0 : i32
    %dma_wait3A_513 = tpu.memref_slice %arg7[%dma_wait3A, %dma_wait3A_512] : memref<5x128xi32, #tpu.memory_space<vmem>> -> memref<1x128xi32, #tpu.memory_space<vmem>>
    %dma_wait3A_514 = tpu.memref_squeeze %dma_wait3A_513 : memref<1x128xi32, #tpu.memory_space<vmem>> -> memref<128xi32, #tpu.memory_space<vmem>>
    %dma_wait3A_515 = arith.constant 0 : i32
    %dma_wait3A_516 = arith.constant 0 : i32
    %dma_wait3A_517 = tpu.memref_slice %arg8[%dma_wait3A_515, %dma_wait3A_516] : memref<10240x16xf32, #tpu.memory_space<vmem_shared>> -> memref<10240x16xf32, #tpu.memory_space<vmem_shared>>
    tpu.wait_indirect_dma semaphore(%arg9 : memref<!tpu.dma_semaphore, #tpu.memory_space<semaphore_mem>>) src(%dma_wait3A_517 : memref<10240x16xf32, #tpu.memory_space<vmem_shared>>) dst(%arg6 : memref<128x16xf32, #tpu.memory_space<vmem>>)
    %mul3A_518 = arith.constant 640 : i32
    %mul3A_519 = arith.muli %arg1, %mul3A_518 : i32
    %add3A_520 = arith.constant 0 : i32
    %add3A_521 = arith.addi %mul3A_519, %add3A_520 : i32
    "tpu.region"() ({
      %run_scoped3A_594 = tpu.sem_alloc : memref<!tpu.dma_semaphore, #tpu.memory_space<semaphore_mem>>
      %dma_start3A_595 = arith.constant 0 : i32
      %dma_start3A_596 = arith.constant 0 : i32
      %dma_start3A_597 = tpu.memref_slice %arg3[%arg0, %dma_start3A_595, %dma_start3A_596] : memref<2x10240x16xf32, #tpu.memory_space<hbm>> -> memref<1x10240x16xf32, #tpu.memory_space<hbm>>
      %dma_start3A_598 = tpu.memref_squeeze %dma_start3A_597 : memref<1x10240x16xf32, #tpu.memory_space<hbm>> -> memref<10240x16xf32, #tpu.memory_space<hbm>>
      %dma_start3A_599 = arith.constant 0 : i32
      %dma_start3A_600 = tpu.memref_slice %dma_start3A_598[%add3A_521, %dma_start3A_599] : memref<10240x16xf32, #tpu.memory_space<hbm>> -> memref<128x16xf32, #tpu.memory_space<hbm>>
      %dma_start3A_601 = arith.constant 0 : i32
      %dma_start3A_602 = arith.constant 0 : i32
      %dma_start3A_603 = tpu.memref_slice %arg3[%arg0, %dma_start3A_601, %dma_start3A_602] : memref<2x10240x16xf32, #tpu.memory_space<hbm>> -> memref<1x10240x16xf32, #tpu.memory_space<hbm>>
      %dma_start3A_604 = tpu.memref_squeeze %dma_start3A_603 : memref<1x10240x16xf32, #tpu.memory_space<hbm>> -> memref<10240x16xf32, #tpu.memory_space<hbm>>
      %dma_start3A_605 = arith.constant 0 : i32
      %dma_start3A_606 = tpu.memref_slice %dma_start3A_604[%add3A_521, %dma_start3A_605] : memref<10240x16xf32, #tpu.memory_space<hbm>> -> memref<128x16xf32, #tpu.memory_space<hbm>>
      tpu.enqueue_dma source(%arg6 : memref<128x16xf32, #tpu.memory_space<vmem>>) target(%dma_start3A_606 : memref<128x16xf32, #tpu.memory_space<hbm>>) target_semaphore(%run_scoped3A_594 : memref<!tpu.dma_semaphore, #tpu.memory_space<semaphore_mem>>)
      %dma_wait3A_607 = arith.constant 0 : i32
      %dma_wait3A_608 = arith.constant 0 : i32
      %dma_wait3A_609 = tpu.memref_slice %arg3[%arg0, %dma_wait3A_607, %dma_wait3A_608] : memref<2x10240x16xf32, #tpu.memory_space<hbm>> -> memref<1x10240x16xf32, #tpu.memory_space<hbm>>
      %dma_wait3A_610 = tpu.memref_squeeze %dma_wait3A_609 : memref<1x10240x16xf32, #tpu.memory_space<hbm>> -> memref<10240x16xf32, #tpu.memory_space<hbm>>
      %dma_wait3A_611 = arith.constant 0 : i32
      %dma_wait3A_612 = tpu.memref_slice %dma_wait3A_610[%add3A_521, %dma_wait3A_611] : memref<10240x16xf32, #tpu.memory_space<hbm>> -> memref<128x16xf32, #tpu.memory_space<hbm>>
      %dma_wait3A_613 = arith.constant 0 : i32
      %dma_wait3A_614 = arith.constant 0 : i32
      %dma_wait3A_615 = tpu.memref_slice %arg3[%arg0, %dma_wait3A_613, %dma_wait3A_614] : memref<2x10240x16xf32, #tpu.memory_space<hbm>> -> memref<1x10240x16xf32, #tpu.memory_space<hbm>>
      %dma_wait3A_616 = tpu.memref_squeeze %dma_wait3A_615 : memref<1x10240x16xf32, #tpu.memory_space<hbm>> -> memref<10240x16xf32, #tpu.memory_space<hbm>>
      %dma_wait3A_617 = arith.constant 0 : i32
      %dma_wait3A_618 = tpu.memref_slice %dma_wait3A_616[%add3A_521, %dma_wait3A_617] : memref<10240x16xf32, #tpu.memory_space<hbm>> -> memref<128x16xf32, #tpu.memory_space<hbm>>
      tpu.wait_dma2 semaphore(%run_scoped3A_594 : memref<!tpu.dma_semaphore, #tpu.memory_space<semaphore_mem>>) src(%arg6 : memref<128x16xf32, #tpu.memory_space<vmem>>) dst(%dma_wait3A_618 : memref<128x16xf32, #tpu.memory_space<hbm>>)
      tpu.yield
    }) : () -> ()
    %dma_start3A_522 = arith.constant 1 : i32
    %dma_start3A_523 = arith.constant 0 : i32
    %dma_start3A_524 = tpu.memref_slice %arg7[%dma_start3A_522, %dma_start3A_523] : memref<5x128xi32, #tpu.memory_space<vmem>> -> memref<1x128xi32, #tpu.memory_space<vmem>>
    %dma_start3A_525 = tpu.memref_squeeze %dma_start3A_524 : memref<1x128xi32, #tpu.memory_space<vmem>> -> memref<128xi32, #tpu.memory_space<vmem>>
    %dma_start3A_526 = arith.constant 0 : i32
    %dma_start3A_527 = arith.constant 0 : i32
    %dma_start3A_528 = tpu.memref_slice %arg8[%dma_start3A_526, %dma_start3A_527] : memref<10240x16xf32, #tpu.memory_space<vmem_shared>> -> memref<10240x16xf32, #tpu.memory_space<vmem_shared>>
    tpu.enqueue_indirect_dma source(%dma_start3A_528 : memref<10240x16xf32, #tpu.memory_space<vmem_shared>>) target(%arg6 : memref<128x16xf32, #tpu.memory_space<vmem>>) offsets(%dma_start3A_525 : memref<128xi32, #tpu.memory_space<vmem>>) semaphore(%arg9 : memref<!tpu.dma_semaphore, #tpu.memory_space<semaphore_mem>>)
    %dma_wait3A_529 = arith.constant 1 : i32
    %dma_wait3A_530 = arith.constant 0 : i32
    %dma_wait3A_531 = tpu.memref_slice %arg7[%dma_wait3A_529, %dma_wait3A_530] : memref<5x128xi32, #tpu.memory_space<vmem>> -> memref<1x128xi32, #tpu.memory_space<vmem>>
    %dma_wait3A_532 = tpu.memref_squeeze %dma_wait3A_531 : memref<1x128xi32, #tpu.memory_space<vmem>> -> memref<128xi32, #tpu.memory_space<vmem>>
    %dma_wait3A_533 = arith.constant 0 : i32
    %dma_wait3A_534 = arith.constant 0 : i32
    %dma_wait3A_535 = tpu.memref_slice %arg8[%dma_wait3A_533, %dma_wait3A_534] : memref<10240x16xf32, #tpu.memory_space<vmem_shared>> -> memref<10240x16xf32, #tpu.memory_space<vmem_shared>>
    tpu.wait_indirect_dma semaphore(%arg9 : memref<!tpu.dma_semaphore, #tpu.memory_space<semaphore_mem>>) src(%dma_wait3A_535 : memref<10240x16xf32, #tpu.memory_space<vmem_shared>>) dst(%arg6 : memref<128x16xf32, #tpu.memory_space<vmem>>)
    %mul3A_536 = arith.constant 640 : i32
    %mul3A_537 = arith.muli %arg1, %mul3A_536 : i32
    %add3A_538 = arith.constant 128 : i32
    %add3A_539 = arith.addi %mul3A_537, %add3A_538 : i32
    "tpu.region"() ({
      %run_scoped3A_594 = tpu.sem_alloc : memref<!tpu.dma_semaphore, #tpu.memory_space<semaphore_mem>>
      %dma_start3A_595 = arith.constant 0 : i32
      %dma_start3A_596 = arith.constant 0 : i32
      %dma_start3A_597 = tpu.memref_slice %arg3[%arg0, %dma_start3A_595, %dma_start3A_596] : memref<2x10240x16xf32, #tpu.memory_space<hbm>> -> memref<1x10240x16xf32, #tpu.memory_space<hbm>>
      %dma_start3A_598 = tpu.memref_squeeze %dma_start3A_597 : memref<1x10240x16xf32, #tpu.memory_space<hbm>> -> memref<10240x16xf32, #tpu.memory_space<hbm>>
      %dma_start3A_599 = arith.constant 0 : i32
      %dma_start3A_600 = tpu.memref_slice %dma_start3A_598[%add3A_539, %dma_start3A_599] : memref<10240x16xf32, #tpu.memory_space<hbm>> -> memref<128x16xf32, #tpu.memory_space<hbm>>
      %dma_start3A_601 = arith.constant 0 : i32
      %dma_start3A_602 = arith.constant 0 : i32
      %dma_start3A_603 = tpu.memref_slice %arg3[%arg0, %dma_start3A_601, %dma_start3A_602] : memref<2x10240x16xf32, #tpu.memory_space<hbm>> -> memref<1x10240x16xf32, #tpu.memory_space<hbm>>
      %dma_start3A_604 = tpu.memref_squeeze %dma_start3A_603 : memref<1x10240x16xf32, #tpu.memory_space<hbm>> -> memref<10240x16xf32, #tpu.memory_space<hbm>>
      %dma_start3A_605 = arith.constant 0 : i32
      %dma_start3A_606 = tpu.memref_slice %dma_start3A_604[%add3A_539, %dma_start3A_605] : memref<10240x16xf32, #tpu.memory_space<hbm>> -> memref<128x16xf32, #tpu.memory_space<hbm>>
      tpu.enqueue_dma source(%arg6 : memref<128x16xf32, #tpu.memory_space<vmem>>) target(%dma_start3A_606 : memref<128x16xf32, #tpu.memory_space<hbm>>) target_semaphore(%run_scoped3A_594 : memref<!tpu.dma_semaphore, #tpu.memory_space<semaphore_mem>>)
      %dma_wait3A_607 = arith.constant 0 : i32
      %dma_wait3A_608 = arith.constant 0 : i32
      %dma_wait3A_609 = tpu.memref_slice %arg3[%arg0, %dma_wait3A_607, %dma_wait3A_608] : memref<2x10240x16xf32, #tpu.memory_space<hbm>> -> memref<1x10240x16xf32, #tpu.memory_space<hbm>>
      %dma_wait3A_610 = tpu.memref_squeeze %dma_wait3A_609 : memref<1x10240x16xf32, #tpu.memory_space<hbm>> -> memref<10240x16xf32, #tpu.memory_space<hbm>>
      %dma_wait3A_611 = arith.constant 0 : i32
      %dma_wait3A_612 = tpu.memref_slice %dma_wait3A_610[%add3A_539, %dma_wait3A_611] : memref<10240x16xf32, #tpu.memory_space<hbm>> -> memref<128x16xf32, #tpu.memory_space<hbm>>
      %dma_wait3A_613 = arith.constant 0 : i32
      %dma_wait3A_614 = arith.constant 0 : i32
      %dma_wait3A_615 = tpu.memref_slice %arg3[%arg0, %dma_wait3A_613, %dma_wait3A_614] : memref<2x10240x16xf32, #tpu.memory_space<hbm>> -> memref<1x10240x16xf32, #tpu.memory_space<hbm>>
      %dma_wait3A_616 = tpu.memref_squeeze %dma_wait3A_615 : memref<1x10240x16xf32, #tpu.memory_space<hbm>> -> memref<10240x16xf32, #tpu.memory_space<hbm>>
      %dma_wait3A_617 = arith.constant 0 : i32
      %dma_wait3A_618 = tpu.memref_slice %dma_wait3A_616[%add3A_539, %dma_wait3A_617] : memref<10240x16xf32, #tpu.memory_space<hbm>> -> memref<128x16xf32, #tpu.memory_space<hbm>>
      tpu.wait_dma2 semaphore(%run_scoped3A_594 : memref<!tpu.dma_semaphore, #tpu.memory_space<semaphore_mem>>) src(%arg6 : memref<128x16xf32, #tpu.memory_space<vmem>>) dst(%dma_wait3A_618 : memref<128x16xf32, #tpu.memory_space<hbm>>)
      tpu.yield
    }) : () -> ()
    %dma_start3A_540 = arith.constant 2 : i32
    %dma_start3A_541 = arith.constant 0 : i32
    %dma_start3A_542 = tpu.memref_slice %arg7[%dma_start3A_540, %dma_start3A_541] : memref<5x128xi32, #tpu.memory_space<vmem>> -> memref<1x128xi32, #tpu.memory_space<vmem>>
    %dma_start3A_543 = tpu.memref_squeeze %dma_start3A_542 : memref<1x128xi32, #tpu.memory_space<vmem>> -> memref<128xi32, #tpu.memory_space<vmem>>
    %dma_start3A_544 = arith.constant 0 : i32
    %dma_start3A_545 = arith.constant 0 : i32
    %dma_start3A_546 = tpu.memref_slice %arg8[%dma_start3A_544, %dma_start3A_545] : memref<10240x16xf32, #tpu.memory_space<vmem_shared>> -> memref<10240x16xf32, #tpu.memory_space<vmem_shared>>
    tpu.enqueue_indirect_dma source(%dma_start3A_546 : memref<10240x16xf32, #tpu.memory_space<vmem_shared>>) target(%arg6 : memref<128x16xf32, #tpu.memory_space<vmem>>) offsets(%dma_start3A_543 : memref<128xi32, #tpu.memory_space<vmem>>) semaphore(%arg9 : memref<!tpu.dma_semaphore, #tpu.memory_space<semaphore_mem>>)
    %dma_wait3A_547 = arith.constant 2 : i32
    %dma_wait3A_548 = arith.constant 0 : i32
    %dma_wait3A_549 = tpu.memref_slice %arg7[%dma_wait3A_547, %dma_wait3A_548] : memref<5x128xi32, #tpu.memory_space<vmem>> -> memref<1x128xi32, #tpu.memory_space<vmem>>
    %dma_wait3A_550 = tpu.memref_squeeze %dma_wait3A_549 : memref<1x128xi32, #tpu.memory_space<vmem>> -> memref<128xi32, #tpu.memory_space<vmem>>
    %dma_wait3A_551 = arith.constant 0 : i32
    %dma_wait3A_552 = arith.constant 0 : i32
    %dma_wait3A_553 = tpu.memref_slice %arg8[%dma_wait3A_551, %dma_wait3A_552] : memref<10240x16xf32, #tpu.memory_space<vmem_shared>> -> memref<10240x16xf32, #tpu.memory_space<vmem_shared>>
    tpu.wait_indirect_dma semaphore(%arg9 : memref<!tpu.dma_semaphore, #tpu.memory_space<semaphore_mem>>) src(%dma_wait3A_553 : memref<10240x16xf32, #tpu.memory_space<vmem_shared>>) dst(%arg6 : memref<128x16xf32, #tpu.memory_space<vmem>>)
    %mul3A_554 = arith.constant 640 : i32
    %mul3A_555 = arith.muli %arg1, %mul3A_554 : i32
    %add3A_556 = arith.constant 256 : i32
    %add3A_557 = arith.addi %mul3A_555, %add3A_556 : i32
    "tpu.region"() ({
      %run_scoped3A_594 = tpu.sem_alloc : memref<!tpu.dma_semaphore, #tpu.memory_space<semaphore_mem>>
      %dma_start3A_595 = arith.constant 0 : i32
      %dma_start3A_596 = arith.constant 0 : i32
      %dma_start3A_597 = tpu.memref_slice %arg3[%arg0, %dma_start3A_595, %dma_start3A_596] : memref<2x10240x16xf32, #tpu.memory_space<hbm>> -> memref<1x10240x16xf32, #tpu.memory_space<hbm>>
      %dma_start3A_598 = tpu.memref_squeeze %dma_start3A_597 : memref<1x10240x16xf32, #tpu.memory_space<hbm>> -> memref<10240x16xf32, #tpu.memory_space<hbm>>
      %dma_start3A_599 = arith.constant 0 : i32
      %dma_start3A_600 = tpu.memref_slice %dma_start3A_598[%add3A_557, %dma_start3A_599] : memref<10240x16xf32, #tpu.memory_space<hbm>> -> memref<128x16xf32, #tpu.memory_space<hbm>>
      %dma_start3A_601 = arith.constant 0 : i32
      %dma_start3A_602 = arith.constant 0 : i32
      %dma_start3A_603 = tpu.memref_slice %arg3[%arg0, %dma_start3A_601, %dma_start3A_602] : memref<2x10240x16xf32, #tpu.memory_space<hbm>> -> memref<1x10240x16xf32, #tpu.memory_space<hbm>>
      %dma_start3A_604 = tpu.memref_squeeze %dma_start3A_603 : memref<1x10240x16xf32, #tpu.memory_space<hbm>> -> memref<10240x16xf32, #tpu.memory_space<hbm>>
      %dma_start3A_605 = arith.constant 0 : i32
      %dma_start3A_606 = tpu.memref_slice %dma_start3A_604[%add3A_557, %dma_start3A_605] : memref<10240x16xf32, #tpu.memory_space<hbm>> -> memref<128x16xf32, #tpu.memory_space<hbm>>
      tpu.enqueue_dma source(%arg6 : memref<128x16xf32, #tpu.memory_space<vmem>>) target(%dma_start3A_606 : memref<128x16xf32, #tpu.memory_space<hbm>>) target_semaphore(%run_scoped3A_594 : memref<!tpu.dma_semaphore, #tpu.memory_space<semaphore_mem>>)
      %dma_wait3A_607 = arith.constant 0 : i32
      %dma_wait3A_608 = arith.constant 0 : i32
      %dma_wait3A_609 = tpu.memref_slice %arg3[%arg0, %dma_wait3A_607, %dma_wait3A_608] : memref<2x10240x16xf32, #tpu.memory_space<hbm>> -> memref<1x10240x16xf32, #tpu.memory_space<hbm>>
      %dma_wait3A_610 = tpu.memref_squeeze %dma_wait3A_609 : memref<1x10240x16xf32, #tpu.memory_space<hbm>> -> memref<10240x16xf32, #tpu.memory_space<hbm>>
      %dma_wait3A_611 = arith.constant 0 : i32
      %dma_wait3A_612 = tpu.memref_slice %dma_wait3A_610[%add3A_557, %dma_wait3A_611] : memref<10240x16xf32, #tpu.memory_space<hbm>> -> memref<128x16xf32, #tpu.memory_space<hbm>>
      %dma_wait3A_613 = arith.constant 0 : i32
      %dma_wait3A_614 = arith.constant 0 : i32
      %dma_wait3A_615 = tpu.memref_slice %arg3[%arg0, %dma_wait3A_613, %dma_wait3A_614] : memref<2x10240x16xf32, #tpu.memory_space<hbm>> -> memref<1x10240x16xf32, #tpu.memory_space<hbm>>
      %dma_wait3A_616 = tpu.memref_squeeze %dma_wait3A_615 : memref<1x10240x16xf32, #tpu.memory_space<hbm>> -> memref<10240x16xf32, #tpu.memory_space<hbm>>
      %dma_wait3A_617 = arith.constant 0 : i32
      %dma_wait3A_618 = tpu.memref_slice %dma_wait3A_616[%add3A_557, %dma_wait3A_617] : memref<10240x16xf32, #tpu.memory_space<hbm>> -> memref<128x16xf32, #tpu.memory_space<hbm>>
      tpu.wait_dma2 semaphore(%run_scoped3A_594 : memref<!tpu.dma_semaphore, #tpu.memory_space<semaphore_mem>>) src(%arg6 : memref<128x16xf32, #tpu.memory_space<vmem>>) dst(%dma_wait3A_618 : memref<128x16xf32, #tpu.memory_space<hbm>>)
      tpu.yield
    }) : () -> ()
    %dma_start3A_558 = arith.constant 3 : i32
    %dma_start3A_559 = arith.constant 0 : i32
    %dma_start3A_560 = tpu.memref_slice %arg7[%dma_start3A_558, %dma_start3A_559] : memref<5x128xi32, #tpu.memory_space<vmem>> -> memref<1x128xi32, #tpu.memory_space<vmem>>
    %dma_start3A_561 = tpu.memref_squeeze %dma_start3A_560 : memref<1x128xi32, #tpu.memory_space<vmem>> -> memref<128xi32, #tpu.memory_space<vmem>>
    %dma_start3A_562 = arith.constant 0 : i32
    %dma_start3A_563 = arith.constant 0 : i32
    %dma_start3A_564 = tpu.memref_slice %arg8[%dma_start3A_562, %dma_start3A_563] : memref<10240x16xf32, #tpu.memory_space<vmem_shared>> -> memref<10240x16xf32, #tpu.memory_space<vmem_shared>>
    tpu.enqueue_indirect_dma source(%dma_start3A_564 : memref<10240x16xf32, #tpu.memory_space<vmem_shared>>) target(%arg6 : memref<128x16xf32, #tpu.memory_space<vmem>>) offsets(%dma_start3A_561 : memref<128xi32, #tpu.memory_space<vmem>>) semaphore(%arg9 : memref<!tpu.dma_semaphore, #tpu.memory_space<semaphore_mem>>)
    %dma_wait3A_565 = arith.constant 3 : i32
    %dma_wait3A_566 = arith.constant 0 : i32
    %dma_wait3A_567 = tpu.memref_slice %arg7[%dma_wait3A_565, %dma_wait3A_566] : memref<5x128xi32, #tpu.memory_space<vmem>> -> memref<1x128xi32, #tpu.memory_space<vmem>>
    %dma_wait3A_568 = tpu.memref_squeeze %dma_wait3A_567 : memref<1x128xi32, #tpu.memory_space<vmem>> -> memref<128xi32, #tpu.memory_space<vmem>>
    %dma_wait3A_569 = arith.constant 0 : i32
    %dma_wait3A_570 = arith.constant 0 : i32
    %dma_wait3A_571 = tpu.memref_slice %arg8[%dma_wait3A_569, %dma_wait3A_570] : memref<10240x16xf32, #tpu.memory_space<vmem_shared>> -> memref<10240x16xf32, #tpu.memory_space<vmem_shared>>
    tpu.wait_indirect_dma semaphore(%arg9 : memref<!tpu.dma_semaphore, #tpu.memory_space<semaphore_mem>>) src(%dma_wait3A_571 : memref<10240x16xf32, #tpu.memory_space<vmem_shared>>) dst(%arg6 : memref<128x16xf32, #tpu.memory_space<vmem>>)
    %mul3A_572 = arith.constant 640 : i32
    %mul3A_573 = arith.muli %arg1, %mul3A_572 : i32
    %add3A_574 = arith.constant 384 : i32
    %add3A_575 = arith.addi %mul3A_573, %add3A_574 : i32
    "tpu.region"() ({
      %run_scoped3A_594 = tpu.sem_alloc : memref<!tpu.dma_semaphore, #tpu.memory_space<semaphore_mem>>
      %dma_start3A_595 = arith.constant 0 : i32
      %dma_start3A_596 = arith.constant 0 : i32
      %dma_start3A_597 = tpu.memref_slice %arg3[%arg0, %dma_start3A_595, %dma_start3A_596] : memref<2x10240x16xf32, #tpu.memory_space<hbm>> -> memref<1x10240x16xf32, #tpu.memory_space<hbm>>
      %dma_start3A_598 = tpu.memref_squeeze %dma_start3A_597 : memref<1x10240x16xf32, #tpu.memory_space<hbm>> -> memref<10240x16xf32, #tpu.memory_space<hbm>>
      %dma_start3A_599 = arith.constant 0 : i32
      %dma_start3A_600 = tpu.memref_slice %dma_start3A_598[%add3A_575, %dma_start3A_599] : memref<10240x16xf32, #tpu.memory_space<hbm>> -> memref<128x16xf32, #tpu.memory_space<hbm>>
      %dma_start3A_601 = arith.constant 0 : i32
      %dma_start3A_602 = arith.constant 0 : i32
      %dma_start3A_603 = tpu.memref_slice %arg3[%arg0, %dma_start3A_601, %dma_start3A_602] : memref<2x10240x16xf32, #tpu.memory_space<hbm>> -> memref<1x10240x16xf32, #tpu.memory_space<hbm>>
      %dma_start3A_604 = tpu.memref_squeeze %dma_start3A_603 : memref<1x10240x16xf32, #tpu.memory_space<hbm>> -> memref<10240x16xf32, #tpu.memory_space<hbm>>
      %dma_start3A_605 = arith.constant 0 : i32
      %dma_start3A_606 = tpu.memref_slice %dma_start3A_604[%add3A_575, %dma_start3A_605] : memref<10240x16xf32, #tpu.memory_space<hbm>> -> memref<128x16xf32, #tpu.memory_space<hbm>>
      tpu.enqueue_dma source(%arg6 : memref<128x16xf32, #tpu.memory_space<vmem>>) target(%dma_start3A_606 : memref<128x16xf32, #tpu.memory_space<hbm>>) target_semaphore(%run_scoped3A_594 : memref<!tpu.dma_semaphore, #tpu.memory_space<semaphore_mem>>)
      %dma_wait3A_607 = arith.constant 0 : i32
      %dma_wait3A_608 = arith.constant 0 : i32
      %dma_wait3A_609 = tpu.memref_slice %arg3[%arg0, %dma_wait3A_607, %dma_wait3A_608] : memref<2x10240x16xf32, #tpu.memory_space<hbm>> -> memref<1x10240x16xf32, #tpu.memory_space<hbm>>
      %dma_wait3A_610 = tpu.memref_squeeze %dma_wait3A_609 : memref<1x10240x16xf32, #tpu.memory_space<hbm>> -> memref<10240x16xf32, #tpu.memory_space<hbm>>
      %dma_wait3A_611 = arith.constant 0 : i32
      %dma_wait3A_612 = tpu.memref_slice %dma_wait3A_610[%add3A_575, %dma_wait3A_611] : memref<10240x16xf32, #tpu.memory_space<hbm>> -> memref<128x16xf32, #tpu.memory_space<hbm>>
      %dma_wait3A_613 = arith.constant 0 : i32
      %dma_wait3A_614 = arith.constant 0 : i32
      %dma_wait3A_615 = tpu.memref_slice %arg3[%arg0, %dma_wait3A_613, %dma_wait3A_614] : memref<2x10240x16xf32, #tpu.memory_space<hbm>> -> memref<1x10240x16xf32, #tpu.memory_space<hbm>>
      %dma_wait3A_616 = tpu.memref_squeeze %dma_wait3A_615 : memref<1x10240x16xf32, #tpu.memory_space<hbm>> -> memref<10240x16xf32, #tpu.memory_space<hbm>>
      %dma_wait3A_617 = arith.constant 0 : i32
      %dma_wait3A_618 = tpu.memref_slice %dma_wait3A_616[%add3A_575, %dma_wait3A_617] : memref<10240x16xf32, #tpu.memory_space<hbm>> -> memref<128x16xf32, #tpu.memory_space<hbm>>
      tpu.wait_dma2 semaphore(%run_scoped3A_594 : memref<!tpu.dma_semaphore, #tpu.memory_space<semaphore_mem>>) src(%arg6 : memref<128x16xf32, #tpu.memory_space<vmem>>) dst(%dma_wait3A_618 : memref<128x16xf32, #tpu.memory_space<hbm>>)
      tpu.yield
    }) : () -> ()
    %dma_start3A_576 = arith.constant 4 : i32
    %dma_start3A_577 = arith.constant 0 : i32
    %dma_start3A_578 = tpu.memref_slice %arg7[%dma_start3A_576, %dma_start3A_577] : memref<5x128xi32, #tpu.memory_space<vmem>> -> memref<1x128xi32, #tpu.memory_space<vmem>>
    %dma_start3A_579 = tpu.memref_squeeze %dma_start3A_578 : memref<1x128xi32, #tpu.memory_space<vmem>> -> memref<128xi32, #tpu.memory_space<vmem>>
    %dma_start3A_580 = arith.constant 0 : i32
    %dma_start3A_581 = arith.constant 0 : i32
    %dma_start3A_582 = tpu.memref_slice %arg8[%dma_start3A_580, %dma_start3A_581] : memref<10240x16xf32, #tpu.memory_space<vmem_shared>> -> memref<10240x16xf32, #tpu.memory_space<vmem_shared>>
    tpu.enqueue_indirect_dma source(%dma_start3A_582 : memref<10240x16xf32, #tpu.memory_space<vmem_shared>>) target(%arg6 : memref<128x16xf32, #tpu.memory_space<vmem>>) offsets(%dma_start3A_579 : memref<128xi32, #tpu.memory_space<vmem>>) semaphore(%arg9 : memref<!tpu.dma_semaphore, #tpu.memory_space<semaphore_mem>>)
    %dma_wait3A_583 = arith.constant 4 : i32
    %dma_wait3A_584 = arith.constant 0 : i32
    %dma_wait3A_585 = tpu.memref_slice %arg7[%dma_wait3A_583, %dma_wait3A_584] : memref<5x128xi32, #tpu.memory_space<vmem>> -> memref<1x128xi32, #tpu.memory_space<vmem>>
    %dma_wait3A_586 = tpu.memref_squeeze %dma_wait3A_585 : memref<1x128xi32, #tpu.memory_space<vmem>> -> memref<128xi32, #tpu.memory_space<vmem>>
    %dma_wait3A_587 = arith.constant 0 : i32
    %dma_wait3A_588 = arith.constant 0 : i32
    %dma_wait3A_589 = tpu.memref_slice %arg8[%dma_wait3A_587, %dma_wait3A_588] : memref<10240x16xf32, #tpu.memory_space<vmem_shared>> -> memref<10240x16xf32, #tpu.memory_space<vmem_shared>>
    tpu.wait_indirect_dma semaphore(%arg9 : memref<!tpu.dma_semaphore, #tpu.memory_space<semaphore_mem>>) src(%dma_wait3A_589 : memref<10240x16xf32, #tpu.memory_space<vmem_shared>>) dst(%arg6 : memref<128x16xf32, #tpu.memory_space<vmem>>)
    %mul3A_590 = arith.constant 640 : i32
    %mul3A_591 = arith.muli %arg1, %mul3A_590 : i32
    %add3A_592 = arith.constant 512 : i32
    %add3A_593 = arith.addi %mul3A_591, %add3A_592 : i32
    "tpu.region"() ({
      %run_scoped3A_594 = tpu.sem_alloc : memref<!tpu.dma_semaphore, #tpu.memory_space<semaphore_mem>>
      %dma_start3A_595 = arith.constant 0 : i32
      %dma_start3A_596 = arith.constant 0 : i32
      %dma_start3A_597 = tpu.memref_slice %arg3[%arg0, %dma_start3A_595, %dma_start3A_596] : memref<2x10240x16xf32, #tpu.memory_space<hbm>> -> memref<1x10240x16xf32, #tpu.memory_space<hbm>>
      %dma_start3A_598 = tpu.memref_squeeze %dma_start3A_597 : memref<1x10240x16xf32, #tpu.memory_space<hbm>> -> memref<10240x16xf32, #tpu.memory_space<hbm>>
      %dma_start3A_599 = arith.constant 0 : i32
      %dma_start3A_600 = tpu.memref_slice %dma_start3A_598[%add3A_593, %dma_start3A_599] : memref<10240x16xf32, #tpu.memory_space<hbm>> -> memref<128x16xf32, #tpu.memory_space<hbm>>
      %dma_start3A_601 = arith.constant 0 : i32
      %dma_start3A_602 = arith.constant 0 : i32
      %dma_start3A_603 = tpu.memref_slice %arg3[%arg0, %dma_start3A_601, %dma_start3A_602] : memref<2x10240x16xf32, #tpu.memory_space<hbm>> -> memref<1x10240x16xf32, #tpu.memory_space<hbm>>
      %dma_start3A_604 = tpu.memref_squeeze %dma_start3A_603 : memref<1x10240x16xf32, #tpu.memory_space<hbm>> -> memref<10240x16xf32, #tpu.memory_space<hbm>>
      %dma_start3A_605 = arith.constant 0 : i32
      %dma_start3A_606 = tpu.memref_slice %dma_start3A_604[%add3A_593, %dma_start3A_605] : memref<10240x16xf32, #tpu.memory_space<hbm>> -> memref<128x16xf32, #tpu.memory_space<hbm>>
      tpu.enqueue_dma source(%arg6 : memref<128x16xf32, #tpu.memory_space<vmem>>) target(%dma_start3A_606 : memref<128x16xf32, #tpu.memory_space<hbm>>) target_semaphore(%run_scoped3A_594 : memref<!tpu.dma_semaphore, #tpu.memory_space<semaphore_mem>>)
      %dma_wait3A_607 = arith.constant 0 : i32
      %dma_wait3A_608 = arith.constant 0 : i32
      %dma_wait3A_609 = tpu.memref_slice %arg3[%arg0, %dma_wait3A_607, %dma_wait3A_608] : memref<2x10240x16xf32, #tpu.memory_space<hbm>> -> memref<1x10240x16xf32, #tpu.memory_space<hbm>>
      %dma_wait3A_610 = tpu.memref_squeeze %dma_wait3A_609 : memref<1x10240x16xf32, #tpu.memory_space<hbm>> -> memref<10240x16xf32, #tpu.memory_space<hbm>>
      %dma_wait3A_611 = arith.constant 0 : i32
      %dma_wait3A_612 = tpu.memref_slice %dma_wait3A_610[%add3A_593, %dma_wait3A_611] : memref<10240x16xf32, #tpu.memory_space<hbm>> -> memref<128x16xf32, #tpu.memory_space<hbm>>
      %dma_wait3A_613 = arith.constant 0 : i32
      %dma_wait3A_614 = arith.constant 0 : i32
      %dma_wait3A_615 = tpu.memref_slice %arg3[%arg0, %dma_wait3A_613, %dma_wait3A_614] : memref<2x10240x16xf32, #tpu.memory_space<hbm>> -> memref<1x10240x16xf32, #tpu.memory_space<hbm>>
      %dma_wait3A_616 = tpu.memref_squeeze %dma_wait3A_615 : memref<1x10240x16xf32, #tpu.memory_space<hbm>> -> memref<10240x16xf32, #tpu.memory_space<hbm>>
      %dma_wait3A_617 = arith.constant 0 : i32
      %dma_wait3A_618 = tpu.memref_slice %dma_wait3A_616[%add3A_593, %dma_wait3A_617] : memref<10240x16xf32, #tpu.memory_space<hbm>> -> memref<128x16xf32, #tpu.memory_space<hbm>>
      tpu.wait_dma2 semaphore(%run_scoped3A_594 : memref<!tpu.dma_semaphore, #tpu.memory_space<semaphore_mem>>) src(%arg6 : memref<128x16xf32, #tpu.memory_space<vmem>>) dst(%dma_wait3A_618 : memref<128x16xf32, #tpu.memory_space<hbm>>)
      tpu.yield
    }) : () -> ()
    return
  }
}

#map = affine_map<(d0, d1) -> (0, 0)>
#map1 = affine_map<(d0, d1) -> (0)>
module attributes {stable_mosaic.version = 14 : i64} {
  func.func @_take_kernel(%arg0: i32, %arg1: i32, %arg2: memref<20480x128xf32, #tpu.memory_space<hbm>>, %arg3: memref<10240x128xf32, #tpu.memory_space<hbm>>, %arg4: memref<10240x128xf32, #tpu.memory_space<hbm>>, %arg5: memref<128xf32, #tpu.memory_space<hbm>>, %arg6: memref<32x128xi32, #tpu.memory_space<hbm>>, %arg7: memref<4096x128xf32, #tpu.memory_space<hbm>>, %arg8: memref<128xi32, #tpu.memory_space<vmem>>, %arg9: memref<128xi32, #tpu.memory_space<vmem>>, %arg10: memref<128x128xf32, #tpu.memory_space<vmem>>, %arg11: memref<128x128xf32, #tpu.memory_space<vmem>>, %arg12: memref<128x128xf32, #tpu.memory_space<vmem>>, %arg13: memref<128x128xf32, #tpu.memory_space<vmem>>, %arg14: memref<128xf32, #tpu.memory_space<vmem>>, %arg15: memref<!tpu.dma_semaphore, #tpu.memory_space<semaphore_mem>>) attributes {dimension_semantics = [#tpu.dimension_semantics<core_parallel>, #tpu.dimension_semantics<subcore_parallel>], iteration_bounds = array<i64: 2, 16>, scalar_prefetch = 0 : i64, scratch_operands = 8 : i64, tpu.core_type = #tpu.core_type<sc_vector_subcore>, window_params = [{transform_indices = #map}, {transform_indices = #map}, {transform_indices = #map}, {transform_indices = #map1}, {transform_indices = #map}, {transform_indices = #map}]} {
    %mul3A = arith.constant 2 : i32
    %mul3A_0 = arith.muli %arg1, %mul3A : i32
    %add3A = arith.addi %mul3A_0, %arg0 : i32
    "tpu.region"() ({
      %run_scoped3A = tpu.sem_alloc : memref<!tpu.dma_semaphore, #tpu.memory_space<semaphore_mem>>
      %dma_start3A_108 = arith.constant 0 : i32
      %dma_start3A_109 = tpu.memref_slice %arg6[%add3A, %dma_start3A_108] : memref<32x128xi32, #tpu.memory_space<hbm>> -> memref<1x128xi32, #tpu.memory_space<hbm>>
      %dma_start3A_110 = tpu.memref_squeeze %dma_start3A_109 : memref<1x128xi32, #tpu.memory_space<hbm>> -> memref<128xi32, #tpu.memory_space<hbm>>
      %dma_start3A_111 = arith.constant 0 : i32
      %dma_start3A_112 = tpu.memref_slice %arg6[%add3A, %dma_start3A_111] : memref<32x128xi32, #tpu.memory_space<hbm>> -> memref<1x128xi32, #tpu.memory_space<hbm>>
      %dma_start3A_113 = tpu.memref_squeeze %dma_start3A_112 : memref<1x128xi32, #tpu.memory_space<hbm>> -> memref<128xi32, #tpu.memory_space<hbm>>
      tpu.enqueue_dma source(%dma_start3A_113 : memref<128xi32, #tpu.memory_space<hbm>>) target(%arg8 : memref<128xi32, #tpu.memory_space<vmem>>) target_semaphore(%run_scoped3A : memref<!tpu.dma_semaphore, #tpu.memory_space<semaphore_mem>>)
      %dma_wait3A_114 = arith.constant 0 : i32
      %dma_wait3A_115 = tpu.memref_slice %arg6[%add3A, %dma_wait3A_114] : memref<32x128xi32, #tpu.memory_space<hbm>> -> memref<1x128xi32, #tpu.memory_space<hbm>>
      %dma_wait3A_116 = tpu.memref_squeeze %dma_wait3A_115 : memref<1x128xi32, #tpu.memory_space<hbm>> -> memref<128xi32, #tpu.memory_space<hbm>>
      %dma_wait3A_117 = arith.constant 0 : i32
      %dma_wait3A_118 = tpu.memref_slice %arg6[%add3A, %dma_wait3A_117] : memref<32x128xi32, #tpu.memory_space<hbm>> -> memref<1x128xi32, #tpu.memory_space<hbm>>
      %dma_wait3A_119 = tpu.memref_squeeze %dma_wait3A_118 : memref<1x128xi32, #tpu.memory_space<hbm>> -> memref<128xi32, #tpu.memory_space<hbm>>
      tpu.wait_dma2 semaphore(%run_scoped3A : memref<!tpu.dma_semaphore, #tpu.memory_space<semaphore_mem>>) src(%dma_wait3A_119 : memref<128xi32, #tpu.memory_space<hbm>>) dst(%arg8 : memref<128xi32, #tpu.memory_space<vmem>>)
      tpu.yield
    }) : () -> ()
    "tpu.region"() ({
      %run_scoped3A = tpu.sem_alloc : memref<!tpu.dma_semaphore, #tpu.memory_space<semaphore_mem>>
      tpu.enqueue_dma source(%arg5 : memref<128xf32, #tpu.memory_space<hbm>>) target(%arg14 : memref<128xf32, #tpu.memory_space<vmem>>) target_semaphore(%run_scoped3A : memref<!tpu.dma_semaphore, #tpu.memory_space<semaphore_mem>>)
      tpu.wait_dma2 semaphore(%run_scoped3A : memref<!tpu.dma_semaphore, #tpu.memory_space<semaphore_mem>>) src(%arg5 : memref<128xf32, #tpu.memory_space<hbm>>) dst(%arg14 : memref<128xf32, #tpu.memory_space<vmem>>)
      tpu.yield
    }) : () -> ()
    %get3A = arith.constant 0 : index
    %get3A_1 = tpu.vector_load %arg8[%get3A] {strides = array<i32>} : memref<128xi32, #tpu.memory_space<vmem>>, vector<16xi32>,
    %get3A_2 = vector.shape_cast %get3A_1 : vector<16xi32> to vector<16xi32>
    %add3A_3 = arith.constant 10240 : i32
    %add3A_4 = vector.broadcast %add3A_3 : i32 to vector<16xi32>
    %add3A_5 = arith.addi %get3A_2, %add3A_4 : vector<16xi32>
    %swap3A = arith.constant 0 : index
    %swap3A_6 = tpu.vector_load %arg9[%swap3A] {strides = array<i32>} : memref<128xi32, #tpu.memory_space<vmem>>, vector<16xi32>,
    %swap3A_7 = vector.shape_cast %swap3A_6 : vector<16xi32> to vector<16xi32>
    %swap3A_8 = vector.shape_cast %add3A_5 : vector<16xi32> to vector<16xi32>
    tpu.vector_store %arg9[%swap3A], %swap3A_8 {strides = array<i32>} : memref<128xi32, #tpu.memory_space<vmem>>, vector<16xi32>,
    %get3A_9 = arith.constant 16 : index
    %get3A_10 = tpu.vector_load %arg8[%get3A_9] {strides = array<i32>} : memref<128xi32, #tpu.memory_space<vmem>>, vector<16xi32>,
    %get3A_11 = vector.shape_cast %get3A_10 : vector<16xi32> to vector<16xi32>
    %add3A_12 = arith.constant 10240 : i32
    %add3A_13 = vector.broadcast %add3A_12 : i32 to vector<16xi32>
    %add3A_14 = arith.addi %get3A_11, %add3A_13 : vector<16xi32>
    %swap3A_15 = arith.constant 16 : index
    %swap3A_16 = tpu.vector_load %arg9[%swap3A_15] {strides = array<i32>} : memref<128xi32, #tpu.memory_space<vmem>>, vector<16xi32>,
    %swap3A_17 = vector.shape_cast %swap3A_16 : vector<16xi32> to vector<16xi32>
    %swap3A_18 = vector.shape_cast %add3A_14 : vector<16xi32> to vector<16xi32>
    tpu.vector_store %arg9[%swap3A_15], %swap3A_18 {strides = array<i32>} : memref<128xi32, #tpu.memory_space<vmem>>, vector<16xi32>,
    %get3A_19 = arith.constant 32 : index
    %get3A_20 = tpu.vector_load %arg8[%get3A_19] {strides = array<i32>} : memref<128xi32, #tpu.memory_space<vmem>>, vector<16xi32>,
    %get3A_21 = vector.shape_cast %get3A_20 : vector<16xi32> to vector<16xi32>
    %add3A_22 = arith.constant 10240 : i32
    %add3A_23 = vector.broadcast %add3A_22 : i32 to vector<16xi32>
    %add3A_24 = arith.addi %get3A_21, %add3A_23 : vector<16xi32>
    %swap3A_25 = arith.constant 32 : index
    %swap3A_26 = tpu.vector_load %arg9[%swap3A_25] {strides = array<i32>} : memref<128xi32, #tpu.memory_space<vmem>>, vector<16xi32>,
    %swap3A_27 = vector.shape_cast %swap3A_26 : vector<16xi32> to vector<16xi32>
    %swap3A_28 = vector.shape_cast %add3A_24 : vector<16xi32> to vector<16xi32>
    tpu.vector_store %arg9[%swap3A_25], %swap3A_28 {strides = array<i32>} : memref<128xi32, #tpu.memory_space<vmem>>, vector<16xi32>,
    %get3A_29 = arith.constant 48 : index
    %get3A_30 = tpu.vector_load %arg8[%get3A_29] {strides = array<i32>} : memref<128xi32, #tpu.memory_space<vmem>>, vector<16xi32>,
    %get3A_31 = vector.shape_cast %get3A_30 : vector<16xi32> to vector<16xi32>
    %add3A_32 = arith.constant 10240 : i32
    %add3A_33 = vector.broadcast %add3A_32 : i32 to vector<16xi32>
    %add3A_34 = arith.addi %get3A_31, %add3A_33 : vector<16xi32>
    %swap3A_35 = arith.constant 48 : index
    %swap3A_36 = tpu.vector_load %arg9[%swap3A_35] {strides = array<i32>} : memref<128xi32, #tpu.memory_space<vmem>>, vector<16xi32>,
    %swap3A_37 = vector.shape_cast %swap3A_36 : vector<16xi32> to vector<16xi32>
    %swap3A_38 = vector.shape_cast %add3A_34 : vector<16xi32> to vector<16xi32>
    tpu.vector_store %arg9[%swap3A_35], %swap3A_38 {strides = array<i32>} : memref<128xi32, #tpu.memory_space<vmem>>, vector<16xi32>,
    %get3A_39 = arith.constant 64 : index
    %get3A_40 = tpu.vector_load %arg8[%get3A_39] {strides = array<i32>} : memref<128xi32, #tpu.memory_space<vmem>>, vector<16xi32>,
    %get3A_41 = vector.shape_cast %get3A_40 : vector<16xi32> to vector<16xi32>
    %add3A_42 = arith.constant 10240 : i32
    %add3A_43 = vector.broadcast %add3A_42 : i32 to vector<16xi32>
    %add3A_44 = arith.addi %get3A_41, %add3A_43 : vector<16xi32>
    %swap3A_45 = arith.constant 64 : index
    %swap3A_46 = tpu.vector_load %arg9[%swap3A_45] {strides = array<i32>} : memref<128xi32, #tpu.memory_space<vmem>>, vector<16xi32>,
    %swap3A_47 = vector.shape_cast %swap3A_46 : vector<16xi32> to vector<16xi32>
    %swap3A_48 = vector.shape_cast %add3A_44 : vector<16xi32> to vector<16xi32>
    tpu.vector_store %arg9[%swap3A_45], %swap3A_48 {strides = array<i32>} : memref<128xi32, #tpu.memory_space<vmem>>, vector<16xi32>,
    %get3A_49 = arith.constant 80 : index
    %get3A_50 = tpu.vector_load %arg8[%get3A_49] {strides = array<i32>} : memref<128xi32, #tpu.memory_space<vmem>>, vector<16xi32>,
    %get3A_51 = vector.shape_cast %get3A_50 : vector<16xi32> to vector<16xi32>
    %add3A_52 = arith.constant 10240 : i32
    %add3A_53 = vector.broadcast %add3A_52 : i32 to vector<16xi32>
    %add3A_54 = arith.addi %get3A_51, %add3A_53 : vector<16xi32>
    %swap3A_55 = arith.constant 80 : index
    %swap3A_56 = tpu.vector_load %arg9[%swap3A_55] {strides = array<i32>} : memref<128xi32, #tpu.memory_space<vmem>>, vector<16xi32>,
    %swap3A_57 = vector.shape_cast %swap3A_56 : vector<16xi32> to vector<16xi32>
    %swap3A_58 = vector.shape_cast %add3A_54 : vector<16xi32> to vector<16xi32>
    tpu.vector_store %arg9[%swap3A_55], %swap3A_58 {strides = array<i32>} : memref<128xi32, #tpu.memory_space<vmem>>, vector<16xi32>,
    %get3A_59 = arith.constant 96 : index
    %get3A_60 = tpu.vector_load %arg8[%get3A_59] {strides = array<i32>} : memref<128xi32, #tpu.memory_space<vmem>>, vector<16xi32>,
    %get3A_61 = vector.shape_cast %get3A_60 : vector<16xi32> to vector<16xi32>
    %add3A_62 = arith.constant 10240 : i32
    %add3A_63 = vector.broadcast %add3A_62 : i32 to vector<16xi32>
    %add3A_64 = arith.addi %get3A_61, %add3A_63 : vector<16xi32>
    %swap3A_65 = arith.constant 96 : index
    %swap3A_66 = tpu.vector_load %arg9[%swap3A_65] {strides = array<i32>} : memref<128xi32, #tpu.memory_space<vmem>>, vector<16xi32>,
    %swap3A_67 = vector.shape_cast %swap3A_66 : vector<16xi32> to vector<16xi32>
    %swap3A_68 = vector.shape_cast %add3A_64 : vector<16xi32> to vector<16xi32>
    tpu.vector_store %arg9[%swap3A_65], %swap3A_68 {strides = array<i32>} : memref<128xi32, #tpu.memory_space<vmem>>, vector<16xi32>,
    %get3A_69 = arith.constant 112 : index
    %get3A_70 = tpu.vector_load %arg8[%get3A_69] {strides = array<i32>} : memref<128xi32, #tpu.memory_space<vmem>>, vector<16xi32>,
    %get3A_71 = vector.shape_cast %get3A_70 : vector<16xi32> to vector<16xi32>
    %add3A_72 = arith.constant 10240 : i32
    %add3A_73 = vector.broadcast %add3A_72 : i32 to vector<16xi32>
    %add3A_74 = arith.addi %get3A_71, %add3A_73 : vector<16xi32>
    %swap3A_75 = arith.constant 112 : index
    %swap3A_76 = tpu.vector_load %arg9[%swap3A_75] {strides = array<i32>} : memref<128xi32, #tpu.memory_space<vmem>>, vector<16xi32>,
    %swap3A_77 = vector.shape_cast %swap3A_76 : vector<16xi32> to vector<16xi32>
    %swap3A_78 = vector.shape_cast %add3A_74 : vector<16xi32> to vector<16xi32>
    tpu.vector_store %arg9[%swap3A_75], %swap3A_78 {strides = array<i32>} : memref<128xi32, #tpu.memory_space<vmem>>, vector<16xi32>,
    %dma_start3A = arith.constant 0 : i32
    %dma_start3A_79 = arith.constant 0 : i32
    %dma_start3A_80 = tpu.memref_slice %arg2[%dma_start3A, %dma_start3A_79] : memref<20480x128xf32, #tpu.memory_space<hbm>> -> memref<20480x128xf32, #tpu.memory_space<hbm>>
    tpu.enqueue_indirect_dma source(%dma_start3A_80 : memref<20480x128xf32, #tpu.memory_space<hbm>>) target(%arg10 : memref<128x128xf32, #tpu.memory_space<vmem>>) offsets(%arg8 : memref<128xi32, #tpu.memory_space<vmem>>) semaphore(%arg15 : memref<!tpu.dma_semaphore, #tpu.memory_space<semaphore_mem>>)
    %dma_wait3A = arith.constant 0 : i32
    %dma_wait3A_81 = arith.constant 0 : i32
    %dma_wait3A_82 = tpu.memref_slice %arg2[%dma_wait3A, %dma_wait3A_81] : memref<20480x128xf32, #tpu.memory_space<hbm>> -> memref<20480x128xf32, #tpu.memory_space<hbm>>
    tpu.wait_indirect_dma semaphore(%arg15 : memref<!tpu.dma_semaphore, #tpu.memory_space<semaphore_mem>>) src(%dma_wait3A_82 : memref<20480x128xf32, #tpu.memory_space<hbm>>) dst(%arg10 : memref<128x128xf32, #tpu.memory_space<vmem>>)
    %dma_start3A_83 = arith.constant 0 : i32
    %dma_start3A_84 = arith.constant 0 : i32
    %dma_start3A_85 = tpu.memref_slice %arg2[%dma_start3A_83, %dma_start3A_84] : memref<20480x128xf32, #tpu.memory_space<hbm>> -> memref<20480x128xf32, #tpu.memory_space<hbm>>
    tpu.enqueue_indirect_dma source(%dma_start3A_85 : memref<20480x128xf32, #tpu.memory_space<hbm>>) target(%arg11 : memref<128x128xf32, #tpu.memory_space<vmem>>) offsets(%arg9 : memref<128xi32, #tpu.memory_space<vmem>>) semaphore(%arg15 : memref<!tpu.dma_semaphore, #tpu.memory_space<semaphore_mem>>)
    %dma_wait3A_86 = arith.constant 0 : i32
    %dma_wait3A_87 = arith.constant 0 : i32
    %dma_wait3A_88 = tpu.memref_slice %arg2[%dma_wait3A_86, %dma_wait3A_87] : memref<20480x128xf32, #tpu.memory_space<hbm>> -> memref<20480x128xf32, #tpu.memory_space<hbm>>
    tpu.wait_indirect_dma semaphore(%arg15 : memref<!tpu.dma_semaphore, #tpu.memory_space<semaphore_mem>>) src(%dma_wait3A_88 : memref<20480x128xf32, #tpu.memory_space<hbm>>) dst(%arg11 : memref<128x128xf32, #tpu.memory_space<vmem>>)
    %dma_start3A_89 = arith.constant 0 : i32
    %dma_start3A_90 = arith.constant 0 : i32
    %dma_start3A_91 = tpu.memref_slice %arg3[%dma_start3A_89, %dma_start3A_90] : memref<10240x128xf32, #tpu.memory_space<hbm>> -> memref<10240x128xf32, #tpu.memory_space<hbm>>
    tpu.enqueue_indirect_dma source(%dma_start3A_91 : memref<10240x128xf32, #tpu.memory_space<hbm>>) target(%arg12 : memref<128x128xf32, #tpu.memory_space<vmem>>) offsets(%arg8 : memref<128xi32, #tpu.memory_space<vmem>>) semaphore(%arg15 : memref<!tpu.dma_semaphore, #tpu.memory_space<semaphore_mem>>)
    %dma_wait3A_92 = arith.constant 0 : i32
    %dma_wait3A_93 = arith.constant 0 : i32
    %dma_wait3A_94 = tpu.memref_slice %arg3[%dma_wait3A_92, %dma_wait3A_93] : memref<10240x128xf32, #tpu.memory_space<hbm>> -> memref<10240x128xf32, #tpu.memory_space<hbm>>
    tpu.wait_indirect_dma semaphore(%arg15 : memref<!tpu.dma_semaphore, #tpu.memory_space<semaphore_mem>>) src(%dma_wait3A_94 : memref<10240x128xf32, #tpu.memory_space<hbm>>) dst(%arg12 : memref<128x128xf32, #tpu.memory_space<vmem>>)
    %dma_start3A_95 = arith.constant 0 : i32
    %dma_start3A_96 = arith.constant 0 : i32
    %dma_start3A_97 = tpu.memref_slice %arg4[%dma_start3A_95, %dma_start3A_96] : memref<10240x128xf32, #tpu.memory_space<hbm>> -> memref<10240x128xf32, #tpu.memory_space<hbm>>
    tpu.enqueue_indirect_dma source(%dma_start3A_97 : memref<10240x128xf32, #tpu.memory_space<hbm>>) target(%arg13 : memref<128x128xf32, #tpu.memory_space<vmem>>) offsets(%arg8 : memref<128xi32, #tpu.memory_space<vmem>>) semaphore(%arg15 : memref<!tpu.dma_semaphore, #tpu.memory_space<semaphore_mem>>)
    %dma_wait3A_98 = arith.constant 0 : i32
    %dma_wait3A_99 = arith.constant 0 : i32
    %dma_wait3A_100 = tpu.memref_slice %arg4[%dma_wait3A_98, %dma_wait3A_99] : memref<10240x128xf32, #tpu.memory_space<hbm>> -> memref<10240x128xf32, #tpu.memory_space<hbm>>
    tpu.wait_indirect_dma semaphore(%arg15 : memref<!tpu.dma_semaphore, #tpu.memory_space<semaphore_mem>>) src(%dma_wait3A_100 : memref<10240x128xf32, #tpu.memory_space<hbm>>) dst(%arg13 : memref<128x128xf32, #tpu.memory_space<vmem>>)
    %scan3A = arith.constant 0 : i32
    %scan3A_101 = arith.constant 0 : i32
    %scan3A_102 = arith.constant 128 : i32
    %scan3A_103 = arith.addi %scan3A_101, %scan3A_102 : i32
    %scan3A_104 = arith.constant 1 : i32
    scf.for %scan3A_108 = %scan3A_101 to %scan3A_103 step %scan3A_104  : i32 {
      %get3A_109 = arith.index_cast %scan3A_108 : i32 to index
      %get3A_110 = arith.constant 0 : index
      %get3A_111 = tpu.vector_load %arg13[%get3A_109, %get3A_110] {strides = array<i32>} : memref<128x128xf32, #tpu.memory_space<vmem>>, vector<1x16xf32>,
      %get3A_112 = vector.shape_cast %get3A_111 : vector<1x16xf32> to vector<16xf32>
      %get3A_113 = arith.index_cast %scan3A_108 : i32 to index
      %get3A_114 = arith.constant 0 : index
      %get3A_115 = tpu.vector_load %arg10[%get3A_113, %get3A_114] {strides = array<i32>} : memref<128x128xf32, #tpu.memory_space<vmem>>, vector<1x16xf32>,
      %get3A_116 = vector.shape_cast %get3A_115 : vector<1x16xf32> to vector<16xf32>
      %get3A_117 = arith.index_cast %scan3A_108 : i32 to index
      %get3A_118 = arith.constant 0 : index
      %get3A_119 = tpu.vector_load %arg11[%get3A_117, %get3A_118] {strides = array<i32>} : memref<128x128xf32, #tpu.memory_space<vmem>>, vector<1x16xf32>,
      %get3A_120 = vector.shape_cast %get3A_119 : vector<1x16xf32> to vector<16xf32>
      %add3A_121 = arith.addf %get3A_116, %get3A_120 : vector<16xf32>
      %mul3A_122 = arith.mulf %get3A_112, %add3A_121 : vector<16xf32>
      %get3A_123 = arith.index_cast %scan3A_108 : i32 to index
      %get3A_124 = arith.constant 0 : index
      %get3A_125 = tpu.vector_load %arg12[%get3A_123, %get3A_124] {strides = array<i32>} : memref<128x128xf32, #tpu.memory_space<vmem>>, vector<1x16xf32>,
      %get3A_126 = vector.shape_cast %get3A_125 : vector<1x16xf32> to vector<16xf32>
      %add3A_127 = arith.addf %mul3A_122, %get3A_126 : vector<16xf32>
      %get3A_128 = arith.constant 0 : index
      %get3A_129 = tpu.vector_load %arg14[%get3A_128] {strides = array<i32>} : memref<128xf32, #tpu.memory_space<vmem>>, vector<16xf32>,
      %get3A_130 = vector.shape_cast %get3A_129 : vector<16xf32> to vector<16xf32>
      %add3A_131 = arith.addf %add3A_127, %get3A_130 : vector<16xf32>
      %max3A = arith.constant 0.000000e+00 : f32
      %max3A_132 = vector.broadcast %max3A : f32 to vector<16xf32>
      %max3A_133 = arith.maximumf %add3A_131, %max3A_132 : vector<16xf32>
      %swap3A_134 = arith.index_cast %scan3A_108 : i32 to index
      %swap3A_135 = arith.constant 0 : index
      %swap3A_136 = tpu.vector_load %arg10[%swap3A_134, %swap3A_135] {strides = array<i32>} : memref<128x128xf32, #tpu.memory_space<vmem>>, vector<1x16xf32>,
      %swap3A_137 = vector.shape_cast %swap3A_136 : vector<1x16xf32> to vector<16xf32>
      %swap3A_138 = vector.shape_cast %max3A_133 : vector<16xf32> to vector<1x16xf32>
      tpu.vector_store %arg10[%swap3A_134, %swap3A_135], %swap3A_138 {strides = array<i32>} : memref<128x128xf32, #tpu.memory_space<vmem>>, vector<1x16xf32>,
      %get3A_139 = arith.index_cast %scan3A_108 : i32 to index
      %get3A_140 = arith.constant 16 : index
      %get3A_141 = tpu.vector_load %arg10[%get3A_139, %get3A_140] {strides = array<i32>} : memref<128x128xf32, #tpu.memory_space<vmem>>, vector<1x16xf32>,
      %get3A_142 = vector.shape_cast %get3A_141 : vector<1x16xf32> to vector<16xf32>
      %get3A_143 = arith.index_cast %scan3A_108 : i32 to index
      %get3A_144 = arith.constant 16 : index
      %get3A_145 = tpu.vector_load %arg11[%get3A_143, %get3A_144] {strides = array<i32>} : memref<128x128xf32, #tpu.memory_space<vmem>>, vector<1x16xf32>,
      %get3A_146 = vector.shape_cast %get3A_145 : vector<1x16xf32> to vector<16xf32>
      %add3A_147 = arith.addf %get3A_142, %get3A_146 : vector<16xf32>
      %mul3A_148 = arith.mulf %get3A_112, %add3A_147 : vector<16xf32>
      %get3A_149 = arith.index_cast %scan3A_108 : i32 to index
      %get3A_150 = arith.constant 16 : index
      %get3A_151 = tpu.vector_load %arg12[%get3A_149, %get3A_150] {strides = array<i32>} : memref<128x128xf32, #tpu.memory_space<vmem>>, vector<1x16xf32>,
      %get3A_152 = vector.shape_cast %get3A_151 : vector<1x16xf32> to vector<16xf32>
      %add3A_153 = arith.addf %mul3A_148, %get3A_152 : vector<16xf32>
      %get3A_154 = arith.constant 16 : index
      %get3A_155 = tpu.vector_load %arg14[%get3A_154] {strides = array<i32>} : memref<128xf32, #tpu.memory_space<vmem>>, vector<16xf32>,
      %get3A_156 = vector.shape_cast %get3A_155 : vector<16xf32> to vector<16xf32>
      %add3A_157 = arith.addf %add3A_153, %get3A_156 : vector<16xf32>
      %max3A_158 = arith.constant 0.000000e+00 : f32
      %max3A_159 = vector.broadcast %max3A_158 : f32 to vector<16xf32>
      %max3A_160 = arith.maximumf %add3A_157, %max3A_159 : vector<16xf32>
      %swap3A_161 = arith.index_cast %scan3A_108 : i32 to index
      %swap3A_162 = arith.constant 16 : index
      %swap3A_163 = tpu.vector_load %arg10[%swap3A_161, %swap3A_162] {strides = array<i32>} : memref<128x128xf32, #tpu.memory_space<vmem>>, vector<1x16xf32>,
      %swap3A_164 = vector.shape_cast %swap3A_163 : vector<1x16xf32> to vector<16xf32>
      %swap3A_165 = vector.shape_cast %max3A_160 : vector<16xf32> to vector<1x16xf32>
      tpu.vector_store %arg10[%swap3A_161, %swap3A_162], %swap3A_165 {strides = array<i32>} : memref<128x128xf32, #tpu.memory_space<vmem>>, vector<1x16xf32>,
      %get3A_166 = arith.index_cast %scan3A_108 : i32 to index
      %get3A_167 = arith.constant 32 : index
      %get3A_168 = tpu.vector_load %arg10[%get3A_166, %get3A_167] {strides = array<i32>} : memref<128x128xf32, #tpu.memory_space<vmem>>, vector<1x16xf32>,
      %get3A_169 = vector.shape_cast %get3A_168 : vector<1x16xf32> to vector<16xf32>
      %get3A_170 = arith.index_cast %scan3A_108 : i32 to index
      %get3A_171 = arith.constant 32 : index
      %get3A_172 = tpu.vector_load %arg11[%get3A_170, %get3A_171] {strides = array<i32>} : memref<128x128xf32, #tpu.memory_space<vmem>>, vector<1x16xf32>,
      %get3A_173 = vector.shape_cast %get3A_172 : vector<1x16xf32> to vector<16xf32>
      %add3A_174 = arith.addf %get3A_169, %get3A_173 : vector<16xf32>
      %mul3A_175 = arith.mulf %get3A_112, %add3A_174 : vector<16xf32>
      %get3A_176 = arith.index_cast %scan3A_108 : i32 to index
      %get3A_177 = arith.constant 32 : index
      %get3A_178 = tpu.vector_load %arg12[%get3A_176, %get3A_177] {strides = array<i32>} : memref<128x128xf32, #tpu.memory_space<vmem>>, vector<1x16xf32>,
      %get3A_179 = vector.shape_cast %get3A_178 : vector<1x16xf32> to vector<16xf32>
      %add3A_180 = arith.addf %mul3A_175, %get3A_179 : vector<16xf32>
      %get3A_181 = arith.constant 32 : index
      %get3A_182 = tpu.vector_load %arg14[%get3A_181] {strides = array<i32>} : memref<128xf32, #tpu.memory_space<vmem>>, vector<16xf32>,
      %get3A_183 = vector.shape_cast %get3A_182 : vector<16xf32> to vector<16xf32>
      %add3A_184 = arith.addf %add3A_180, %get3A_183 : vector<16xf32>
      %max3A_185 = arith.constant 0.000000e+00 : f32
      %max3A_186 = vector.broadcast %max3A_185 : f32 to vector<16xf32>
      %max3A_187 = arith.maximumf %add3A_184, %max3A_186 : vector<16xf32>
      %swap3A_188 = arith.index_cast %scan3A_108 : i32 to index
      %swap3A_189 = arith.constant 32 : index
      %swap3A_190 = tpu.vector_load %arg10[%swap3A_188, %swap3A_189] {strides = array<i32>} : memref<128x128xf32, #tpu.memory_space<vmem>>, vector<1x16xf32>,
      %swap3A_191 = vector.shape_cast %swap3A_190 : vector<1x16xf32> to vector<16xf32>
      %swap3A_192 = vector.shape_cast %max3A_187 : vector<16xf32> to vector<1x16xf32>
      tpu.vector_store %arg10[%swap3A_188, %swap3A_189], %swap3A_192 {strides = array<i32>} : memref<128x128xf32, #tpu.memory_space<vmem>>, vector<1x16xf32>,
      %get3A_193 = arith.index_cast %scan3A_108 : i32 to index
      %get3A_194 = arith.constant 48 : index
      %get3A_195 = tpu.vector_load %arg10[%get3A_193, %get3A_194] {strides = array<i32>} : memref<128x128xf32, #tpu.memory_space<vmem>>, vector<1x16xf32>,
      %get3A_196 = vector.shape_cast %get3A_195 : vector<1x16xf32> to vector<16xf32>
      %get3A_197 = arith.index_cast %scan3A_108 : i32 to index
      %get3A_198 = arith.constant 48 : index
      %get3A_199 = tpu.vector_load %arg11[%get3A_197, %get3A_198] {strides = array<i32>} : memref<128x128xf32, #tpu.memory_space<vmem>>, vector<1x16xf32>,
      %get3A_200 = vector.shape_cast %get3A_199 : vector<1x16xf32> to vector<16xf32>
      %add3A_201 = arith.addf %get3A_196, %get3A_200 : vector<16xf32>
      %mul3A_202 = arith.mulf %get3A_112, %add3A_201 : vector<16xf32>
      %get3A_203 = arith.index_cast %scan3A_108 : i32 to index
      %get3A_204 = arith.constant 48 : index
      %get3A_205 = tpu.vector_load %arg12[%get3A_203, %get3A_204] {strides = array<i32>} : memref<128x128xf32, #tpu.memory_space<vmem>>, vector<1x16xf32>,
      %get3A_206 = vector.shape_cast %get3A_205 : vector<1x16xf32> to vector<16xf32>
      %add3A_207 = arith.addf %mul3A_202, %get3A_206 : vector<16xf32>
      %get3A_208 = arith.constant 48 : index
      %get3A_209 = tpu.vector_load %arg14[%get3A_208] {strides = array<i32>} : memref<128xf32, #tpu.memory_space<vmem>>, vector<16xf32>,
      %get3A_210 = vector.shape_cast %get3A_209 : vector<16xf32> to vector<16xf32>
      %add3A_211 = arith.addf %add3A_207, %get3A_210 : vector<16xf32>
      %max3A_212 = arith.constant 0.000000e+00 : f32
      %max3A_213 = vector.broadcast %max3A_212 : f32 to vector<16xf32>
      %max3A_214 = arith.maximumf %add3A_211, %max3A_213 : vector<16xf32>
      %swap3A_215 = arith.index_cast %scan3A_108 : i32 to index
      %swap3A_216 = arith.constant 48 : index
      %swap3A_217 = tpu.vector_load %arg10[%swap3A_215, %swap3A_216] {strides = array<i32>} : memref<128x128xf32, #tpu.memory_space<vmem>>, vector<1x16xf32>,
      %swap3A_218 = vector.shape_cast %swap3A_217 : vector<1x16xf32> to vector<16xf32>
      %swap3A_219 = vector.shape_cast %max3A_214 : vector<16xf32> to vector<1x16xf32>
      tpu.vector_store %arg10[%swap3A_215, %swap3A_216], %swap3A_219 {strides = array<i32>} : memref<128x128xf32, #tpu.memory_space<vmem>>, vector<1x16xf32>,
      %get3A_220 = arith.index_cast %scan3A_108 : i32 to index
      %get3A_221 = arith.constant 64 : index
      %get3A_222 = tpu.vector_load %arg10[%get3A_220, %get3A_221] {strides = array<i32>} : memref<128x128xf32, #tpu.memory_space<vmem>>, vector<1x16xf32>,
      %get3A_223 = vector.shape_cast %get3A_222 : vector<1x16xf32> to vector<16xf32>
      %get3A_224 = arith.index_cast %scan3A_108 : i32 to index
      %get3A_225 = arith.constant 64 : index
      %get3A_226 = tpu.vector_load %arg11[%get3A_224, %get3A_225] {strides = array<i32>} : memref<128x128xf32, #tpu.memory_space<vmem>>, vector<1x16xf32>,
      %get3A_227 = vector.shape_cast %get3A_226 : vector<1x16xf32> to vector<16xf32>
      %add3A_228 = arith.addf %get3A_223, %get3A_227 : vector<16xf32>
      %mul3A_229 = arith.mulf %get3A_112, %add3A_228 : vector<16xf32>
      %get3A_230 = arith.index_cast %scan3A_108 : i32 to index
      %get3A_231 = arith.constant 64 : index
      %get3A_232 = tpu.vector_load %arg12[%get3A_230, %get3A_231] {strides = array<i32>} : memref<128x128xf32, #tpu.memory_space<vmem>>, vector<1x16xf32>,
      %get3A_233 = vector.shape_cast %get3A_232 : vector<1x16xf32> to vector<16xf32>
      %add3A_234 = arith.addf %mul3A_229, %get3A_233 : vector<16xf32>
      %get3A_235 = arith.constant 64 : index
      %get3A_236 = tpu.vector_load %arg14[%get3A_235] {strides = array<i32>} : memref<128xf32, #tpu.memory_space<vmem>>, vector<16xf32>,
      %get3A_237 = vector.shape_cast %get3A_236 : vector<16xf32> to vector<16xf32>
      %add3A_238 = arith.addf %add3A_234, %get3A_237 : vector<16xf32>
      %max3A_239 = arith.constant 0.000000e+00 : f32
      %max3A_240 = vector.broadcast %max3A_239 : f32 to vector<16xf32>
      %max3A_241 = arith.maximumf %add3A_238, %max3A_240 : vector<16xf32>
      %swap3A_242 = arith.index_cast %scan3A_108 : i32 to index
      %swap3A_243 = arith.constant 64 : index
      %swap3A_244 = tpu.vector_load %arg10[%swap3A_242, %swap3A_243] {strides = array<i32>} : memref<128x128xf32, #tpu.memory_space<vmem>>, vector<1x16xf32>,
      %swap3A_245 = vector.shape_cast %swap3A_244 : vector<1x16xf32> to vector<16xf32>
      %swap3A_246 = vector.shape_cast %max3A_241 : vector<16xf32> to vector<1x16xf32>
      tpu.vector_store %arg10[%swap3A_242, %swap3A_243], %swap3A_246 {strides = array<i32>} : memref<128x128xf32, #tpu.memory_space<vmem>>, vector<1x16xf32>,
      %get3A_247 = arith.index_cast %scan3A_108 : i32 to index
      %get3A_248 = arith.constant 80 : index
      %get3A_249 = tpu.vector_load %arg10[%get3A_247, %get3A_248] {strides = array<i32>} : memref<128x128xf32, #tpu.memory_space<vmem>>, vector<1x16xf32>,
      %get3A_250 = vector.shape_cast %get3A_249 : vector<1x16xf32> to vector<16xf32>
      %get3A_251 = arith.index_cast %scan3A_108 : i32 to index
      %get3A_252 = arith.constant 80 : index
      %get3A_253 = tpu.vector_load %arg11[%get3A_251, %get3A_252] {strides = array<i32>} : memref<128x128xf32, #tpu.memory_space<vmem>>, vector<1x16xf32>,
      %get3A_254 = vector.shape_cast %get3A_253 : vector<1x16xf32> to vector<16xf32>
      %add3A_255 = arith.addf %get3A_250, %get3A_254 : vector<16xf32>
      %mul3A_256 = arith.mulf %get3A_112, %add3A_255 : vector<16xf32>
      %get3A_257 = arith.index_cast %scan3A_108 : i32 to index
      %get3A_258 = arith.constant 80 : index
      %get3A_259 = tpu.vector_load %arg12[%get3A_257, %get3A_258] {strides = array<i32>} : memref<128x128xf32, #tpu.memory_space<vmem>>, vector<1x16xf32>,
      %get3A_260 = vector.shape_cast %get3A_259 : vector<1x16xf32> to vector<16xf32>
      %add3A_261 = arith.addf %mul3A_256, %get3A_260 : vector<16xf32>
      %get3A_262 = arith.constant 80 : index
      %get3A_263 = tpu.vector_load %arg14[%get3A_262] {strides = array<i32>} : memref<128xf32, #tpu.memory_space<vmem>>, vector<16xf32>,
      %get3A_264 = vector.shape_cast %get3A_263 : vector<16xf32> to vector<16xf32>
      %add3A_265 = arith.addf %add3A_261, %get3A_264 : vector<16xf32>
      %max3A_266 = arith.constant 0.000000e+00 : f32
      %max3A_267 = vector.broadcast %max3A_266 : f32 to vector<16xf32>
      %max3A_268 = arith.maximumf %add3A_265, %max3A_267 : vector<16xf32>
      %swap3A_269 = arith.index_cast %scan3A_108 : i32 to index
      %swap3A_270 = arith.constant 80 : index
      %swap3A_271 = tpu.vector_load %arg10[%swap3A_269, %swap3A_270] {strides = array<i32>} : memref<128x128xf32, #tpu.memory_space<vmem>>, vector<1x16xf32>,
      %swap3A_272 = vector.shape_cast %swap3A_271 : vector<1x16xf32> to vector<16xf32>
      %swap3A_273 = vector.shape_cast %max3A_268 : vector<16xf32> to vector<1x16xf32>
      tpu.vector_store %arg10[%swap3A_269, %swap3A_270], %swap3A_273 {strides = array<i32>} : memref<128x128xf32, #tpu.memory_space<vmem>>, vector<1x16xf32>,
      %get3A_274 = arith.index_cast %scan3A_108 : i32 to index
      %get3A_275 = arith.constant 96 : index
      %get3A_276 = tpu.vector_load %arg10[%get3A_274, %get3A_275] {strides = array<i32>} : memref<128x128xf32, #tpu.memory_space<vmem>>, vector<1x16xf32>,
      %get3A_277 = vector.shape_cast %get3A_276 : vector<1x16xf32> to vector<16xf32>
      %get3A_278 = arith.index_cast %scan3A_108 : i32 to index
      %get3A_279 = arith.constant 96 : index
      %get3A_280 = tpu.vector_load %arg11[%get3A_278, %get3A_279] {strides = array<i32>} : memref<128x128xf32, #tpu.memory_space<vmem>>, vector<1x16xf32>,
      %get3A_281 = vector.shape_cast %get3A_280 : vector<1x16xf32> to vector<16xf32>
      %add3A_282 = arith.addf %get3A_277, %get3A_281 : vector<16xf32>
      %mul3A_283 = arith.mulf %get3A_112, %add3A_282 : vector<16xf32>
      %get3A_284 = arith.index_cast %scan3A_108 : i32 to index
      %get3A_285 = arith.constant 96 : index
      %get3A_286 = tpu.vector_load %arg12[%get3A_284, %get3A_285] {strides = array<i32>} : memref<128x128xf32, #tpu.memory_space<vmem>>, vector<1x16xf32>,
      %get3A_287 = vector.shape_cast %get3A_286 : vector<1x16xf32> to vector<16xf32>
      %add3A_288 = arith.addf %mul3A_283, %get3A_287 : vector<16xf32>
      %get3A_289 = arith.constant 96 : index
      %get3A_290 = tpu.vector_load %arg14[%get3A_289] {strides = array<i32>} : memref<128xf32, #tpu.memory_space<vmem>>, vector<16xf32>,
      %get3A_291 = vector.shape_cast %get3A_290 : vector<16xf32> to vector<16xf32>
      %add3A_292 = arith.addf %add3A_288, %get3A_291 : vector<16xf32>
      %max3A_293 = arith.constant 0.000000e+00 : f32
      %max3A_294 = vector.broadcast %max3A_293 : f32 to vector<16xf32>
      %max3A_295 = arith.maximumf %add3A_292, %max3A_294 : vector<16xf32>
      %swap3A_296 = arith.index_cast %scan3A_108 : i32 to index
      %swap3A_297 = arith.constant 96 : index
      %swap3A_298 = tpu.vector_load %arg10[%swap3A_296, %swap3A_297] {strides = array<i32>} : memref<128x128xf32, #tpu.memory_space<vmem>>, vector<1x16xf32>,
      %swap3A_299 = vector.shape_cast %swap3A_298 : vector<1x16xf32> to vector<16xf32>
      %swap3A_300 = vector.shape_cast %max3A_295 : vector<16xf32> to vector<1x16xf32>
      tpu.vector_store %arg10[%swap3A_296, %swap3A_297], %swap3A_300 {strides = array<i32>} : memref<128x128xf32, #tpu.memory_space<vmem>>, vector<1x16xf32>,
      %get3A_301 = arith.index_cast %scan3A_108 : i32 to index
      %get3A_302 = arith.constant 112 : index
      %get3A_303 = tpu.vector_load %arg10[%get3A_301, %get3A_302] {strides = array<i32>} : memref<128x128xf32, #tpu.memory_space<vmem>>, vector<1x16xf32>,
      %get3A_304 = vector.shape_cast %get3A_303 : vector<1x16xf32> to vector<16xf32>
      %get3A_305 = arith.index_cast %scan3A_108 : i32 to index
      %get3A_306 = arith.constant 112 : index
      %get3A_307 = tpu.vector_load %arg11[%get3A_305, %get3A_306] {strides = array<i32>} : memref<128x128xf32, #tpu.memory_space<vmem>>, vector<1x16xf32>,
      %get3A_308 = vector.shape_cast %get3A_307 : vector<1x16xf32> to vector<16xf32>
      %add3A_309 = arith.addf %get3A_304, %get3A_308 : vector<16xf32>
      %mul3A_310 = arith.mulf %get3A_112, %add3A_309 : vector<16xf32>
      %get3A_311 = arith.index_cast %scan3A_108 : i32 to index
      %get3A_312 = arith.constant 112 : index
      %get3A_313 = tpu.vector_load %arg12[%get3A_311, %get3A_312] {strides = array<i32>} : memref<128x128xf32, #tpu.memory_space<vmem>>, vector<1x16xf32>,
      %get3A_314 = vector.shape_cast %get3A_313 : vector<1x16xf32> to vector<16xf32>
      %add3A_315 = arith.addf %mul3A_310, %get3A_314 : vector<16xf32>
      %get3A_316 = arith.constant 112 : index
      %get3A_317 = tpu.vector_load %arg14[%get3A_316] {strides = array<i32>} : memref<128xf32, #tpu.memory_space<vmem>>, vector<16xf32>,
      %get3A_318 = vector.shape_cast %get3A_317 : vector<16xf32> to vector<16xf32>
      %add3A_319 = arith.addf %add3A_315, %get3A_318 : vector<16xf32>
      %max3A_320 = arith.constant 0.000000e+00 : f32
      %max3A_321 = vector.broadcast %max3A_320 : f32 to vector<16xf32>
      %max3A_322 = arith.maximumf %add3A_319, %max3A_321 : vector<16xf32>
      %swap3A_323 = arith.index_cast %scan3A_108 : i32 to index
      %swap3A_324 = arith.constant 112 : index
      %swap3A_325 = tpu.vector_load %arg10[%swap3A_323, %swap3A_324] {strides = array<i32>} : memref<128x128xf32, #tpu.memory_space<vmem>>, vector<1x16xf32>,
      %swap3A_326 = vector.shape_cast %swap3A_325 : vector<1x16xf32> to vector<16xf32>
      %swap3A_327 = vector.shape_cast %max3A_322 : vector<16xf32> to vector<1x16xf32>
      tpu.vector_store %arg10[%swap3A_323, %swap3A_324], %swap3A_327 {strides = array<i32>} : memref<128x128xf32, #tpu.memory_space<vmem>>, vector<1x16xf32>,
    }
    %scan3A_105 = arith.constant 128 : i32
    %mul3A_106 = arith.constant 128 : i32
    %mul3A_107 = arith.muli %add3A, %mul3A_106 : i32
    "tpu.region"() ({
      %run_scoped3A = tpu.sem_alloc : memref<!tpu.dma_semaphore, #tpu.memory_space<semaphore_mem>>
      %dma_start3A_108 = arith.constant 0 : i32
      %dma_start3A_109 = tpu.memref_slice %arg7[%mul3A_107, %dma_start3A_108] : memref<4096x128xf32, #tpu.memory_space<hbm>> -> memref<128x128xf32, #tpu.memory_space<hbm>>
      %dma_start3A_110 = arith.constant 0 : i32
      %dma_start3A_111 = tpu.memref_slice %arg7[%mul3A_107, %dma_start3A_110] : memref<4096x128xf32, #tpu.memory_space<hbm>> -> memref<128x128xf32, #tpu.memory_space<hbm>>
      tpu.enqueue_dma source(%arg10 : memref<128x128xf32, #tpu.memory_space<vmem>>) target(%dma_start3A_111 : memref<128x128xf32, #tpu.memory_space<hbm>>) target_semaphore(%run_scoped3A : memref<!tpu.dma_semaphore, #tpu.memory_space<semaphore_mem>>)
      %dma_wait3A_112 = arith.constant 0 : i32
      %dma_wait3A_113 = tpu.memref_slice %arg7[%mul3A_107, %dma_wait3A_112] : memref<4096x128xf32, #tpu.memory_space<hbm>> -> memref<128x128xf32, #tpu.memory_space<hbm>>
      %dma_wait3A_114 = arith.constant 0 : i32
      %dma_wait3A_115 = tpu.memref_slice %arg7[%mul3A_107, %dma_wait3A_114] : memref<4096x128xf32, #tpu.memory_space<hbm>> -> memref<128x128xf32, #tpu.memory_space<hbm>>
      tpu.wait_dma2 semaphore(%run_scoped3A : memref<!tpu.dma_semaphore, #tpu.memory_space<semaphore_mem>>) src(%arg10 : memref<128x128xf32, #tpu.memory_space<vmem>>) dst(%dma_wait3A_115 : memref<128x128xf32, #tpu.memory_space<hbm>>)
      tpu.yield
    }) : () -> ()
    return
  }
}

#map = affine_map<(d0, d1) -> (0, 0)>
#map1 = affine_map<(d0, d1) -> (0, 0, 0)>
module attributes {stable_mosaic.version = 14 : i64} {
  func.func @_spmm2_kernel(%arg0: i32, %arg1: i32, %arg2: memref<10240x128xf32, #tpu.memory_space<hbm>>, %arg3: memref<1280x128xi32, #tpu.memory_space<hbm>>, %arg4: memref<1280x128xi32, #tpu.memory_space<hbm>>, %arg5: memref<2x10240x128xf32, #tpu.memory_space<hbm>>, %arg6: memref<40x128xi32, #tpu.memory_space<vmem>>, %arg7: memref<40x128xi32, #tpu.memory_space<vmem>>, %arg8: memref<128x128xf32, #tpu.memory_space<vmem>>, %arg9: memref<80x128xf32, #tpu.memory_space<vmem>>, %arg10: memref<10240x128xf32, #tpu.memory_space<vmem_shared>>, %arg11: memref<!tpu.dma_semaphore, #tpu.memory_space<semaphore_mem>>) attributes {dimension_semantics = [#tpu.dimension_semantics<core_parallel>, #tpu.dimension_semantics<subcore_parallel>], iteration_bounds = array<i64: 2, 16>, scalar_prefetch = 0 : i64, scratch_operands = 6 : i64, tpu.core_type = #tpu.core_type<sc_vector_subcore>, window_params = [{transform_indices = #map}, {transform_indices = #map}, {transform_indices = #map}, {transform_indices = #map1}]} {
    %mul3A = arith.constant 2 : i32
    %mul3A_0 = arith.muli %arg1, %mul3A : i32
    %add3A = arith.addi %mul3A_0, %arg0 : i32
    %scan3A = arith.constant 0 : i32
    %scan3A_1 = arith.constant 0 : i32
    %scan3A_2 = arith.constant 80 : i32
    %scan3A_3 = arith.addi %scan3A_1, %scan3A_2 : i32
    %scan3A_4 = arith.constant 1 : i32
    scf.for %scan3A_53 = %scan3A_1 to %scan3A_3 step %scan3A_4  : i32 {
      %broadcast_in_dim3A = arith.constant 0.000000e+00 : f32
      %broadcast_in_dim3A_54 = vector.broadcast %broadcast_in_dim3A : f32 to vector<16xf32>
      %swap3A = arith.index_cast %scan3A_53 : i32 to index
      %swap3A_55 = arith.constant 0 : index
      %swap3A_56 = tpu.vector_load %arg9[%swap3A, %swap3A_55] {strides = array<i32>} : memref<80x128xf32, #tpu.memory_space<vmem>>, vector<1x16xf32>,
      %swap3A_57 = vector.shape_cast %swap3A_56 : vector<1x16xf32> to vector<16xf32>
      %swap3A_58 = vector.shape_cast %broadcast_in_dim3A_54 : vector<16xf32> to vector<1x16xf32>
      tpu.vector_store %arg9[%swap3A, %swap3A_55], %swap3A_58 {strides = array<i32>} : memref<80x128xf32, #tpu.memory_space<vmem>>, vector<1x16xf32>,
      %broadcast_in_dim3A_59 = arith.constant 0.000000e+00 : f32
      %broadcast_in_dim3A_60 = vector.broadcast %broadcast_in_dim3A_59 : f32 to vector<16xf32>
      %swap3A_61 = arith.index_cast %scan3A_53 : i32 to index
      %swap3A_62 = arith.constant 16 : index
      %swap3A_63 = tpu.vector_load %arg9[%swap3A_61, %swap3A_62] {strides = array<i32>} : memref<80x128xf32, #tpu.memory_space<vmem>>, vector<1x16xf32>,
      %swap3A_64 = vector.shape_cast %swap3A_63 : vector<1x16xf32> to vector<16xf32>
      %swap3A_65 = vector.shape_cast %broadcast_in_dim3A_60 : vector<16xf32> to vector<1x16xf32>
      tpu.vector_store %arg9[%swap3A_61, %swap3A_62], %swap3A_65 {strides = array<i32>} : memref<80x128xf32, #tpu.memory_space<vmem>>, vector<1x16xf32>,
      %broadcast_in_dim3A_66 = arith.constant 0.000000e+00 : f32
      %broadcast_in_dim3A_67 = vector.broadcast %broadcast_in_dim3A_66 : f32 to vector<16xf32>
      %swap3A_68 = arith.index_cast %scan3A_53 : i32 to index
      %swap3A_69 = arith.constant 32 : index
      %swap3A_70 = tpu.vector_load %arg9[%swap3A_68, %swap3A_69] {strides = array<i32>} : memref<80x128xf32, #tpu.memory_space<vmem>>, vector<1x16xf32>,
      %swap3A_71 = vector.shape_cast %swap3A_70 : vector<1x16xf32> to vector<16xf32>
      %swap3A_72 = vector.shape_cast %broadcast_in_dim3A_67 : vector<16xf32> to vector<1x16xf32>
      tpu.vector_store %arg9[%swap3A_68, %swap3A_69], %swap3A_72 {strides = array<i32>} : memref<80x128xf32, #tpu.memory_space<vmem>>, vector<1x16xf32>,
      %broadcast_in_dim3A_73 = arith.constant 0.000000e+00 : f32
      %broadcast_in_dim3A_74 = vector.broadcast %broadcast_in_dim3A_73 : f32 to vector<16xf32>
      %swap3A_75 = arith.index_cast %scan3A_53 : i32 to index
      %swap3A_76 = arith.constant 48 : index
      %swap3A_77 = tpu.vector_load %arg9[%swap3A_75, %swap3A_76] {strides = array<i32>} : memref<80x128xf32, #tpu.memory_space<vmem>>, vector<1x16xf32>,
      %swap3A_78 = vector.shape_cast %swap3A_77 : vector<1x16xf32> to vector<16xf32>
      %swap3A_79 = vector.shape_cast %broadcast_in_dim3A_74 : vector<16xf32> to vector<1x16xf32>
      tpu.vector_store %arg9[%swap3A_75, %swap3A_76], %swap3A_79 {strides = array<i32>} : memref<80x128xf32, #tpu.memory_space<vmem>>, vector<1x16xf32>,
      %broadcast_in_dim3A_80 = arith.constant 0.000000e+00 : f32
      %broadcast_in_dim3A_81 = vector.broadcast %broadcast_in_dim3A_80 : f32 to vector<16xf32>
      %swap3A_82 = arith.index_cast %scan3A_53 : i32 to index
      %swap3A_83 = arith.constant 64 : index
      %swap3A_84 = tpu.vector_load %arg9[%swap3A_82, %swap3A_83] {strides = array<i32>} : memref<80x128xf32, #tpu.memory_space<vmem>>, vector<1x16xf32>,
      %swap3A_85 = vector.shape_cast %swap3A_84 : vector<1x16xf32> to vector<16xf32>
      %swap3A_86 = vector.shape_cast %broadcast_in_dim3A_81 : vector<16xf32> to vector<1x16xf32>
      tpu.vector_store %arg9[%swap3A_82, %swap3A_83], %swap3A_86 {strides = array<i32>} : memref<80x128xf32, #tpu.memory_space<vmem>>, vector<1x16xf32>,
      %broadcast_in_dim3A_87 = arith.constant 0.000000e+00 : f32
      %broadcast_in_dim3A_88 = vector.broadcast %broadcast_in_dim3A_87 : f32 to vector<16xf32>
      %swap3A_89 = arith.index_cast %scan3A_53 : i32 to index
      %swap3A_90 = arith.constant 80 : index
      %swap3A_91 = tpu.vector_load %arg9[%swap3A_89, %swap3A_90] {strides = array<i32>} : memref<80x128xf32, #tpu.memory_space<vmem>>, vector<1x16xf32>,
      %swap3A_92 = vector.shape_cast %swap3A_91 : vector<1x16xf32> to vector<16xf32>
      %swap3A_93 = vector.shape_cast %broadcast_in_dim3A_88 : vector<16xf32> to vector<1x16xf32>
      tpu.vector_store %arg9[%swap3A_89, %swap3A_90], %swap3A_93 {strides = array<i32>} : memref<80x128xf32, #tpu.memory_space<vmem>>, vector<1x16xf32>,
      %broadcast_in_dim3A_94 = arith.constant 0.000000e+00 : f32
      %broadcast_in_dim3A_95 = vector.broadcast %broadcast_in_dim3A_94 : f32 to vector<16xf32>
      %swap3A_96 = arith.index_cast %scan3A_53 : i32 to index
      %swap3A_97 = arith.constant 96 : index
      %swap3A_98 = tpu.vector_load %arg9[%swap3A_96, %swap3A_97] {strides = array<i32>} : memref<80x128xf32, #tpu.memory_space<vmem>>, vector<1x16xf32>,
      %swap3A_99 = vector.shape_cast %swap3A_98 : vector<1x16xf32> to vector<16xf32>
      %swap3A_100 = vector.shape_cast %broadcast_in_dim3A_95 : vector<16xf32> to vector<1x16xf32>
      tpu.vector_store %arg9[%swap3A_96, %swap3A_97], %swap3A_100 {strides = array<i32>} : memref<80x128xf32, #tpu.memory_space<vmem>>, vector<1x16xf32>,
      %broadcast_in_dim3A_101 = arith.constant 0.000000e+00 : f32
      %broadcast_in_dim3A_102 = vector.broadcast %broadcast_in_dim3A_101 : f32 to vector<16xf32>
      %swap3A_103 = arith.index_cast %scan3A_53 : i32 to index
      %swap3A_104 = arith.constant 112 : index
      %swap3A_105 = tpu.vector_load %arg9[%swap3A_103, %swap3A_104] {strides = array<i32>} : memref<80x128xf32, #tpu.memory_space<vmem>>, vector<1x16xf32>,
      %swap3A_106 = vector.shape_cast %swap3A_105 : vector<1x16xf32> to vector<16xf32>
      %swap3A_107 = vector.shape_cast %broadcast_in_dim3A_102 : vector<16xf32> to vector<1x16xf32>
      tpu.vector_store %arg9[%swap3A_103, %swap3A_104], %swap3A_107 {strides = array<i32>} : memref<80x128xf32, #tpu.memory_space<vmem>>, vector<1x16xf32>,
    }
    %scan3A_5 = arith.constant 80 : i32
    %mul3A_6 = arith.constant 640 : i32
    %mul3A_7 = arith.muli %arg1, %mul3A_6 : i32
    %add3A_8 = arith.constant 0 : i32
    %add3A_9 = arith.addi %mul3A_7, %add3A_8 : i32
    "tpu.region"() ({
      %run_scoped3A = tpu.sem_alloc : memref<!tpu.dma_semaphore, #tpu.memory_space<semaphore_mem>>
      %dma_start3A = arith.constant 0 : i32
      %dma_start3A_53 = tpu.memref_slice %arg10[%add3A_9, %dma_start3A] : memref<10240x128xf32, #tpu.memory_space<vmem_shared>> -> memref<80x128xf32, #tpu.memory_space<vmem_shared>>
      %dma_start3A_54 = arith.constant 0 : i32
      %dma_start3A_55 = tpu.memref_slice %arg10[%add3A_9, %dma_start3A_54] : memref<10240x128xf32, #tpu.memory_space<vmem_shared>> -> memref<80x128xf32, #tpu.memory_space<vmem_shared>>
      tpu.enqueue_dma source(%arg9 : memref<80x128xf32, #tpu.memory_space<vmem>>) target(%dma_start3A_55 : memref<80x128xf32, #tpu.memory_space<vmem_shared>>) target_semaphore(%run_scoped3A : memref<!tpu.dma_semaphore, #tpu.memory_space<semaphore_mem>>)
      %dma_wait3A = arith.constant 0 : i32
      %dma_wait3A_56 = tpu.memref_slice %arg10[%add3A_9, %dma_wait3A] : memref<10240x128xf32, #tpu.memory_space<vmem_shared>> -> memref<80x128xf32, #tpu.memory_space<vmem_shared>>
      %dma_wait3A_57 = arith.constant 0 : i32
      %dma_wait3A_58 = tpu.memref_slice %arg10[%add3A_9, %dma_wait3A_57] : memref<10240x128xf32, #tpu.memory_space<vmem_shared>> -> memref<80x128xf32, #tpu.memory_space<vmem_shared>>
      tpu.wait_dma2 semaphore(%run_scoped3A : memref<!tpu.dma_semaphore, #tpu.memory_space<semaphore_mem>>) src(%arg9 : memref<80x128xf32, #tpu.memory_space<vmem>>) dst(%dma_wait3A_58 : memref<80x128xf32, #tpu.memory_space<vmem_shared>>)
      tpu.yield
    }) : () -> ()
    %mul3A_10 = arith.constant 640 : i32
    %mul3A_11 = arith.muli %arg1, %mul3A_10 : i32
    %add3A_12 = arith.constant 80 : i32
    %add3A_13 = arith.addi %mul3A_11, %add3A_12 : i32
    "tpu.region"() ({
      %run_scoped3A = tpu.sem_alloc : memref<!tpu.dma_semaphore, #tpu.memory_space<semaphore_mem>>
      %dma_start3A = arith.constant 0 : i32
      %dma_start3A_53 = tpu.memref_slice %arg10[%add3A_13, %dma_start3A] : memref<10240x128xf32, #tpu.memory_space<vmem_shared>> -> memref<80x128xf32, #tpu.memory_space<vmem_shared>>
      %dma_start3A_54 = arith.constant 0 : i32
      %dma_start3A_55 = tpu.memref_slice %arg10[%add3A_13, %dma_start3A_54] : memref<10240x128xf32, #tpu.memory_space<vmem_shared>> -> memref<80x128xf32, #tpu.memory_space<vmem_shared>>
      tpu.enqueue_dma source(%arg9 : memref<80x128xf32, #tpu.memory_space<vmem>>) target(%dma_start3A_55 : memref<80x128xf32, #tpu.memory_space<vmem_shared>>) target_semaphore(%run_scoped3A : memref<!tpu.dma_semaphore, #tpu.memory_space<semaphore_mem>>)
      %dma_wait3A = arith.constant 0 : i32
      %dma_wait3A_56 = tpu.memref_slice %arg10[%add3A_13, %dma_wait3A] : memref<10240x128xf32, #tpu.memory_space<vmem_shared>> -> memref<80x128xf32, #tpu.memory_space<vmem_shared>>
      %dma_wait3A_57 = arith.constant 0 : i32
      %dma_wait3A_58 = tpu.memref_slice %arg10[%add3A_13, %dma_wait3A_57] : memref<10240x128xf32, #tpu.memory_space<vmem_shared>> -> memref<80x128xf32, #tpu.memory_space<vmem_shared>>
      tpu.wait_dma2 semaphore(%run_scoped3A : memref<!tpu.dma_semaphore, #tpu.memory_space<semaphore_mem>>) src(%arg9 : memref<80x128xf32, #tpu.memory_space<vmem>>) dst(%dma_wait3A_58 : memref<80x128xf32, #tpu.memory_space<vmem_shared>>)
      tpu.yield
    }) : () -> ()
    %mul3A_14 = arith.constant 640 : i32
    %mul3A_15 = arith.muli %arg1, %mul3A_14 : i32
    %add3A_16 = arith.constant 160 : i32
    %add3A_17 = arith.addi %mul3A_15, %add3A_16 : i32
    "tpu.region"() ({
      %run_scoped3A = tpu.sem_alloc : memref<!tpu.dma_semaphore, #tpu.memory_space<semaphore_mem>>
      %dma_start3A = arith.constant 0 : i32
      %dma_start3A_53 = tpu.memref_slice %arg10[%add3A_17, %dma_start3A] : memref<10240x128xf32, #tpu.memory_space<vmem_shared>> -> memref<80x128xf32, #tpu.memory_space<vmem_shared>>
      %dma_start3A_54 = arith.constant 0 : i32
      %dma_start3A_55 = tpu.memref_slice %arg10[%add3A_17, %dma_start3A_54] : memref<10240x128xf32, #tpu.memory_space<vmem_shared>> -> memref<80x128xf32, #tpu.memory_space<vmem_shared>>
      tpu.enqueue_dma source(%arg9 : memref<80x128xf32, #tpu.memory_space<vmem>>) target(%dma_start3A_55 : memref<80x128xf32, #tpu.memory_space<vmem_shared>>) target_semaphore(%run_scoped3A : memref<!tpu.dma_semaphore, #tpu.memory_space<semaphore_mem>>)
      %dma_wait3A = arith.constant 0 : i32
      %dma_wait3A_56 = tpu.memref_slice %arg10[%add3A_17, %dma_wait3A] : memref<10240x128xf32, #tpu.memory_space<vmem_shared>> -> memref<80x128xf32, #tpu.memory_space<vmem_shared>>
      %dma_wait3A_57 = arith.constant 0 : i32
      %dma_wait3A_58 = tpu.memref_slice %arg10[%add3A_17, %dma_wait3A_57] : memref<10240x128xf32, #tpu.memory_space<vmem_shared>> -> memref<80x128xf32, #tpu.memory_space<vmem_shared>>
      tpu.wait_dma2 semaphore(%run_scoped3A : memref<!tpu.dma_semaphore, #tpu.memory_space<semaphore_mem>>) src(%arg9 : memref<80x128xf32, #tpu.memory_space<vmem>>) dst(%dma_wait3A_58 : memref<80x128xf32, #tpu.memory_space<vmem_shared>>)
      tpu.yield
    }) : () -> ()
    %mul3A_18 = arith.constant 640 : i32
    %mul3A_19 = arith.muli %arg1, %mul3A_18 : i32
    %add3A_20 = arith.constant 240 : i32
    %add3A_21 = arith.addi %mul3A_19, %add3A_20 : i32
    "tpu.region"() ({
      %run_scoped3A = tpu.sem_alloc : memref<!tpu.dma_semaphore, #tpu.memory_space<semaphore_mem>>
      %dma_start3A = arith.constant 0 : i32
      %dma_start3A_53 = tpu.memref_slice %arg10[%add3A_21, %dma_start3A] : memref<10240x128xf32, #tpu.memory_space<vmem_shared>> -> memref<80x128xf32, #tpu.memory_space<vmem_shared>>
      %dma_start3A_54 = arith.constant 0 : i32
      %dma_start3A_55 = tpu.memref_slice %arg10[%add3A_21, %dma_start3A_54] : memref<10240x128xf32, #tpu.memory_space<vmem_shared>> -> memref<80x128xf32, #tpu.memory_space<vmem_shared>>
      tpu.enqueue_dma source(%arg9 : memref<80x128xf32, #tpu.memory_space<vmem>>) target(%dma_start3A_55 : memref<80x128xf32, #tpu.memory_space<vmem_shared>>) target_semaphore(%run_scoped3A : memref<!tpu.dma_semaphore, #tpu.memory_space<semaphore_mem>>)
      %dma_wait3A = arith.constant 0 : i32
      %dma_wait3A_56 = tpu.memref_slice %arg10[%add3A_21, %dma_wait3A] : memref<10240x128xf32, #tpu.memory_space<vmem_shared>> -> memref<80x128xf32, #tpu.memory_space<vmem_shared>>
      %dma_wait3A_57 = arith.constant 0 : i32
      %dma_wait3A_58 = tpu.memref_slice %arg10[%add3A_21, %dma_wait3A_57] : memref<10240x128xf32, #tpu.memory_space<vmem_shared>> -> memref<80x128xf32, #tpu.memory_space<vmem_shared>>
      tpu.wait_dma2 semaphore(%run_scoped3A : memref<!tpu.dma_semaphore, #tpu.memory_space<semaphore_mem>>) src(%arg9 : memref<80x128xf32, #tpu.memory_space<vmem>>) dst(%dma_wait3A_58 : memref<80x128xf32, #tpu.memory_space<vmem_shared>>)
      tpu.yield
    }) : () -> ()
    %mul3A_22 = arith.constant 640 : i32
    %mul3A_23 = arith.muli %arg1, %mul3A_22 : i32
    %add3A_24 = arith.constant 320 : i32
    %add3A_25 = arith.addi %mul3A_23, %add3A_24 : i32
    "tpu.region"() ({
      %run_scoped3A = tpu.sem_alloc : memref<!tpu.dma_semaphore, #tpu.memory_space<semaphore_mem>>
      %dma_start3A = arith.constant 0 : i32
      %dma_start3A_53 = tpu.memref_slice %arg10[%add3A_25, %dma_start3A] : memref<10240x128xf32, #tpu.memory_space<vmem_shared>> -> memref<80x128xf32, #tpu.memory_space<vmem_shared>>
      %dma_start3A_54 = arith.constant 0 : i32
      %dma_start3A_55 = tpu.memref_slice %arg10[%add3A_25, %dma_start3A_54] : memref<10240x128xf32, #tpu.memory_space<vmem_shared>> -> memref<80x128xf32, #tpu.memory_space<vmem_shared>>
      tpu.enqueue_dma source(%arg9 : memref<80x128xf32, #tpu.memory_space<vmem>>) target(%dma_start3A_55 : memref<80x128xf32, #tpu.memory_space<vmem_shared>>) target_semaphore(%run_scoped3A : memref<!tpu.dma_semaphore, #tpu.memory_space<semaphore_mem>>)
      %dma_wait3A = arith.constant 0 : i32
      %dma_wait3A_56 = tpu.memref_slice %arg10[%add3A_25, %dma_wait3A] : memref<10240x128xf32, #tpu.memory_space<vmem_shared>> -> memref<80x128xf32, #tpu.memory_space<vmem_shared>>
      %dma_wait3A_57 = arith.constant 0 : i32
      %dma_wait3A_58 = tpu.memref_slice %arg10[%add3A_25, %dma_wait3A_57] : memref<10240x128xf32, #tpu.memory_space<vmem_shared>> -> memref<80x128xf32, #tpu.memory_space<vmem_shared>>
      tpu.wait_dma2 semaphore(%run_scoped3A : memref<!tpu.dma_semaphore, #tpu.memory_space<semaphore_mem>>) src(%arg9 : memref<80x128xf32, #tpu.memory_space<vmem>>) dst(%dma_wait3A_58 : memref<80x128xf32, #tpu.memory_space<vmem_shared>>)
      tpu.yield
    }) : () -> ()
    %mul3A_26 = arith.constant 640 : i32
    %mul3A_27 = arith.muli %arg1, %mul3A_26 : i32
    %add3A_28 = arith.constant 400 : i32
    %add3A_29 = arith.addi %mul3A_27, %add3A_28 : i32
    "tpu.region"() ({
      %run_scoped3A = tpu.sem_alloc : memref<!tpu.dma_semaphore, #tpu.memory_space<semaphore_mem>>
      %dma_start3A = arith.constant 0 : i32
      %dma_start3A_53 = tpu.memref_slice %arg10[%add3A_29, %dma_start3A] : memref<10240x128xf32, #tpu.memory_space<vmem_shared>> -> memref<80x128xf32, #tpu.memory_space<vmem_shared>>
      %dma_start3A_54 = arith.constant 0 : i32
      %dma_start3A_55 = tpu.memref_slice %arg10[%add3A_29, %dma_start3A_54] : memref<10240x128xf32, #tpu.memory_space<vmem_shared>> -> memref<80x128xf32, #tpu.memory_space<vmem_shared>>
      tpu.enqueue_dma source(%arg9 : memref<80x128xf32, #tpu.memory_space<vmem>>) target(%dma_start3A_55 : memref<80x128xf32, #tpu.memory_space<vmem_shared>>) target_semaphore(%run_scoped3A : memref<!tpu.dma_semaphore, #tpu.memory_space<semaphore_mem>>)
      %dma_wait3A = arith.constant 0 : i32
      %dma_wait3A_56 = tpu.memref_slice %arg10[%add3A_29, %dma_wait3A] : memref<10240x128xf32, #tpu.memory_space<vmem_shared>> -> memref<80x128xf32, #tpu.memory_space<vmem_shared>>
      %dma_wait3A_57 = arith.constant 0 : i32
      %dma_wait3A_58 = tpu.memref_slice %arg10[%add3A_29, %dma_wait3A_57] : memref<10240x128xf32, #tpu.memory_space<vmem_shared>> -> memref<80x128xf32, #tpu.memory_space<vmem_shared>>
      tpu.wait_dma2 semaphore(%run_scoped3A : memref<!tpu.dma_semaphore, #tpu.memory_space<semaphore_mem>>) src(%arg9 : memref<80x128xf32, #tpu.memory_space<vmem>>) dst(%dma_wait3A_58 : memref<80x128xf32, #tpu.memory_space<vmem_shared>>)
      tpu.yield
    }) : () -> ()
    %mul3A_30 = arith.constant 640 : i32
    %mul3A_31 = arith.muli %arg1, %mul3A_30 : i32
    %add3A_32 = arith.constant 480 : i32
    %add3A_33 = arith.addi %mul3A_31, %add3A_32 : i32
    "tpu.region"() ({
      %run_scoped3A = tpu.sem_alloc : memref<!tpu.dma_semaphore, #tpu.memory_space<semaphore_mem>>
      %dma_start3A = arith.constant 0 : i32
      %dma_start3A_53 = tpu.memref_slice %arg10[%add3A_33, %dma_start3A] : memref<10240x128xf32, #tpu.memory_space<vmem_shared>> -> memref<80x128xf32, #tpu.memory_space<vmem_shared>>
      %dma_start3A_54 = arith.constant 0 : i32
      %dma_start3A_55 = tpu.memref_slice %arg10[%add3A_33, %dma_start3A_54] : memref<10240x128xf32, #tpu.memory_space<vmem_shared>> -> memref<80x128xf32, #tpu.memory_space<vmem_shared>>
      tpu.enqueue_dma source(%arg9 : memref<80x128xf32, #tpu.memory_space<vmem>>) target(%dma_start3A_55 : memref<80x128xf32, #tpu.memory_space<vmem_shared>>) target_semaphore(%run_scoped3A : memref<!tpu.dma_semaphore, #tpu.memory_space<semaphore_mem>>)
      %dma_wait3A = arith.constant 0 : i32
      %dma_wait3A_56 = tpu.memref_slice %arg10[%add3A_33, %dma_wait3A] : memref<10240x128xf32, #tpu.memory_space<vmem_shared>> -> memref<80x128xf32, #tpu.memory_space<vmem_shared>>
      %dma_wait3A_57 = arith.constant 0 : i32
      %dma_wait3A_58 = tpu.memref_slice %arg10[%add3A_33, %dma_wait3A_57] : memref<10240x128xf32, #tpu.memory_space<vmem_shared>> -> memref<80x128xf32, #tpu.memory_space<vmem_shared>>
      tpu.wait_dma2 semaphore(%run_scoped3A : memref<!tpu.dma_semaphore, #tpu.memory_space<semaphore_mem>>) src(%arg9 : memref<80x128xf32, #tpu.memory_space<vmem>>) dst(%dma_wait3A_58 : memref<80x128xf32, #tpu.memory_space<vmem_shared>>)
      tpu.yield
    }) : () -> ()
    %mul3A_34 = arith.constant 640 : i32
    %mul3A_35 = arith.muli %arg1, %mul3A_34 : i32
    %add3A_36 = arith.constant 560 : i32
    %add3A_37 = arith.addi %mul3A_35, %add3A_36 : i32
    "tpu.region"() ({
      %run_scoped3A = tpu.sem_alloc : memref<!tpu.dma_semaphore, #tpu.memory_space<semaphore_mem>>
      %dma_start3A = arith.constant 0 : i32
      %dma_start3A_53 = tpu.memref_slice %arg10[%add3A_37, %dma_start3A] : memref<10240x128xf32, #tpu.memory_space<vmem_shared>> -> memref<80x128xf32, #tpu.memory_space<vmem_shared>>
      %dma_start3A_54 = arith.constant 0 : i32
      %dma_start3A_55 = tpu.memref_slice %arg10[%add3A_37, %dma_start3A_54] : memref<10240x128xf32, #tpu.memory_space<vmem_shared>> -> memref<80x128xf32, #tpu.memory_space<vmem_shared>>
      tpu.enqueue_dma source(%arg9 : memref<80x128xf32, #tpu.memory_space<vmem>>) target(%dma_start3A_55 : memref<80x128xf32, #tpu.memory_space<vmem_shared>>) target_semaphore(%run_scoped3A : memref<!tpu.dma_semaphore, #tpu.memory_space<semaphore_mem>>)
      %dma_wait3A = arith.constant 0 : i32
      %dma_wait3A_56 = tpu.memref_slice %arg10[%add3A_37, %dma_wait3A] : memref<10240x128xf32, #tpu.memory_space<vmem_shared>> -> memref<80x128xf32, #tpu.memory_space<vmem_shared>>
      %dma_wait3A_57 = arith.constant 0 : i32
      %dma_wait3A_58 = tpu.memref_slice %arg10[%add3A_37, %dma_wait3A_57] : memref<10240x128xf32, #tpu.memory_space<vmem_shared>> -> memref<80x128xf32, #tpu.memory_space<vmem_shared>>
      tpu.wait_dma2 semaphore(%run_scoped3A : memref<!tpu.dma_semaphore, #tpu.memory_space<semaphore_mem>>) src(%arg9 : memref<80x128xf32, #tpu.memory_space<vmem>>) dst(%dma_wait3A_58 : memref<80x128xf32, #tpu.memory_space<vmem_shared>>)
      tpu.yield
    }) : () -> ()
    %mul3A_38 = arith.constant 40 : i32
    %mul3A_39 = arith.muli %add3A, %mul3A_38 : i32
    "tpu.region"() ({
      %run_scoped3A = tpu.sem_alloc : memref<!tpu.dma_semaphore, #tpu.memory_space<semaphore_mem>>
      %dma_start3A = arith.constant 0 : i32
      %dma_start3A_53 = tpu.memref_slice %arg3[%mul3A_39, %dma_start3A] : memref<1280x128xi32, #tpu.memory_space<hbm>> -> memref<40x128xi32, #tpu.memory_space<hbm>>
      %dma_start3A_54 = arith.constant 0 : i32
      %dma_start3A_55 = tpu.memref_slice %arg3[%mul3A_39, %dma_start3A_54] : memref<1280x128xi32, #tpu.memory_space<hbm>> -> memref<40x128xi32, #tpu.memory_space<hbm>>
      tpu.enqueue_dma source(%dma_start3A_55 : memref<40x128xi32, #tpu.memory_space<hbm>>) target(%arg6 : memref<40x128xi32, #tpu.memory_space<vmem>>) target_semaphore(%run_scoped3A : memref<!tpu.dma_semaphore, #tpu.memory_space<semaphore_mem>>)
      %dma_wait3A = arith.constant 0 : i32
      %dma_wait3A_56 = tpu.memref_slice %arg3[%mul3A_39, %dma_wait3A] : memref<1280x128xi32, #tpu.memory_space<hbm>> -> memref<40x128xi32, #tpu.memory_space<hbm>>
      %dma_wait3A_57 = arith.constant 0 : i32
      %dma_wait3A_58 = tpu.memref_slice %arg3[%mul3A_39, %dma_wait3A_57] : memref<1280x128xi32, #tpu.memory_space<hbm>> -> memref<40x128xi32, #tpu.memory_space<hbm>>
      tpu.wait_dma2 semaphore(%run_scoped3A : memref<!tpu.dma_semaphore, #tpu.memory_space<semaphore_mem>>) src(%dma_wait3A_58 : memref<40x128xi32, #tpu.memory_space<hbm>>) dst(%arg6 : memref<40x128xi32, #tpu.memory_space<vmem>>)
      tpu.yield
    }) : () -> ()
    %mul3A_40 = arith.constant 40 : i32
    %mul3A_41 = arith.muli %add3A, %mul3A_40 : i32
    "tpu.region"() ({
      %run_scoped3A = tpu.sem_alloc : memref<!tpu.dma_semaphore, #tpu.memory_space<semaphore_mem>>
      %dma_start3A = arith.constant 0 : i32
      %dma_start3A_53 = tpu.memref_slice %arg4[%mul3A_41, %dma_start3A] : memref<1280x128xi32, #tpu.memory_space<hbm>> -> memref<40x128xi32, #tpu.memory_space<hbm>>
      %dma_start3A_54 = arith.constant 0 : i32
      %dma_start3A_55 = tpu.memref_slice %arg4[%mul3A_41, %dma_start3A_54] : memref<1280x128xi32, #tpu.memory_space<hbm>> -> memref<40x128xi32, #tpu.memory_space<hbm>>
      tpu.enqueue_dma source(%dma_start3A_55 : memref<40x128xi32, #tpu.memory_space<hbm>>) target(%arg7 : memref<40x128xi32, #tpu.memory_space<vmem>>) target_semaphore(%run_scoped3A : memref<!tpu.dma_semaphore, #tpu.memory_space<semaphore_mem>>)
      %dma_wait3A = arith.constant 0 : i32
      %dma_wait3A_56 = tpu.memref_slice %arg4[%mul3A_41, %dma_wait3A] : memref<1280x128xi32, #tpu.memory_space<hbm>> -> memref<40x128xi32, #tpu.memory_space<hbm>>
      %dma_wait3A_57 = arith.constant 0 : i32
      %dma_wait3A_58 = tpu.memref_slice %arg4[%mul3A_41, %dma_wait3A_57] : memref<1280x128xi32, #tpu.memory_space<hbm>> -> memref<40x128xi32, #tpu.memory_space<hbm>>
      tpu.wait_dma2 semaphore(%run_scoped3A : memref<!tpu.dma_semaphore, #tpu.memory_space<semaphore_mem>>) src(%dma_wait3A_58 : memref<40x128xi32, #tpu.memory_space<hbm>>) dst(%arg7 : memref<40x128xi32, #tpu.memory_space<vmem>>)
      tpu.yield
    }) : () -> ()
    %barrier3A = arith.constant 0 : index
    tpu.barrier barrier_id(%barrier3A)
    %scan3A_42 = arith.constant 0 : i32
    %scan3A_43 = arith.constant 0 : i32
    %scan3A_44 = arith.constant 40 : i32
    %scan3A_45 = arith.addi %scan3A_43, %scan3A_44 : i32
    %scan3A_46 = arith.constant 1 : i32
    scf.for %scan3A_53 = %scan3A_43 to %scan3A_45 step %scan3A_46  : i32 {
      %dma_start3A = arith.constant 0 : i32
      %dma_start3A_54 = tpu.memref_slice %arg6[%scan3A_53, %dma_start3A] : memref<40x128xi32, #tpu.memory_space<vmem>> -> memref<1x128xi32, #tpu.memory_space<vmem>>
      %dma_start3A_55 = tpu.memref_squeeze %dma_start3A_54 : memref<1x128xi32, #tpu.memory_space<vmem>> -> memref<128xi32, #tpu.memory_space<vmem>>
      %dma_start3A_56 = arith.constant 0 : i32
      %dma_start3A_57 = arith.constant 0 : i32
      %dma_start3A_58 = tpu.memref_slice %arg2[%dma_start3A_56, %dma_start3A_57] : memref<10240x128xf32, #tpu.memory_space<hbm>> -> memref<10240x128xf32, #tpu.memory_space<hbm>>
      tpu.enqueue_indirect_dma source(%dma_start3A_58 : memref<10240x128xf32, #tpu.memory_space<hbm>>) target(%arg8 : memref<128x128xf32, #tpu.memory_space<vmem>>) offsets(%dma_start3A_55 : memref<128xi32, #tpu.memory_space<vmem>>) semaphore(%arg11 : memref<!tpu.dma_semaphore, #tpu.memory_space<semaphore_mem>>)
      %dma_wait3A = arith.constant 0 : i32
      %dma_wait3A_59 = tpu.memref_slice %arg6[%scan3A_53, %dma_wait3A] : memref<40x128xi32, #tpu.memory_space<vmem>> -> memref<1x128xi32, #tpu.memory_space<vmem>>
      %dma_wait3A_60 = tpu.memref_squeeze %dma_wait3A_59 : memref<1x128xi32, #tpu.memory_space<vmem>> -> memref<128xi32, #tpu.memory_space<vmem>>
      %dma_wait3A_61 = arith.constant 0 : i32
      %dma_wait3A_62 = arith.constant 0 : i32
      %dma_wait3A_63 = tpu.memref_slice %arg2[%dma_wait3A_61, %dma_wait3A_62] : memref<10240x128xf32, #tpu.memory_space<hbm>> -> memref<10240x128xf32, #tpu.memory_space<hbm>>
      tpu.wait_indirect_dma semaphore(%arg11 : memref<!tpu.dma_semaphore, #tpu.memory_space<semaphore_mem>>) src(%dma_wait3A_63 : memref<10240x128xf32, #tpu.memory_space<hbm>>) dst(%arg8 : memref<128x128xf32, #tpu.memory_space<vmem>>)
      "tpu.region"() ({
        %run_scoped3A = tpu.sem_alloc : memref<!tpu.dma_semaphore, #tpu.memory_space<semaphore_mem>>
        %dma_start3A_64 = arith.constant 0 : i32
        %dma_start3A_65 = tpu.memref_slice %arg7[%scan3A_53, %dma_start3A_64] : memref<40x128xi32, #tpu.memory_space<vmem>> -> memref<1x128xi32, #tpu.memory_space<vmem>>
        %dma_start3A_66 = tpu.memref_squeeze %dma_start3A_65 : memref<1x128xi32, #tpu.memory_space<vmem>> -> memref<128xi32, #tpu.memory_space<vmem>>
        %dma_start3A_67 = arith.constant 0 : i32
        %dma_start3A_68 = arith.constant 0 : i32
        %dma_start3A_69 = tpu.memref_slice %arg10[%dma_start3A_67, %dma_start3A_68] : memref<10240x128xf32, #tpu.memory_space<vmem_shared>> -> memref<10240x128xf32, #tpu.memory_space<vmem_shared>>
        tpu.enqueue_indirect_dma source(%arg8 : memref<128x128xf32, #tpu.memory_space<vmem>>) target(%dma_start3A_69 : memref<10240x128xf32, #tpu.memory_space<vmem_shared>>) offsets(%dma_start3A_66 : memref<128xi32, #tpu.memory_space<vmem>>) semaphore(%run_scoped3A : memref<!tpu.dma_semaphore, #tpu.memory_space<semaphore_mem>>) {add = true}
        %dma_wait3A_70 = arith.constant 0 : i32
        %dma_wait3A_71 = tpu.memref_slice %arg7[%scan3A_53, %dma_wait3A_70] : memref<40x128xi32, #tpu.memory_space<vmem>> -> memref<1x128xi32, #tpu.memory_space<vmem>>
        %dma_wait3A_72 = tpu.memref_squeeze %dma_wait3A_71 : memref<1x128xi32, #tpu.memory_space<vmem>> -> memref<128xi32, #tpu.memory_space<vmem>>
        %dma_wait3A_73 = arith.constant 0 : i32
        %dma_wait3A_74 = arith.constant 0 : i32
        %dma_wait3A_75 = tpu.memref_slice %arg10[%dma_wait3A_73, %dma_wait3A_74] : memref<10240x128xf32, #tpu.memory_space<vmem_shared>> -> memref<10240x128xf32, #tpu.memory_space<vmem_shared>>
        tpu.wait_indirect_dma semaphore(%run_scoped3A : memref<!tpu.dma_semaphore, #tpu.memory_space<semaphore_mem>>) src(%arg8 : memref<128x128xf32, #tpu.memory_space<vmem>>) dst(%dma_wait3A_75 : memref<10240x128xf32, #tpu.memory_space<vmem_shared>>)
        tpu.yield
      }) : () -> ()
    }
    %scan3A_47 = arith.constant 40 : i32
    %barrier3A_48 = arith.constant 0 : index
    tpu.barrier barrier_id(%barrier3A_48)
    %mul3A_49 = arith.constant 640 : i32
    %mul3A_50 = arith.muli %arg1, %mul3A_49 : i32
    %mul3A_51 = arith.constant 640 : i32
    %mul3A_52 = arith.muli %arg1, %mul3A_51 : i32
    "tpu.region"() ({
      %run_scoped3A = tpu.sem_alloc : memref<!tpu.dma_semaphore, #tpu.memory_space<semaphore_mem>>
      %dma_start3A = arith.constant 0 : i32
      %dma_start3A_53 = arith.constant 0 : i32
      %dma_start3A_54 = tpu.memref_slice %arg5[%arg0, %dma_start3A, %dma_start3A_53] : memref<2x10240x128xf32, #tpu.memory_space<hbm>> -> memref<1x10240x128xf32, #tpu.memory_space<hbm>>
      %dma_start3A_55 = tpu.memref_squeeze %dma_start3A_54 : memref<1x10240x128xf32, #tpu.memory_space<hbm>> -> memref<10240x128xf32, #tpu.memory_space<hbm>>
      %dma_start3A_56 = arith.constant 0 : i32
      %dma_start3A_57 = tpu.memref_slice %dma_start3A_55[%mul3A_52, %dma_start3A_56] : memref<10240x128xf32, #tpu.memory_space<hbm>> -> memref<640x128xf32, #tpu.memory_space<hbm>>
      %dma_start3A_58 = arith.constant 0 : i32
      %dma_start3A_59 = tpu.memref_slice %arg10[%mul3A_50, %dma_start3A_58] : memref<10240x128xf32, #tpu.memory_space<vmem_shared>> -> memref<640x128xf32, #tpu.memory_space<vmem_shared>>
      tpu.enqueue_dma source(%dma_start3A_59 : memref<640x128xf32, #tpu.memory_space<vmem_shared>>) target(%dma_start3A_57 : memref<640x128xf32, #tpu.memory_space<hbm>>) target_semaphore(%run_scoped3A : memref<!tpu.dma_semaphore, #tpu.memory_space<semaphore_mem>>)
      %dma_wait3A = arith.constant 0 : i32
      %dma_wait3A_60 = arith.constant 0 : i32
      %dma_wait3A_61 = tpu.memref_slice %arg5[%arg0, %dma_wait3A, %dma_wait3A_60] : memref<2x10240x128xf32, #tpu.memory_space<hbm>> -> memref<1x10240x128xf32, #tpu.memory_space<hbm>>
      %dma_wait3A_62 = tpu.memref_squeeze %dma_wait3A_61 : memref<1x10240x128xf32, #tpu.memory_space<hbm>> -> memref<10240x128xf32, #tpu.memory_space<hbm>>
      %dma_wait3A_63 = arith.constant 0 : i32
      %dma_wait3A_64 = tpu.memref_slice %dma_wait3A_62[%mul3A_52, %dma_wait3A_63] : memref<10240x128xf32, #tpu.memory_space<hbm>> -> memref<640x128xf32, #tpu.memory_space<hbm>>
      %dma_wait3A_65 = arith.constant 0 : i32
      %dma_wait3A_66 = tpu.memref_slice %arg10[%mul3A_50, %dma_wait3A_65] : memref<10240x128xf32, #tpu.memory_space<vmem_shared>> -> memref<640x128xf32, #tpu.memory_space<vmem_shared>>
      tpu.wait_dma2 semaphore(%run_scoped3A : memref<!tpu.dma_semaphore, #tpu.memory_space<semaphore_mem>>) src(%dma_wait3A_66 : memref<640x128xf32, #tpu.memory_space<vmem_shared>>) dst(%dma_wait3A_64 : memref<640x128xf32, #tpu.memory_space<hbm>>)
      tpu.yield
    }) : () -> ()
    return
  }
}

module attributes {stable_mosaic.version = 14 : i64} {
  func.func @_mm1_body(%arg0: i32, %arg1: memref<256x128xf32, #tpu.memory_space<vmem>>, %arg2: memref<256x128xf32, #tpu.memory_space<vmem>>, %arg3: memref<256x256xf32, #tpu.memory_space<vmem>>, %arg4: memref<2x256x16xf32, #tpu.memory_space<vmem>>, %arg5: memref<2x256x128xf32, #tpu.memory_space<vmem>>, %arg6: memref<256x256xf32, #tpu.memory_space<vmem>>) attributes {dimension_semantics = [#tpu.dimension_semantics<arbitrary>], iteration_bounds = array<i64: 40>, scalar_prefetch = 0 : i64, scratch_operands = 0 : i64, tpu.core_type = #tpu.core_type<tc>, window_params = [{transform_indices = @transform_0, window_bounds = array<i64: 256, 128>}, {transform_indices = @transform_1, window_bounds = array<i64: 256, 128>}, {pipeline_mode = #tpu.pipeline_mode<synchronous>, transform_indices = @transform_2, window_bounds = array<i64: 256, 256>}, {transform_indices = @transform_3, window_bounds = array<i64: 2, 256, 16>}, {transform_indices = @transform_4, window_bounds = array<i64: 2, 256, 128>}, {transform_indices = @transform_5, window_bounds = array<i64: 256, 256>}]} {
    %get3A = arith.constant 0 : index
    %get3A_0 = arith.constant 0 : index
    %get3A_1 = arith.constant 0 : index
    %get3A_2 = vector.load %arg4[%get3A, %get3A_0, %get3A_1] : memref<2x256x16xf32, #tpu.memory_space<vmem>>, vector<1x256x1xf32>
    %get3A_3 = vector.shape_cast %get3A_2 : vector<1x256x1xf32> to vector<256x1xf32>
    %get3A_4 = arith.constant 1 : index
    %get3A_5 = arith.constant 0 : index
    %get3A_6 = arith.constant 0 : index
    %get3A_7 = vector.load %arg4[%get3A_4, %get3A_5, %get3A_6] : memref<2x256x16xf32, #tpu.memory_space<vmem>>, vector<1x256x1xf32>
    %get3A_8 = vector.shape_cast %get3A_7 : vector<1x256x1xf32> to vector<256x1xf32>
    %add3A = arith.addf %get3A_3, %get3A_8 : vector<256x1xf32>
    %add3A_9 = arith.constant 1.000000e+00 : f32
    %add3A_10 = vector.broadcast %add3A_9 : f32 to vector<256x1xf32>
    %add3A_11 = arith.addf %add3A, %add3A_10 : vector<256x1xf32>
    %rsqrt3A = math.rsqrt %add3A_11 : vector<256x1xf32>
    %div3A = arith.constant 1.000000e+00 : f32
    %div3A_12 = vector.broadcast %div3A : f32 to vector<256x1xf32>
    %div3A_13 = arith.divf %div3A_12, %add3A_11 : vector<256x1xf32>
    %get3A_14 = arith.constant 0 : index
    %get3A_15 = arith.constant 0 : index
    %get3A_16 = vector.load %arg1[%get3A_14, %get3A_15] : memref<256x128xf32, #tpu.memory_space<vmem>>, vector<256x128xf32>
    %get3A_17 = arith.constant 0 : index
    %get3A_18 = arith.constant 0 : index
    %get3A_19 = vector.load %arg3[%get3A_17, %get3A_18] : memref<256x256xf32, #tpu.memory_space<vmem>>, vector<128x256xf32>
    %dot_general3A = arith.constant dense<0.000000e+00> : vector<256x256xf32>
    %dot_general3A_20 = tpu.matmul %get3A_16, %get3A_19, %dot_general3A {dimension_numbers = #tpu.dot_dimension_numbers<[1], [0], [0], [1], [0, 0, 1, 1], [], []>, transpose_lhs_hint = false} : vector<256x128xf32>, vector<128x256xf32>, vector<256x256xf32> -> vector<256x256xf32>
    %get3A_21 = arith.constant 0 : index
    %get3A_22 = arith.constant 0 : index
    %get3A_23 = vector.load %arg2[%get3A_21, %get3A_22] : memref<256x128xf32, #tpu.memory_space<vmem>>, vector<256x128xf32>
    %get3A_24 = arith.constant 128 : index
    %get3A_25 = arith.constant 0 : index
    %get3A_26 = vector.load %arg3[%get3A_24, %get3A_25] : memref<256x256xf32, #tpu.memory_space<vmem>>, vector<128x256xf32>
    %dot_general3A_27 = arith.constant dense<0.000000e+00> : vector<256x256xf32>
    %dot_general3A_28 = tpu.matmul %get3A_23, %get3A_26, %dot_general3A_27 {dimension_numbers = #tpu.dot_dimension_numbers<[1], [0], [0], [1], [0, 0, 1, 1], [], []>, transpose_lhs_hint = false} : vector<256x128xf32>, vector<128x256xf32>, vector<256x256xf32> -> vector<256x256xf32>
    %add3A_29 = arith.addf %dot_general3A_20, %dot_general3A_28 : vector<256x256xf32>
    %mul3A = vector.broadcast %rsqrt3A : vector<256x1xf32> to vector<256x256xf32>
    %mul3A_30 = arith.mulf %add3A_29, %mul3A : vector<256x256xf32>
    %slice3A = vector.extract_strided_slice %mul3A_30 {offsets = [0, 0], sizes = [256, 128], strides = [1, 1]} : vector<256x256xf32> to vector<256x128xf32>
    %swap3A = arith.constant 0 : index
    %swap3A_31 = arith.constant 0 : index
    %swap3A_32 = arith.constant 0 : index
    %swap3A_33 = vector.load %arg5[%swap3A, %swap3A_31, %swap3A_32] : memref<2x256x128xf32, #tpu.memory_space<vmem>>, vector<1x256x128xf32>
    %swap3A_34 = vector.shape_cast %swap3A_33 : vector<1x256x128xf32> to vector<256x128xf32>
    %swap3A_35 = vector.shape_cast %slice3A : vector<256x128xf32> to vector<1x256x128xf32>
    tpu.vector_store %arg5[%swap3A, %swap3A_31, %swap3A_32], %swap3A_35 {strides = array<i32>} : memref<2x256x128xf32, #tpu.memory_space<vmem>>, vector<1x256x128xf32>,
    %slice3A_36 = vector.extract_strided_slice %mul3A_30 {offsets = [0, 128], sizes = [256, 128], strides = [1, 1]} : vector<256x256xf32> to vector<256x128xf32>
    %swap3A_37 = arith.constant 1 : index
    %swap3A_38 = arith.constant 0 : index
    %swap3A_39 = arith.constant 0 : index
    %swap3A_40 = vector.load %arg5[%swap3A_37, %swap3A_38, %swap3A_39] : memref<2x256x128xf32, #tpu.memory_space<vmem>>, vector<1x256x128xf32>
    %swap3A_41 = vector.shape_cast %swap3A_40 : vector<1x256x128xf32> to vector<256x128xf32>
    %swap3A_42 = vector.shape_cast %slice3A_36 : vector<256x128xf32> to vector<1x256x128xf32>
    tpu.vector_store %arg5[%swap3A_37, %swap3A_38, %swap3A_39], %swap3A_42 {strides = array<i32>} : memref<2x256x128xf32, #tpu.memory_space<vmem>>, vector<1x256x128xf32>,
    %mul3A_43 = vector.broadcast %div3A_13 : vector<256x1xf32> to vector<256x256xf32>
    %mul3A_44 = arith.mulf %add3A_29, %mul3A_43 : vector<256x256xf32>
    %swap3A_45 = arith.constant 0 : index
    %swap3A_46 = arith.constant 0 : index
    %swap3A_47 = vector.load %arg6[%swap3A_45, %swap3A_46] : memref<256x256xf32, #tpu.memory_space<vmem>>, vector<256x256xf32>
    tpu.vector_store %arg6[%swap3A_45, %swap3A_46], %mul3A_44 {strides = array<i32>} : memref<256x256xf32, #tpu.memory_space<vmem>>, vector<256x256xf32>,
    return
  }
  func.func @transform_0(%arg0: i32) -> (i32, i32) {
    %c0_i32 = arith.constant 0 : i32
    %c0_i32_0 = arith.constant 0 : i32
    return %arg0, %c0_i32 : i32, i32
  }
  func.func @transform_1(%arg0: i32) -> (i32, i32) {
    %c0_i32 = arith.constant 0 : i32
    %c0_i32_0 = arith.constant 0 : i32
    return %arg0, %c0_i32 : i32, i32
  }
  func.func @transform_2(%arg0: i32) -> (i32, i32) {
    %c0_i32 = arith.constant 0 : i32
    %c0_i32_0 = arith.constant 0 : i32
    %c0_i32_1 = arith.constant 0 : i32
    return %c0_i32, %c0_i32_0 : i32, i32
  }
  func.func @transform_3(%arg0: i32) -> (i32, i32, i32) {
    %c0_i32 = arith.constant 0 : i32
    %c0_i32_0 = arith.constant 0 : i32
    %c0_i32_1 = arith.constant 0 : i32
    return %c0_i32, %arg0, %c0_i32_0 : i32, i32, i32
  }
  func.func @transform_4(%arg0: i32) -> (i32, i32, i32) {
    %c0_i32 = arith.constant 0 : i32
    %c0_i32_0 = arith.constant 0 : i32
    %c0_i32_1 = arith.constant 0 : i32
    return %c0_i32, %arg0, %c0_i32_0 : i32, i32, i32
  }
  func.func @transform_5(%arg0: i32) -> (i32, i32) {
    %c0_i32 = arith.constant 0 : i32
    %c0_i32_0 = arith.constant 0 : i32
    return %arg0, %c0_i32 : i32, i32
  }
}

module attributes {stable_mosaic.version = 14 : i64} {
  func.func @_mm2_body(%arg0: i32, %arg1: memref<2x256x128xf32, #tpu.memory_space<vmem>>, %arg2: memref<256x256xf32, #tpu.memory_space<vmem>>, %arg3: memref<2x256x16xf32, #tpu.memory_space<vmem>>, %arg4: memref<1x256xf32, #tpu.memory_space<vmem>>, %arg5: memref<256x128xf32, #tpu.memory_space<vmem>>, %arg6: memref<256x128xf32, #tpu.memory_space<vmem>>, %arg7: memref<256x128xf32, #tpu.memory_space<vmem>>, %arg8: memref<256x128xf32, #tpu.memory_space<vmem>>) attributes {dimension_semantics = [#tpu.dimension_semantics<arbitrary>], iteration_bounds = array<i64: 40>, scalar_prefetch = 0 : i64, scratch_operands = 0 : i64, tpu.core_type = #tpu.core_type<tc>, window_params = [{transform_indices = @transform_0, window_bounds = array<i64: 2, 256, 128>}, {transform_indices = @transform_1, window_bounds = array<i64: 256, 256>}, {transform_indices = @transform_2, window_bounds = array<i64: 2, 256, 16>}, {pipeline_mode = #tpu.pipeline_mode<synchronous>, transform_indices = @transform_3, window_bounds = array<i64: 1, 256>}, {pipeline_mode = #tpu.pipeline_mode<synchronous>, transform_indices = @transform_4, window_bounds = array<i64: 256, 128>}, {transform_indices = @transform_5, window_bounds = array<i64: 256, 128>}, {transform_indices = @transform_6, window_bounds = array<i64: 256, 128>}, {transform_indices = @transform_7, window_bounds = array<i64: 256, 128>}]} {
    %get3A = arith.constant 0 : index
    %get3A_0 = arith.constant 0 : index
    %get3A_1 = arith.constant 0 : index
    %get3A_2 = vector.load %arg3[%get3A, %get3A_0, %get3A_1] : memref<2x256x16xf32, #tpu.memory_space<vmem>>, vector<1x256x1xf32>
    %get3A_3 = vector.shape_cast %get3A_2 : vector<1x256x1xf32> to vector<256x1xf32>
    %get3A_4 = arith.constant 1 : index
    %get3A_5 = arith.constant 0 : index
    %get3A_6 = arith.constant 0 : index
    %get3A_7 = vector.load %arg3[%get3A_4, %get3A_5, %get3A_6] : memref<2x256x16xf32, #tpu.memory_space<vmem>>, vector<1x256x1xf32>
    %get3A_8 = vector.shape_cast %get3A_7 : vector<1x256x1xf32> to vector<256x1xf32>
    %add3A = arith.addf %get3A_3, %get3A_8 : vector<256x1xf32>
    %add3A_9 = arith.constant 1.000000e+00 : f32
    %add3A_10 = vector.broadcast %add3A_9 : f32 to vector<256x1xf32>
    %add3A_11 = arith.addf %add3A, %add3A_10 : vector<256x1xf32>
    %rsqrt3A = math.rsqrt %add3A_11 : vector<256x1xf32>
    %div3A = arith.constant 1.000000e+00 : f32
    %div3A_12 = vector.broadcast %div3A : f32 to vector<256x1xf32>
    %div3A_13 = arith.divf %div3A_12, %add3A_11 : vector<256x1xf32>
    %get3A_14 = arith.constant 0 : index
    %get3A_15 = arith.constant 0 : index
    %get3A_16 = arith.constant 0 : index
    %get3A_17 = vector.load %arg1[%get3A_14, %get3A_15, %get3A_16] : memref<2x256x128xf32, #tpu.memory_space<vmem>>, vector<1x256x128xf32>
    %get3A_18 = vector.shape_cast %get3A_17 : vector<1x256x128xf32> to vector<256x128xf32>
    %mul3A = vector.broadcast %rsqrt3A : vector<256x1xf32> to vector<256x128xf32>
    %mul3A_19 = arith.mulf %mul3A, %get3A_18 : vector<256x128xf32>
    %get3A_20 = arith.constant 0 : index
    %get3A_21 = arith.constant 0 : index
    %get3A_22 = vector.load %arg2[%get3A_20, %get3A_21] : memref<256x256xf32, #tpu.memory_space<vmem>>, vector<256x128xf32>
    %add3A_23 = arith.addf %mul3A_19, %get3A_22 : vector<256x128xf32>
    %get3A_24 = arith.constant 0 : index
    %get3A_25 = arith.constant 0 : index
    %get3A_26 = vector.load %arg4[%get3A_24, %get3A_25] : memref<1x256xf32, #tpu.memory_space<vmem>>, vector<1x128xf32>
    %add3A_27 = vector.broadcast %get3A_26 : vector<1x128xf32> to vector<256x128xf32>
    %add3A_28 = arith.addf %add3A_23, %add3A_27 : vector<256x128xf32>
    %max3A = arith.constant 0.000000e+00 : f32
    %max3A_29 = vector.broadcast %max3A : f32 to vector<256x128xf32>
    %max3A_30 = arith.maximumf %add3A_28, %max3A_29 : vector<256x128xf32>
    %get3A_31 = arith.constant 1 : index
    %get3A_32 = arith.constant 0 : index
    %get3A_33 = arith.constant 0 : index
    %get3A_34 = vector.load %arg1[%get3A_31, %get3A_32, %get3A_33] : memref<2x256x128xf32, #tpu.memory_space<vmem>>, vector<1x256x128xf32>
    %get3A_35 = vector.shape_cast %get3A_34 : vector<1x256x128xf32> to vector<256x128xf32>
    %mul3A_36 = vector.broadcast %rsqrt3A : vector<256x1xf32> to vector<256x128xf32>
    %mul3A_37 = arith.mulf %mul3A_36, %get3A_35 : vector<256x128xf32>
    %get3A_38 = arith.constant 0 : index
    %get3A_39 = arith.constant 128 : index
    %get3A_40 = vector.load %arg2[%get3A_38, %get3A_39] : memref<256x256xf32, #tpu.memory_space<vmem>>, vector<256x128xf32>
    %add3A_41 = arith.addf %mul3A_37, %get3A_40 : vector<256x128xf32>
    %get3A_42 = arith.constant 0 : index
    %get3A_43 = arith.constant 128 : index
    %get3A_44 = vector.load %arg4[%get3A_42, %get3A_43] : memref<1x256xf32, #tpu.memory_space<vmem>>, vector<1x128xf32>
    %add3A_45 = vector.broadcast %get3A_44 : vector<1x128xf32> to vector<256x128xf32>
    %add3A_46 = arith.addf %add3A_41, %add3A_45 : vector<256x128xf32>
    %max3A_47 = arith.constant 0.000000e+00 : f32
    %max3A_48 = vector.broadcast %max3A_47 : f32 to vector<256x128xf32>
    %max3A_49 = arith.maximumf %add3A_46, %max3A_48 : vector<256x128xf32>
    %get3A_50 = arith.constant 0 : index
    %get3A_51 = arith.constant 0 : index
    %get3A_52 = vector.load %arg5[%get3A_50, %get3A_51] : memref<256x128xf32, #tpu.memory_space<vmem>>, vector<128x128xf32>
    %dot_general3A = arith.constant dense<0.000000e+00> : vector<256x128xf32>
    %dot_general3A_53 = tpu.matmul %max3A_30, %get3A_52, %dot_general3A {dimension_numbers = #tpu.dot_dimension_numbers<[1], [0], [0], [1], [0, 0, 1, 1], [], []>, transpose_lhs_hint = false} : vector<256x128xf32>, vector<128x128xf32>, vector<256x128xf32> -> vector<256x128xf32>
    %get3A_54 = arith.constant 128 : index
    %get3A_55 = arith.constant 0 : index
    %get3A_56 = vector.load %arg5[%get3A_54, %get3A_55] : memref<256x128xf32, #tpu.memory_space<vmem>>, vector<128x128xf32>
    %dot_general3A_57 = arith.constant dense<0.000000e+00> : vector<256x128xf32>
    %dot_general3A_58 = tpu.matmul %max3A_49, %get3A_56, %dot_general3A_57 {dimension_numbers = #tpu.dot_dimension_numbers<[1], [0], [0], [1], [0, 0, 1, 1], [], []>, transpose_lhs_hint = false} : vector<256x128xf32>, vector<128x128xf32>, vector<256x128xf32> -> vector<256x128xf32>
    %add3A_59 = arith.addf %dot_general3A_53, %dot_general3A_58 : vector<256x128xf32>
    %mul3A_60 = vector.broadcast %rsqrt3A : vector<256x1xf32> to vector<256x128xf32>
    %mul3A_61 = arith.mulf %add3A_59, %mul3A_60 : vector<256x128xf32>
    %swap3A = arith.constant 0 : index
    %swap3A_62 = arith.constant 0 : index
    %swap3A_63 = vector.load %arg6[%swap3A, %swap3A_62] : memref<256x128xf32, #tpu.memory_space<vmem>>, vector<256x128xf32>
    tpu.vector_store %arg6[%swap3A, %swap3A_62], %mul3A_61 {strides = array<i32>} : memref<256x128xf32, #tpu.memory_space<vmem>>, vector<256x128xf32>,
    %mul3A_64 = vector.broadcast %div3A_13 : vector<256x1xf32> to vector<256x128xf32>
    %mul3A_65 = arith.mulf %add3A_59, %mul3A_64 : vector<256x128xf32>
    %swap3A_66 = arith.constant 0 : index
    %swap3A_67 = arith.constant 0 : index
    %swap3A_68 = vector.load %arg7[%swap3A_66, %swap3A_67] : memref<256x128xf32, #tpu.memory_space<vmem>>, vector<256x128xf32>
    tpu.vector_store %arg7[%swap3A_66, %swap3A_67], %mul3A_65 {strides = array<i32>} : memref<256x128xf32, #tpu.memory_space<vmem>>, vector<256x128xf32>,
    %broadcast_in_dim3A = vector.shape_cast %rsqrt3A : vector<256x1xf32> to vector<256x1xf32>
    %broadcast_in_dim3A_69 = vector.broadcast %broadcast_in_dim3A : vector<256x1xf32> to vector<256x128xf32>
    %swap3A_70 = arith.constant 0 : index
    %swap3A_71 = arith.constant 0 : index
    %swap3A_72 = vector.load %arg8[%swap3A_70, %swap3A_71] : memref<256x128xf32, #tpu.memory_space<vmem>>, vector<256x128xf32>
    tpu.vector_store %arg8[%swap3A_70, %swap3A_71], %broadcast_in_dim3A_69 {strides = array<i32>} : memref<256x128xf32, #tpu.memory_space<vmem>>, vector<256x128xf32>,
    return
  }
  func.func @transform_0(%arg0: i32) -> (i32, i32, i32) {
    %c0_i32 = arith.constant 0 : i32
    %c0_i32_0 = arith.constant 0 : i32
    %c0_i32_1 = arith.constant 0 : i32
    return %c0_i32, %arg0, %c0_i32_0 : i32, i32, i32
  }
  func.func @transform_1(%arg0: i32) -> (i32, i32) {
    %c0_i32 = arith.constant 0 : i32
    %c0_i32_0 = arith.constant 0 : i32
    return %arg0, %c0_i32 : i32, i32
  }
  func.func @transform_2(%arg0: i32) -> (i32, i32, i32) {
    %c0_i32 = arith.constant 0 : i32
    %c0_i32_0 = arith.constant 0 : i32
    %c0_i32_1 = arith.constant 0 : i32
    return %c0_i32, %arg0, %c0_i32_0 : i32, i32, i32
  }
  func.func @transform_3(%arg0: i32) -> (i32, i32) {
    %c0_i32 = arith.constant 0 : i32
    %c0_i32_0 = arith.constant 0 : i32
    %c0_i32_1 = arith.constant 0 : i32
    return %c0_i32, %c0_i32_0 : i32, i32
  }
  func.func @transform_4(%arg0: i32) -> (i32, i32) {
    %c0_i32 = arith.constant 0 : i32
    %c0_i32_0 = arith.constant 0 : i32
    %c0_i32_1 = arith.constant 0 : i32
    return %c0_i32, %c0_i32_0 : i32, i32
  }
  func.func @transform_5(%arg0: i32) -> (i32, i32) {
    %c0_i32 = arith.constant 0 : i32
    %c0_i32_0 = arith.constant 0 : i32
    return %arg0, %c0_i32 : i32, i32
  }
  func.func @transform_6(%arg0: i32) -> (i32, i32) {
    %c0_i32 = arith.constant 0 : i32
    %c0_i32_0 = arith.constant 0 : i32
    return %arg0, %c0_i32 : i32, i32
  }
  func.func @transform_7(%arg0: i32) -> (i32, i32) {
    %c0_i32 = arith.constant 0 : i32
    %c0_i32_0 = arith.constant 0 : i32
    return %arg0, %c0_i32 : i32, i32
  }
}

</mosaic_0001>

<sc_bundles>
// kernel: kernel.11.cloned.1.call-start
scs
__scs_entry_jumppad:
0x0: {  	(pc) =	sbr.rel $0x88, $3  }
0x1: {  	(tag) =	ssettag $0x0;
	lr =	simm.s32 $0x1  }
0x2: {  	[smem:$0x3F99] =	sst lr;
	_ =	strace $0xD0000000  }
0x3: {  	_ = 	snop  }
0x4: {  	_ = 	snop  }
0x5: {  	_ = 	snop  }
0x6: {  	_ = 	snop  }
0x7: {  	_ = 	snop  }
__scs_overlays_trampoline_lowered:
0x8: {  	[smem:$0x3FA8] =	sst s0  }
0x9: {  	[smem:$0x3FA9] =	sst s1  }
0xa: {  	[smem:$0x3FAA] =	sst s2  }
0xb: {  	[smem:$0x3FAB] =	sst s3  }
0xc: {  	[smem:$0x3FAC] =	sst s4  }
0xd: {  	[smem:$0x3FAD] =	sst s5  }
0xe: {  	[smem:$0x3FAE] =	sst s6  }
0xf: {  	[smem:$0x3FAF] =	sst s7  }
0x10: {  	[smem:$0x3FB0] =	sst s8  }
0x11: {  	[smem:$0x3FB1] =	sst s9;
	s0 =	simm.s32 @!p0 $0x0  }
0x12: {  	s1 =	sld [smem:$0x3F97];
	s0 =	simm.s32 @p0 $0x1  }
0x13: {  	[smem:$0x3FB2] =	sst s0;
	s0 =	simm.s32 @!p1 $0x0  }
0x14: {  	s2 =	sld [smem:$0x3F96];
	s0 =	simm.s32 @p1 $0x1  }
0x15: {  	[smem:$0x3FB3] =	sst s0;
	s0 =	simm.s32 @!p2 $0x0  }
0x16: {  	s3 =	sld [smem:$0x3FDB];
	s0 =	simm.s32 @p2 $0x1  }
0x17: {  	s4 =	simm.s32 $0x1BF5;
	[smem:$0x3FB5] =	sst s0  }
0x18: {  	s0 =	sld [smem:$0x3F98];
	_ =	swait.ge [sflag:s4], $0x0  }
0x19: {  	s7 =	sld [smem:$0x3F99]  }
0x1a: {  	s8 =	sadd.s32 $0xFFFFE003, lr  }
0x1b: {  	s9 =	sadd.s32 $0xFFFFFEF7, lr;
	s5 =	simm.s32 $0xFFFFFFFF;
	p2 =	slt.u32 s8, $0xFFFFF086  }
0x1c: {  	p1 =	slt.u32 s9, $0xF7A;
	s5 =	simm.s32 @!p2 $0x0  }
0x1d: {  	s5 =	simm.s32 @p1 $0x1;
	p0 =	seq.s32 s7, s2  }
0x1e: {  	s7 =	smul.u32 @!p0 $0xF7A, s2;
	p2 =	seq.s32 @!p0 s5, $0x0  }
0x1f: {  	s9 =	smul.u32 $0xF7A, s1;
	s8 =	simm.s32 @!p0 $0x1BF5;
	p2 =	por !p2, p0  }
0x20: {  	[sflag:s8] =	ssyncset.s32 @!p0 $0xFFFFF086;
	s6 =	sadd.s32 @!p0 s3, s7;
	s7 =	simm.s32 @!p0 $0x108  }
0x21: {  	s3 =	sadd.s32 s3, s9;
	s6 =	sadd.s32 @!p0 $0x88, s6;
	s7 =	simm.s32 @p2 $0x1082  }
0x22: {  	[simem:s7], [sflag:s8] =	dma.local @!p0 [hbm:s6], $0xF7A  }
0x23: {  	s9 =	sor.u32 $0xD0000000, s2;
	s6 =	simm.s32 $0x108;
	_ =	swait.ge @!p0 [sflag:s8], $0x0  }
0x24: {  	s3 =	sadd.s32 $0x88, s3;
	s6 =	simm.s32 @!p1 $0x1082;
	[sflag:s4] =	ssyncset.s32 $0xFFFFF086  }
0x25: {  	[simem:s6], [sflag:s4] =	dma.local [hbm:s3], $0xF7A  }
0x26: {  	[smem:$0x3F99] =	sst s1;
	(tag) =	ssettag s2;
	_ =	strace s9  }
0x27: {  	s1 =	sld [smem:$0x3FA9]  }
0x28: {  	s2 =	sld [smem:$0x3FAA]  }
0x29: {  	s4 =	sld [smem:$0x3FAC]  }
0x2a: {  	p0 =	seq.s32 s5, $0x0;
	s5 =	sld [smem:$0x3FAD]  }
0x2b: {  	s6 =	sld [smem:$0x3FAE]  }
0x2c: {  	s7 =	sld [smem:$0x3FAF]  }
0x2d: {  	s3 =	simm.s32 $0x108;
	s8 =	sld [smem:$0x3FB0]  }
0x2e: {  	s3 =	simm.s32 @!p0 $0x1082;
	s9 =	sld [smem:$0x3FB1]  }
0x2f: {  	lr =	sadd.s32 s0, s3;
	s0 =	sld [smem:$0x3FA8]  }
0x30: {  	s3 =	sld [smem:$0x3FAB]  }
0x31: {  	[smem:$0x3FB4] =	sst s10  }
0x32: {  	s10 =	sld [smem:$0x3FB2];
	_ =	sdelay $0x3  }
0x33: {  	p0 =	seq.s32 s10, $0x1;
	s10 =	sld [smem:$0x3FB4];
	_ =	sdelay $0x3  }
0x34: {  	[smem:$0x3FB4] =	sst s10  }
0x35: {  	s10 =	sld [smem:$0x3FB3];
	_ =	sdelay $0x3  }
0x36: {  	p1 =	seq.s32 s10, $0x1;
	s10 =	sld [smem:$0x3FB4];
	_ =	sdelay $0x3  }
0x37: {  	[smem:$0x3FB4] =	sst s10  }
0x38: {  	s10 =	sld [smem:$0x3FB5]  }
0x39: {  	_ = 	snop;
	(pc) =	sbr.ind lr, $3  }
0x3a: {  	_ = 	snop  }
0x3b: {  	_ = 	snop  }
0x3c: {  	p2 =	seq.s32 s10, $0x1;
	s10 =	sld [smem:$0x3FB4]  }
0x3d: {  	_ =	shalt  }
0x3e: {  	_ =	shalt  }
0x3f: {  	_ =	shalt  }
0x40: {  	_ =	shalt  }
0x41: {  	_ =	shalt  }
0x42: {  	_ =	shalt  }
0x43: {  	_ =	shalt  }
0x44: {  	_ =	shalt  }
0x45: {  	_ =	shalt  }
0x46: {  	_ =	shalt  }
0x47: {  	_ =	shalt  }
0x48: {  	_ =	shalt  }
0x49: {  	_ =	shalt  }
0x4a: {  	_ =	shalt  }
0x4b: {  	_ =	shalt  }
0x4c: {  	_ =	shalt  }
0x4d: {  	_ =	shalt  }
0x4e: {  	_ =	shalt  }
0x4f: {  	_ =	shalt  }
0x50: {  	_ =	shalt  }
0x51: {  	_ =	shalt  }
0x52: {  	_ =	shalt  }
0x53: {  	_ =	shalt  }
0x54: {  	_ =	shalt  }
0x55: {  	_ =	shalt  }
0x56: {  	_ =	shalt  }
0x57: {  	_ =	shalt  }
0x58: {  	_ =	shalt  }
0x59: {  	_ =	shalt  }
0x5a: {  	_ =	shalt  }
0x5b: {  	_ =	shalt  }
0x5c: {  	_ =	shalt  }
0x5d: {  	_ =	shalt  }
0x5e: {  	_ =	shalt  }
0x5f: {  	_ =	shalt  }
0x60: {  	_ =	shalt  }
0x61: {  	_ =	shalt  }
0x62: {  	_ =	shalt  }
0x63: {  	_ =	shalt  }
0x64: {  	_ =	shalt  }
0x65: {  	_ =	shalt  }
0x66: {  	_ =	shalt  }
0x67: {  	_ =	shalt  }
0x68: {  	_ =	shalt  }
0x69: {  	_ =	shalt  }
0x6a: {  	_ =	shalt  }
0x6b: {  	_ =	shalt  }
0x6c: {  	_ =	shalt  }
0x6d: {  	_ =	shalt  }
0x6e: {  	_ =	shalt  }
0x6f: {  	_ =	shalt  }
0x70: {  	_ =	shalt  }
0x71: {  	_ =	shalt  }
0x72: {  	_ =	shalt  }
0x73: {  	_ =	shalt  }
0x74: {  	_ =	shalt  }
0x75: {  	_ =	shalt  }
0x76: {  	_ =	shalt  }
0x77: {  	_ =	shalt  }
0x78: {  	_ =	shalt  }
0x79: {  	_ =	shalt  }
0x7a: {  	_ =	shalt  }
0x7b: {  	_ =	shalt  }
0x7c: {  	_ =	shalt  }
0x7d: {  	_ =	shalt  }
0x7e: {  	_ =	shalt  }
0x7f: {  	_ =	shalt  }
0x80: {  	_ =	shalt  }
0x81: {  	_ =	shalt  }
0x82: {  	_ =	shalt  }
0x83: {  	_ =	shalt  }
0x84: {  	_ =	shalt  }
0x85: {  	_ =	shalt  }
0x86: {  	_ =	shalt  }
0x87: {  	_ =	shalt  }
.Lfunc_end0:
.L_simem_size_0:
called_computation.1_lowered:
.L_overlay_start_0:
0x88: {  	s2 =	sld [smem:$0x3FD9]  }
0x89: {  	s3 =	sld [smem:$0x3FFE];
	_ =	sdelay $0x1  }
0x8a: {  	s1 =	srdreg.scid  }
0x8b: {  	s0 =	sand.u32 $0x1, s1  }
0x8c: {  	s17 =	sshll.u32 s0, $0xA;
	s2 =	sadd.s32 s3, s2  }
0x8d: {  	s2 =	sadd.s32 s2, s17  }
0x8e: {  	[smem:$0x3FC0] =	sst s2  }
0x8f: {  	_ = 	snop  }
0x90: {  	s2 =	sld [smem:$0x3FD0];
	(tm) =	ssettm $0x1  }
0x91: {  	s18 =	sld [smem:$0x3FFB];
	_ =	sdelay $0x3  }
0x92: {  	_ =	strace s18  }
0x93: {  	s3 =	sld [smem:$0x3FFC];
	_ =	sdelay $0x3  }
0x94: {  	_ =	strace s3  }
0x95: {  	s3 =	sld [smem:$0x3FFD];
	_ =	sdelay $0x3  }
0x96: {  	_ =	strace s3  }
0x97: {  	_ =	strace $0x8FFFFFFF  }
0x98: {  	s19 =	sld [smem:$0x3FDB];
	_ =	sdelay $0x1  }
0x99: {  	s4 =	simm.s32 $_scs_section_size  }
0x9a: {  	s5 =	simm.s32 $_size__tile_overlayer_lowered;
	s6 =	simm.s32 $_tile_overlayer_lowered  }
0x9b: {  	s22 =	simm.s32 $0x1BFF;
	s21 =	sshll.u32 s6, $0x1;
	s3 =	sadd.s32 s4, s19  }
0x9c: {  	s7 =	simm.s32 $0x0;
	s20 =	sshll.u32 s5, $0x1;
	s5 =	sadd.s32 s21, s3  }
0x9d: {  	[timem:s7], [sflag:s22] =	dma.local [hbm:s5], s20  }
0x9e: {  	_ =	swait.ge [sflag:s22], s20  }
0x9f: {  	s4 =	ssub.s32 $0x0, s20;
	[sflag:s22] =	ssyncset.done $0x0  }
0xa0: {  	[sflag:s22] =	ssyncadd.s32 s4;
	_ =	sdelay $0x1  }
0xa1: {  	s23 =	simm.s32 $0x1B8B  }
0xa2: {  	_ =	swait.ge [sflag:s23], $0x1  }
0xa3: {  	[sflag:s23] =	ssyncset.done $0x0  }
0xa4: {  	s25 =	simm.s32 $0x1B8E;
	s24 =	sld [smem:$0x3FFE];
	[sflag:s23] =	ssyncadd.s32 $0xFFFFFFFF  }
0xa5: {  	s26 =	simm.s32 $execute0_lowered;
	[smem:$0x3FD2] =	sst s25  }
0xa6: {  	s5 =	sshll.u32 s26, $0x1;
	_ =	strace $0x80000049;
	[dreg:$0x1] =	wrdreg $0xFFFFFFFF  }
0xa7: {  	s28 =	simm.s32 $_size_execute0_lowered;
	s3 =	sadd.s32 s3, s5;
	[dreg:$0x0] =	wrdreg $0x0  }
0xa8: {  	s5 =	sshll.u32 s28, $0x1;
	[dreg:$0x2] =	wrdreg s3  }
0xa9: {  	[dreg:$0x3] =	wrdreg s5  }
0xaa: {  	[dreg:$0x4] =	wrdreg $0xC0  }
0xab: {  	_ =	task [dreg:s7], $0x5FFFF  }
0xac: {  	[dreg:$0x1] =	wrdreg $0xFFFFFFFF  }
0xad: {  	[dreg:$0x0] =	wrdreg $0x60  }
0xae: {  	[dreg:$0x2] =	wrdreg s24  }
0xaf: {  	[dreg:$0x3] =	wrdreg s2  }
0xb0: {  	[dreg:$0x4] =	wrdreg $0x94000  }
0xb1: {  	[dreg:$0x5] =	wrdreg $0x9  }
0xb2: {  	_ =	task.clear_ibuf [dreg:s7], $0x6FFFF;
	_ =	strace $0x90000049  }
0xb3: {  	s29 =	simm.s32 $0x9;
	_ =	strace $0x8000004B  }
0xb4: {  	_ =	swait.ge [sflag:s29], $0x1  }
0xb5: {  	[sflag:s29] =	ssyncadd.s32 $0xFFFFFFFF  }
0xb6: {  	_ =	strace $0x9000004B  }
0xb7: {  	_ =	sfence  }
0xb8: {  	s30 =	sld [smem:$0x0];
	_ =	sdelay $0x2  }
0xb9: {  	s31 =	sshll.u32 s1, $0xD;
	s1 =	sshrl.u32 s1, $0x2  }
0xba: {  	s3 =	sand.u32 $0x4000, s31;
	s1 =	sadd.s32 s1, s30  }
0xbb: {  	s0 =	sor.u32 s3, s0;
	s1 =	sshll.u32 s1, $0x11  }
0xbc: {  	s0 =	sor.u32 s1, s0  }
0xbd: {  	s0 =	sadd.s32 $0x8F2B, s0  }
0xbe: {  	[sflag:s0] =	ssyncadd.remote.s32 $0x1  }
0xbf: {  	_ =	sfence.sel $0xFFFF  }
0xc0: {  	[dreg:$0x0] =	wrdreg $0xFFFFFFFF;
	(pc) =	sbr.abs _section_cstart, $3  }
0xc1: {  	[dreg:$0x1] =	wrdreg $0xFFFFFFFF  }
0xc2: {  	_ =	task.clear_ibuf [dreg:s7], $0x2FFFF;
	_ =	strace $0x9FFFFFFF  }
0xc3: {  	(tm) =	ssettm $0x7FFFFFFF  }
tec
execute0_lowered:
.L_overlay_start_1:
0x0: {  	(tag) =	ssettag $0x1  }
0x1: {  	s5 =	rddreg [dreg:$0x0]  }
0x2: {  	s11 =	rddreg [dreg:$0x1]  }
0x3: {  	s2 =	rddreg [dreg:$0x2]  }
0x4: {  	s3 =	simm.s32 $0x0;
	s0 =	stileid.u32;
	s4 =	srdreg.scid  }
0x5: {  	[smem:$0x7FF] =	sst s3;
	s12 =	smul.u32 $0x500, s0  }
0x6: {  	s7 =	sand.u32 $0x1, s4;
	s4 =	sadd.s32 $0xA7A00, s5;
	s10 =	smul.u32 $0x280, s0  }
0x7: {  	_ =	strace $0x8000004A;
	s8 =	smul.u32 $0x28000, s7;
	s13 =	ssub.s32 $0x2, s7  }
0x8: {  	s6 =	sadd.s32 s12, s5;
	s1 =	sshrl.u32 s13, $0x1;
	s9 =	sor.u32 $0x10, s10  }
0x9: {  	s14 =	sor.u32 $0x20, s10;
	s15 =	sor.u32 $0x30, s10;
	s16 =	sor.u32 $0x40, s10  }
0xa: {  	s17 =	sor.u32 $0x50, s10;
	s18 =	sor.u32 $0x60, s10;
	s19 =	sor.u32 $0x70, s10  }
0xb: {  	s20 =	sadd.s32 $0x80, s10;
	s21 =	sadd.s32 $0x90, s10;
	s22 =	sadd.s32 $0xA0, s10  }
0xc: {  	s23 =	sadd.s32 $0xB0, s10;
	s24 =	sadd.s32 $0xC0, s10;
	s25 =	sadd.s32 $0xD0, s10  }
0xd: {  	s26 =	sadd.s32 $0xE0, s10;
	s28 =	sadd.s32 $0x110, s10;
	s29 =	sadd.s32 $0x120, s10  }
0xe: {  	s30 =	sadd.s32 $0x130, s10;
	s31 =	sadd.s32 $0x140, s10;
	s0 =	sadd.s32 $0x150, s10  }
0xf: {  	v39 =	vlaneseq.u32;
	s8 =	sadd.s32 s8, s5;
	s5 =	ssub.s32 s13, s1;
	s1 =	sadd.s32 $0x160, s10  }
0x10: {  	v1 =	vor.u32 s14, v39;
	v2 =	vor.u32 s15, v39;
	s13 =	sadd.s32 $0x170, s10;
	s14 =	sadd.s32 $0x180, s10;
	s15 =	sadd.s32 $0x190, s10  }
0x11: {  	v3 =	vor.u32 s16, v39;
	v4 =	vor.u32 s17, v39;
	v5 =	vor.u32 s18, v39;
	s16 =	sadd.s32 $0x1A0, s10;
	s17 =	sadd.s32 $0x1B0, s10;
	s18 =	sadd.s32 $0x1C0, s10  }
0x12: {  	v0 =	vor.u32 s9, v39;
	v7 =	vor.u32 s21, v39;
	v8 =	vor.u32 s22, v39;
	s9 =	sadd.s32 $0x1D0, s10;
	s22 =	sadd.s32 $0x1E0, s10;
	s21 =	sadd.s32 $0x1F0, s10  }
0x13: {  	v9 =	vor.u32 s23, v39;
	v10 =	vor.u32 s24, v39;
	v11 =	vor.u32 s25, v39;
	s23 =	sadd.s32 $0x200, s10;
	s24 =	sadd.s32 $0x210, s10;
	s25 =	sadd.s32 $0x220, s10  }
0x14: {  	v12 =	vor.u32 s26, v39;
	v14 =	vor.u32 s28, v39;
	s26 =	sadd.s32 $0x230, s10;
	s28 =	sadd.s32 $0x240, s10;
	v15 =	vor.u32 s29, v39;
	s29 =	sadd.s32 $0x260, s10  }
0x15: {  	v16 =	vor.u32 s30, v39;
	s30 =	sadd.s32 $0x270, s10;
	s6 =	sadd.s32 $0x52A00, s6;
	[dreg:$0x4] =	wrdreg s5  }
0x16: {  	v6 =	vor.u32 s19, v39;
	s19 =	sshll.u32 s20, $0x4;
	s5 =	sadd.s32 s11, s12;
	[dreg:$0x5] =	wrdreg s22  }
0x17: {  	s11 =	sadd.s32 $0xF0, s10;
	s12 =	sadd.s32 $0x100, s10;
	[dreg:$0x6] =	wrdreg s21  }
0x18: {  	v18 =	vor.u32 s31, v39;
	s22 =	sadd.s32 $0x250, s10;
	s31 =	sadd.s32 $0xF7A00, s8;
	s21 =	sshll.u32 s14, $0x4  }
0x19: {  	v21 =	vor.u32 s1, v39;
	v26 =	vor.u32 s16, v39;
	s16 =	stileid.u32;
	s1 =	sshll.u32 s23, $0x4;
	s8 =	simm.s32 $0x80  }
0x1a: {  	v17 =	vor.u32 s10, v39;
	v24 =	vor.u32 s14, v39;
	v29 =	vor.u32 s9, v39;
	s9 =	simm.s32 $0x9000;
	s10 =	simm.s32 $0x5000;
	s14 =	simm.s32 $0x9180  }
0x1b: {  	v25 =	vor.u32 s15, v39;
	v32 =	vor.u32 s23, v39;
	s15 =	simm.s32 $0x9200;
	s23 =	simm.s32 $0x0;
	[dreg:$0x7] =	wrdreg s22  }
0x1c: {  	v41 =	vimm.f32 $0.0e+00;
	v20 =	vor.u32 s20, v39;
	v22 =	vor.u32 s13, v39;
	s22 =	smul.u32 $0x2800, s7;
	s20 =	sshll.u32 s12, $0x4;
	s13 =	rddreg [dreg:$0x4]  }
0x1d: {  	v19 =	vor.u32 s0, v39;
	v27 =	vor.u32 s17, v39;
	v13 =	vor.u32 s11, v39;
	s0 =	smul.u32 $0x2800, s16;
	s11 =	simm.s32 $0x2;
	s17 =	rddreg [dreg:$0x5]  }
0x1e: {  	v28 =	vor.u32 s18, v39;
	v33 =	vor.u32 s24, v39;
	v23 =	vor.u32 s12, v39;
	s18 =	rddreg [dreg:$0x6];
	s12 =	simm.s32 $0x9080;
	s16 =	simm.s32 $0x2800  }
0x1f: {  	v34 =	vor.u32 s25, v39;
	v35 =	vor.u32 s26, v39;
	v36 =	vor.u32 s28, v39;
	s19 =	sadd.s32 s19, s31;
	s21 =	sadd.s32 s21, s31;
	s7 =	smax.u32 s13, $0x1  }
0x20: {  	v38 =	vor.u32 s29, v39;
	v30 =	vor.u32 s17, v39;
	v31 =	vor.u32 s18, v39;
	s13 =	simm.s32 $0x9100;
	s17 =	simm.s32 $0x1;
	s28 =	rddreg [dreg:$0x7]  }
0x21: {  	s20 =	sadd.s32 s20, s31;
	v37 =	vor.u32 s28, v39;
	s18 =	sadd.s32 s0, s31;
	v39 =	vor.u32 s30, v39;
	v40 =	vmov s22;
	s22 =	sadd.s32 s1, s31  }
.LBB2_1:
0x22: {  	[tilespmem:$0x9000] =	vst v17  }
0x23: {  	[tilespmem:$0x9010] =	vst v0  }
0x24: {  	[tilespmem:$0x9020] =	vst v1  }
0x25: {  	[tilespmem:$0x9030] =	vst v2  }
0x26: {  	[tilespmem:$0x9040] =	vst v3  }
0x27: {  	[tilespmem:$0x9050] =	vst v4  }
0x28: {  	[tilespmem:$0x9060] =	vst v5  }
0x29: {  	[tilespmem:$0x9070] =	vst v6  }
0x2a: {  	[tilespmem:$0x9080] =	vst v20  }
0x2b: {  	[tilespmem:$0x9090] =	vst v7  }
0x2c: {  	[tilespmem:$0x90A0] =	vst v8  }
0x2d: {  	[tilespmem:$0x90B0] =	vst v9  }
0x2e: {  	[tilespmem:$0x90C0] =	vst v10  }
0x2f: {  	[tilespmem:$0x90D0] =	vst v11  }
0x30: {  	[tilespmem:$0x90E0] =	vst v12  }
0x31: {  	[tilespmem:$0x90F0] =	vst v13  }
0x32: {  	[tilespmem:$0x9100] =	vst v23  }
0x33: {  	[tilespmem:$0x9110] =	vst v14  }
0x34: {  	[tilespmem:$0x9120] =	vst v15  }
0x35: {  	[tilespmem:$0x9130] =	vst v16  }
0x36: {  	[tilespmem:$0x9140] =	vst v18  }
0x37: {  	[tilespmem:$0x9150] =	vst v19  }
0x38: {  	[tilespmem:$0x9160] =	vst v21  }
0x39: {  	[tilespmem:$0x9170] =	vst v22  }
0x3a: {  	[tilespmem:$0x9180] =	vst v24  }
0x3b: {  	[tilespmem:$0x9190] =	vst v25  }
0x3c: {  	[tilespmem:$0x91A0] =	vst v26  }
0x3d: {  	[tilespmem:$0x91B0] =	vst v27  }
0x3e: {  	[tilespmem:$0x91C0] =	vst v28  }
0x3f: {  	[tilespmem:$0x91D0] =	vst v29  }
0x40: {  	[tilespmem:$0x91E0] =	vst v30  }
0x41: {  	[tilespmem:$0x91F0] =	vst v31  }
0x42: {  	[tilespmem:$0x9200] =	vst v32  }
0x43: {  	[tilespmem:$0x9210] =	vst v33  }
0x44: {  	[tilespmem:$0x9220] =	vst v34  }
0x45: {  	[tilespmem:$0x9230] =	vst v35  }
0x46: {  	[tilespmem:$0x9240] =	vst v36  }
0x47: {  	[tilespmem:$0x9250] =	vst v37  }
0x48: {  	[tilespmem:$0x9260] =	vst v38  }
0x49: {  	[tilespmem:$0x9270] =	vst v39;
	s24 =	simm.s32 $0x0;
	s25 =	simm.s32 $0x200  }
.LBB2_2:
0x4a: {  	p0 =	sne.s32 s25, $0xFE00;
	[tilespmem:s24+$0x5070] =	vst v41  }
0x4b: {  	[tilespmem:s24+$0x5000] =	vst v41  }
0x4c: {  	[tilespmem:s24+$0x5010] =	vst v41  }
.Ltmp0:
0x4d: {  	[tilespmem:s24+$0x5020] =	vst v41;
	(pc) =	sbr.rel @p0 .LBB2_2-.Ltmp0, $4  }
0x4e: {  	[tilespmem:s24+$0x5030] =	vst v41  }
0x4f: {  	[tilespmem:s24+$0x5040] =	vst v41  }
0x50: {  	[tilespmem:s24+$0x5050] =	vst v41  }
0x51: {  	[tilespmem:s24+$0x5060] =	vst v41;
	s24 =	sshra.s32 s25, $0x2;
	s25 =	sadd.s32 $0x200, s25  }
0x52: {  	[tilespmem:s24+$0x5070] =	vst v41  }
0x53: {  	[tilespmem:s24+$0x5000] =	vst v41  }
0x54: {  	[tilespmem:s24+$0x5010] =	vst v41  }
0x55: {  	[tilespmem:s24+$0x5020] =	vst v41  }
0x56: {  	[tilespmem:s24+$0x5030] =	vst v41  }
0x57: {  	[tilespmem:s24+$0x5040] =	vst v41  }
0x58: {  	[tilespmem:s24+$0x5050] =	vst v41  }
0x59: {  	[tilespmem:s24+$0x5060] =	vst v41  }
0x5a: {  	[spmem:s2] =	stream.indirect.scatter [tilespmem:s10], [sflag:$0x2], $0x80, s9, s8, $0xb8;
	[tilespmem:$0x1D400] =	vst v63  }
0x5b: {  	_ =	swait.ge [sflag:s11], $0x4000  }
0x5c: {  	[sflag:s11] =	ssyncset.done $0x0  }
0x5d: {  	[sflag:s11] =	ssyncadd.s32 $0xFFFFC000  }
0x5e: {  	[spmem:s2] =	stream.indirect.scatter [tilespmem:s10], [sflag:$0x2], $0x80, s12, s8, $0xb8;
	[tilespmem:$0x1D400] =	vst v63  }
0x5f: {  	_ =	swait.ge [sflag:s11], $0x4000  }
0x60: {  	[sflag:s11] =	ssyncset.done $0x0  }
0x61: {  	[sflag:s11] =	ssyncadd.s32 $0xFFFFC000  }
0x62: {  	[spmem:s2] =	stream.indirect.scatter [tilespmem:s10], [sflag:$0x2], $0x80, s13, s8, $0xb8;
	[tilespmem:$0x1D400] =	vst v63  }
0x63: {  	_ =	swait.ge [sflag:s11], $0x4000  }
0x64: {  	[sflag:s11] =	ssyncset.done $0x0  }
0x65: {  	[sflag:s11] =	ssyncadd.s32 $0xFFFFC000  }
0x66: {  	[spmem:s2] =	stream.indirect.scatter [tilespmem:s10], [sflag:$0x2], $0x80, s14, s8, $0xb8;
	[tilespmem:$0x1D400] =	vst v63  }
0x67: {  	_ =	swait.ge [sflag:s11], $0x4000  }
0x68: {  	[sflag:s11] =	ssyncset.done $0x0  }
0x69: {  	[sflag:s11] =	ssyncadd.s32 $0xFFFFC000  }
0x6a: {  	[spmem:s2] =	stream.indirect.scatter [tilespmem:s10], [sflag:$0x2], $0x80, s15, s8, $0xb8;
	[tilespmem:$0x1D400] =	vst v63  }
0x6b: {  	_ =	swait.ge [sflag:s11], $0x4000  }
0x6c: {  	[sflag:s11] =	ssyncset.done $0x0  }
0x6d: {  	s0 =	simm.s32 $0x0;
	[sflag:s11] =	ssyncadd.s32 $0xFFFFC000  }
0x6e: {  	[tilespmem:s0], [sflag:$0x2] =	stream.linear.gather [hbm4b:s6+s0], $0x2800, $0x38;
	[tilespmem:$0x1D400] =	vst v63  }
0x6f: {  	_ =	swait.ge [sflag:s11], $0x2800  }
0x70: {  	[sflag:s11] =	ssyncset.done $0x0  }
0x71: {  	[sflag:s11] =	ssyncadd.s32 $0xFFFFD800  }
0x72: {  	[tilespmem:s16], [sflag:$0x2] =	stream.linear.gather [hbm4b:s5+s0], $0x2800, $0x38;
	[tilespmem:$0x1D400] =	vst v63  }
0x73: {  	_ =	swait.ge [sflag:s11], $0x2800  }
0x74: {  	[sflag:s11] =	ssyncset.done $0x0  }
0x75: {  	s24 =	simm.s32 $0x0;
	[sflag:s11] =	ssyncadd.s32 $0xFFFFD800  }
0x76: {  	v44 =	vld [tilespmem:s24+$0x0]  }
0x77: {  	v46 =	vld [tilespmem:s24+$0x10]  }
0x78: {  	v45 =	vld [tilespmem:s24+$0x20]  }
0x79: {  	v43 =	vld [tilespmem:s24+$0x30]  }
0x7a: {  	v42 =	vld [tilespmem:s24+$0x40]  }
0x7b: {  	v47 =	vadd.s32 v40, v44;
	v44 =	vld [tilespmem:s24+$0x50]  }
0x7c: {  	s25 =	simm.s32 $0x200;
	[tilespmem:s24+$0x0] =	vst v47;
	v47 =	vadd.s32 v40, v46;
	v46 =	vld [tilespmem:s24+$0x60]  }
.LBB2_4:
0x7d: {  	s0 =	sshra.s32 s25, $0x2;
	p0 =	sne.s32 s25, $0x9E00;
	[tilespmem:s24+$0x10] =	vst v47;
	v45 =	vadd.s32 v40, v45;
	v47 =	vld [tilespmem:s24+$0x70]  }
0x7e: {  	v48 =	vld [tilespmem:s0+$0x0];
	[tilespmem:s24+$0x20] =	vst v45;
	v43 =	vadd.s32 v40, v43  }
0x7f: {  	v49 =	vld [tilespmem:s0+$0x10];
	[tilespmem:s24+$0x30] =	vst v43;
	v42 =	vadd.s32 v40, v42  }
.Ltmp1:
0x80: {  	v45 =	vld [tilespmem:s0+$0x20];
	[tilespmem:s24+$0x40] =	vst v42;
	v42 =	vadd.s32 v40, v44;
	(pc) =	sbr.rel @p0 .LBB2_4-.Ltmp1, $4  }
0x81: {  	v43 =	vld [tilespmem:s0+$0x30];
	[tilespmem:s24+$0x50] =	vst v42;
	v44 =	vadd.s32 v40, v46  }
0x82: {  	v42 =	vld [tilespmem:s0+$0x40];
	[tilespmem:s24+$0x60] =	vst v44;
	v46 =	vadd.s32 v40, v47  }
0x83: {  	v47 =	vadd.s32 v40, v48;
	v44 =	vld [tilespmem:s0+$0x50];
	[tilespmem:s24+$0x70] =	vst v46;
	s24 =	smov.u32 s0  }
0x84: {  	s25 =	sadd.s32 $0x200, s25;
	[tilespmem:s24+$0x0] =	vst v47;
	v47 =	vadd.s32 v40, v49;
	v46 =	vld [tilespmem:s24+$0x60]  }
0x85: {  	[tilespmem:s24+$0x10] =	vst v47;
	v45 =	vadd.s32 v40, v45;
	v60 =	vld [tilespmem:s24+$0x70]  }
0x86: {  	[tilespmem:s24+$0x20] =	vst v45;
	v43 =	vadd.s32 v40, v43  }
0x87: {  	[tilespmem:s24+$0x30] =	vst v43;
	v42 =	vadd.s32 v40, v42  }
0x88: {  	[tilespmem:s24+$0x40] =	vst v42;
	v61 =	vadd.s32 v40, v44  }
0x89: {  	[tilespmem:s24+$0x50] =	vst v61;
	v62 =	vadd.s32 v40, v46  }
0x8a: {  	[tilespmem:s24+$0x60] =	vst v62;
	v63 =	vadd.s32 v40, v60  }
0x8b: {  	[tilespmem:s24+$0x70] =	vst v63  }
0x8c: {  	s0 =	simm.s32 $0x0;
	[bflag:$0x0] =	sbarrier.arrive $0xFFFF  }
0x8d: {  	[tilespmem:s10], [sflag:$0x1] =	stream.indirect.gather [hbm4b:s4+s8], $0x80, s0, s8, $0xb8;
	[tilespmem:$0x1D400] =	vst v63  }
0x8e: {  	_ =	swait.ge [sflag:s17], $0x4000  }
0x8f: {  	[sflag:s17] =	ssyncset.done $0x0  }
0x90: {  	s31 =	simm.s32 $0x2800;
	[sflag:s17] =	ssyncadd.s32 $0xFFFFC000  }
0x91: {  	[spmem:s2] =	stream.indirect.scatter.add.f32 [tilespmem:s10], [sflag:$0x2], $0x80, s31, s8, $0xb8;
	[tilespmem:$0x1D400] =	vst v63  }
0x92: {  	_ =	swait.ge [sflag:s11], $0x4000  }
0x93: {  	s25 =	simm.s32 $0x400;
	s24 =	simm.s32 $0x200;
	[sflag:s11] =	ssyncset.done $0x0  }
.LBB2_6:
0x94: {  	s0 =	sshra.s32 s24, $0x2  }
0x95: {  	[sflag:s11] =	ssyncadd.s32 $0xFFFFC000;
	s24 =	smov.u32 s25;
	s1 =	sadd.s32 $0x200, s25  }
0x96: {  	[tilespmem:s10], [sflag:$0x1] =	stream.indirect.gather [hbm4b:s4+s8], $0x80, s0, s8, $0xb8;
	[tilespmem:$0x1D400] =	vst v63  }
0x97: {  	p0 =	sne.s32 s25, $0x9E00;
	_ =	swait.ge [sflag:s17], $0x4000  }
.Ltmp2:
0x98: {  	[sflag:s17] =	ssyncset.done $0x0;
	(pc) =	sbr.rel @p0 .LBB2_6-.Ltmp2, $4  }
0x99: {  	s0 =	sadd.s32 $0x2800, s0;
	[sflag:s17] =	ssyncadd.s32 $0xFFFFC000  }
0x9a: {  	[spmem:s2] =	stream.indirect.scatter.add.f32 [tilespmem:s10], [sflag:$0x2], $0x80, s0, s8, $0xb8;
	[tilespmem:$0x1D400] =	vst v63  }
0x9b: {  	_ =	swait.ge [sflag:s11], $0x4000  }
0x9c: {  	s25 =	smov.u32 s1;
	[sflag:s11] =	ssyncset.done $0x0  }
0x9d: {  	s0 =	sshra.s32 s24, $0x2;
	[sflag:s11] =	ssyncadd.s32 $0xFFFFC000  }
0x9e: {  	[tilespmem:s10], [sflag:$0x1] =	stream.indirect.gather [hbm4b:s4+s8], $0x80, s0, s8, $0xb8;
	[tilespmem:$0x1D400] =	vst v63  }
0x9f: {  	_ =	swait.ge [sflag:s17], $0x4000  }
0xa0: {  	[sflag:s17] =	ssyncset.done $0x0  }
0xa1: {  	s0 =	sadd.s32 $0x2800, s0;
	[sflag:s17] =	ssyncadd.s32 $0xFFFFC000  }
0xa2: {  	[spmem:s2] =	stream.indirect.scatter.add.f32 [tilespmem:s10], [sflag:$0x2], $0x80, s0, s8, $0xb8;
	[tilespmem:$0x1D400] =	vst v63  }
0xa3: {  	_ =	swait.ge [sflag:s11], $0x4000  }
0xa4: {  	[sflag:s11] =	ssyncset.done $0x0  }
0xa5: {  	[sflag:s11] =	ssyncadd.s32 $0xFFFFC000  }
0xa6: {  	[bflag:$0x0] =	sbarrier.arrive $0xFFFF  }
0xa7: {  	[tilespmem:s10], [sflag:$0x1] =	stream.indirect.gather [spmem:s2], $0x80, s9, s8, $0xb8;
	[tilespmem:$0x1D400] =	vst v63  }
0xa8: {  	_ =	swait.ge [sflag:s17], $0x4000  }
0xa9: {  	[sflag:s17] =	ssyncset.done $0x0  }
0xaa: {  	[sflag:s17] =	ssyncadd.s32 $0xFFFFC000  }
0xab: {  	[hbm4b:s18+s3] =	stream.linear.scatter [tilespmem:s10], [sflag:$0x2], $0x4000, $0x38;
	[tilespmem:$0x1D400] =	vst v63  }
0xac: {  	_ =	swait.ge [sflag:s11], $0x4000  }
0xad: {  	[sflag:s11] =	ssyncset.done $0x0  }
0xae: {  	[sflag:s11] =	ssyncadd.s32 $0xFFFFC000  }
0xaf: {  	[tilespmem:s10], [sflag:$0x1] =	stream.indirect.gather [spmem:s2], $0x80, s12, s8, $0xb8;
	[tilespmem:$0x1D400] =	vst v63  }
0xb0: {  	_ =	swait.ge [sflag:s17], $0x4000  }
0xb1: {  	[sflag:s17] =	ssyncset.done $0x0  }
0xb2: {  	[sflag:s17] =	ssyncadd.s32 $0xFFFFC000  }
0xb3: {  	[hbm4b:s19+s3] =	stream.linear.scatter [tilespmem:s10], [sflag:$0x2], $0x4000, $0x38;
	[tilespmem:$0x1D400] =	vst v63  }
0xb4: {  	_ =	swait.ge [sflag:s11], $0x4000  }
0xb5: {  	[sflag:s11] =	ssyncset.done $0x0  }
0xb6: {  	[sflag:s11] =	ssyncadd.s32 $0xFFFFC000  }
0xb7: {  	[tilespmem:s10], [sflag:$0x1] =	stream.indirect.gather [spmem:s2], $0x80, s13, s8, $0xb8;
	[tilespmem:$0x1D400] =	vst v63  }
0xb8: {  	_ =	swait.ge [sflag:s17], $0x4000  }
0xb9: {  	[sflag:s17] =	ssyncset.done $0x0  }
0xba: {  	[sflag:s17] =	ssyncadd.s32 $0xFFFFC000  }
0xbb: {  	[hbm4b:s20+s3] =	stream.linear.scatter [tilespmem:s10], [sflag:$0x2], $0x4000, $0x38;
	[tilespmem:$0x1D400] =	vst v63  }
0xbc: {  	_ =	swait.ge [sflag:s11], $0x4000  }
0xbd: {  	[sflag:s11] =	ssyncset.done $0x0  }
0xbe: {  	[sflag:s11] =	ssyncadd.s32 $0xFFFFC000  }
0xbf: {  	[tilespmem:s10], [sflag:$0x1] =	stream.indirect.gather [spmem:s2], $0x80, s14, s8, $0xb8;
	[tilespmem:$0x1D400] =	vst v63  }
0xc0: {  	_ =	swait.ge [sflag:s17], $0x4000  }
0xc1: {  	[sflag:s17] =	ssyncset.done $0x0  }
0xc2: {  	[sflag:s17] =	ssyncadd.s32 $0xFFFFC000  }
0xc3: {  	[hbm4b:s21+s3] =	stream.linear.scatter [tilespmem:s10], [sflag:$0x2], $0x4000, $0x38;
	[tilespmem:$0x1D400] =	vst v63  }
0xc4: {  	_ =	swait.ge [sflag:s11], $0x4000  }
0xc5: {  	[sflag:s11] =	ssyncset.done $0x0  }
0xc6: {  	[sflag:s11] =	ssyncadd.s32 $0xFFFFC000  }
0xc7: {  	[tilespmem:s10], [sflag:$0x1] =	stream.indirect.gather [spmem:s2], $0x80, s15, s8, $0xb8;
	[tilespmem:$0x1D400] =	vst v63  }
0xc8: {  	s23 =	sadd.s32 $0x1, s23;
	_ =	swait.ge [sflag:s17], $0x4000  }
0xc9: {  	p0 =	sne.s32 s23, s7;
	[sflag:s17] =	ssyncset.done $0x0  }
.Ltmp3:
0xca: {  	[sflag:s17] =	ssyncadd.s32 $0xFFFFC000;
	(pc) =	sbr.rel @p0 .LBB2_1-.Ltmp3, $4  }
0xcb: {  	[hbm4b:s22+s3] =	stream.linear.scatter [tilespmem:s10], [sflag:$0x2], $0x4000, $0x38;
	[tilespmem:$0x1D400] =	vst v63  }
0xcc: {  	_ =	swait.ge [sflag:s11], $0x4000  }
0xcd: {  	[sflag:s11] =	ssyncset.done $0x0  }
0xce: {  	[sflag:s11] =	ssyncadd.s32 $0xFFFFC000  }
0xcf: {  	_ =	sfence.sel $0x180000  }
0xd0: {  	[bflag:$0x0] =	sbarrier.arrive $0xFFFF  }
0xd1: {  	_ =	strace $0x9000004A  }
0xd2: {  	s0 =	stileid.u32;
	[bflag:$0x2] =	sbarrier.arrive $0xFFFF  }
0xd3: {  	p0 =	sne.s32 s0, $0x0;
	s0 =	rddreg [dreg:$0x3]  }
0xd4: {  	s0 =	sadd.s32 @!p0 $0x100000, s0  }
0xd5: {  	[sflag:s0] =	ssyncadd.tile.s32 @!p0 $0x1;
	_ =	shalt  }
.Lfunc_end2:
_tile_overlayer_lowered:
.L_overlay_start_2:
0xd6: {  	(tag) =	ssettag $0x2  }
0xd7: {  	s0 =	rddreg [dreg:$0x0];
	s2 =	stileid.u32  }
0xd8: {  	s1 =	rddreg [dreg:$0x1];
	p0 =	sne.s32 s2, $0x0  }
0xd9: {  	s3 =	rddreg [dreg:$0x2];
	[bflag:$0x3] =	sbarrier.arrive $0xFFFF;
	s2 =	simm.s32 @!p0 $0x1C02  }
0xda: {  	[timem:s3], [sflag:s2] =	dma.local @!p0 [hbm:s0], s1  }
0xdb: {  	s0 =	simm.s32 @!p0 $0x2  }
0xdc: {  	_ =	swait.ge @!p0 [sflag:s0], s1  }
0xdd: {  	s1 =	ssub.s32 @!p0 $0x0, s1;
	[sflag:s0] =	ssyncset.done @!p0 $0x0  }
0xde: {  	[sflag:s0] =	ssyncadd.s32 @!p0 s1  }
0xdf: {  	[bflag:$0x3] =	sbarrier.arrive $0xFFFF  }
0xe0: {  	_ =	shalt  }

// kernel: kernel.14.cloned.1.call-start
scs
__scs_entry_jumppad:
0x0: {  	(pc) =	sbr.rel $0x88, $3  }
0x1: {  	(tag) =	ssettag $0x0;
	lr =	simm.s32 $0x1  }
0x2: {  	[smem:$0x3F99] =	sst lr;
	_ =	strace $0xD0000000  }
0x3: {  	_ = 	snop  }
0x4: {  	_ = 	snop  }
0x5: {  	_ = 	snop  }
0x6: {  	_ = 	snop  }
0x7: {  	_ = 	snop  }
__scs_overlays_trampoline_lowered:
0x8: {  	[smem:$0x3FA8] =	sst s0  }
0x9: {  	[smem:$0x3FA9] =	sst s1  }
0xa: {  	[smem:$0x3FAA] =	sst s2  }
0xb: {  	[smem:$0x3FAB] =	sst s3  }
0xc: {  	[smem:$0x3FAC] =	sst s4  }
0xd: {  	[smem:$0x3FAD] =	sst s5  }
0xe: {  	[smem:$0x3FAE] =	sst s6  }
0xf: {  	[smem:$0x3FAF] =	sst s7  }
0x10: {  	[smem:$0x3FB0] =	sst s8  }
0x11: {  	[smem:$0x3FB1] =	sst s9;
	s0 =	simm.s32 @!p0 $0x0  }
0x12: {  	s1 =	sld [smem:$0x3F97];
	s0 =	simm.s32 @p0 $0x1  }
0x13: {  	[smem:$0x3FB2] =	sst s0;
	s0 =	simm.s32 @!p1 $0x0  }
0x14: {  	s2 =	sld [smem:$0x3F96];
	s0 =	simm.s32 @p1 $0x1  }
0x15: {  	[smem:$0x3FB3] =	sst s0;
	s0 =	simm.s32 @!p2 $0x0  }
0x16: {  	s3 =	sld [smem:$0x3FDB];
	s0 =	simm.s32 @p2 $0x1  }
0x17: {  	s4 =	simm.s32 $0x1BF5;
	[smem:$0x3FB5] =	sst s0  }
0x18: {  	s0 =	sld [smem:$0x3F98];
	_ =	swait.ge [sflag:s4], $0x0  }
0x19: {  	s7 =	sld [smem:$0x3F99]  }
0x1a: {  	s8 =	sadd.s32 $0xFFFFE003, lr  }
0x1b: {  	s9 =	sadd.s32 $0xFFFFFEF7, lr;
	s5 =	simm.s32 $0xFFFFFFFF;
	p2 =	slt.u32 s8, $0xFFFFF086  }
0x1c: {  	p1 =	slt.u32 s9, $0xF7A;
	s5 =	simm.s32 @!p2 $0x0  }
0x1d: {  	s5 =	simm.s32 @p1 $0x1;
	p0 =	seq.s32 s7, s2  }
0x1e: {  	s7 =	smul.u32 @!p0 $0xF7A, s2;
	p2 =	seq.s32 @!p0 s5, $0x0  }
0x1f: {  	s9 =	smul.u32 $0xF7A, s1;
	s8 =	simm.s32 @!p0 $0x1BF5;
	p2 =	por !p2, p0  }
0x20: {  	[sflag:s8] =	ssyncset.s32 @!p0 $0xFFFFF086;
	s6 =	sadd.s32 @!p0 s3, s7;
	s7 =	simm.s32 @!p0 $0x108  }
0x21: {  	s3 =	sadd.s32 s3, s9;
	s6 =	sadd.s32 @!p0 $0x88, s6;
	s7 =	simm.s32 @p2 $0x1082  }
0x22: {  	[simem:s7], [sflag:s8] =	dma.local @!p0 [hbm:s6], $0xF7A  }
0x23: {  	s9 =	sor.u32 $0xD0000000, s2;
	s6 =	simm.s32 $0x108;
	_ =	swait.ge @!p0 [sflag:s8], $0x0  }
0x24: {  	s3 =	sadd.s32 $0x88, s3;
	s6 =	simm.s32 @!p1 $0x1082;
	[sflag:s4] =	ssyncset.s32 $0xFFFFF086  }
0x25: {  	[simem:s6], [sflag:s4] =	dma.local [hbm:s3], $0xF7A  }
0x26: {  	[smem:$0x3F99] =	sst s1;
	(tag) =	ssettag s2;
	_ =	strace s9  }
0x27: {  	s1 =	sld [smem:$0x3FA9]  }
0x28: {  	s2 =	sld [smem:$0x3FAA]  }
0x29: {  	s4 =	sld [smem:$0x3FAC]  }
0x2a: {  	p0 =	seq.s32 s5, $0x0;
	s5 =	sld [smem:$0x3FAD]  }
0x2b: {  	s6 =	sld [smem:$0x3FAE]  }
0x2c: {  	s7 =	sld [smem:$0x3FAF]  }
0x2d: {  	s3 =	simm.s32 $0x108;
	s8 =	sld [smem:$0x3FB0]  }
0x2e: {  	s3 =	simm.s32 @!p0 $0x1082;
	s9 =	sld [smem:$0x3FB1]  }
0x2f: {  	lr =	sadd.s32 s0, s3;
	s0 =	sld [smem:$0x3FA8]  }
0x30: {  	s3 =	sld [smem:$0x3FAB]  }
0x31: {  	[smem:$0x3FB4] =	sst s10  }
0x32: {  	s10 =	sld [smem:$0x3FB2];
	_ =	sdelay $0x3  }
0x33: {  	p0 =	seq.s32 s10, $0x1;
	s10 =	sld [smem:$0x3FB4];
	_ =	sdelay $0x3  }
0x34: {  	[smem:$0x3FB4] =	sst s10  }
0x35: {  	s10 =	sld [smem:$0x3FB3];
	_ =	sdelay $0x3  }
0x36: {  	p1 =	seq.s32 s10, $0x1;
	s10 =	sld [smem:$0x3FB4];
	_ =	sdelay $0x3  }
0x37: {  	[smem:$0x3FB4] =	sst s10  }
0x38: {  	s10 =	sld [smem:$0x3FB5]  }
0x39: {  	_ = 	snop;
	(pc) =	sbr.ind lr, $3  }
0x3a: {  	_ = 	snop  }
0x3b: {  	_ = 	snop  }
0x3c: {  	p2 =	seq.s32 s10, $0x1;
	s10 =	sld [smem:$0x3FB4]  }
0x3d: {  	_ =	shalt  }
0x3e: {  	_ =	shalt  }
0x3f: {  	_ =	shalt  }
0x40: {  	_ =	shalt  }
0x41: {  	_ =	shalt  }
0x42: {  	_ =	shalt  }
0x43: {  	_ =	shalt  }
0x44: {  	_ =	shalt  }
0x45: {  	_ =	shalt  }
0x46: {  	_ =	shalt  }
0x47: {  	_ =	shalt  }
0x48: {  	_ =	shalt  }
0x49: {  	_ =	shalt  }
0x4a: {  	_ =	shalt  }
0x4b: {  	_ =	shalt  }
0x4c: {  	_ =	shalt  }
0x4d: {  	_ =	shalt  }
0x4e: {  	_ =	shalt  }
0x4f: {  	_ =	shalt  }
0x50: {  	_ =	shalt  }
0x51: {  	_ =	shalt  }
0x52: {  	_ =	shalt  }
0x53: {  	_ =	shalt  }
0x54: {  	_ =	shalt  }
0x55: {  	_ =	shalt  }
0x56: {  	_ =	shalt  }
0x57: {  	_ =	shalt  }
0x58: {  	_ =	shalt  }
0x59: {  	_ =	shalt  }
0x5a: {  	_ =	shalt  }
0x5b: {  	_ =	shalt  }
0x5c: {  	_ =	shalt  }
0x5d: {  	_ =	shalt  }
0x5e: {  	_ =	shalt  }
0x5f: {  	_ =	shalt  }
0x60: {  	_ =	shalt  }
0x61: {  	_ =	shalt  }
0x62: {  	_ =	shalt  }
0x63: {  	_ =	shalt  }
0x64: {  	_ =	shalt  }
0x65: {  	_ =	shalt  }
0x66: {  	_ =	shalt  }
0x67: {  	_ =	shalt  }
0x68: {  	_ =	shalt  }
0x69: {  	_ =	shalt  }
0x6a: {  	_ =	shalt  }
0x6b: {  	_ =	shalt  }
0x6c: {  	_ =	shalt  }
0x6d: {  	_ =	shalt  }
0x6e: {  	_ =	shalt  }
0x6f: {  	_ =	shalt  }
0x70: {  	_ =	shalt  }
0x71: {  	_ =	shalt  }
0x72: {  	_ =	shalt  }
0x73: {  	_ =	shalt  }
0x74: {  	_ =	shalt  }
0x75: {  	_ =	shalt  }
0x76: {  	_ =	shalt  }
0x77: {  	_ =	shalt  }
0x78: {  	_ =	shalt  }
0x79: {  	_ =	shalt  }
0x7a: {  	_ =	shalt  }
0x7b: {  	_ =	shalt  }
0x7c: {  	_ =	shalt  }
0x7d: {  	_ =	shalt  }
0x7e: {  	_ =	shalt  }
0x7f: {  	_ =	shalt  }
0x80: {  	_ =	shalt  }
0x81: {  	_ =	shalt  }
0x82: {  	_ =	shalt  }
0x83: {  	_ =	shalt  }
0x84: {  	_ =	shalt  }
0x85: {  	_ =	shalt  }
0x86: {  	_ =	shalt  }
0x87: {  	_ =	shalt  }
.Lfunc_end0:
.L_simem_size_0:
called_computation.2_lowered:
.L_overlay_start_0:
0x88: {  	s2 =	sld [smem:$0x3FD9]  }
0x89: {  	s3 =	sld [smem:$0x3FFE];
	_ =	sdelay $0x1  }
0x8a: {  	s1 =	srdreg.scid  }
0x8b: {  	s0 =	sand.u32 $0x1, s1  }
0x8c: {  	s17 =	sshll.u32 s0, $0xA;
	s2 =	sadd.s32 s3, s2  }
0x8d: {  	s2 =	sadd.s32 s2, s17  }
0x8e: {  	[smem:$0x3FC0] =	sst s2  }
0x8f: {  	_ = 	snop  }
0x90: {  	s2 =	sld [smem:$0x3FD0];
	(tm) =	ssettm $0x1  }
0x91: {  	s18 =	sld [smem:$0x3FFB];
	_ =	sdelay $0x3  }
0x92: {  	_ =	strace s18  }
0x93: {  	s3 =	sld [smem:$0x3FFC];
	_ =	sdelay $0x3  }
0x94: {  	_ =	strace s3  }
0x95: {  	s3 =	sld [smem:$0x3FFD];
	_ =	sdelay $0x3  }
0x96: {  	_ =	strace s3  }
0x97: {  	_ =	strace $0x8FFFFFFF  }
0x98: {  	s19 =	sld [smem:$0x3FDB];
	_ =	sdelay $0x1  }
0x99: {  	s4 =	simm.s32 $_scs_section_size  }
0x9a: {  	s5 =	simm.s32 $_size__tile_overlayer_lowered;
	s6 =	simm.s32 $_tile_overlayer_lowered  }
0x9b: {  	s22 =	simm.s32 $0x1BFF;
	s21 =	sshll.u32 s6, $0x1;
	s3 =	sadd.s32 s4, s19  }
0x9c: {  	s7 =	simm.s32 $0x0;
	s20 =	sshll.u32 s5, $0x1;
	s5 =	sadd.s32 s21, s3  }
0x9d: {  	[timem:s7], [sflag:s22] =	dma.local [hbm:s5], s20  }
0x9e: {  	_ =	swait.ge [sflag:s22], s20  }
0x9f: {  	s4 =	ssub.s32 $0x0, s20;
	[sflag:s22] =	ssyncset.done $0x0  }
0xa0: {  	[sflag:s22] =	ssyncadd.s32 s4;
	_ =	sdelay $0x1  }
0xa1: {  	s23 =	simm.s32 $0x1B8B  }
0xa2: {  	_ =	swait.ge [sflag:s23], $0x1  }
0xa3: {  	[sflag:s23] =	ssyncset.done $0x0  }
0xa4: {  	s25 =	simm.s32 $0x1B8E;
	s24 =	sld [smem:$0x3FFE];
	[sflag:s23] =	ssyncadd.s32 $0xFFFFFFFF  }
0xa5: {  	s26 =	simm.s32 $execute0_lowered;
	[smem:$0x3FD2] =	sst s25  }
0xa6: {  	s5 =	sshll.u32 s26, $0x1;
	_ =	strace $0x8000004C;
	[dreg:$0x1] =	wrdreg $0xFFFFFFFF  }
0xa7: {  	s28 =	simm.s32 $_size_execute0_lowered;
	s3 =	sadd.s32 s3, s5;
	[dreg:$0x0] =	wrdreg $0x0  }
0xa8: {  	s5 =	sshll.u32 s28, $0x1;
	[dreg:$0x2] =	wrdreg s3  }
0xa9: {  	[dreg:$0x3] =	wrdreg s5  }
0xaa: {  	[dreg:$0x4] =	wrdreg $0xC0  }
0xab: {  	_ =	task [dreg:s7], $0x5FFFF  }
0xac: {  	[dreg:$0x1] =	wrdreg $0xFFFFFFFF  }
0xad: {  	[dreg:$0x0] =	wrdreg $0x60  }
0xae: {  	[dreg:$0x2] =	wrdreg s24  }
0xaf: {  	[dreg:$0x3] =	wrdreg s2  }
0xb0: {  	[dreg:$0x4] =	wrdreg $0x90000  }
0xb1: {  	[dreg:$0x5] =	wrdreg $0x9  }
0xb2: {  	_ =	task.clear_ibuf [dreg:s7], $0x6FFFF;
	_ =	strace $0x9000004C  }
0xb3: {  	s29 =	simm.s32 $0x9;
	_ =	strace $0x8000004E  }
0xb4: {  	_ =	swait.ge [sflag:s29], $0x1  }
0xb5: {  	[sflag:s29] =	ssyncadd.s32 $0xFFFFFFFF  }
0xb6: {  	_ =	strace $0x9000004E  }
0xb7: {  	_ =	sfence  }
0xb8: {  	s30 =	sld [smem:$0x0];
	_ =	sdelay $0x2  }
0xb9: {  	s31 =	sshll.u32 s1, $0xD;
	s1 =	sshrl.u32 s1, $0x2  }
0xba: {  	s3 =	sand.u32 $0x4000, s31;
	s1 =	sadd.s32 s1, s30  }
0xbb: {  	s0 =	sor.u32 s3, s0;
	s1 =	sshll.u32 s1, $0x11  }
0xbc: {  	s0 =	sor.u32 s1, s0  }
0xbd: {  	s0 =	sadd.s32 $0x8F2B, s0  }
0xbe: {  	[sflag:s0] =	ssyncadd.remote.s32 $0x1  }
0xbf: {  	_ =	sfence.sel $0xFFFF  }
0xc0: {  	[dreg:$0x0] =	wrdreg $0xFFFFFFFF;
	(pc) =	sbr.abs _section_cstart, $3  }
0xc1: {  	[dreg:$0x1] =	wrdreg $0xFFFFFFFF  }
0xc2: {  	_ =	task.clear_ibuf [dreg:s7], $0x2FFFF;
	_ =	strace $0x9FFFFFFF  }
0xc3: {  	(tm) =	ssettm $0x7FFFFFFF  }
tec
execute0_lowered:
.L_overlay_start_1:
0x0: {  	(tag) =	ssettag $0x1  }
0x1: {  	s6 =	rddreg [dreg:$0x0]  }
0x2: {  	s14 =	rddreg [dreg:$0x1]  }
0x3: {  	s2 =	rddreg [dreg:$0x2]  }
0x4: {  	s0 =	rddreg [dreg:$0x3]  }
0x5: {  	s4 =	srdreg.scid;
	s1 =	stileid.u32  }
0x6: {  	s3 =	simm.s32 $0x0;
	s18 =	simm.s32 $0x1400;
	s19 =	simm.s32 $0x80  }
0x7: {  	s20 =	simm.s32 $0x2800;
	s21 =	simm.s32 $0x1;
	s5 =	sand.u32 $0x1, s4  }
0x8: {  	s28 =	sshll.u32 s1, $0x1;
	[smem:$0x7FF] =	sst s3;
	s8 =	smul.u32 $0x50000, s1  }
0x9: {  	s4 =	sadd.s32 $0x2A00, s6;
	s23 =	smul.u32 $0x2800, s1;
	s7 =	sor.u32 s5, s28  }
0xa: {  	_ =	strace $0x8000004D;
	s29 =	smul.u32 $0x28000, s5;
	s9 =	ssub.s32 $0x2, s5  }
0xb: {  	s15 =	smul.u32 $0x280, s7;
	s30 =	sshrl.u32 s8, $0x2;
	s31 =	sshrl.u32 s9, $0x1  }
0xc: {  	s5 =	sadd.s32 s30, s2;
	s16 =	sadd.s32 s29, s6;
	s17 =	ssub.s32 s9, s31  }
0xd: {  	s13 =	sadd.s32 s15, s6;
	s6 =	sadd.s32 $0x2800, s5;
	s7 =	sadd.s32 $0x5000, s5  }
0xe: {  	s8 =	sadd.s32 $0x7800, s5;
	s9 =	sadd.s32 $0xA000, s5;
	s10 =	sadd.s32 $0xC800, s5  }
0xf: {  	s11 =	sadd.s32 $0xF000, s5;
	s12 =	sadd.s32 $0x11800, s5;
	s14 =	sadd.s32 s14, s15  }
0x10: {  	s22 =	sadd.s32 $0x7FA00, s16;
	s15 =	smax.u32 s17, $0x1;
	s16 =	simm.s32 $0x6800  }
0x11: {  	v0 =	vimm.f32 $0.0e+00;
	s17 =	simm.s32 $0x2;
	s13 =	sadd.s32 $0x52A00, s13;
	s22 =	sadd.s32 s23, s22  }
.LBB2_1:
0x12: {  	s23 =	simm.s32 $0x0;
	s24 =	simm.s32 $0x200  }
.LBB2_2:
0x13: {  	p0 =	sne.s32 s24, $0x9E00;
	[tilespmem:s23+$0x6870] =	vst v0  }
0x14: {  	[tilespmem:s23+$0x6800] =	vst v0  }
0x15: {  	[tilespmem:s23+$0x6810] =	vst v0  }
.Ltmp0:
0x16: {  	[tilespmem:s23+$0x6820] =	vst v0;
	(pc) =	sbr.rel @p0 .LBB2_2-.Ltmp0, $4  }
0x17: {  	[tilespmem:s23+$0x6830] =	vst v0  }
0x18: {  	[tilespmem:s23+$0x6840] =	vst v0  }
0x19: {  	[tilespmem:s23+$0x6850] =	vst v0  }
0x1a: {  	[tilespmem:s23+$0x6860] =	vst v0;
	s23 =	sshra.s32 s24, $0x2;
	s24 =	sadd.s32 $0x200, s24  }
0x1b: {  	[tilespmem:s23+$0x6870] =	vst v0  }
0x1c: {  	[tilespmem:s23+$0x6800] =	vst v0  }
0x1d: {  	[tilespmem:s23+$0x6810] =	vst v0  }
0x1e: {  	[tilespmem:s23+$0x6820] =	vst v0  }
0x1f: {  	[tilespmem:s23+$0x6830] =	vst v0  }
0x20: {  	[tilespmem:s23+$0x6840] =	vst v0  }
0x21: {  	[tilespmem:s23+$0x6850] =	vst v0  }
0x22: {  	[tilespmem:s23+$0x6860] =	vst v0  }
0x23: {  	[spmem:s5] =	stream.linear.scatter [tilespmem:s16], [sflag:$0x2], $0x2800, $0x38;
	[tilespmem:$0x1D000] =	vst v63  }
0x24: {  	_ =	swait.ge [sflag:s17], $0x2800  }
0x25: {  	[sflag:s17] =	ssyncset.done $0x0  }
0x26: {  	[sflag:s17] =	ssyncadd.s32 $0xFFFFD800  }
0x27: {  	[spmem:s6] =	stream.linear.scatter [tilespmem:s16], [sflag:$0x2], $0x2800, $0x38;
	[tilespmem:$0x1D000] =	vst v63  }
0x28: {  	_ =	swait.ge [sflag:s17], $0x2800  }
0x29: {  	[sflag:s17] =	ssyncset.done $0x0  }
0x2a: {  	[sflag:s17] =	ssyncadd.s32 $0xFFFFD800  }
0x2b: {  	[spmem:s7] =	stream.linear.scatter [tilespmem:s16], [sflag:$0x2], $0x2800, $0x38;
	[tilespmem:$0x1D000] =	vst v63  }
0x2c: {  	_ =	swait.ge [sflag:s17], $0x2800  }
0x2d: {  	[sflag:s17] =	ssyncset.done $0x0  }
0x2e: {  	[sflag:s17] =	ssyncadd.s32 $0xFFFFD800  }
0x2f: {  	[spmem:s8] =	stream.linear.scatter [tilespmem:s16], [sflag:$0x2], $0x2800, $0x38;
	[tilespmem:$0x1D000] =	vst v63  }
0x30: {  	_ =	swait.ge [sflag:s17], $0x2800  }
0x31: {  	[sflag:s17] =	ssyncset.done $0x0  }
0x32: {  	[sflag:s17] =	ssyncadd.s32 $0xFFFFD800  }
0x33: {  	[spmem:s9] =	stream.linear.scatter [tilespmem:s16], [sflag:$0x2], $0x2800, $0x38;
	[tilespmem:$0x1D000] =	vst v63  }
0x34: {  	_ =	swait.ge [sflag:s17], $0x2800  }
0x35: {  	[sflag:s17] =	ssyncset.done $0x0  }
0x36: {  	[sflag:s17] =	ssyncadd.s32 $0xFFFFD800  }
0x37: {  	[spmem:s10] =	stream.linear.scatter [tilespmem:s16], [sflag:$0x2], $0x2800, $0x38;
	[tilespmem:$0x1D000] =	vst v63  }
0x38: {  	_ =	swait.ge [sflag:s17], $0x2800  }
0x39: {  	[sflag:s17] =	ssyncset.done $0x0  }
0x3a: {  	[sflag:s17] =	ssyncadd.s32 $0xFFFFD800  }
0x3b: {  	[spmem:s11] =	stream.linear.scatter [tilespmem:s16], [sflag:$0x2], $0x2800, $0x38;
	[tilespmem:$0x1D000] =	vst v63  }
0x3c: {  	_ =	swait.ge [sflag:s17], $0x2800  }
0x3d: {  	[sflag:s17] =	ssyncset.done $0x0  }
0x3e: {  	[sflag:s17] =	ssyncadd.s32 $0xFFFFD800  }
0x3f: {  	[spmem:s12] =	stream.linear.scatter [tilespmem:s16], [sflag:$0x2], $0x2800, $0x38;
	[tilespmem:$0x1D000] =	vst v63  }
0x40: {  	_ =	swait.ge [sflag:s17], $0x2800  }
0x41: {  	[sflag:s17] =	ssyncset.done $0x0  }
0x42: {  	s29 =	simm.s32 $0x0;
	[sflag:s17] =	ssyncadd.s32 $0xFFFFD800  }
0x43: {  	[tilespmem:s29], [sflag:$0x2] =	stream.linear.gather [hbm4b:s13+s29], $0x1400, $0x38;
	[tilespmem:$0x1D000] =	vst v63  }
0x44: {  	_ =	swait.ge [sflag:s17], $0x1400  }
0x45: {  	[sflag:s17] =	ssyncset.done $0x0  }
0x46: {  	[sflag:s17] =	ssyncadd.s32 $0xFFFFEC00  }
0x47: {  	[tilespmem:s18], [sflag:$0x2] =	stream.linear.gather [hbm4b:s14+s29], $0x1400, $0x38;
	[tilespmem:$0x1D000] =	vst v63  }
0x48: {  	_ =	swait.ge [sflag:s17], $0x1400  }
0x49: {  	[sflag:s17] =	ssyncset.done $0x0  }
0x4a: {  	[sflag:s17] =	ssyncadd.s32 $0xFFFFEC00  }
0x4b: {  	s30 =	simm.s32 $0x0;
	[bflag:$0x0] =	sbarrier.arrive $0xFFFF  }
0x4c: {  	[tilespmem:s20], [sflag:$0x1] =	stream.indirect.gather [hbm4b:s4+s19], $0x80, s30, s19, $0xb8;
	[tilespmem:$0x1D000] =	vst v63  }
0x4d: {  	_ =	swait.ge [sflag:s21], $0x4000  }
0x4e: {  	[sflag:s21] =	ssyncset.done $0x0  }
0x4f: {  	s31 =	simm.s32 $0x1400;
	[sflag:s21] =	ssyncadd.s32 $0xFFFFC000  }
0x50: {  	[spmem:s2] =	stream.indirect.scatter.add.f32 [tilespmem:s20], [sflag:$0x2], $0x80, s31, s19, $0xb8;
	[tilespmem:$0x1D000] =	vst v63  }
0x51: {  	_ =	swait.ge [sflag:s17], $0x4000  }
0x52: {  	s23 =	simm.s32 $0x200;
	s24 =	simm.s32 $0x400;
	[sflag:s17] =	ssyncset.done $0x0  }
.LBB2_4:
0x53: {  	s25 =	sshra.s32 s23, $0x2  }
0x54: {  	[sflag:s17] =	ssyncadd.s32 $0xFFFFC000;
	s23 =	smov.u32 s24;
	s26 =	sadd.s32 $0x200, s24  }
0x55: {  	[tilespmem:s20], [sflag:$0x1] =	stream.indirect.gather [hbm4b:s4+s19], $0x80, s25, s19, $0xb8;
	[tilespmem:$0x1D000] =	vst v63  }
0x56: {  	p0 =	sne.s32 s24, $0x4E00;
	_ =	swait.ge [sflag:s21], $0x4000  }
.Ltmp1:
0x57: {  	[sflag:s21] =	ssyncset.done $0x0;
	(pc) =	sbr.rel @p0 .LBB2_4-.Ltmp1, $4  }
0x58: {  	s24 =	sadd.s32 $0x1400, s25;
	[sflag:s21] =	ssyncadd.s32 $0xFFFFC000  }
0x59: {  	[spmem:s2] =	stream.indirect.scatter.add.f32 [tilespmem:s20], [sflag:$0x2], $0x80, s24, s19, $0xb8;
	[tilespmem:$0x1D000] =	vst v63  }
0x5a: {  	_ =	swait.ge [sflag:s17], $0x4000  }
0x5b: {  	s24 =	smov.u32 s26;
	[sflag:s17] =	ssyncset.done $0x0  }
0x5c: {  	s23 =	sshra.s32 s23, $0x2;
	[sflag:s17] =	ssyncadd.s32 $0xFFFFC000  }
0x5d: {  	[tilespmem:s20], [sflag:$0x1] =	stream.indirect.gather [hbm4b:s4+s19], $0x80, s23, s19, $0xb8;
	[tilespmem:$0x1D000] =	vst v63  }
0x5e: {  	_ =	swait.ge [sflag:s21], $0x4000  }
0x5f: {  	[sflag:s21] =	ssyncset.done $0x0  }
0x60: {  	s23 =	sadd.s32 $0x1400, s23;
	[sflag:s21] =	ssyncadd.s32 $0xFFFFC000  }
0x61: {  	[spmem:s2] =	stream.indirect.scatter.add.f32 [tilespmem:s20], [sflag:$0x2], $0x80, s23, s19, $0xb8;
	[tilespmem:$0x1D000] =	vst v63  }
0x62: {  	_ =	swait.ge [sflag:s17], $0x4000  }
0x63: {  	s31 =	sshll.u32 s1, $0x6;
	s3 =	sadd.s32 $0x1, s3;
	[sflag:s17] =	ssyncset.done $0x0  }
0x64: {  	s24 =	sshrl.u32 s5, $0x3;
	p0 =	sne.s32 s3, s15;
	[sflag:s17] =	ssyncadd.s32 $0xFFFFC000  }
.Ltmp2:
0x65: {  	s23 =	sor.u32 $0x1C02, s31;
	[bflag:$0x0] =	sbarrier.arrive $0xFFFF;
	(pc) =	sbr.rel @p0 .LBB2_1-.Ltmp2, $4  }
0x66: {  	[hbm:s22], [sflag:s23] =	dma.local [spmem:s24], $0x2800  }
0x67: {  	_ =	swait.ge [sflag:s17], $0x2800  }
0x68: {  	[sflag:s17] =	ssyncset.done $0x0  }
0x69: {  	[sflag:s17] =	ssyncadd.s32 $0xFFFFD800  }
0x6a: {  	_ =	sfence.sel $0x180000  }
0x6b: {  	[bflag:$0x0] =	sbarrier.arrive $0xFFFF  }
0x6c: {  	p0 =	sne.s32 s1, $0x0;
	_ =	strace $0x9000004D  }
0x6d: {  	s0 =	sadd.s32 @!p0 $0x100000, s0;
	[bflag:$0x2] =	sbarrier.arrive $0xFFFF  }
0x6e: {  	[sflag:s0] =	ssyncadd.tile.s32 @!p0 $0x1;
	_ =	shalt  }
.Lfunc_end2:
_tile_overlayer_lowered:
.L_overlay_start_2:
0x6f: {  	(tag) =	ssettag $0x2  }
0x70: {  	s0 =	rddreg [dreg:$0x0];
	s2 =	stileid.u32  }
0x71: {  	s1 =	rddreg [dreg:$0x1];
	p0 =	sne.s32 s2, $0x0  }
0x72: {  	s3 =	rddreg [dreg:$0x2];
	[bflag:$0x3] =	sbarrier.arrive $0xFFFF;
	s2 =	simm.s32 @!p0 $0x1C02  }
0x73: {  	[timem:s3], [sflag:s2] =	dma.local @!p0 [hbm:s0], s1  }
0x74: {  	s0 =	simm.s32 @!p0 $0x2  }
0x75: {  	_ =	swait.ge @!p0 [sflag:s0], s1  }
0x76: {  	s1 =	ssub.s32 @!p0 $0x0, s1;
	[sflag:s0] =	ssyncset.done @!p0 $0x0  }
0x77: {  	[sflag:s0] =	ssyncadd.s32 @!p0 s1  }
0x78: {  	[bflag:$0x3] =	sbarrier.arrive $0xFFFF  }
0x79: {  	_ =	shalt  }

// kernel: kernel.17.cloned.1.call-start
scs
__scs_entry_jumppad:
0x0: {  	(pc) =	sbr.rel $0x88, $3  }
0x1: {  	(tag) =	ssettag $0x0;
	lr =	simm.s32 $0x1  }
0x2: {  	[smem:$0x3F99] =	sst lr;
	_ =	strace $0xD0000000  }
0x3: {  	_ = 	snop  }
0x4: {  	_ = 	snop  }
0x5: {  	_ = 	snop  }
0x6: {  	_ = 	snop  }
0x7: {  	_ = 	snop  }
__scs_overlays_trampoline_lowered:
0x8: {  	[smem:$0x3FA8] =	sst s0  }
0x9: {  	[smem:$0x3FA9] =	sst s1  }
0xa: {  	[smem:$0x3FAA] =	sst s2  }
0xb: {  	[smem:$0x3FAB] =	sst s3  }
0xc: {  	[smem:$0x3FAC] =	sst s4  }
0xd: {  	[smem:$0x3FAD] =	sst s5  }
0xe: {  	[smem:$0x3FAE] =	sst s6  }
0xf: {  	[smem:$0x3FAF] =	sst s7  }
0x10: {  	[smem:$0x3FB0] =	sst s8  }
0x11: {  	[smem:$0x3FB1] =	sst s9;
	s0 =	simm.s32 @!p0 $0x0  }
0x12: {  	s1 =	sld [smem:$0x3F97];
	s0 =	simm.s32 @p0 $0x1  }
0x13: {  	[smem:$0x3FB2] =	sst s0;
	s0 =	simm.s32 @!p1 $0x0  }
0x14: {  	s2 =	sld [smem:$0x3F96];
	s0 =	simm.s32 @p1 $0x1  }
0x15: {  	[smem:$0x3FB3] =	sst s0;
	s0 =	simm.s32 @!p2 $0x0  }
0x16: {  	s3 =	sld [smem:$0x3FDB];
	s0 =	simm.s32 @p2 $0x1  }
0x17: {  	s4 =	simm.s32 $0x1BF5;
	[smem:$0x3FB5] =	sst s0  }
0x18: {  	s0 =	sld [smem:$0x3F98];
	_ =	swait.ge [sflag:s4], $0x0  }
0x19: {  	s7 =	sld [smem:$0x3F99]  }
0x1a: {  	s8 =	sadd.s32 $0xFFFFE003, lr  }
0x1b: {  	s9 =	sadd.s32 $0xFFFFFEF7, lr;
	s5 =	simm.s32 $0xFFFFFFFF;
	p2 =	slt.u32 s8, $0xFFFFF086  }
0x1c: {  	p1 =	slt.u32 s9, $0xF7A;
	s5 =	simm.s32 @!p2 $0x0  }
0x1d: {  	s5 =	simm.s32 @p1 $0x1;
	p0 =	seq.s32 s7, s2  }
0x1e: {  	s7 =	smul.u32 @!p0 $0xF7A, s2;
	p2 =	seq.s32 @!p0 s5, $0x0  }
0x1f: {  	s9 =	smul.u32 $0xF7A, s1;
	s8 =	simm.s32 @!p0 $0x1BF5;
	p2 =	por !p2, p0  }
0x20: {  	[sflag:s8] =	ssyncset.s32 @!p0 $0xFFFFF086;
	s6 =	sadd.s32 @!p0 s3, s7;
	s7 =	simm.s32 @!p0 $0x108  }
0x21: {  	s3 =	sadd.s32 s3, s9;
	s6 =	sadd.s32 @!p0 $0x88, s6;
	s7 =	simm.s32 @p2 $0x1082  }
0x22: {  	[simem:s7], [sflag:s8] =	dma.local @!p0 [hbm:s6], $0xF7A  }
0x23: {  	s9 =	sor.u32 $0xD0000000, s2;
	s6 =	simm.s32 $0x108;
	_ =	swait.ge @!p0 [sflag:s8], $0x0  }
0x24: {  	s3 =	sadd.s32 $0x88, s3;
	s6 =	simm.s32 @!p1 $0x1082;
	[sflag:s4] =	ssyncset.s32 $0xFFFFF086  }
0x25: {  	[simem:s6], [sflag:s4] =	dma.local [hbm:s3], $0xF7A  }
0x26: {  	[smem:$0x3F99] =	sst s1;
	(tag) =	ssettag s2;
	_ =	strace s9  }
0x27: {  	s1 =	sld [smem:$0x3FA9]  }
0x28: {  	s2 =	sld [smem:$0x3FAA]  }
0x29: {  	s4 =	sld [smem:$0x3FAC]  }
0x2a: {  	p0 =	seq.s32 s5, $0x0;
	s5 =	sld [smem:$0x3FAD]  }
0x2b: {  	s6 =	sld [smem:$0x3FAE]  }
0x2c: {  	s7 =	sld [smem:$0x3FAF]  }
0x2d: {  	s3 =	simm.s32 $0x108;
	s8 =	sld [smem:$0x3FB0]  }
0x2e: {  	s3 =	simm.s32 @!p0 $0x1082;
	s9 =	sld [smem:$0x3FB1]  }
0x2f: {  	lr =	sadd.s32 s0, s3;
	s0 =	sld [smem:$0x3FA8]  }
0x30: {  	s3 =	sld [smem:$0x3FAB]  }
0x31: {  	[smem:$0x3FB4] =	sst s10  }
0x32: {  	s10 =	sld [smem:$0x3FB2];
	_ =	sdelay $0x3  }
0x33: {  	p0 =	seq.s32 s10, $0x1;
	s10 =	sld [smem:$0x3FB4];
	_ =	sdelay $0x3  }
0x34: {  	[smem:$0x3FB4] =	sst s10  }
0x35: {  	s10 =	sld [smem:$0x3FB3];
	_ =	sdelay $0x3  }
0x36: {  	p1 =	seq.s32 s10, $0x1;
	s10 =	sld [smem:$0x3FB4];
	_ =	sdelay $0x3  }
0x37: {  	[smem:$0x3FB4] =	sst s10  }
0x38: {  	s10 =	sld [smem:$0x3FB5]  }
0x39: {  	_ = 	snop;
	(pc) =	sbr.ind lr, $3  }
0x3a: {  	_ = 	snop  }
0x3b: {  	_ = 	snop  }
0x3c: {  	p2 =	seq.s32 s10, $0x1;
	s10 =	sld [smem:$0x3FB4]  }
0x3d: {  	_ =	shalt  }
0x3e: {  	_ =	shalt  }
0x3f: {  	_ =	shalt  }
0x40: {  	_ =	shalt  }
0x41: {  	_ =	shalt  }
0x42: {  	_ =	shalt  }
0x43: {  	_ =	shalt  }
0x44: {  	_ =	shalt  }
0x45: {  	_ =	shalt  }
0x46: {  	_ =	shalt  }
0x47: {  	_ =	shalt  }
0x48: {  	_ =	shalt  }
0x49: {  	_ =	shalt  }
0x4a: {  	_ =	shalt  }
0x4b: {  	_ =	shalt  }
0x4c: {  	_ =	shalt  }
0x4d: {  	_ =	shalt  }
0x4e: {  	_ =	shalt  }
0x4f: {  	_ =	shalt  }
0x50: {  	_ =	shalt  }
0x51: {  	_ =	shalt  }
0x52: {  	_ =	shalt  }
0x53: {  	_ =	shalt  }
0x54: {  	_ =	shalt  }
0x55: {  	_ =	shalt  }
0x56: {  	_ =	shalt  }
0x57: {  	_ =	shalt  }
0x58: {  	_ =	shalt  }
0x59: {  	_ =	shalt  }
0x5a: {  	_ =	shalt  }
0x5b: {  	_ =	shalt  }
0x5c: {  	_ =	shalt  }
0x5d: {  	_ =	shalt  }
0x5e: {  	_ =	shalt  }
0x5f: {  	_ =	shalt  }
0x60: {  	_ =	shalt  }
0x61: {  	_ =	shalt  }
0x62: {  	_ =	shalt  }
0x63: {  	_ =	shalt  }
0x64: {  	_ =	shalt  }
0x65: {  	_ =	shalt  }
0x66: {  	_ =	shalt  }
0x67: {  	_ =	shalt  }
0x68: {  	_ =	shalt  }
0x69: {  	_ =	shalt  }
0x6a: {  	_ =	shalt  }
0x6b: {  	_ =	shalt  }
0x6c: {  	_ =	shalt  }
0x6d: {  	_ =	shalt  }
0x6e: {  	_ =	shalt  }
0x6f: {  	_ =	shalt  }
0x70: {  	_ =	shalt  }
0x71: {  	_ =	shalt  }
0x72: {  	_ =	shalt  }
0x73: {  	_ =	shalt  }
0x74: {  	_ =	shalt  }
0x75: {  	_ =	shalt  }
0x76: {  	_ =	shalt  }
0x77: {  	_ =	shalt  }
0x78: {  	_ =	shalt  }
0x79: {  	_ =	shalt  }
0x7a: {  	_ =	shalt  }
0x7b: {  	_ =	shalt  }
0x7c: {  	_ =	shalt  }
0x7d: {  	_ =	shalt  }
0x7e: {  	_ =	shalt  }
0x7f: {  	_ =	shalt  }
0x80: {  	_ =	shalt  }
0x81: {  	_ =	shalt  }
0x82: {  	_ =	shalt  }
0x83: {  	_ =	shalt  }
0x84: {  	_ =	shalt  }
0x85: {  	_ =	shalt  }
0x86: {  	_ =	shalt  }
0x87: {  	_ =	shalt  }
.Lfunc_end0:
.L_simem_size_0:
called_computation.3_lowered:
.L_overlay_start_0:
0x88: {  	s2 =	sld [smem:$0x3FD9]  }
0x89: {  	s3 =	sld [smem:$0x3FFE];
	_ =	sdelay $0x1  }
0x8a: {  	s1 =	srdreg.scid  }
0x8b: {  	s0 =	sand.u32 $0x1, s1  }
0x8c: {  	s17 =	sshll.u32 s0, $0xA;
	s2 =	sadd.s32 s3, s2  }
0x8d: {  	s2 =	sadd.s32 s2, s17  }
0x8e: {  	[smem:$0x3FC0] =	sst s2  }
0x8f: {  	_ = 	snop  }
0x90: {  	s2 =	sld [smem:$0x3FC9]  }
0x91: {  	s18 =	sld [smem:$0x3FC2]  }
0x92: {  	s4 =	sld [smem:$0x3FD0];
	(tm) =	ssettm $0x1  }
0x93: {  	s5 =	sld [smem:$0x3FFB];
	_ =	sdelay $0x3  }
0x94: {  	_ =	strace s5  }
0x95: {  	s5 =	sld [smem:$0x3FFC];
	_ =	sdelay $0x3  }
0x96: {  	_ =	strace s5  }
0x97: {  	s5 =	sld [smem:$0x3FFD];
	_ =	sdelay $0x3  }
0x98: {  	_ =	strace s5  }
0x99: {  	_ =	strace $0x8FFFFFFF  }
0x9a: {  	s19 =	sld [smem:$0x3FDB];
	_ =	sdelay $0x1  }
0x9b: {  	s6 =	simm.s32 $_scs_section_size  }
0x9c: {  	s7 =	simm.s32 $_size__tile_overlayer_lowered;
	s8 =	simm.s32 $_tile_overlayer_lowered  }
0x9d: {  	s22 =	simm.s32 $0x1BFF;
	s21 =	sshll.u32 s8, $0x1;
	s5 =	sadd.s32 s6, s19  }
0x9e: {  	s9 =	simm.s32 $0x0;
	s20 =	sshll.u32 s7, $0x1;
	s7 =	sadd.s32 s21, s5  }
0x9f: {  	[timem:s9], [sflag:s22] =	dma.local [hbm:s7], s20  }
0xa0: {  	_ =	swait.ge [sflag:s22], s20  }
0xa1: {  	s6 =	ssub.s32 $0x0, s20;
	[sflag:s22] =	ssyncset.done $0x0  }
0xa2: {  	[sflag:s22] =	ssyncadd.s32 s6;
	_ =	sdelay $0x1  }
0xa3: {  	s23 =	simm.s32 $0x1B8B  }
0xa4: {  	_ =	swait.ge [sflag:s23], $0x1  }
0xa5: {  	[sflag:s23] =	ssyncset.done $0x0  }
0xa6: {  	s25 =	simm.s32 $0x1B8E;
	s24 =	sld [smem:$0x3FFE];
	[sflag:s23] =	ssyncadd.s32 $0xFFFFFFFF  }
0xa7: {  	s26 =	simm.s32 $execute0_lowered;
	[smem:$0x3FD2] =	sst s25  }
0xa8: {  	s7 =	sshll.u32 s26, $0x1;
	_ =	strace $0x8000004F;
	[dreg:$0x1] =	wrdreg $0xFFFFFFFF  }
0xa9: {  	s28 =	simm.s32 $_size_execute0_lowered;
	s5 =	sadd.s32 s5, s7;
	[dreg:$0x0] =	wrdreg $0x0  }
0xaa: {  	s7 =	sshll.u32 s28, $0x1;
	[dreg:$0x2] =	wrdreg s5  }
0xab: {  	[dreg:$0x3] =	wrdreg s7  }
0xac: {  	[dreg:$0x4] =	wrdreg $0xC0  }
0xad: {  	_ =	task [dreg:s9], $0x5FFFF  }
0xae: {  	[dreg:$0x1] =	wrdreg $0xFFFFFFFF  }
0xaf: {  	[dreg:$0x0] =	wrdreg $0x60  }
0xb0: {  	[dreg:$0x2] =	wrdreg s24  }
0xb1: {  	[dreg:$0x3] =	wrdreg s18  }
0xb2: {  	[dreg:$0x4] =	wrdreg s2  }
0xb3: {  	[dreg:$0x5] =	wrdreg s4  }
0xb4: {  	[dreg:$0x6] =	wrdreg $0x9  }
0xb5: {  	_ =	task.clear_ibuf [dreg:s9], $0x7FFFF;
	_ =	strace $0x9000004F  }
0xb6: {  	s29 =	simm.s32 $0x9;
	_ =	strace $0x80000051  }
0xb7: {  	_ =	swait.ge [sflag:s29], $0x1  }
0xb8: {  	[sflag:s29] =	ssyncadd.s32 $0xFFFFFFFF  }
0xb9: {  	_ =	strace $0x90000051  }
0xba: {  	_ =	sfence  }
0xbb: {  	s30 =	sld [smem:$0x0];
	_ =	sdelay $0x2  }
0xbc: {  	s31 =	sshll.u32 s1, $0xD;
	s1 =	sshrl.u32 s1, $0x2  }
0xbd: {  	s3 =	sand.u32 $0x4000, s31;
	s1 =	sadd.s32 s1, s30  }
0xbe: {  	s0 =	sor.u32 s3, s0;
	s1 =	sshll.u32 s1, $0x11  }
0xbf: {  	s0 =	sor.u32 s1, s0  }
0xc0: {  	s0 =	sadd.s32 $0x8F2B, s0  }
0xc1: {  	[sflag:s0] =	ssyncadd.remote.s32 $0x1  }
0xc2: {  	_ =	sfence.sel $0xFFFF  }
0xc3: {  	[dreg:$0x0] =	wrdreg $0xFFFFFFFF;
	(pc) =	sbr.abs _section_cstart, $3  }
0xc4: {  	[dreg:$0x1] =	wrdreg $0xFFFFFFFF  }
0xc5: {  	_ =	task.clear_ibuf [dreg:s9], $0x2FFFF;
	_ =	strace $0x9FFFFFFF  }
0xc6: {  	(tm) =	ssettm $0x7FFFFFFF  }
0xc7: {  	_ =	shalt  }
tec
execute0_lowered:
.L_overlay_start_1:
0x0: {  	(tag) =	ssettag $0x1  }
0x1: {  	s6 =	rddreg [dreg:$0x0]  }
0x2: {  	s1 =	rddreg [dreg:$0x1]  }
0x3: {  	s7 =	rddreg [dreg:$0x2]  }
0x4: {  	s8 =	rddreg [dreg:$0x3]  }
0x5: {  	s0 =	rddreg [dreg:$0x4];
	s2 =	simm.s32 $0x0  }
0x6: {  	s5 =	srdreg.scid;
	s3 =	stileid.u32;
	s13 =	simm.s32 $0x100  }
0x7: {  	s14 =	simm.s32 $0x1;
	s15 =	simm.s32 $0x4100;
	s16 =	simm.s32 $0x8100  }
0x8: {  	s17 =	simm.s32 $0xC100;
	s18 =	simm.s32 $0x0;
	[smem:$0x7FF] =	sst s2  }
0x9: {  	s4 =	sadd.s32 $0x7FA00, s6;
	s9 =	sand.u32 $0x1, s5;
	s5 =	sadd.s32 $0x2AA00, s6  }
0xa: {  	s11 =	sshll.u32 s3, $0x1;
	s6 =	sadd.s32 $0x57A00, s6;
	s10 =	ssub.s32 $0x2, s9  }
0xb: {  	_ =	strace $0x80000050;
	s9 =	sor.u32 s9, s11;
	s12 =	sshrl.u32 s10, $0x1  }
0xc: {  	s11 =	sshll.u32 s9, $0x4;
	s9 =	sshll.u32 s9, $0xB;
	s10 =	ssub.s32 s10, s12  }
0xd: {  	s7 =	sadd.s32 s7, s11;
	s8 =	sadd.s32 s8, s9;
	s11 =	simm.s32 $0x10100  }
0xe: {  	s12 =	simm.s32 $0x80;
	s9 =	smax.u32 s10, $0x1;
	s10 =	simm.s32 $0x2  }
.LBB2_1:
0xf: {  	[tilespmem:s2], [sflag:$0x2] =	stream.linear.gather [hbm4b:s7+s2], $0x80, $0x38;
	[tilespmem:$0x10180] =	vst v63  }
0x10: {  	_ =	swait.ge [sflag:s10], $0x80  }
0x11: {  	[sflag:s10] =	ssyncset.done $0x0  }
0x12: {  	[sflag:s10] =	ssyncadd.s32 $0xFFFFFF80  }
0x13: {  	[tilespmem:s11], [sflag:$0x2] =	stream.linear.gather [hbm4b:s1+s2], $0x80, $0x38;
	[tilespmem:$0x10180] =	vst v63  }
0x14: {  	_ =	swait.ge [sflag:s10], $0x80  }
0x15: {  	[sflag:s10] =	ssyncset.done $0x0  }
0x16: {  	[sflag:s10] =	ssyncadd.s32 $0xFFFFFF80  }
0x17: {  	v0 =	vld [tilespmem:$0x0]  }
0x18: {  	v1 =	vld [tilespmem:$0x10]  }
0x19: {  	v2 =	vld [tilespmem:$0x20]  }
0x1a: {  	v3 =	vld [tilespmem:$0x30]  }
0x1b: {  	v4 =	vld [tilespmem:$0x40]  }
0x1c: {  	v5 =	vld [tilespmem:$0x50];
	v0 =	vadd.s32 $0x2800, v0  }
0x1d: {  	[tilespmem:$0x80] =	vst v0;
	v0 =	vadd.s32 $0x2800, v1;
	v1 =	vld [tilespmem:$0x60]  }
0x1e: {  	[tilespmem:$0x90] =	vst v0;
	v0 =	vadd.s32 $0x2800, v2;
	v2 =	vld [tilespmem:$0x70]  }
0x1f: {  	[tilespmem:$0xA0] =	vst v0;
	v0 =	vadd.s32 $0x2800, v3  }
0x20: {  	[tilespmem:$0xB0] =	vst v0;
	v0 =	vadd.s32 $0x2800, v4  }
0x21: {  	[tilespmem:$0xC0] =	vst v0;
	v0 =	vadd.s32 $0x2800, v5  }
0x22: {  	[tilespmem:$0xD0] =	vst v0;
	v0 =	vadd.s32 $0x2800, v1  }
0x23: {  	[tilespmem:$0xE0] =	vst v0;
	v0 =	vadd.s32 $0x2800, v2  }
0x24: {  	[tilespmem:$0xF0] =	vst v0  }
0x25: {  	[tilespmem:s13], [sflag:$0x1] =	stream.indirect.gather [hbm4b:s4+s12], $0x80, s2, s12, $0xb8;
	[tilespmem:$0x10180] =	vst v63  }
0x26: {  	_ =	swait.ge [sflag:s14], $0x4000  }
0x27: {  	[sflag:s14] =	ssyncset.done $0x0  }
0x28: {  	[sflag:s14] =	ssyncadd.s32 $0xFFFFC000  }
0x29: {  	[tilespmem:s15], [sflag:$0x1] =	stream.indirect.gather [hbm4b:s4+s12], $0x80, s12, s12, $0xb8;
	[tilespmem:$0x10180] =	vst v63  }
0x2a: {  	_ =	swait.ge [sflag:s14], $0x4000  }
0x2b: {  	[sflag:s14] =	ssyncset.done $0x0  }
0x2c: {  	[sflag:s14] =	ssyncadd.s32 $0xFFFFC000  }
0x2d: {  	[tilespmem:s16], [sflag:$0x1] =	stream.indirect.gather [hbm4b:s5+s12], $0x80, s2, s12, $0xb8;
	[tilespmem:$0x10180] =	vst v63  }
0x2e: {  	_ =	swait.ge [sflag:s14], $0x4000  }
0x2f: {  	[sflag:s14] =	ssyncset.done $0x0  }
0x30: {  	[sflag:s14] =	ssyncadd.s32 $0xFFFFC000  }
0x31: {  	[tilespmem:s17], [sflag:$0x1] =	stream.indirect.gather [hbm4b:s6+s12], $0x80, s2, s12, $0xb8;
	[tilespmem:$0x10180] =	vst v63  }
0x32: {  	_ =	swait.ge [sflag:s14], $0x4000  }
0x33: {  	[sflag:s14] =	ssyncset.done $0x0  }
0x34: {  	s19 =	simm.s32 $0x0;
	[sflag:s14] =	ssyncadd.s32 $0xFFFFC000  }
0x35: {  	v0 =	vld [tilespmem:s19+$0x4100]  }
0x36: {  	v1 =	vld [tilespmem:s19+$0x100];
	_ =	sdelay $0x1  }
0x37: {  	v2 =	vld [tilespmem:s19+$0xC100];
	_ =	sdelay $0x1  }
0x38: {  	v3 =	vld [tilespmem:s19+$0x8100]  }
0x39: {  	v0 =	vadd.f32 v0, v1  }
0x3a: {  	v1 =	vld [tilespmem:$0x10100]  }
0x3b: {  	v0 =	vmul.f32 v0, v2  }
0x3c: {  	v4 =	vld [tilespmem:s19+$0x4110]  }
0x3d: {  	v0 =	vadd.f32 v0, v3;
	v3 =	vld [tilespmem:s19+$0x110];
	_ =	sdelay $0x1  }
0x3e: {  	v0 =	vadd.f32 v0, v1;
	_ =	sdelay $0x1  }
0x3f: {  	v1 =	vld [tilespmem:s19+$0x8110];
	v0 =	vmax.f32 v0, $0.0e+00  }
0x40: {  	[tilespmem:s19+$0x100] =	vst v0;
	v0 =	vadd.f32 v4, v3  }
0x41: {  	v3 =	vld [tilespmem:$0x10110]  }
0x42: {  	v0 =	vmul.f32 v0, v2  }
0x43: {  	v4 =	vld [tilespmem:s19+$0x4120]  }
0x44: {  	v0 =	vadd.f32 v0, v1;
	v1 =	vld [tilespmem:s19+$0x120];
	_ =	sdelay $0x1  }
0x45: {  	v0 =	vadd.f32 v0, v3;
	_ =	sdelay $0x1  }
0x46: {  	v3 =	vld [tilespmem:s19+$0x8120];
	v0 =	vmax.f32 v0, $0.0e+00  }
0x47: {  	[tilespmem:s19+$0x110] =	vst v0;
	v0 =	vadd.f32 v4, v1  }
0x48: {  	v1 =	vld [tilespmem:$0x10120]  }
0x49: {  	v0 =	vmul.f32 v0, v2  }
0x4a: {  	v4 =	vld [tilespmem:s19+$0x4130]  }
0x4b: {  	v0 =	vadd.f32 v0, v3;
	v3 =	vld [tilespmem:s19+$0x130];
	_ =	sdelay $0x1  }
0x4c: {  	v0 =	vadd.f32 v0, v1;
	_ =	sdelay $0x1  }
0x4d: {  	v1 =	vld [tilespmem:s19+$0x8130];
	v0 =	vmax.f32 v0, $0.0e+00  }
0x4e: {  	[tilespmem:s19+$0x120] =	vst v0;
	v0 =	vadd.f32 v4, v3  }
0x4f: {  	v3 =	vld [tilespmem:$0x10130]  }
0x50: {  	v0 =	vmul.f32 v0, v2  }
0x51: {  	v4 =	vld [tilespmem:s19+$0x4140]  }
0x52: {  	v0 =	vadd.f32 v0, v1;
	v1 =	vld [tilespmem:s19+$0x140];
	_ =	sdelay $0x1  }
0x53: {  	v0 =	vadd.f32 v0, v3;
	_ =	sdelay $0x1  }
0x54: {  	v3 =	vld [tilespmem:s19+$0x8140];
	v0 =	vmax.f32 v0, $0.0e+00  }
0x55: {  	[tilespmem:s19+$0x130] =	vst v0;
	v0 =	vadd.f32 v4, v1  }
0x56: {  	v1 =	vld [tilespmem:$0x10140]  }
0x57: {  	v0 =	vmul.f32 v0, v2  }
0x58: {  	v4 =	vld [tilespmem:s19+$0x4150]  }
0x59: {  	v0 =	vadd.f32 v0, v3;
	v3 =	vld [tilespmem:s19+$0x150];
	_ =	sdelay $0x1  }
0x5a: {  	v0 =	vadd.f32 v0, v1;
	_ =	sdelay $0x1  }
0x5b: {  	v1 =	vld [tilespmem:s19+$0x8150];
	v0 =	vmax.f32 v0, $0.0e+00  }
0x5c: {  	[tilespmem:s19+$0x140] =	vst v0;
	v0 =	vadd.f32 v4, v3  }
0x5d: {  	v3 =	vld [tilespmem:$0x10150]  }
0x5e: {  	v0 =	vmul.f32 v0, v2  }
0x5f: {  	v4 =	vld [tilespmem:s19+$0x4160]  }
0x60: {  	v0 =	vadd.f32 v0, v1;
	v1 =	vld [tilespmem:s19+$0x160];
	_ =	sdelay $0x1  }
0x61: {  	v0 =	vadd.f32 v0, v3;
	_ =	sdelay $0x1  }
0x62: {  	v3 =	vld [tilespmem:s19+$0x8160];
	v0 =	vmax.f32 v0, $0.0e+00  }
0x63: {  	[tilespmem:s19+$0x150] =	vst v0;
	v0 =	vadd.f32 v4, v1  }
0x64: {  	v1 =	vld [tilespmem:$0x10160]  }
0x65: {  	v0 =	vmul.f32 v0, v2  }
0x66: {  	v4 =	vld [tilespmem:s19+$0x4170]  }
0x67: {  	v0 =	vadd.f32 v0, v3;
	v3 =	vld [tilespmem:s19+$0x170];
	_ =	sdelay $0x1  }
0x68: {  	v0 =	vadd.f32 v0, v1;
	_ =	sdelay $0x1  }
0x69: {  	v1 =	vld [tilespmem:s19+$0x8170];
	v0 =	vmax.f32 v0, $0.0e+00  }
0x6a: {  	[tilespmem:s19+$0x160] =	vst v0;
	v0 =	vadd.f32 v4, v3  }
0x6b: {  	v3 =	vld [tilespmem:$0x10170]  }
0x6c: {  	s21 =	simm.s32 $0x80;
	v0 =	vmul.f32 v0, v2  }
0x6d: {  	s20 =	simm.s32 $0x400;
	v2 =	vld [tilespmem:s21+$0x4100]  }
.LBB2_2:
0x6e: {  	p0 =	sne.s32 s20, $0xFE00;
	v4 =	vld [tilespmem:s21+$0x100];
	v1 =	vadd.f32 v0, v1;
	_ =	sdelay $0x1  }
0x6f: {  	v0 =	vld [tilespmem:s21+$0xC100];
	v1 =	vadd.f32 v1, v3;
	_ =	sdelay $0x1  }
0x70: {  	v3 =	vld [tilespmem:s21+$0x8100];
	v1 =	vmax.f32 v1, $0.0e+00  }
0x71: {  	v2 =	vadd.f32 v2, v4;
	[tilespmem:s19+$0x170] =	vst v1;
	s19 =	smov.u32 s21  }
0x72: {  	v1 =	vld [tilespmem:$0x10100]  }
0x73: {  	v2 =	vmul.f32 v2, v0  }
0x74: {  	v4 =	vld [tilespmem:s19+$0x4110]  }
0x75: {  	v2 =	vadd.f32 v2, v3;
	v3 =	vld [tilespmem:s19+$0x110];
	_ =	sdelay $0x1  }
0x76: {  	v1 =	vadd.f32 v2, v1;
	_ =	sdelay $0x1  }
0x77: {  	v1 =	vmax.f32 v1, $0.0e+00;
	v2 =	vld [tilespmem:s19+$0x8110]  }
0x78: {  	[tilespmem:s19+$0x100] =	vst v1;
	v1 =	vadd.f32 v4, v3  }
0x79: {  	v3 =	vld [tilespmem:$0x10110]  }
0x7a: {  	v1 =	vmul.f32 v1, v0  }
0x7b: {  	v4 =	vld [tilespmem:s19+$0x4120]  }
0x7c: {  	v1 =	vadd.f32 v1, v2;
	v2 =	vld [tilespmem:s19+$0x120];
	_ =	sdelay $0x1  }
0x7d: {  	v1 =	vadd.f32 v1, v3;
	_ =	sdelay $0x1  }
0x7e: {  	v1 =	vmax.f32 v1, $0.0e+00;
	v3 =	vld [tilespmem:s19+$0x8120]  }
0x7f: {  	[tilespmem:s19+$0x110] =	vst v1;
	v1 =	vadd.f32 v4, v2  }
0x80: {  	v2 =	vld [tilespmem:$0x10120]  }
0x81: {  	v1 =	vmul.f32 v1, v0  }
0x82: {  	v4 =	vld [tilespmem:s19+$0x4130]  }
0x83: {  	v1 =	vadd.f32 v1, v3;
	v3 =	vld [tilespmem:s19+$0x130];
	_ =	sdelay $0x1  }
0x84: {  	v1 =	vadd.f32 v1, v2;
	_ =	sdelay $0x1  }
0x85: {  	v1 =	vmax.f32 v1, $0.0e+00;
	v2 =	vld [tilespmem:s19+$0x8130]  }
0x86: {  	[tilespmem:s19+$0x120] =	vst v1;
	v1 =	vadd.f32 v4, v3  }
0x87: {  	v3 =	vld [tilespmem:$0x10130]  }
0x88: {  	v1 =	vmul.f32 v1, v0  }
0x89: {  	v4 =	vld [tilespmem:s19+$0x4140]  }
0x8a: {  	v1 =	vadd.f32 v1, v2;
	v2 =	vld [tilespmem:s19+$0x140];
	_ =	sdelay $0x1  }
0x8b: {  	v1 =	vadd.f32 v1, v3;
	_ =	sdelay $0x1  }
0x8c: {  	v1 =	vmax.f32 v1, $0.0e+00;
	v3 =	vld [tilespmem:s19+$0x8140]  }
0x8d: {  	[tilespmem:s19+$0x130] =	vst v1;
	v1 =	vadd.f32 v4, v2  }
0x8e: {  	v2 =	vld [tilespmem:$0x10140]  }
0x8f: {  	v1 =	vmul.f32 v1, v0  }
0x90: {  	v4 =	vld [tilespmem:s19+$0x4150]  }
0x91: {  	v1 =	vadd.f32 v1, v3;
	v3 =	vld [tilespmem:s19+$0x150];
	_ =	sdelay $0x1  }
0x92: {  	v1 =	vadd.f32 v1, v2;
	_ =	sdelay $0x1  }
0x93: {  	v1 =	vmax.f32 v1, $0.0e+00;
	v2 =	vld [tilespmem:s19+$0x8150]  }
0x94: {  	[tilespmem:s19+$0x140] =	vst v1;
	v1 =	vadd.f32 v4, v3  }
0x95: {  	v3 =	vld [tilespmem:$0x10150]  }
0x96: {  	v1 =	vmul.f32 v1, v0  }
0x97: {  	v4 =	vld [tilespmem:s19+$0x4160]  }
0x98: {  	v1 =	vadd.f32 v1, v2;
	v2 =	vld [tilespmem:s19+$0x160];
	_ =	sdelay $0x1  }
0x99: {  	v1 =	vadd.f32 v1, v3;
	_ =	sdelay $0x1  }
0x9a: {  	v1 =	vmax.f32 v1, $0.0e+00;
	v3 =	vld [tilespmem:s19+$0x8160]  }
0x9b: {  	[tilespmem:s19+$0x150] =	vst v1;
	v1 =	vadd.f32 v4, v2  }
0x9c: {  	v2 =	vld [tilespmem:$0x10160]  }
0x9d: {  	v1 =	vmul.f32 v1, v0  }
0x9e: {  	v4 =	vld [tilespmem:s19+$0x4170]  }
0x9f: {  	v1 =	vadd.f32 v1, v3;
	v3 =	vld [tilespmem:s19+$0x170];
	_ =	sdelay $0x1  }
0xa0: {  	v1 =	vadd.f32 v1, v2;
	_ =	sdelay $0x1  }
.Ltmp0:
0xa1: {  	v2 =	vmax.f32 v1, $0.0e+00;
	v1 =	vld [tilespmem:s19+$0x8170];
	(pc) =	sbr.rel @p0 .LBB2_2-.Ltmp0, $4  }
0xa2: {  	[tilespmem:s19+$0x160] =	vst v2;
	v2 =	vadd.f32 v4, v3  }
0xa3: {  	v3 =	vld [tilespmem:$0x10170]  }
0xa4: {  	s21 =	sshra.s32 s20, $0x2;
	v0 =	vmul.f32 v2, v0  }
0xa5: {  	s20 =	sadd.s32 $0x200, s20;
	v2 =	vld [tilespmem:s21+$0x4100]  }
0xa6: {  	v4 =	vld [tilespmem:s21+$0x100];
	v0 =	vadd.f32 v0, v1;
	_ =	sdelay $0x1  }
0xa7: {  	v27 =	vld [tilespmem:s21+$0xC100];
	v0 =	vadd.f32 v0, v3;
	_ =	sdelay $0x1  }
0xa8: {  	v28 =	vld [tilespmem:s21+$0x8100];
	v0 =	vmax.f32 v0, $0.0e+00  }
0xa9: {  	v2 =	vadd.f32 v2, v4;
	[tilespmem:s19+$0x170] =	vst v0  }
0xaa: {  	v0 =	vld [tilespmem:$0x10100]  }
0xab: {  	v2 =	vmul.f32 v2, v27  }
0xac: {  	v29 =	vld [tilespmem:s21+$0x4110]  }
0xad: {  	v30 =	vld [tilespmem:s21+$0x110];
	v2 =	vadd.f32 v2, v28;
	_ =	sdelay $0x1  }
0xae: {  	v0 =	vadd.f32 v2, v0;
	_ =	sdelay $0x1  }
0xaf: {  	v31 =	vld [tilespmem:s21+$0x8110];
	v0 =	vmax.f32 v0, $0.0e+00  }
0xb0: {  	v32 =	vadd.f32 v29, v30;
	[tilespmem:s21+$0x100] =	vst v0  }
0xb1: {  	v33 =	vld [tilespmem:$0x10110]  }
0xb2: {  	v0 =	vmul.f32 v32, v27  }
0xb3: {  	v34 =	vld [tilespmem:s21+$0x4120]  }
0xb4: {  	v35 =	vld [tilespmem:s21+$0x120];
	v0 =	vadd.f32 v0, v31;
	_ =	sdelay $0x1  }
0xb5: {  	v0 =	vadd.f32 v0, v33;
	_ =	sdelay $0x1  }
0xb6: {  	v36 =	vld [tilespmem:s21+$0x8120];
	v0 =	vmax.f32 v0, $0.0e+00  }
0xb7: {  	v37 =	vadd.f32 v34, v35;
	[tilespmem:s21+$0x110] =	vst v0  }
0xb8: {  	v38 =	vld [tilespmem:$0x10120]  }
0xb9: {  	v0 =	vmul.f32 v37, v27  }
0xba: {  	v39 =	vld [tilespmem:s21+$0x4130]  }
0xbb: {  	v40 =	vld [tilespmem:s21+$0x130];
	v0 =	vadd.f32 v0, v36;
	_ =	sdelay $0x1  }
0xbc: {  	v0 =	vadd.f32 v0, v38;
	_ =	sdelay $0x1  }
0xbd: {  	v41 =	vld [tilespmem:s21+$0x8130];
	v0 =	vmax.f32 v0, $0.0e+00  }
0xbe: {  	v42 =	vadd.f32 v39, v40;
	[tilespmem:s21+$0x120] =	vst v0  }
0xbf: {  	v43 =	vld [tilespmem:$0x10130]  }
0xc0: {  	v0 =	vmul.f32 v42, v27  }
0xc1: {  	v44 =	vld [tilespmem:s21+$0x4140]  }
0xc2: {  	v45 =	vld [tilespmem:s21+$0x140];
	v0 =	vadd.f32 v0, v41;
	_ =	sdelay $0x1  }
0xc3: {  	v0 =	vadd.f32 v0, v43;
	_ =	sdelay $0x1  }
0xc4: {  	v46 =	vld [tilespmem:s21+$0x8140];
	v0 =	vmax.f32 v0, $0.0e+00  }
0xc5: {  	v47 =	vadd.f32 v44, v45;
	[tilespmem:s21+$0x130] =	vst v0  }
0xc6: {  	v48 =	vld [tilespmem:$0x10140]  }
0xc7: {  	v0 =	vmul.f32 v47, v27  }
0xc8: {  	v49 =	vld [tilespmem:s21+$0x4150]  }
0xc9: {  	v50 =	vld [tilespmem:s21+$0x150];
	v0 =	vadd.f32 v0, v46;
	_ =	sdelay $0x1  }
0xca: {  	v0 =	vadd.f32 v0, v48;
	_ =	sdelay $0x1  }
0xcb: {  	v51 =	vld [tilespmem:s21+$0x8150];
	v0 =	vmax.f32 v0, $0.0e+00  }
0xcc: {  	v52 =	vadd.f32 v49, v50;
	[tilespmem:s21+$0x140] =	vst v0  }
0xcd: {  	v53 =	vld [tilespmem:$0x10150]  }
0xce: {  	v0 =	vmul.f32 v52, v27  }
0xcf: {  	v54 =	vld [tilespmem:s21+$0x4160]  }
0xd0: {  	v55 =	vld [tilespmem:s21+$0x160];
	v0 =	vadd.f32 v0, v51;
	_ =	sdelay $0x1  }
0xd1: {  	v0 =	vadd.f32 v0, v53;
	_ =	sdelay $0x1  }
0xd2: {  	v56 =	vld [tilespmem:s21+$0x8160];
	v0 =	vmax.f32 v0, $0.0e+00  }
0xd3: {  	v57 =	vadd.f32 v54, v55;
	[tilespmem:s21+$0x150] =	vst v0  }
0xd4: {  	v58 =	vld [tilespmem:$0x10160]  }
0xd5: {  	v0 =	vmul.f32 v57, v27  }
0xd6: {  	v59 =	vld [tilespmem:s21+$0x4170]  }
0xd7: {  	v60 =	vld [tilespmem:s21+$0x170];
	v0 =	vadd.f32 v0, v56;
	_ =	sdelay $0x1  }
0xd8: {  	v0 =	vadd.f32 v0, v58;
	_ =	sdelay $0x1  }
0xd9: {  	v61 =	vld [tilespmem:s21+$0x8170];
	v0 =	vmax.f32 v0, $0.0e+00  }
0xda: {  	v62 =	vadd.f32 v59, v60;
	[tilespmem:s21+$0x160] =	vst v0  }
0xdb: {  	v63 =	vld [tilespmem:$0x10170]  }
0xdc: {  	v0 =	vmul.f32 v62, v27;
	_ =	sdelay $0x1  }
0xdd: {  	v0 =	vadd.f32 v0, v61;
	_ =	sdelay $0x1  }
0xde: {  	v0 =	vadd.f32 v0, v63  }
0xdf: {  	s18 =	sadd.s32 $0x1, s18  }
0xe0: {  	p0 =	sne.s32 s18, s9;
	v0 =	vmax.f32 v0, $0.0e+00  }
.Ltmp1:
0xe1: {  	[tilespmem:s21+$0x170] =	vst v0;
	(pc) =	sbr.rel @p0 .LBB2_1-.Ltmp1, $4  }
0xe2: {  	[hbm4b:s8+s2] =	stream.linear.scatter [tilespmem:s13], [sflag:$0x2], $0x4000, $0x38;
	[tilespmem:$0x10180] =	vst v63  }
0xe3: {  	_ =	swait.ge [sflag:s10], $0x4000  }
0xe4: {  	[sflag:s10] =	ssyncset.done $0x0  }
0xe5: {  	[sflag:s10] =	ssyncadd.s32 $0xFFFFC000  }
0xe6: {  	_ =	sfence.sel $0x180000  }
0xe7: {  	[bflag:$0x0] =	sbarrier.arrive $0xFFFF  }
0xe8: {  	p0 =	sne.s32 s3, $0x0;
	_ =	strace $0x90000050  }
0xe9: {  	s0 =	sadd.s32 @!p0 $0x100000, s0;
	[bflag:$0x2] =	sbarrier.arrive $0xFFFF  }
0xea: {  	[sflag:s0] =	ssyncadd.tile.s32 @!p0 $0x1;
	_ =	shalt  }
.Lfunc_end2:
_tile_overlayer_lowered:
.L_overlay_start_2:
0xeb: {  	(tag) =	ssettag $0x2  }
0xec: {  	s0 =	rddreg [dreg:$0x0];
	s2 =	stileid.u32  }
0xed: {  	s1 =	rddreg [dreg:$0x1];
	p0 =	sne.s32 s2, $0x0  }
0xee: {  	s3 =	rddreg [dreg:$0x2];
	[bflag:$0x3] =	sbarrier.arrive $0xFFFF;
	s2 =	simm.s32 @!p0 $0x1C02  }
0xef: {  	[timem:s3], [sflag:s2] =	dma.local @!p0 [hbm:s0], s1  }
0xf0: {  	s0 =	simm.s32 @!p0 $0x2  }
0xf1: {  	_ =	swait.ge @!p0 [sflag:s0], s1  }
0xf2: {  	s1 =	ssub.s32 @!p0 $0x0, s1;
	[sflag:s0] =	ssyncset.done @!p0 $0x0  }
0xf3: {  	[sflag:s0] =	ssyncadd.s32 @!p0 s1  }
0xf4: {  	[bflag:$0x3] =	sbarrier.arrive $0xFFFF  }
0xf5: {  	_ =	shalt  }

// kernel: kernel.8.cloned.1.call-start
scs
__scs_entry_jumppad:
0x0: {  	(pc) =	sbr.rel $0x88, $3  }
0x1: {  	(tag) =	ssettag $0x0;
	lr =	simm.s32 $0x1  }
0x2: {  	[smem:$0x3F99] =	sst lr;
	_ =	strace $0xD0000000  }
0x3: {  	_ = 	snop  }
0x4: {  	_ = 	snop  }
0x5: {  	_ = 	snop  }
0x6: {  	_ = 	snop  }
0x7: {  	_ = 	snop  }
__scs_overlays_trampoline_lowered:
0x8: {  	[smem:$0x3FA8] =	sst s0  }
0x9: {  	[smem:$0x3FA9] =	sst s1  }
0xa: {  	[smem:$0x3FAA] =	sst s2  }
0xb: {  	[smem:$0x3FAB] =	sst s3  }
0xc: {  	[smem:$0x3FAC] =	sst s4  }
0xd: {  	[smem:$0x3FAD] =	sst s5  }
0xe: {  	[smem:$0x3FAE] =	sst s6  }
0xf: {  	[smem:$0x3FAF] =	sst s7  }
0x10: {  	[smem:$0x3FB0] =	sst s8  }
0x11: {  	[smem:$0x3FB1] =	sst s9;
	s0 =	simm.s32 @!p0 $0x0  }
0x12: {  	s1 =	sld [smem:$0x3F97];
	s0 =	simm.s32 @p0 $0x1  }
0x13: {  	[smem:$0x3FB2] =	sst s0;
	s0 =	simm.s32 @!p1 $0x0  }
0x14: {  	s2 =	sld [smem:$0x3F96];
	s0 =	simm.s32 @p1 $0x1  }
0x15: {  	[smem:$0x3FB3] =	sst s0;
	s0 =	simm.s32 @!p2 $0x0  }
0x16: {  	s3 =	sld [smem:$0x3FDB];
	s0 =	simm.s32 @p2 $0x1  }
0x17: {  	s4 =	simm.s32 $0x1BF5;
	[smem:$0x3FB5] =	sst s0  }
0x18: {  	s0 =	sld [smem:$0x3F98];
	_ =	swait.ge [sflag:s4], $0x0  }
0x19: {  	s7 =	sld [smem:$0x3F99]  }
0x1a: {  	s8 =	sadd.s32 $0xFFFFE003, lr  }
0x1b: {  	s9 =	sadd.s32 $0xFFFFFEF7, lr;
	s5 =	simm.s32 $0xFFFFFFFF;
	p2 =	slt.u32 s8, $0xFFFFF086  }
0x1c: {  	p1 =	slt.u32 s9, $0xF7A;
	s5 =	simm.s32 @!p2 $0x0  }
0x1d: {  	s5 =	simm.s32 @p1 $0x1;
	p0 =	seq.s32 s7, s2  }
0x1e: {  	s7 =	smul.u32 @!p0 $0xF7A, s2;
	p2 =	seq.s32 @!p0 s5, $0x0  }
0x1f: {  	s9 =	smul.u32 $0xF7A, s1;
	s8 =	simm.s32 @!p0 $0x1BF5;
	p2 =	por !p2, p0  }
0x20: {  	[sflag:s8] =	ssyncset.s32 @!p0 $0xFFFFF086;
	s6 =	sadd.s32 @!p0 s3, s7;
	s7 =	simm.s32 @!p0 $0x108  }
0x21: {  	s3 =	sadd.s32 s3, s9;
	s6 =	sadd.s32 @!p0 $0x88, s6;
	s7 =	simm.s32 @p2 $0x1082  }
0x22: {  	[simem:s7], [sflag:s8] =	dma.local @!p0 [hbm:s6], $0xF7A  }
0x23: {  	s9 =	sor.u32 $0xD0000000, s2;
	s6 =	simm.s32 $0x108;
	_ =	swait.ge @!p0 [sflag:s8], $0x0  }
0x24: {  	s3 =	sadd.s32 $0x88, s3;
	s6 =	simm.s32 @!p1 $0x1082;
	[sflag:s4] =	ssyncset.s32 $0xFFFFF086  }
0x25: {  	[simem:s6], [sflag:s4] =	dma.local [hbm:s3], $0xF7A  }
0x26: {  	[smem:$0x3F99] =	sst s1;
	(tag) =	ssettag s2;
	_ =	strace s9  }
0x27: {  	s1 =	sld [smem:$0x3FA9]  }
0x28: {  	s2 =	sld [smem:$0x3FAA]  }
0x29: {  	s4 =	sld [smem:$0x3FAC]  }
0x2a: {  	p0 =	seq.s32 s5, $0x0;
	s5 =	sld [smem:$0x3FAD]  }
0x2b: {  	s6 =	sld [smem:$0x3FAE]  }
0x2c: {  	s7 =	sld [smem:$0x3FAF]  }
0x2d: {  	s3 =	simm.s32 $0x108;
	s8 =	sld [smem:$0x3FB0]  }
0x2e: {  	s3 =	simm.s32 @!p0 $0x1082;
	s9 =	sld [smem:$0x3FB1]  }
0x2f: {  	lr =	sadd.s32 s0, s3;
	s0 =	sld [smem:$0x3FA8]  }
0x30: {  	s3 =	sld [smem:$0x3FAB]  }
0x31: {  	[smem:$0x3FB4] =	sst s10  }
0x32: {  	s10 =	sld [smem:$0x3FB2];
	_ =	sdelay $0x3  }
0x33: {  	p0 =	seq.s32 s10, $0x1;
	s10 =	sld [smem:$0x3FB4];
	_ =	sdelay $0x3  }
0x34: {  	[smem:$0x3FB4] =	sst s10  }
0x35: {  	s10 =	sld [smem:$0x3FB3];
	_ =	sdelay $0x3  }
0x36: {  	p1 =	seq.s32 s10, $0x1;
	s10 =	sld [smem:$0x3FB4];
	_ =	sdelay $0x3  }
0x37: {  	[smem:$0x3FB4] =	sst s10  }
0x38: {  	s10 =	sld [smem:$0x3FB5]  }
0x39: {  	_ = 	snop;
	(pc) =	sbr.ind lr, $3  }
0x3a: {  	_ = 	snop  }
0x3b: {  	_ = 	snop  }
0x3c: {  	p2 =	seq.s32 s10, $0x1;
	s10 =	sld [smem:$0x3FB4]  }
0x3d: {  	_ =	shalt  }
0x3e: {  	_ =	shalt  }
0x3f: {  	_ =	shalt  }
0x40: {  	_ =	shalt  }
0x41: {  	_ =	shalt  }
0x42: {  	_ =	shalt  }
0x43: {  	_ =	shalt  }
0x44: {  	_ =	shalt  }
0x45: {  	_ =	shalt  }
0x46: {  	_ =	shalt  }
0x47: {  	_ =	shalt  }
0x48: {  	_ =	shalt  }
0x49: {  	_ =	shalt  }
0x4a: {  	_ =	shalt  }
0x4b: {  	_ =	shalt  }
0x4c: {  	_ =	shalt  }
0x4d: {  	_ =	shalt  }
0x4e: {  	_ =	shalt  }
0x4f: {  	_ =	shalt  }
0x50: {  	_ =	shalt  }
0x51: {  	_ =	shalt  }
0x52: {  	_ =	shalt  }
0x53: {  	_ =	shalt  }
0x54: {  	_ =	shalt  }
0x55: {  	_ =	shalt  }
0x56: {  	_ =	shalt  }
0x57: {  	_ =	shalt  }
0x58: {  	_ =	shalt  }
0x59: {  	_ =	shalt  }
0x5a: {  	_ =	shalt  }
0x5b: {  	_ =	shalt  }
0x5c: {  	_ =	shalt  }
0x5d: {  	_ =	shalt  }
0x5e: {  	_ =	shalt  }
0x5f: {  	_ =	shalt  }
0x60: {  	_ =	shalt  }
0x61: {  	_ =	shalt  }
0x62: {  	_ =	shalt  }
0x63: {  	_ =	shalt  }
0x64: {  	_ =	shalt  }
0x65: {  	_ =	shalt  }
0x66: {  	_ =	shalt  }
0x67: {  	_ =	shalt  }
0x68: {  	_ =	shalt  }
0x69: {  	_ =	shalt  }
0x6a: {  	_ =	shalt  }
0x6b: {  	_ =	shalt  }
0x6c: {  	_ =	shalt  }
0x6d: {  	_ =	shalt  }
0x6e: {  	_ =	shalt  }
0x6f: {  	_ =	shalt  }
0x70: {  	_ =	shalt  }
0x71: {  	_ =	shalt  }
0x72: {  	_ =	shalt  }
0x73: {  	_ =	shalt  }
0x74: {  	_ =	shalt  }
0x75: {  	_ =	shalt  }
0x76: {  	_ =	shalt  }
0x77: {  	_ =	shalt  }
0x78: {  	_ =	shalt  }
0x79: {  	_ =	shalt  }
0x7a: {  	_ =	shalt  }
0x7b: {  	_ =	shalt  }
0x7c: {  	_ =	shalt  }
0x7d: {  	_ =	shalt  }
0x7e: {  	_ =	shalt  }
0x7f: {  	_ =	shalt  }
0x80: {  	_ =	shalt  }
0x81: {  	_ =	shalt  }
0x82: {  	_ =	shalt  }
0x83: {  	_ =	shalt  }
0x84: {  	_ =	shalt  }
0x85: {  	_ =	shalt  }
0x86: {  	_ =	shalt  }
0x87: {  	_ =	shalt  }
.Lfunc_end0:
.L_simem_size_0:
called_computation_lowered:
.L_overlay_start_0:
0x88: {  	s2 =	sld [smem:$0x3FD9]  }
0x89: {  	s3 =	sld [smem:$0x3FFE];
	_ =	sdelay $0x1  }
0x8a: {  	s1 =	srdreg.scid  }
0x8b: {  	s0 =	sand.u32 $0x1, s1  }
0x8c: {  	s17 =	sshll.u32 s0, $0xA;
	s2 =	sadd.s32 s3, s2  }
0x8d: {  	s2 =	sadd.s32 s2, s17  }
0x8e: {  	[smem:$0x3FC0] =	sst s2  }
0x8f: {  	_ = 	snop  }
0x90: {  	s2 =	sld [smem:$0x3FD0];
	(tm) =	ssettm $0x1  }
0x91: {  	s18 =	sld [smem:$0x3FFB];
	_ =	sdelay $0x3  }
0x92: {  	_ =	strace s18  }
0x93: {  	s3 =	sld [smem:$0x3FFC];
	_ =	sdelay $0x3  }
0x94: {  	_ =	strace s3  }
0x95: {  	s3 =	sld [smem:$0x3FFD];
	_ =	sdelay $0x3  }
0x96: {  	_ =	strace s3  }
0x97: {  	_ =	strace $0x8FFFFFFF  }
0x98: {  	s19 =	sld [smem:$0x3FDB];
	_ =	sdelay $0x1  }
0x99: {  	s4 =	simm.s32 $_scs_section_size  }
0x9a: {  	s5 =	simm.s32 $_size__tile_overlayer_lowered;
	s6 =	simm.s32 $_tile_overlayer_lowered  }
0x9b: {  	s22 =	simm.s32 $0x1BFF;
	s21 =	sshll.u32 s6, $0x1;
	s3 =	sadd.s32 s4, s19  }
0x9c: {  	s7 =	simm.s32 $0x0;
	s20 =	sshll.u32 s5, $0x1;
	s5 =	sadd.s32 s21, s3  }
0x9d: {  	[timem:s7], [sflag:s22] =	dma.local [hbm:s5], s20  }
0x9e: {  	_ =	swait.ge [sflag:s22], s20  }
0x9f: {  	s4 =	ssub.s32 $0x0, s20;
	[sflag:s22] =	ssyncset.done $0x0  }
0xa0: {  	[sflag:s22] =	ssyncadd.s32 s4;
	_ =	sdelay $0x1  }
0xa1: {  	s23 =	simm.s32 $0x1B8B  }
0xa2: {  	_ =	swait.ge [sflag:s23], $0x1  }
0xa3: {  	[sflag:s23] =	ssyncset.done $0x0  }
0xa4: {  	s25 =	simm.s32 $0x1B8E;
	s24 =	sld [smem:$0x3FFE];
	[sflag:s23] =	ssyncadd.s32 $0xFFFFFFFF  }
0xa5: {  	s26 =	simm.s32 $execute0_lowered;
	[smem:$0x3FD2] =	sst s25  }
0xa6: {  	s5 =	sshll.u32 s26, $0x1;
	_ =	strace $0x80000046;
	[dreg:$0x1] =	wrdreg $0xFFFFFFFF  }
0xa7: {  	s28 =	simm.s32 $_size_execute0_lowered;
	s3 =	sadd.s32 s3, s5;
	[dreg:$0x0] =	wrdreg $0x0  }
0xa8: {  	s5 =	sshll.u32 s28, $0x1;
	[dreg:$0x2] =	wrdreg s3  }
0xa9: {  	[dreg:$0x3] =	wrdreg s5  }
0xaa: {  	[dreg:$0x4] =	wrdreg $0xC0  }
0xab: {  	_ =	task [dreg:s7], $0x5FFFF  }
0xac: {  	[dreg:$0x1] =	wrdreg $0xFFFFFFFF  }
0xad: {  	[dreg:$0x0] =	wrdreg $0x60  }
0xae: {  	[dreg:$0x2] =	wrdreg s2  }
0xaf: {  	[dreg:$0x3] =	wrdreg s24  }
0xb0: {  	[dreg:$0x4] =	wrdreg $0x98000  }
0xb1: {  	[dreg:$0x5] =	wrdreg $0x9  }
0xb2: {  	_ =	task.clear_ibuf [dreg:s7], $0x6FFFF;
	_ =	strace $0x90000046  }
0xb3: {  	s29 =	simm.s32 $0x9;
	_ =	strace $0x80000048  }
0xb4: {  	_ =	swait.ge [sflag:s29], $0x1  }
0xb5: {  	[sflag:s29] =	ssyncadd.s32 $0xFFFFFFFF  }
0xb6: {  	_ =	strace $0x90000048  }
0xb7: {  	_ =	sfence  }
0xb8: {  	s30 =	sld [smem:$0x0];
	_ =	sdelay $0x2  }
0xb9: {  	s31 =	sshll.u32 s1, $0xD;
	s1 =	sshrl.u32 s1, $0x2  }
0xba: {  	s3 =	sand.u32 $0x4000, s31;
	s1 =	sadd.s32 s1, s30  }
0xbb: {  	s0 =	sor.u32 s3, s0;
	s1 =	sshll.u32 s1, $0x11  }
0xbc: {  	s0 =	sor.u32 s1, s0  }
0xbd: {  	s0 =	sadd.s32 $0x8F2B, s0  }
0xbe: {  	[sflag:s0] =	ssyncadd.remote.s32 $0x1  }
0xbf: {  	_ =	sfence.sel $0xFFFF  }
0xc0: {  	[dreg:$0x0] =	wrdreg $0xFFFFFFFF;
	(pc) =	sbr.abs _section_cstart, $3  }
0xc1: {  	[dreg:$0x1] =	wrdreg $0xFFFFFFFF  }
0xc2: {  	_ =	task.clear_ibuf [dreg:s7], $0x2FFFF;
	_ =	strace $0x9FFFFFFF  }
0xc3: {  	(tm) =	ssettm $0x7FFFFFFF  }
tec
execute0_lowered:
.L_overlay_start_1:
0x0: {  	(tag) =	ssettag $0x1  }
0x1: {  	s4 =	rddreg [dreg:$0x0];
	s11 =	stileid.u32  }
0x2: {  	s0 =	rddreg [dreg:$0x1];
	s18 =	smul.u32 $0x280, s11  }
0x3: {  	s1 =	rddreg [dreg:$0x2];
	s2 =	simm.s32 $0x0  }
0x4: {  	[smem:$0x7FF] =	sst s2;
	s16 =	sor.u32 $0x30, s18  }
0x5: {  	_ =	strace $0x80000047;
	s17 =	sor.u32 $0x40, s18;
	[dreg:$0x1a] =	wrdreg s16  }
0x6: {  	s20 =	sor.u32 $0x50, s18;
	[dreg:$0x1b] =	wrdreg s17  }
0x7: {  	s21 =	sor.u32 $0x60, s18;
	[dreg:$0x1c] =	wrdreg s20  }
0x8: {  	s22 =	sor.u32 $0x70, s18;
	[dreg:$0x15] =	wrdreg s21  }
0x9: {  	s24 =	sadd.s32 $0x90, s18;
	[dreg:$0x16] =	wrdreg s22  }
0xa: {  	s25 =	sadd.s32 $0xA0, s18;
	[dreg:$0x13] =	wrdreg s24  }
0xb: {  	s26 =	sadd.s32 $0x200, s18;
	[dreg:$0x14] =	wrdreg s25  }
0xc: {  	s13 =	sadd.s32 $0x150, s18;
	[dreg:$0x4] =	wrdreg s26  }
0xd: {  	s14 =	sadd.s32 $0x160, s18;
	[dreg:$0x17] =	wrdreg s13  }
0xe: {  	s15 =	sadd.s32 $0x170, s18;
	[dreg:$0x18] =	wrdreg s14  }
0xf: {  	s3 =	srdreg.scid;
	[dreg:$0x19] =	wrdreg s15;
	s16 =	sadd.s32 $0x190, s18  }
0x10: {  	s3 =	sand.u32 $0x1, s3;
	s17 =	sadd.s32 $0x1A0, s18;
	[dreg:$0x11] =	wrdreg s16  }
0x11: {  	s5 =	smul.u32 $0x28000, s3;
	s13 =	sadd.s32 $0x1C0, s18;
	[dreg:$0x12] =	wrdreg s17  }
0x12: {  	s6 =	ssub.s32 $0x2, s3;
	s14 =	sadd.s32 $0x1D0, s18;
	[dreg:$0xf] =	wrdreg s13  }
0x13: {  	s7 =	sshrl.u32 s6, $0x1;
	s15 =	sadd.s32 $0x1E0, s18;
	[dreg:$0x10] =	wrdreg s14  }
0x14: {  	v39 =	vlaneseq.u32;
	s28 =	sor.u32 $0x20, s18;
	s5 =	sadd.s32 s5, s0;
	[dreg:$0xc] =	wrdreg s15  }
0x15: {  	s10 =	ssub.s32 s6, s7;
	s0 =	sadd.s32 $0x80, s18;
	v2 =	vor.u32 s28, v39;
	s28 =	rddreg [dreg:$0x1a]  }
0x16: {  	s22 =	sadd.s32 $0xC0, s18;
	s7 =	sshll.u32 s0, $0x4;
	v8 =	vor.u32 s0, v39;
	s0 =	rddreg [dreg:$0x13]  }
0x17: {  	s24 =	sadd.s32 $0xE0, s18;
	v12 =	vor.u32 s22, v39;
	s22 =	rddreg [dreg:$0x17]  }
0x18: {  	s16 =	sadd.s32 $0x1F0, s18;
	v14 =	vor.u32 s24, v39;
	s24 =	rddreg [dreg:$0x19]  }
0x19: {  	s17 =	sadd.s32 $0x210, s18;
	[dreg:$0xd] =	wrdreg s16  }
0x1a: {  	s13 =	sadd.s32 $0x230, s18;
	[dreg:$0x9] =	wrdreg s17  }
0x1b: {  	s8 =	sshll.u32 s11, $0x1;
	s14 =	sadd.s32 $0x240, s18;
	[dreg:$0xb] =	wrdreg s13  }
0x1c: {  	s3 =	sor.u32 s3, s8;
	s15 =	sadd.s32 $0x250, s18;
	[dreg:$0x6] =	wrdreg s14  }
0x1d: {  	s23 =	smul.u32 $0x280, s3;
	[dreg:$0x7] =	wrdreg s15  }
0x1e: {  	s21 =	sadd.s32 $0x100, s18;
	v3 =	vor.u32 s28, v39;
	s28 =	rddreg [dreg:$0x1b]  }
0x1f: {  	s4 =	sadd.s32 s4, s23;
	s23 =	sadd.s32 $0xD0, s18;
	v9 =	vor.u32 s0, v39;
	s0 =	rddreg [dreg:$0x14]  }
0x20: {  	s20 =	sadd.s32 $0x180, s18;
	s25 =	sadd.s32 $0xF0, s18;
	v13 =	vor.u32 s23, v39;
	s23 =	rddreg [dreg:$0x18]  }
0x21: {  	s12 =	sshll.u32 s26, $0x4;
	s26 =	sadd.s32 $0x110, s18;
	v15 =	vor.u32 s25, v39;
	s25 =	rddreg [dreg:$0x11]  }
0x22: {  	s6 =	smul.u32 $0x2800, s11;
	s9 =	sadd.s32 $0x2A00, s5;
	v17 =	vor.u32 s26, v39;
	s26 =	rddreg [dreg:$0x12]  }
0x23: {  	s8 =	sshll.u32 s21, $0x4;
	s11 =	sshll.u32 s20, $0x4;
	v24 =	vor.u32 s20, v39;
	s20 =	rddreg [dreg:$0xf]  }
0x24: {  	v16 =	vor.u32 s21, v39;
	s5 =	sadd.s32 s6, s9;
	s6 =	sadd.s32 s7, s9;
	s21 =	rddreg [dreg:$0x10]  }
0x25: {  	s7 =	sadd.s32 s8, s9;
	s8 =	sadd.s32 s11, s9;
	v21 =	vor.u32 s22, v39;
	s22 =	rddreg [dreg:$0xc]  }
0x26: {  	s9 =	sadd.s32 s12, s9;
	s12 =	sadd.s32 $0x1B0, s18;
	v23 =	vor.u32 s24, v39;
	s24 =	rddreg [dreg:$0x4]  }
0x27: {  	s16 =	sadd.s32 $0x260, s18;
	[dreg:$0xe] =	wrdreg s12  }
0x28: {  	s17 =	sadd.s32 $0x270, s18;
	[dreg:$0x8] =	wrdreg s16  }
0x29: {  	[dreg:$0x5] =	wrdreg s17  }
0x2a: {  	v4 =	vor.u32 s28, v39;
	s28 =	rddreg [dreg:$0x1c]  }
0x2b: {  	s19 =	sor.u32 $0x10, s18;
	v22 =	vor.u32 s23, v39;
	s23 =	rddreg [dreg:$0xd]  }
0x2c: {  	s3 =	sadd.s32 $0xB0, s18;
	s31 =	sadd.s32 $0x120, s18;
	v25 =	vor.u32 s25, v39;
	s25 =	rddreg [dreg:$0x9]  }
0x2d: {  	s29 =	sadd.s32 $0x130, s18;
	s30 =	sadd.s32 $0x140, s18;
	v28 =	vor.u32 s20, v39;
	s20 =	rddreg [dreg:$0x6]  }
0x2e: {  	v1 =	vor.u32 s19, v39;
	s19 =	simm.s32 $0x1400;
	s12 =	sadd.s32 $0x220, s18;
	v29 =	vor.u32 s21, v39;
	s21 =	rddreg [dreg:$0x7]  }
0x2f: {  	v19 =	vor.u32 s29, v39;
	v20 =	vor.u32 s30, v39;
	s29 =	simm.s32 $0x1200;
	s30 =	simm.s32 $0x1280;
	[dreg:$0xa] =	wrdreg s12  }
0x30: {  	v18 =	vor.u32 s31, v39;
	s31 =	simm.s32 $0x1300;
	s10 =	smax.u32 s10, $0x1;
	v5 =	vor.u32 s28, v39;
	s28 =	rddreg [dreg:$0x15]  }
0x31: {  	v11 =	vor.u32 s3, v39;
	s11 =	simm.s32 $0x80;
	s13 =	simm.s32 $0x5400;
	s3 =	rddreg [dreg:$0xe]  }
0x32: {  	v40 =	vimm.f32 $1.000000000e+00;
	v41 =	vimm.f32 $0.0e+00;
	s14 =	simm.s32 $0x2;
	s15 =	simm.s32 $0x9480;
	v30 =	vor.u32 s22, v39;
	s22 =	rddreg [dreg:$0x8]  }
0x33: {  	v0 =	vor.u32 s18, v39;
	s16 =	simm.s32 $0x9500;
	s17 =	simm.s32 $0x9580;
	v10 =	vor.u32 s0, v39;
	v31 =	vor.u32 s23, v39;
	s23 =	rddreg [dreg:$0x5]  }
0x34: {  	s18 =	simm.s32 $0x9600;
	v26 =	vor.u32 s26, v39;
	v32 =	vor.u32 s24, v39;
	s24 =	simm.s32 $0x1000;
	v6 =	vor.u32 s28, v39;
	s28 =	rddreg [dreg:$0x16]  }
0x35: {  	s0 =	simm.s32 $0x1380;
	s12 =	simm.s32 $0x9400;
	v33 =	vor.u32 s25, v39;
	v36 =	vor.u32 s20, v39;
	v37 =	vor.u32 s21, v39;
	s26 =	rddreg [dreg:$0xa]  }
0x36: {  	s25 =	simm.s32 $0x1080;
	s20 =	simm.s32 $0x0;
	v27 =	vor.u32 s3, v39;
	s3 =	rddreg [dreg:$0xb];
	v38 =	vor.u32 s22, v39;
	v7 =	vor.u32 s28, v39  }
0x37: {  	v34 =	vor.u32 s26, v39;
	v35 =	vor.u32 s3, v39;
	s26 =	simm.s32 $0x1100;
	s28 =	simm.s32 $0x1180;
	v39 =	vor.u32 s23, v39;
	s3 =	simm.s32 $0x1  }
.LBB2_1:
0x38: {  	s21 =	simm.s32 $0x200;
	s22 =	simm.s32 $0x0  }
.LBB2_2:
0x39: {  	p0 =	sne.s32 s21, $0xFE00;
	[tilespmem:s22+$0x1400] =	vst v40;
	s23 =	smov.u32 s21;
	s21 =	sadd.s32 $0x200, s21  }
.Ltmp0:
0x3a: {  	[tilespmem:s22+$0x5400] =	vst v41;
	(pc) =	sbr.rel @p0 .LBB2_2-.Ltmp0, $2  }
0x3b: {  	_ =	sdelay $0x2  }
0x3c: {  	s22 =	sshra.s32 s23, $0x2  }
0x3d: {  	[tilespmem:s22+$0x1400] =	vst v40  }
0x3e: {  	[tilespmem:s22+$0x5400] =	vst v41  }
0x3f: {  	[tilespmem:$0x9400] =	vst v0  }
0x40: {  	[tilespmem:$0x9410] =	vst v1  }
0x41: {  	[tilespmem:$0x9420] =	vst v2  }
0x42: {  	[tilespmem:$0x9430] =	vst v3  }
0x43: {  	[tilespmem:$0x9440] =	vst v4  }
0x44: {  	[tilespmem:$0x9450] =	vst v5  }
0x45: {  	[tilespmem:$0x9460] =	vst v6  }
0x46: {  	[tilespmem:$0x9470] =	vst v7  }
0x47: {  	[tilespmem:$0x9480] =	vst v8  }
0x48: {  	[tilespmem:$0x9490] =	vst v9  }
0x49: {  	[tilespmem:$0x94A0] =	vst v10  }
0x4a: {  	[tilespmem:$0x94B0] =	vst v11  }
0x4b: {  	[tilespmem:$0x94C0] =	vst v12  }
0x4c: {  	[tilespmem:$0x94D0] =	vst v13  }
0x4d: {  	[tilespmem:$0x94E0] =	vst v14  }
0x4e: {  	[tilespmem:$0x94F0] =	vst v15  }
0x4f: {  	[tilespmem:$0x9500] =	vst v16  }
0x50: {  	[tilespmem:$0x9510] =	vst v17  }
0x51: {  	[tilespmem:$0x9520] =	vst v18  }
0x52: {  	[tilespmem:$0x9530] =	vst v19  }
0x53: {  	[tilespmem:$0x9540] =	vst v20  }
0x54: {  	[tilespmem:$0x9550] =	vst v21  }
0x55: {  	[tilespmem:$0x9560] =	vst v22  }
0x56: {  	[tilespmem:$0x9570] =	vst v23  }
0x57: {  	[tilespmem:$0x9580] =	vst v24  }
0x58: {  	[tilespmem:$0x9590] =	vst v25  }
0x59: {  	[tilespmem:$0x95A0] =	vst v26  }
0x5a: {  	[tilespmem:$0x95B0] =	vst v27  }
0x5b: {  	[tilespmem:$0x95C0] =	vst v28  }
0x5c: {  	[tilespmem:$0x95D0] =	vst v29  }
0x5d: {  	[tilespmem:$0x95E0] =	vst v30  }
0x5e: {  	[tilespmem:$0x95F0] =	vst v31  }
0x5f: {  	[tilespmem:$0x9600] =	vst v32  }
0x60: {  	[tilespmem:$0x9610] =	vst v33  }
0x61: {  	[tilespmem:$0x9620] =	vst v34  }
0x62: {  	[tilespmem:$0x9630] =	vst v35  }
0x63: {  	[tilespmem:$0x9640] =	vst v36  }
0x64: {  	[tilespmem:$0x9650] =	vst v37  }
0x65: {  	[tilespmem:$0x9660] =	vst v38  }
0x66: {  	[tilespmem:$0x9670] =	vst v39  }
0x67: {  	[spmem:s1] =	stream.indirect.scatter [tilespmem:s13], [sflag:$0x2], $0x10, s12, s11, $0xb8;
	[tilespmem:$0xC000] =	vst v63  }
0x68: {  	_ =	swait.ge [sflag:s14], $0x800  }
0x69: {  	[sflag:s14] =	ssyncset.done $0x0  }
0x6a: {  	[sflag:s14] =	ssyncadd.s32 $0xFFFFF800  }
0x6b: {  	[spmem:s1] =	stream.indirect.scatter [tilespmem:s13], [sflag:$0x2], $0x10, s15, s11, $0xb8;
	[tilespmem:$0xC000] =	vst v63  }
0x6c: {  	_ =	swait.ge [sflag:s14], $0x800  }
0x6d: {  	[sflag:s14] =	ssyncset.done $0x0  }
0x6e: {  	[sflag:s14] =	ssyncadd.s32 $0xFFFFF800  }
0x6f: {  	[spmem:s1] =	stream.indirect.scatter [tilespmem:s13], [sflag:$0x2], $0x10, s16, s11, $0xb8;
	[tilespmem:$0xC000] =	vst v63  }
0x70: {  	_ =	swait.ge [sflag:s14], $0x800  }
0x71: {  	[sflag:s14] =	ssyncset.done $0x0  }
0x72: {  	[sflag:s14] =	ssyncadd.s32 $0xFFFFF800  }
0x73: {  	[spmem:s1] =	stream.indirect.scatter [tilespmem:s13], [sflag:$0x2], $0x10, s17, s11, $0xb8;
	[tilespmem:$0xC000] =	vst v63  }
0x74: {  	_ =	swait.ge [sflag:s14], $0x800  }
0x75: {  	[sflag:s14] =	ssyncset.done $0x0  }
0x76: {  	[sflag:s14] =	ssyncadd.s32 $0xFFFFF800  }
0x77: {  	[spmem:s1] =	stream.indirect.scatter [tilespmem:s13], [sflag:$0x2], $0x10, s18, s11, $0xb8;
	[tilespmem:$0xC000] =	vst v63  }
0x78: {  	_ =	swait.ge [sflag:s14], $0x800  }
0x79: {  	[sflag:s14] =	ssyncset.done $0x0  }
0x7a: {  	[sflag:s14] =	ssyncadd.s32 $0xFFFFF800  }
0x7b: {  	[tilespmem:s2], [sflag:$0x2] =	stream.linear.gather [hbm4b:s4+s2], $0x1400, $0x38;
	[tilespmem:$0xC000] =	vst v63  }
0x7c: {  	_ =	swait.ge [sflag:s14], $0x1400  }
0x7d: {  	[sflag:s14] =	ssyncset.done $0x0  }
0x7e: {  	[sflag:s14] =	ssyncadd.s32 $0xFFFFEC00  }
0x7f: {  	[bflag:$0x0] =	sbarrier.arrive $0xFFFF  }
0x80: {  	[spmem:s1] =	stream.indirect.scatter.add.f32 [tilespmem:s19], [sflag:$0x1], $0x10, s2, s11, $0xb8;
	[tilespmem:$0xC000] =	vst v63  }
0x81: {  	_ = 	snop  }
0x82: {  	[spmem:s1] =	stream.indirect.scatter.add.f32 [tilespmem:s19], [sflag:$0x1], $0x10, s11, s11, $0xb8;
	[tilespmem:$0xC000] =	vst v63  }
0x83: {  	s21 =	simm.s32 $0x100  }
0x84: {  	[spmem:s1] =	stream.indirect.scatter.add.f32 [tilespmem:s19], [sflag:$0x1], $0x10, s21, s11, $0xb8;
	[tilespmem:$0xC000] =	vst v63  }
0x85: {  	s23 =	simm.s32 $0x180  }
0x86: {  	[spmem:s1] =	stream.indirect.scatter.add.f32 [tilespmem:s19], [sflag:$0x1], $0x10, s23, s11, $0xb8;
	[tilespmem:$0xC000] =	vst v63  }
0x87: {  	s22 =	simm.s32 $0x200  }
0x88: {  	[spmem:s1] =	stream.indirect.scatter.add.f32 [tilespmem:s19], [sflag:$0x1], $0x10, s22, s11, $0xb8;
	[tilespmem:$0xC000] =	vst v63  }
0x89: {  	s23 =	simm.s32 $0x280  }
0x8a: {  	[spmem:s1] =	stream.indirect.scatter.add.f32 [tilespmem:s19], [sflag:$0x1], $0x10, s23, s11, $0xb8;
	[tilespmem:$0xC000] =	vst v63  }
0x8b: {  	s22 =	simm.s32 $0x300  }
0x8c: {  	[spmem:s1] =	stream.indirect.scatter.add.f32 [tilespmem:s19], [sflag:$0x1], $0x10, s22, s11, $0xb8;
	[tilespmem:$0xC000] =	vst v63  }
0x8d: {  	s23 =	simm.s32 $0x380  }
0x8e: {  	[spmem:s1] =	stream.indirect.scatter.add.f32 [tilespmem:s19], [sflag:$0x1], $0x10, s23, s11, $0xb8;
	[tilespmem:$0xC000] =	vst v63  }
0x8f: {  	s22 =	simm.s32 $0x400  }
0x90: {  	[spmem:s1] =	stream.indirect.scatter.add.f32 [tilespmem:s19], [sflag:$0x1], $0x10, s22, s11, $0xb8;
	[tilespmem:$0xC000] =	vst v63  }
0x91: {  	s23 =	simm.s32 $0x480  }
0x92: {  	[spmem:s1] =	stream.indirect.scatter.add.f32 [tilespmem:s19], [sflag:$0x1], $0x10, s23, s11, $0xb8;
	[tilespmem:$0xC000] =	vst v63  }
0x93: {  	s22 =	simm.s32 $0x500  }
0x94: {  	[spmem:s1] =	stream.indirect.scatter.add.f32 [tilespmem:s19], [sflag:$0x1], $0x10, s22, s11, $0xb8;
	[tilespmem:$0xC000] =	vst v63  }
0x95: {  	s23 =	simm.s32 $0x580  }
0x96: {  	[spmem:s1] =	stream.indirect.scatter.add.f32 [tilespmem:s19], [sflag:$0x1], $0x10, s23, s11, $0xb8;
	[tilespmem:$0xC000] =	vst v63  }
0x97: {  	s22 =	simm.s32 $0x600  }
0x98: {  	[spmem:s1] =	stream.indirect.scatter.add.f32 [tilespmem:s19], [sflag:$0x1], $0x10, s22, s11, $0xb8;
	[tilespmem:$0xC000] =	vst v63  }
0x99: {  	s23 =	simm.s32 $0x680  }
0x9a: {  	[spmem:s1] =	stream.indirect.scatter.add.f32 [tilespmem:s19], [sflag:$0x1], $0x10, s23, s11, $0xb8;
	[tilespmem:$0xC000] =	vst v63  }
0x9b: {  	s22 =	simm.s32 $0x700  }
0x9c: {  	[spmem:s1] =	stream.indirect.scatter.add.f32 [tilespmem:s19], [sflag:$0x1], $0x10, s22, s11, $0xb8;
	[tilespmem:$0xC000] =	vst v63  }
0x9d: {  	s23 =	simm.s32 $0x780  }
0x9e: {  	[spmem:s1] =	stream.indirect.scatter.add.f32 [tilespmem:s19], [sflag:$0x1], $0x10, s23, s11, $0xb8;
	[tilespmem:$0xC000] =	vst v63  }
0x9f: {  	s22 =	simm.s32 $0x800  }
0xa0: {  	[spmem:s1] =	stream.indirect.scatter.add.f32 [tilespmem:s19], [sflag:$0x1], $0x10, s22, s11, $0xb8;
	[tilespmem:$0xC000] =	vst v63  }
0xa1: {  	s23 =	simm.s32 $0x880  }
0xa2: {  	[spmem:s1] =	stream.indirect.scatter.add.f32 [tilespmem:s19], [sflag:$0x1], $0x10, s23, s11, $0xb8;
	[tilespmem:$0xC000] =	vst v63  }
0xa3: {  	s22 =	simm.s32 $0x900  }
0xa4: {  	[spmem:s1] =	stream.indirect.scatter.add.f32 [tilespmem:s19], [sflag:$0x1], $0x10, s22, s11, $0xb8;
	[tilespmem:$0xC000] =	vst v63  }
0xa5: {  	s23 =	simm.s32 $0x980  }
0xa6: {  	[spmem:s1] =	stream.indirect.scatter.add.f32 [tilespmem:s19], [sflag:$0x1], $0x10, s23, s11, $0xb8;
	[tilespmem:$0xC000] =	vst v63  }
0xa7: {  	s22 =	simm.s32 $0xA00  }
0xa8: {  	[spmem:s1] =	stream.indirect.scatter.add.f32 [tilespmem:s19], [sflag:$0x1], $0x10, s22, s11, $0xb8;
	[tilespmem:$0xC000] =	vst v63  }
0xa9: {  	s23 =	simm.s32 $0xA80  }
0xaa: {  	[spmem:s1] =	stream.indirect.scatter.add.f32 [tilespmem:s19], [sflag:$0x1], $0x10, s23, s11, $0xb8;
	[tilespmem:$0xC000] =	vst v63  }
0xab: {  	s22 =	simm.s32 $0xB00  }
0xac: {  	[spmem:s1] =	stream.indirect.scatter.add.f32 [tilespmem:s19], [sflag:$0x1], $0x10, s22, s11, $0xb8;
	[tilespmem:$0xC000] =	vst v63  }
0xad: {  	s23 =	simm.s32 $0xB80  }
0xae: {  	[spmem:s1] =	stream.indirect.scatter.add.f32 [tilespmem:s19], [sflag:$0x1], $0x10, s23, s11, $0xb8;
	[tilespmem:$0xC000] =	vst v63  }
0xaf: {  	s22 =	simm.s32 $0xC00  }
0xb0: {  	[spmem:s1] =	stream.indirect.scatter.add.f32 [tilespmem:s19], [sflag:$0x1], $0x10, s22, s11, $0xb8;
	[tilespmem:$0xC000] =	vst v63  }
0xb1: {  	s23 =	simm.s32 $0xC80  }
0xb2: {  	[spmem:s1] =	stream.indirect.scatter.add.f32 [tilespmem:s19], [sflag:$0x1], $0x10, s23, s11, $0xb8;
	[tilespmem:$0xC000] =	vst v63  }
0xb3: {  	s22 =	simm.s32 $0xD00  }
0xb4: {  	[spmem:s1] =	stream.indirect.scatter.add.f32 [tilespmem:s19], [sflag:$0x1], $0x10, s22, s11, $0xb8;
	[tilespmem:$0xC000] =	vst v63  }
0xb5: {  	s23 =	simm.s32 $0xD80  }
0xb6: {  	[spmem:s1] =	stream.indirect.scatter.add.f32 [tilespmem:s19], [sflag:$0x1], $0x10, s23, s11, $0xb8;
	[tilespmem:$0xC000] =	vst v63  }
0xb7: {  	s22 =	simm.s32 $0xE00  }
0xb8: {  	[spmem:s1] =	stream.indirect.scatter.add.f32 [tilespmem:s19], [sflag:$0x1], $0x10, s22, s11, $0xb8;
	[tilespmem:$0xC000] =	vst v63  }
0xb9: {  	s23 =	simm.s32 $0xE80  }
0xba: {  	[spmem:s1] =	stream.indirect.scatter.add.f32 [tilespmem:s19], [sflag:$0x1], $0x10, s23, s11, $0xb8;
	[tilespmem:$0xC000] =	vst v63  }
0xbb: {  	s22 =	simm.s32 $0xF00  }
0xbc: {  	[spmem:s1] =	stream.indirect.scatter.add.f32 [tilespmem:s19], [sflag:$0x1], $0x10, s22, s11, $0xb8;
	[tilespmem:$0xC000] =	vst v63  }
0xbd: {  	s23 =	simm.s32 $0xF80  }
0xbe: {  	[spmem:s1] =	stream.indirect.scatter.add.f32 [tilespmem:s19], [sflag:$0x1], $0x10, s23, s11, $0xb8;
	[tilespmem:$0xC000] =	vst v63  }
0xbf: {  	_ = 	snop  }
0xc0: {  	[spmem:s1] =	stream.indirect.scatter.add.f32 [tilespmem:s19], [sflag:$0x1], $0x10, s24, s11, $0xb8;
	[tilespmem:$0xC000] =	vst v63  }
0xc1: {  	_ = 	snop  }
0xc2: {  	[spmem:s1] =	stream.indirect.scatter.add.f32 [tilespmem:s19], [sflag:$0x1], $0x10, s25, s11, $0xb8;
	[tilespmem:$0xC000] =	vst v63  }
0xc3: {  	_ = 	snop  }
0xc4: {  	[spmem:s1] =	stream.indirect.scatter.add.f32 [tilespmem:s19], [sflag:$0x1], $0x10, s26, s11, $0xb8;
	[tilespmem:$0xC000] =	vst v63  }
0xc5: {  	_ = 	snop  }
0xc6: {  	[spmem:s1] =	stream.indirect.scatter.add.f32 [tilespmem:s19], [sflag:$0x1], $0x10, s28, s11, $0xb8;
	[tilespmem:$0xC000] =	vst v63  }
0xc7: {  	_ = 	snop  }
0xc8: {  	[spmem:s1] =	stream.indirect.scatter.add.f32 [tilespmem:s19], [sflag:$0x1], $0x10, s29, s11, $0xb8;
	[tilespmem:$0xC000] =	vst v63  }
0xc9: {  	_ = 	snop  }
0xca: {  	[spmem:s1] =	stream.indirect.scatter.add.f32 [tilespmem:s19], [sflag:$0x1], $0x10, s30, s11, $0xb8;
	[tilespmem:$0xC000] =	vst v63  }
0xcb: {  	_ = 	snop  }
0xcc: {  	[spmem:s1] =	stream.indirect.scatter.add.f32 [tilespmem:s19], [sflag:$0x1], $0x10, s31, s11, $0xb8;
	[tilespmem:$0xC000] =	vst v63  }
0xcd: {  	_ = 	snop  }
0xce: {  	[spmem:s1] =	stream.indirect.scatter.add.f32 [tilespmem:s19], [sflag:$0x1], $0x10, s0, s11, $0xb8;
	[tilespmem:$0xC000] =	vst v63  }
0xcf: {  	_ =	swait.ge [sflag:s3], $0x800  }
0xd0: {  	s21 =	simm.s32 $0x27;
	[sflag:s3] =	ssyncset.done $0x0  }
.LBB2_4:
0xd1: {  	p0 =	sne.s32 s21, $0x1;
	s21 =	sadd.s32 $0xFFFFFFFF, s21;
	[sflag:s3] =	ssyncadd.s32 $0xFFFFF800  }
.Ltmp1:
0xd2: {  	(pc) =	sbr.rel @p0 .LBB2_4-.Ltmp1, $3  }
0xd3: {  	_ =	sdelay $0x1  }
0xd4: {  	_ =	swait.ge [sflag:s3], $0x800  }
0xd5: {  	[sflag:s3] =	ssyncset.done $0x0  }
0xd6: {  	[sflag:s3] =	ssyncadd.s32 $0xFFFFF800  }
0xd7: {  	[bflag:$0x0] =	sbarrier.arrive $0xFFFF  }
0xd8: {  	[tilespmem:s13], [sflag:$0x1] =	stream.indirect.gather [spmem:s1], $0x10, s12, s11, $0xb8;
	[tilespmem:$0xC000] =	vst v63  }
0xd9: {  	_ =	swait.ge [sflag:s3], $0x800  }
0xda: {  	[sflag:s3] =	ssyncset.done $0x0  }
0xdb: {  	[sflag:s3] =	ssyncadd.s32 $0xFFFFF800  }
0xdc: {  	[hbm4b:s5+s2] =	stream.linear.scatter [tilespmem:s13], [sflag:$0x2], $0x4000, $0x38;
	[tilespmem:$0xC000] =	vst v63  }
0xdd: {  	_ =	swait.ge [sflag:s14], $0x4000  }
0xde: {  	[sflag:s14] =	ssyncset.done $0x0  }
0xdf: {  	[sflag:s14] =	ssyncadd.s32 $0xFFFFC000  }
0xe0: {  	[tilespmem:s13], [sflag:$0x1] =	stream.indirect.gather [spmem:s1], $0x10, s15, s11, $0xb8;
	[tilespmem:$0xC000] =	vst v63  }
0xe1: {  	_ =	swait.ge [sflag:s3], $0x800  }
0xe2: {  	[sflag:s3] =	ssyncset.done $0x0  }
0xe3: {  	[sflag:s3] =	ssyncadd.s32 $0xFFFFF800  }
0xe4: {  	[hbm4b:s6+s2] =	stream.linear.scatter [tilespmem:s13], [sflag:$0x2], $0x4000, $0x38;
	[tilespmem:$0xC000] =	vst v63  }
0xe5: {  	_ =	swait.ge [sflag:s14], $0x4000  }
0xe6: {  	[sflag:s14] =	ssyncset.done $0x0  }
0xe7: {  	[sflag:s14] =	ssyncadd.s32 $0xFFFFC000  }
0xe8: {  	[tilespmem:s13], [sflag:$0x1] =	stream.indirect.gather [spmem:s1], $0x10, s16, s11, $0xb8;
	[tilespmem:$0xC000] =	vst v63  }
0xe9: {  	_ =	swait.ge [sflag:s3], $0x800  }
0xea: {  	[sflag:s3] =	ssyncset.done $0x0  }
0xeb: {  	[sflag:s3] =	ssyncadd.s32 $0xFFFFF800  }
0xec: {  	[hbm4b:s7+s2] =	stream.linear.scatter [tilespmem:s13], [sflag:$0x2], $0x4000, $0x38;
	[tilespmem:$0xC000] =	vst v63  }
0xed: {  	_ =	swait.ge [sflag:s14], $0x4000  }
0xee: {  	[sflag:s14] =	ssyncset.done $0x0  }
0xef: {  	[sflag:s14] =	ssyncadd.s32 $0xFFFFC000  }
0xf0: {  	[tilespmem:s13], [sflag:$0x1] =	stream.indirect.gather [spmem:s1], $0x10, s17, s11, $0xb8;
	[tilespmem:$0xC000] =	vst v63  }
0xf1: {  	_ =	swait.ge [sflag:s3], $0x800  }
0xf2: {  	[sflag:s3] =	ssyncset.done $0x0  }
0xf3: {  	[sflag:s3] =	ssyncadd.s32 $0xFFFFF800  }
0xf4: {  	[hbm4b:s8+s2] =	stream.linear.scatter [tilespmem:s13], [sflag:$0x2], $0x4000, $0x38;
	[tilespmem:$0xC000] =	vst v63  }
0xf5: {  	_ =	swait.ge [sflag:s14], $0x4000  }
0xf6: {  	[sflag:s14] =	ssyncset.done $0x0  }
0xf7: {  	[sflag:s14] =	ssyncadd.s32 $0xFFFFC000  }
0xf8: {  	[tilespmem:s13], [sflag:$0x1] =	stream.indirect.gather [spmem:s1], $0x10, s18, s11, $0xb8;
	[tilespmem:$0xC000] =	vst v63  }
0xf9: {  	s20 =	sadd.s32 $0x1, s20;
	_ =	swait.ge [sflag:s3], $0x800  }
0xfa: {  	p0 =	sne.s32 s20, s10;
	[sflag:s3] =	ssyncset.done $0x0  }
.Ltmp2:
0xfb: {  	[sflag:s3] =	ssyncadd.s32 $0xFFFFF800;
	(pc) =	sbr.rel @p0 .LBB2_1-.Ltmp2, $4  }
0xfc: {  	[hbm4b:s9+s2] =	stream.linear.scatter [tilespmem:s13], [sflag:$0x2], $0x4000, $0x38;
	[tilespmem:$0xC000] =	vst v63  }
0xfd: {  	_ =	swait.ge [sflag:s14], $0x4000  }
0xfe: {  	[sflag:s14] =	ssyncset.done $0x0  }
0xff: {  	[sflag:s14] =	ssyncadd.s32 $0xFFFFC000  }
0x100: {  	_ =	sfence.sel $0x180000  }
0x101: {  	[bflag:$0x0] =	sbarrier.arrive $0xFFFF  }
0x102: {  	_ =	strace $0x90000047  }
0x103: {  	s0 =	stileid.u32;
	[bflag:$0x2] =	sbarrier.arrive $0xFFFF  }
0x104: {  	p0 =	sne.s32 s0, $0x0;
	s0 =	rddreg [dreg:$0x3]  }
0x105: {  	s0 =	sadd.s32 @!p0 $0x100000, s0  }
0x106: {  	[sflag:s0] =	ssyncadd.tile.s32 @!p0 $0x1;
	_ =	shalt  }
.Lfunc_end2:
_tile_overlayer_lowered:
.L_overlay_start_2:
0x107: {  	(tag) =	ssettag $0x2  }
0x108: {  	s0 =	rddreg [dreg:$0x0];
	s2 =	stileid.u32  }
0x109: {  	s1 =	rddreg [dreg:$0x1];
	p0 =	sne.s32 s2, $0x0  }
0x10a: {  	s3 =	rddreg [dreg:$0x2];
	[bflag:$0x3] =	sbarrier.arrive $0xFFFF;
	s2 =	simm.s32 @!p0 $0x1C02  }
0x10b: {  	[timem:s3], [sflag:s2] =	dma.local @!p0 [hbm:s0], s1  }
0x10c: {  	s0 =	simm.s32 @!p0 $0x2  }
0x10d: {  	_ =	swait.ge @!p0 [sflag:s0], s1  }
0x10e: {  	s1 =	ssub.s32 @!p0 $0x0, s1;
	[sflag:s0] =	ssyncset.done @!p0 $0x0  }
0x10f: {  	[sflag:s0] =	ssyncadd.s32 @!p0 s1  }
0x110: {  	[bflag:$0x3] =	sbarrier.arrive $0xFFFF  }
0x111: {  	_ =	shalt  }

</sc_bundles>
